<compile_context>
chip_gen: v7x
topology: tpu7x:2x2x1
jax: 0.10.2.dev20260603
libtpu: 0.0.44.dev20260713+nightly
codegen_flags: <defaults>
</compile_context>

<pallas_src>
import functools

import jax
import jax.numpy as jnp
from jax import lax
from jax.experimental import pallas as pl
from jax.experimental.pallas import tpu as pltpu, tpu_sc as plsc

N_NODES = 100000
N_EDGES = 6400000

NC = 2
NS = 16
NW = NC * NS
L = 16

CHUNK = 128
BLK = 8
BE = BLK * CHUNK
NCH = N_EDGES // CHUNK
NBLK = NCH // BLK
BLK_BASE = NBLK // NW
BLK_EXTRA = NBLK % NW

N_PAD = 100352
SLICE_N = N_PAD // NS

_MESH = plsc.VectorSubcoreMesh(core_axis_name="c", subcore_axis_name="s")


def _rsqrt16(x):
    i = lax.bitcast_convert_type(x, jnp.int32)
    magic = jnp.full((L,), 0x5F3759DF, jnp.int32)
    one = jnp.full((L,), 1, jnp.int32)
    y = lax.bitcast_convert_type(magic - lax.shift_right_logical(i, one),
                                 jnp.float32)
    xh = x * jnp.float32(0.5)
    for _ in range(3):
        y = y * (jnp.float32(1.5) - xh * y * y)
    return y


def _worker_span(wid):
    b0 = wid * BLK_BASE + jnp.minimum(wid, BLK_EXTRA)
    nblk = jnp.where(wid < BLK_EXTRA, BLK_BASE + 1, BLK_BASE)
    return b0 * BLK, nblk


def _issue_loads(ew_hbm, idx_hbm, ew_v, src_v, dst_v, sem, r0):
    q = pl.ds(r0 * CHUNK, BE)
    pltpu.async_copy(ew_hbm.at[q], ew_v, sem)
    pltpu.async_copy(idx_hbm.at[0, q], src_v, sem)
    pltpu.async_copy(idx_hbm.at[1, q], dst_v, sem)


def _wait_loads(ew_hbm, idx_hbm, ew_v, src_v, dst_v, sem, r0):
    q = pl.ds(r0 * CHUNK, BE)
    pltpu.make_async_copy(ew_hbm.at[q], ew_v, sem).wait()
    pltpu.make_async_copy(idx_hbm.at[0, q], src_v, sem).wait()
    pltpu.make_async_copy(idx_hbm.at[1, q], dst_v, sem).wait()


@functools.partial(
    pl.kernel,
    mesh=_MESH,
    out_type=[
        jax.ShapeDtypeStruct((NC, N_PAD), jnp.float32),
        jax.ShapeDtypeStruct((NC, N_PAD), jnp.float32),
    ],
    scratch_types=[
        pltpu.VMEM_SHARED((N_PAD,), jnp.float32),
        pltpu.VMEM_SHARED((N_PAD,), jnp.float32),
        pltpu.VMEM((BE,), jnp.float32),
        pltpu.VMEM((BE,), jnp.int32),
        pltpu.VMEM((BE,), jnp.int32),
        pltpu.VMEM((BE,), jnp.float32),
        pltpu.VMEM((BE,), jnp.int32),
        pltpu.VMEM((BE,), jnp.int32),
        pltpu.VMEM((SLICE_N,), jnp.float32),
        pltpu.SemaphoreType.DMA,
        pltpu.SemaphoreType.DMA,
        pltpu.SemaphoreType.DMA,
    ],
)
def _deg_kernel(ew_hbm, idx_hbm, psrc_hbm, pdst_hbm,
                deg_src_sh, deg_dst_sh,
                ew_v0, src_v0, dst_v0, ew_v1, src_v1, dst_v1,
                zbuf, sem0, sem1, sem_sc):
    c = lax.axis_index("c")
    s = lax.axis_index("s")
    wid = s * NC + c
    set0 = (ew_v0, src_v0, dst_v0, sem0)
    set1 = (ew_v1, src_v1, dst_v1, sem1)

    def zset(i, carry):
        zbuf[pl.ds(i * L, L)] = jnp.zeros((L,), jnp.float32)
        return carry

    lax.fori_loop(0, SLICE_N // L, zset, 0)
    nsl = pl.ds(s * SLICE_N, SLICE_N)
    pltpu.sync_copy(zbuf, deg_src_sh.at[nsl])
    pltpu.sync_copy(zbuf, deg_dst_sh.at[nsl])
    plsc.subcore_barrier()

    base_row, nblk = _worker_span(wid)
    last_row = base_row + (nblk - 1) * BLK

    def process(ew_v, src_v, dst_v):
        def addeps(j, inner):
            for i in range(CHUNK // L):
                sl = pl.ds(j * CHUNK + i * L, L)
                ew_v[sl] = ew_v[sl] + jnp.float32(1e-9)
            return inner

        lax.fori_loop(0, BLK, addeps, 0)
        c1 = pltpu.async_copy(ew_v, deg_src_sh.at[src_v], sem_sc, add=True)
        c2 = pltpu.async_copy(ew_v, deg_dst_sh.at[dst_v], sem_sc, add=True)
        c1.wait()
        c2.wait()

    _issue_loads(ew_hbm, idx_hbm, *set0, base_row)

    def body(g, carry):
        r0 = base_row + (2 * g) * BLK
        r1 = r0 + BLK
        r2 = jnp.minimum(r1 + BLK, last_row)
        _wait_loads(ew_hbm, idx_hbm, *set0, r0)
        _issue_loads(ew_hbm, idx_hbm, *set1, r1)
        process(ew_v0, src_v0, dst_v0)
        _wait_loads(ew_hbm, idx_hbm, *set1, r1)
        _issue_loads(ew_hbm, idx_hbm, *set0, r2)
        process(ew_v1, src_v1, dst_v1)
        return carry

    lax.fori_loop(0, nblk // 2, body, 0)
    _wait_loads(ew_hbm, idx_hbm, *set0, last_row)

    @pl.when(nblk % 2 == 1)
    def _():
        process(ew_v0, src_v0, dst_v0)

    plsc.subcore_barrier()
    pltpu.sync_copy(deg_src_sh.at[nsl], psrc_hbm.at[c, nsl])
    pltpu.sync_copy(deg_dst_sh.at[nsl], pdst_hbm.at[c, nsl])


@functools.partial(
    pl.kernel,
    mesh=_MESH,
    out_type=jax.ShapeDtypeStruct((N_EDGES,), jnp.float32),
    scratch_types=[
        pltpu.VMEM_SHARED((N_PAD,), jnp.float32),
        pltpu.VMEM_SHARED((N_PAD,), jnp.float32),
        pltpu.VMEM((SLICE_N,), jnp.float32),
        pltpu.VMEM((SLICE_N,), jnp.float32),
        pltpu.VMEM((BE,), jnp.float32),
        pltpu.VMEM((BE,), jnp.int32),
        pltpu.VMEM((BE,), jnp.int32),
        pltpu.VMEM((BE,), jnp.float32),
        pltpu.VMEM((BE,), jnp.int32),
        pltpu.VMEM((BE,), jnp.int32),
        pltpu.VMEM((BE,), jnp.float32),
        pltpu.VMEM((BE,), jnp.float32),
        pltpu.VMEM((BE,), jnp.float32),
        pltpu.VMEM((BE,), jnp.float32),
        pltpu.VMEM((BE,), jnp.float32),
        pltpu.VMEM((BE,), jnp.float32),
        pltpu.SemaphoreType.DMA,
        pltpu.SemaphoreType.DMA,
        pltpu.SemaphoreType.DMA,
        pltpu.SemaphoreType.DMA,
        pltpu.SemaphoreType.DMA,
    ],
)
def _apply_kernel(psrc_hbm, pdst_hbm, ew_hbm, idx_hbm, out_hbm,
                  nsrc_sh, ndst_sh, pa, pb,
                  ew_v0, src_v0, dst_v0, ew_v1, src_v1, dst_v1,
                  gs_v0, gd_v0, gs_v1, gd_v1, out_v0, out_v1,
                  sem0, sem1, sem_g, sem_o0, sem_o1):
    c = lax.axis_index("c")
    s = lax.axis_index("s")
    wid = s * NC + c
    nsl = pl.ds(s * SLICE_N, SLICE_N)
    set0 = (ew_v0, src_v0, dst_v0, sem0)
    set1 = (ew_v1, src_v1, dst_v1, sem1)

    for p_hbm, n_sh in ((psrc_hbm, nsrc_sh), (pdst_hbm, ndst_sh)):
        pltpu.sync_copy(p_hbm.at[0, nsl], pa)
        pltpu.sync_copy(p_hbm.at[1, nsl], pb)

        def cbody(i, carry):
            sl = pl.ds(i * L, L)
            pa[sl] = _rsqrt16(pa[sl] + pb[sl])
            return carry

        lax.fori_loop(0, SLICE_N // L, cbody, 0)
        pltpu.sync_copy(pa, n_sh.at[nsl])
    plsc.subcore_barrier()

    base_row, nblk = _worker_span(wid)
    last_row = base_row + (nblk - 1) * BLK

    def process(first, ew_v, src_v, dst_v, gs_v, gd_v, out_v, sem_o, r):
        c1 = pltpu.async_copy(nsrc_sh.at[src_v], gs_v, sem_g)
        c2 = pltpu.async_copy(ndst_sh.at[dst_v], gd_v, sem_g)
        c1.wait()
        c2.wait()

        q = pl.ds(r * CHUNK, BE)

        @pl.when(jnp.logical_not(first))
        def _():
            pltpu.make_async_copy(out_v, out_hbm.at[q], sem_o).wait()

        def fma(j, inner):
            for i in range(CHUNK // L):
                sl = pl.ds(j * CHUNK + i * L, L)
                out_v[sl] = (gs_v[sl] * gd_v[sl]
                             * (ew_v[sl] + jnp.float32(1e-9)))
            return inner

        lax.fori_loop(0, BLK, fma, 0)
        pltpu.async_copy(out_v, out_hbm.at[q], sem_o)

    _issue_loads(ew_hbm, idx_hbm, *set0, base_row)

    def body(g, carry):
        r0 = base_row + (2 * g) * BLK
        r1 = r0 + BLK
        r2 = jnp.minimum(r1 + BLK, last_row)
        _wait_loads(ew_hbm, idx_hbm, *set0, r0)
        _issue_loads(ew_hbm, idx_hbm, *set1, r1)
        process(g == 0, ew_v0, src_v0, dst_v0, gs_v0, gd_v0, out_v0, sem_o0, r0)
        _wait_loads(ew_hbm, idx_hbm, *set1, r1)
        _issue_loads(ew_hbm, idx_hbm, *set0, r2)
        process(g == 0, ew_v1, src_v1, dst_v1, gs_v1, gd_v1, out_v1, sem_o1, r1)
        return carry

    lax.fori_loop(0, nblk // 2, body, 0)
    _wait_loads(ew_hbm, idx_hbm, *set0, last_row)

    @pl.when(nblk % 2 == 1)
    def _():
        process(False, ew_v0, src_v0, dst_v0, gs_v0, gd_v0, out_v0, sem_o0,
                last_row)

    qlast = pl.ds(last_row * CHUNK, BE)
    pltpu.make_async_copy(out_v0, out_hbm.at[qlast], sem_o0).wait()
    pltpu.make_async_copy(out_v1, out_hbm.at[qlast], sem_o1).wait()


def kernel(edge_weight, edge_index):
    ew = edge_weight.astype(jnp.float32)
    idx = edge_index.astype(jnp.int32)
    psrc, pdst = _deg_kernel(ew, idx)
    return _apply_kernel(psrc, pdst, ew, idx)

# --- scband reference (transcript-rebuilt; emitter-appended) ---
"""Pipeline reference for scband-edge-weight-norm-75797582840355 (READ-ONLY COPY).

The authoritative reference and input builder live on the scoring server;
editing this copy changes nothing except your own understanding.
"""

import jax, jax.numpy as jnp
import numpy as np

N_NODES = 100000
N_EDGES = 6400000
EPS = 0.0

def setup_inputs(seed: int = 0) -> dict:
    key = jax.random.key(seed)
    k1, k2 = jax.random.split(key)
    edge_weight = jax.random.uniform(k1, (N_EDGES,), dtype=jnp.float32)
    edge_index = jax.random.randint(k2, (2, N_EDGES), 0, N_NODES, dtype=jnp.int64)
    return {"edge_weight": edge_weight, "edge_index": edge_index}

def reference(edge_weight, edge_index):
    # norm='both', eps=0.0 (DGL EdgeWeightNorm)
    ew = edge_weight + 1e-09
    src = edge_index[0]
    dst = edge_index[1]
    # reversed graph update_all(copy_e, sum) -> per-source out-weight sums
    deg_src = jax.ops.segment_sum(ew, src, num_segments=N_NODES) + EPS
    norm_src = jnp.power(deg_src, -0.5)
    # forward graph update_all(copy_e, sum) -> per-destination in-weight sums
    deg_dst = jax.ops.segment_sum(ew, dst, num_segments=N_NODES) + EPS
    norm_dst = jnp.power(deg_dst, -0.5)
    # apply_edges: src norm * dst norm * edge weight
    return norm_src[src] * norm_dst[dst] * ew

if __name__ == "__main__":
    import jax
    _d = setup_inputs()
    print(jax.jit(kernel)(*tuple(_d.values())))

</pallas_src>

<mosaic_0001>
#map = affine_map<(d0, d1) -> (0)>
#map1 = affine_map<(d0, d1) -> (0, 0)>
module attributes {stable_mosaic.version = 14 : i64} {
  func.func @_deg_kernel(%arg0: i32, %arg1: i32, %arg2: memref<6400000xf32, #tpu.memory_space<hbm>>, %arg3: memref<2x6400000xi32, #tpu.memory_space<hbm>>, %arg4: memref<2x100352xf32, #tpu.memory_space<hbm>>, %arg5: memref<2x100352xf32, #tpu.memory_space<hbm>>, %arg6: memref<100352xf32, #tpu.memory_space<vmem_shared>>, %arg7: memref<100352xf32, #tpu.memory_space<vmem_shared>>, %arg8: memref<1024xf32, #tpu.memory_space<vmem>>, %arg9: memref<1024xi32, #tpu.memory_space<vmem>>, %arg10: memref<1024xi32, #tpu.memory_space<vmem>>, %arg11: memref<1024xf32, #tpu.memory_space<vmem>>, %arg12: memref<1024xi32, #tpu.memory_space<vmem>>, %arg13: memref<1024xi32, #tpu.memory_space<vmem>>, %arg14: memref<6272xf32, #tpu.memory_space<vmem>>, %arg15: memref<!tpu.dma_semaphore, #tpu.memory_space<semaphore_mem>>, %arg16: memref<!tpu.dma_semaphore, #tpu.memory_space<semaphore_mem>>, %arg17: memref<!tpu.dma_semaphore, #tpu.memory_space<semaphore_mem>>) attributes {dimension_semantics = [#tpu.dimension_semantics<core_parallel>, #tpu.dimension_semantics<subcore_parallel>], iteration_bounds = array<i64: 2, 16>, scalar_prefetch = 0 : i64, scratch_operands = 12 : i64, tpu.core_type = #tpu.core_type<sc_vector_subcore>, window_params = [{transform_indices = #map}, {transform_indices = #map1}, {transform_indices = #map1}, {transform_indices = #map1}]} {
    %mul3A = arith.constant 2 : i32
    %mul3A_0 = arith.muli %arg1, %mul3A : i32
    %add3A = arith.addi %mul3A_0, %arg0 : i32
    %scan3A = arith.constant 0 : i32
    %scan3A_1 = arith.constant 0 : i32
    %scan3A_2 = arith.constant 392 : i32
    %scan3A_3 = arith.addi %scan3A_1, %scan3A_2 : i32
    %scan3A_4 = arith.constant 1 : i32
    scf.for %scan3A_93 = %scan3A_1 to %scan3A_3 step %scan3A_4  : i32 {
      %broadcast_in_dim3A = arith.constant 0.000000e+00 : f32
      %broadcast_in_dim3A_94 = vector.broadcast %broadcast_in_dim3A : f32 to vector<16xf32>
      %mul3A_95 = arith.constant 16 : i32
      %mul3A_96 = arith.muli %scan3A_93, %mul3A_95 : i32
      %swap3A = arith.index_cast %mul3A_96 : i32 to index
      %swap3A_97 = tpu.vector_load %arg14[%swap3A] {strides = array<i32>} : memref<6272xf32, #tpu.memory_space<vmem>>, vector<16xf32>,
      %swap3A_98 = vector.shape_cast %swap3A_97 : vector<16xf32> to vector<16xf32>
      %swap3A_99 = vector.shape_cast %broadcast_in_dim3A_94 : vector<16xf32> to vector<16xf32>
      tpu.vector_store %arg14[%swap3A], %swap3A_99 {strides = array<i32>} : memref<6272xf32, #tpu.memory_space<vmem>>, vector<16xf32>,
    }
    %scan3A_5 = arith.constant 392 : i32
    %mul3A_6 = arith.constant 6272 : i32
    %mul3A_7 = arith.muli %arg1, %mul3A_6 : i32
    "tpu.region"() ({
      %run_scoped3A = tpu.sem_alloc : memref<!tpu.dma_semaphore, #tpu.memory_space<semaphore_mem>>
      %dma_start3A_93 = tpu.memref_slice %arg6[%mul3A_7] : memref<100352xf32, #tpu.memory_space<vmem_shared>> -> memref<6272xf32, #tpu.memory_space<vmem_shared>>
      %dma_start3A_94 = tpu.memref_slice %arg6[%mul3A_7] : memref<100352xf32, #tpu.memory_space<vmem_shared>> -> memref<6272xf32, #tpu.memory_space<vmem_shared>>
      tpu.enqueue_dma source(%arg14 : memref<6272xf32, #tpu.memory_space<vmem>>) target(%dma_start3A_94 : memref<6272xf32, #tpu.memory_space<vmem_shared>>) target_semaphore(%run_scoped3A : memref<!tpu.dma_semaphore, #tpu.memory_space<semaphore_mem>>)
      %dma_wait3A_95 = tpu.memref_slice %arg6[%mul3A_7] : memref<100352xf32, #tpu.memory_space<vmem_shared>> -> memref<6272xf32, #tpu.memory_space<vmem_shared>>
      %dma_wait3A_96 = tpu.memref_slice %arg6[%mul3A_7] : memref<100352xf32, #tpu.memory_space<vmem_shared>> -> memref<6272xf32, #tpu.memory_space<vmem_shared>>
      tpu.wait_dma2 semaphore(%run_scoped3A : memref<!tpu.dma_semaphore, #tpu.memory_space<semaphore_mem>>) src(%arg14 : memref<6272xf32, #tpu.memory_space<vmem>>) dst(%dma_wait3A_96 : memref<6272xf32, #tpu.memory_space<vmem_shared>>)
      tpu.yield
    }) : () -> ()
    "tpu.region"() ({
      %run_scoped3A = tpu.sem_alloc : memref<!tpu.dma_semaphore, #tpu.memory_space<semaphore_mem>>
      %dma_start3A_93 = tpu.memref_slice %arg7[%mul3A_7] : memref<100352xf32, #tpu.memory_space<vmem_shared>> -> memref<6272xf32, #tpu.memory_space<vmem_shared>>
      %dma_start3A_94 = tpu.memref_slice %arg7[%mul3A_7] : memref<100352xf32, #tpu.memory_space<vmem_shared>> -> memref<6272xf32, #tpu.memory_space<vmem_shared>>
      tpu.enqueue_dma source(%arg14 : memref<6272xf32, #tpu.memory_space<vmem>>) target(%dma_start3A_94 : memref<6272xf32, #tpu.memory_space<vmem_shared>>) target_semaphore(%run_scoped3A : memref<!tpu.dma_semaphore, #tpu.memory_space<semaphore_mem>>)
      %dma_wait3A_95 = tpu.memref_slice %arg7[%mul3A_7] : memref<100352xf32, #tpu.memory_space<vmem_shared>> -> memref<6272xf32, #tpu.memory_space<vmem_shared>>
      %dma_wait3A_96 = tpu.memref_slice %arg7[%mul3A_7] : memref<100352xf32, #tpu.memory_space<vmem_shared>> -> memref<6272xf32, #tpu.memory_space<vmem_shared>>
      tpu.wait_dma2 semaphore(%run_scoped3A : memref<!tpu.dma_semaphore, #tpu.memory_space<semaphore_mem>>) src(%arg14 : memref<6272xf32, #tpu.memory_space<vmem>>) dst(%dma_wait3A_96 : memref<6272xf32, #tpu.memory_space<vmem_shared>>)
      tpu.yield
    }) : () -> ()
    %barrier3A = arith.constant 0 : index
    tpu.barrier barrier_id(%barrier3A)
    %mul3A_8 = arith.constant 195 : i32
    %mul3A_9 = arith.muli %add3A, %mul3A_8 : i32
    %min3A = arith.constant 10 : i32
    %min3A_10 = arith.minsi %add3A, %min3A : i32
    %add3A_11 = arith.addi %mul3A_9, %min3A_10 : i32
    %lt3A = arith.constant 10 : i32
    %lt3A_12 = arith.cmpi slt, %add3A, %lt3A : i32
    %jit3A = arith.constant 196 : i32
    %jit3A_13 = arith.constant 195 : i32
    %select_n3A = arith.select %lt3A_12, %jit3A, %jit3A_13 : i32
    %mul3A_14 = arith.constant 8 : i32
    %mul3A_15 = arith.muli %add3A_11, %mul3A_14 : i32
    %sub3A = arith.constant 1 : i32
    %sub3A_16 = arith.subi %select_n3A, %sub3A : i32
    %mul3A_17 = arith.constant 8 : i32
    %mul3A_18 = arith.muli %sub3A_16, %mul3A_17 : i32
    %add3A_19 = arith.addi %mul3A_15, %mul3A_18 : i32
    %mul3A_20 = arith.constant 128 : i32
    %mul3A_21 = arith.muli %mul3A_15, %mul3A_20 : i32
    %dma_start3A = tpu.memref_slice %arg2[%mul3A_21] : memref<6400000xf32, #tpu.memory_space<hbm>> -> memref<1024xf32, #tpu.memory_space<hbm>>
    %dma_start3A_22 = tpu.memref_slice %arg2[%mul3A_21] : memref<6400000xf32, #tpu.memory_space<hbm>> -> memref<1024xf32, #tpu.memory_space<hbm>>
    tpu.enqueue_dma source(%dma_start3A_22 : memref<1024xf32, #tpu.memory_space<hbm>>) target(%arg8 : memref<1024xf32, #tpu.memory_space<vmem>>) target_semaphore(%arg15 : memref<!tpu.dma_semaphore, #tpu.memory_space<semaphore_mem>>)
    %dma_start3A_23 = arith.constant 0 : i32
    %dma_start3A_24 = tpu.memref_slice %arg3[%dma_start3A_23, %mul3A_21] : memref<2x6400000xi32, #tpu.memory_space<hbm>> -> memref<1x1024xi32, #tpu.memory_space<hbm>>
    %dma_start3A_25 = tpu.memref_squeeze %dma_start3A_24 : memref<1x1024xi32, #tpu.memory_space<hbm>> -> memref<1024xi32, #tpu.memory_space<hbm>>
    %dma_start3A_26 = tpu.memref_slice %arg3[%dma_start3A_23, %mul3A_21] : memref<2x6400000xi32, #tpu.memory_space<hbm>> -> memref<1x1024xi32, #tpu.memory_space<hbm>>
    %dma_start3A_27 = tpu.memref_squeeze %dma_start3A_26 : memref<1x1024xi32, #tpu.memory_space<hbm>> -> memref<1024xi32, #tpu.memory_space<hbm>>
    tpu.enqueue_dma source(%dma_start3A_27 : memref<1024xi32, #tpu.memory_space<hbm>>) target(%arg9 : memref<1024xi32, #tpu.memory_space<vmem>>) target_semaphore(%arg15 : memref<!tpu.dma_semaphore, #tpu.memory_space<semaphore_mem>>)
    %dma_start3A_28 = arith.constant 1 : i32
    %dma_start3A_29 = tpu.memref_slice %arg3[%dma_start3A_28, %mul3A_21] : memref<2x6400000xi32, #tpu.memory_space<hbm>> -> memref<1x1024xi32, #tpu.memory_space<hbm>>
    %dma_start3A_30 = tpu.memref_squeeze %dma_start3A_29 : memref<1x1024xi32, #tpu.memory_space<hbm>> -> memref<1024xi32, #tpu.memory_space<hbm>>
    %dma_start3A_31 = tpu.memref_slice %arg3[%dma_start3A_28, %mul3A_21] : memref<2x6400000xi32, #tpu.memory_space<hbm>> -> memref<1x1024xi32, #tpu.memory_space<hbm>>
    %dma_start3A_32 = tpu.memref_squeeze %dma_start3A_31 : memref<1x1024xi32, #tpu.memory_space<hbm>> -> memref<1024xi32, #tpu.memory_space<hbm>>
    tpu.enqueue_dma source(%dma_start3A_32 : memref<1024xi32, #tpu.memory_space<hbm>>) target(%arg10 : memref<1024xi32, #tpu.memory_space<vmem>>) target_semaphore(%arg15 : memref<!tpu.dma_semaphore, #tpu.memory_space<semaphore_mem>>)
    %jit3A_33 = arith.constant 2 : i32
    %div3A = arith.divsi %select_n3A, %jit3A_33 : i32
    %sign3A = arith.constant 0 : i32
    %sign3A_34 = arith.cmpi sgt, %select_n3A, %sign3A : i32
    %sign3A_35 = arith.extui %sign3A_34 : i1 to i32
    %sign3A_36 = arith.constant 0 : i32
    %sign3A_37 = arith.cmpi slt, %select_n3A, %sign3A_36 : i32
    %sign3A_38 = arith.extui %sign3A_37 : i1 to i32
    %sign3A_39 = arith.subi %sign3A_35, %sign3A_38 : i32
    %sign3A_40 = arith.constant 0 : i32
    %sign3A_41 = arith.cmpi sgt, %jit3A_33, %sign3A_40 : i32
    %sign3A_42 = arith.extui %sign3A_41 : i1 to i32
    %sign3A_43 = arith.constant 0 : i32
    %sign3A_44 = arith.cmpi slt, %jit3A_33, %sign3A_43 : i32
    %sign3A_45 = arith.extui %sign3A_44 : i1 to i32
    %sign3A_46 = arith.subi %sign3A_42, %sign3A_45 : i32
    %ne3A = arith.cmpi ne, %sign3A_39, %sign3A_46 : i32
    %rem3A = arith.remsi %select_n3A, %jit3A_33 : i32
    %ne3A_47 = arith.constant 0 : i32
    %ne3A_48 = arith.cmpi ne, %rem3A, %ne3A_47 : i32
    %and3A = arith.andi %ne3A, %ne3A_48 : i1
    %sub3A_49 = arith.constant 1 : i32
    %sub3A_50 = arith.subi %div3A, %sub3A_49 : i32
    %select_n3A_51 = arith.select %and3A, %sub3A_50, %div3A : i32
    %while3A = arith.constant 0 : i32
    %while3A_52 = arith.constant 0 : i32
    %while3A_53 = arith.subi %select_n3A_51, %while3A_52 : i32
    %while3A_54 = arith.addi %while3A_52, %while3A_53 : i32
    %while3A_55 = arith.constant 1 : i32
    %while3A_56 = arith.divsi %while3A_53, %while3A_55 : i32
    %while3A_57 = arith.muli %while3A_56, %while3A_55 : i32
    %while3A_58 = arith.addi %while3A_52, %while3A_57 : i32
    %while3A_59 = arith.constant 1 : i32
    scf.for %while3A_93 = %while3A_52 to %while3A_58 step %while3A_59  : i32 {
      %mul3A_94 = arith.constant 2 : i32
      %mul3A_95 = arith.muli %mul3A_94, %while3A_93 : i32
      %mul3A_96 = arith.constant 8 : i32
      %mul3A_97 = arith.muli %mul3A_95, %mul3A_96 : i32
      %add3A_98 = arith.addi %mul3A_15, %mul3A_97 : i32
      %add3A_99 = arith.constant 8 : i32
      %add3A_100 = arith.addi %add3A_98, %add3A_99 : i32
      %add3A_101 = arith.constant 8 : i32
      %add3A_102 = arith.addi %add3A_100, %add3A_101 : i32
      %min3A_103 = arith.minsi %add3A_102, %add3A_19 : i32
      %mul3A_104 = arith.constant 128 : i32
      %mul3A_105 = arith.muli %add3A_98, %mul3A_104 : i32
      %dma_wait3A_106 = tpu.memref_slice %arg2[%mul3A_105] : memref<6400000xf32, #tpu.memory_space<hbm>> -> memref<1024xf32, #tpu.memory_space<hbm>>
      %dma_wait3A_107 = tpu.memref_slice %arg2[%mul3A_105] : memref<6400000xf32, #tpu.memory_space<hbm>> -> memref<1024xf32, #tpu.memory_space<hbm>>
      tpu.wait_dma2 semaphore(%arg15 : memref<!tpu.dma_semaphore, #tpu.memory_space<semaphore_mem>>) src(%dma_wait3A_107 : memref<1024xf32, #tpu.memory_space<hbm>>) dst(%arg8 : memref<1024xf32, #tpu.memory_space<vmem>>)
      %dma_wait3A_108 = arith.constant 0 : i32
      %dma_wait3A_109 = tpu.memref_slice %arg3[%dma_wait3A_108, %mul3A_105] : memref<2x6400000xi32, #tpu.memory_space<hbm>> -> memref<1x1024xi32, #tpu.memory_space<hbm>>
      %dma_wait3A_110 = tpu.memref_squeeze %dma_wait3A_109 : memref<1x1024xi32, #tpu.memory_space<hbm>> -> memref<1024xi32, #tpu.memory_space<hbm>>
      %dma_wait3A_111 = tpu.memref_slice %arg3[%dma_wait3A_108, %mul3A_105] : memref<2x6400000xi32, #tpu.memory_space<hbm>> -> memref<1x1024xi32, #tpu.memory_space<hbm>>
      %dma_wait3A_112 = tpu.memref_squeeze %dma_wait3A_111 : memref<1x1024xi32, #tpu.memory_space<hbm>> -> memref<1024xi32, #tpu.memory_space<hbm>>
      tpu.wait_dma2 semaphore(%arg15 : memref<!tpu.dma_semaphore, #tpu.memory_space<semaphore_mem>>) src(%dma_wait3A_112 : memref<1024xi32, #tpu.memory_space<hbm>>) dst(%arg9 : memref<1024xi32, #tpu.memory_space<vmem>>)
      %dma_wait3A_113 = arith.constant 1 : i32
      %dma_wait3A_114 = tpu.memref_slice %arg3[%dma_wait3A_113, %mul3A_105] : memref<2x6400000xi32, #tpu.memory_space<hbm>> -> memref<1x1024xi32, #tpu.memory_space<hbm>>
      %dma_wait3A_115 = tpu.memref_squeeze %dma_wait3A_114 : memref<1x1024xi32, #tpu.memory_space<hbm>> -> memref<1024xi32, #tpu.memory_space<hbm>>
      %dma_wait3A_116 = tpu.memref_slice %arg3[%dma_wait3A_113, %mul3A_105] : memref<2x6400000xi32, #tpu.memory_space<hbm>> -> memref<1x1024xi32, #tpu.memory_space<hbm>>
      %dma_wait3A_117 = tpu.memref_squeeze %dma_wait3A_116 : memref<1x1024xi32, #tpu.memory_space<hbm>> -> memref<1024xi32, #tpu.memory_space<hbm>>
      tpu.wait_dma2 semaphore(%arg15 : memref<!tpu.dma_semaphore, #tpu.memory_space<semaphore_mem>>) src(%dma_wait3A_117 : memref<1024xi32, #tpu.memory_space<hbm>>) dst(%arg10 : memref<1024xi32, #tpu.memory_space<vmem>>)
      %mul3A_118 = arith.constant 128 : i32
      %mul3A_119 = arith.muli %add3A_100, %mul3A_118 : i32
      %dma_start3A_120 = tpu.memref_slice %arg2[%mul3A_119] : memref<6400000xf32, #tpu.memory_space<hbm>> -> memref<1024xf32, #tpu.memory_space<hbm>>
      %dma_start3A_121 = tpu.memref_slice %arg2[%mul3A_119] : memref<6400000xf32, #tpu.memory_space<hbm>> -> memref<1024xf32, #tpu.memory_space<hbm>>
      tpu.enqueue_dma source(%dma_start3A_121 : memref<1024xf32, #tpu.memory_space<hbm>>) target(%arg11 : memref<1024xf32, #tpu.memory_space<vmem>>) target_semaphore(%arg16 : memref<!tpu.dma_semaphore, #tpu.memory_space<semaphore_mem>>)
      %dma_start3A_122 = arith.constant 0 : i32
      %dma_start3A_123 = tpu.memref_slice %arg3[%dma_start3A_122, %mul3A_119] : memref<2x6400000xi32, #tpu.memory_space<hbm>> -> memref<1x1024xi32, #tpu.memory_space<hbm>>
      %dma_start3A_124 = tpu.memref_squeeze %dma_start3A_123 : memref<1x1024xi32, #tpu.memory_space<hbm>> -> memref<1024xi32, #tpu.memory_space<hbm>>
      %dma_start3A_125 = tpu.memref_slice %arg3[%dma_start3A_122, %mul3A_119] : memref<2x6400000xi32, #tpu.memory_space<hbm>> -> memref<1x1024xi32, #tpu.memory_space<hbm>>
      %dma_start3A_126 = tpu.memref_squeeze %dma_start3A_125 : memref<1x1024xi32, #tpu.memory_space<hbm>> -> memref<1024xi32, #tpu.memory_space<hbm>>
      tpu.enqueue_dma source(%dma_start3A_126 : memref<1024xi32, #tpu.memory_space<hbm>>) target(%arg12 : memref<1024xi32, #tpu.memory_space<vmem>>) target_semaphore(%arg16 : memref<!tpu.dma_semaphore, #tpu.memory_space<semaphore_mem>>)
      %dma_start3A_127 = arith.constant 1 : i32
      %dma_start3A_128 = tpu.memref_slice %arg3[%dma_start3A_127, %mul3A_119] : memref<2x6400000xi32, #tpu.memory_space<hbm>> -> memref<1x1024xi32, #tpu.memory_space<hbm>>
      %dma_start3A_129 = tpu.memref_squeeze %dma_start3A_128 : memref<1x1024xi32, #tpu.memory_space<hbm>> -> memref<1024xi32, #tpu.memory_space<hbm>>
      %dma_start3A_130 = tpu.memref_slice %arg3[%dma_start3A_127, %mul3A_119] : memref<2x6400000xi32, #tpu.memory_space<hbm>> -> memref<1x1024xi32, #tpu.memory_space<hbm>>
      %dma_start3A_131 = tpu.memref_squeeze %dma_start3A_130 : memref<1x1024xi32, #tpu.memory_space<hbm>> -> memref<1024xi32, #tpu.memory_space<hbm>>
      tpu.enqueue_dma source(%dma_start3A_131 : memref<1024xi32, #tpu.memory_space<hbm>>) target(%arg13 : memref<1024xi32, #tpu.memory_space<vmem>>) target_semaphore(%arg16 : memref<!tpu.dma_semaphore, #tpu.memory_space<semaphore_mem>>)
      %scan3A_132 = arith.constant 0 : i32
      %scan3A_133 = arith.constant 0 : i32
      %scan3A_134 = arith.constant 8 : i32
      %scan3A_135 = arith.addi %scan3A_133, %scan3A_134 : i32
      %scan3A_136 = arith.constant 1 : i32
      scf.for %scan3A_188 = %scan3A_133 to %scan3A_135 step %scan3A_136  : i32 {
        %mul3A_189 = arith.constant 128 : i32
        %mul3A_190 = arith.muli %scan3A_188, %mul3A_189 : i32
        %add3A_191 = arith.constant 0 : i32
        %add3A_192 = arith.addi %mul3A_190, %add3A_191 : i32
        %get3A = arith.index_cast %add3A_192 : i32 to index
        %get3A_193 = tpu.vector_load %arg8[%get3A] {strides = array<i32>} : memref<1024xf32, #tpu.memory_space<vmem>>, vector<16xf32>,
        %get3A_194 = vector.shape_cast %get3A_193 : vector<16xf32> to vector<16xf32>
        %add3A_195 = arith.constant 9.99999971E-10 : f32
        %add3A_196 = vector.broadcast %add3A_195 : f32 to vector<16xf32>
        %add3A_197 = arith.addf %get3A_194, %add3A_196 : vector<16xf32>
        %swap3A = arith.index_cast %add3A_192 : i32 to index
        %swap3A_198 = tpu.vector_load %arg8[%swap3A] {strides = array<i32>} : memref<1024xf32, #tpu.memory_space<vmem>>, vector<16xf32>,
        %swap3A_199 = vector.shape_cast %swap3A_198 : vector<16xf32> to vector<16xf32>
        %swap3A_200 = vector.shape_cast %add3A_197 : vector<16xf32> to vector<16xf32>
        tpu.vector_store %arg8[%swap3A], %swap3A_200 {strides = array<i32>} : memref<1024xf32, #tpu.memory_space<vmem>>, vector<16xf32>,
        %mul3A_201 = arith.constant 128 : i32
        %mul3A_202 = arith.muli %scan3A_188, %mul3A_201 : i32
        %add3A_203 = arith.constant 16 : i32
        %add3A_204 = arith.addi %mul3A_202, %add3A_203 : i32
        %get3A_205 = arith.index_cast %add3A_204 : i32 to index
        %get3A_206 = tpu.vector_load %arg8[%get3A_205] {strides = array<i32>} : memref<1024xf32, #tpu.memory_space<vmem>>, vector<16xf32>,
        %get3A_207 = vector.shape_cast %get3A_206 : vector<16xf32> to vector<16xf32>
        %add3A_208 = arith.constant 9.99999971E-10 : f32
        %add3A_209 = vector.broadcast %add3A_208 : f32 to vector<16xf32>
        %add3A_210 = arith.addf %get3A_207, %add3A_209 : vector<16xf32>
        %swap3A_211 = arith.index_cast %add3A_204 : i32 to index
        %swap3A_212 = tpu.vector_load %arg8[%swap3A_211] {strides = array<i32>} : memref<1024xf32, #tpu.memory_space<vmem>>, vector<16xf32>,
        %swap3A_213 = vector.shape_cast %swap3A_212 : vector<16xf32> to vector<16xf32>
        %swap3A_214 = vector.shape_cast %add3A_210 : vector<16xf32> to vector<16xf32>
        tpu.vector_store %arg8[%swap3A_211], %swap3A_214 {strides = array<i32>} : memref<1024xf32, #tpu.memory_space<vmem>>, vector<16xf32>,
        %mul3A_215 = arith.constant 128 : i32
        %mul3A_216 = arith.muli %scan3A_188, %mul3A_215 : i32
        %add3A_217 = arith.constant 32 : i32
        %add3A_218 = arith.addi %mul3A_216, %add3A_217 : i32
        %get3A_219 = arith.index_cast %add3A_218 : i32 to index
        %get3A_220 = tpu.vector_load %arg8[%get3A_219] {strides = array<i32>} : memref<1024xf32, #tpu.memory_space<vmem>>, vector<16xf32>,
        %get3A_221 = vector.shape_cast %get3A_220 : vector<16xf32> to vector<16xf32>
        %add3A_222 = arith.constant 9.99999971E-10 : f32
        %add3A_223 = vector.broadcast %add3A_222 : f32 to vector<16xf32>
        %add3A_224 = arith.addf %get3A_221, %add3A_223 : vector<16xf32>
        %swap3A_225 = arith.index_cast %add3A_218 : i32 to index
        %swap3A_226 = tpu.vector_load %arg8[%swap3A_225] {strides = array<i32>} : memref<1024xf32, #tpu.memory_space<vmem>>, vector<16xf32>,
        %swap3A_227 = vector.shape_cast %swap3A_226 : vector<16xf32> to vector<16xf32>
        %swap3A_228 = vector.shape_cast %add3A_224 : vector<16xf32> to vector<16xf32>
        tpu.vector_store %arg8[%swap3A_225], %swap3A_228 {strides = array<i32>} : memref<1024xf32, #tpu.memory_space<vmem>>, vector<16xf32>,
        %mul3A_229 = arith.constant 128 : i32
        %mul3A_230 = arith.muli %scan3A_188, %mul3A_229 : i32
        %add3A_231 = arith.constant 48 : i32
        %add3A_232 = arith.addi %mul3A_230, %add3A_231 : i32
        %get3A_233 = arith.index_cast %add3A_232 : i32 to index
        %get3A_234 = tpu.vector_load %arg8[%get3A_233] {strides = array<i32>} : memref<1024xf32, #tpu.memory_space<vmem>>, vector<16xf32>,
        %get3A_235 = vector.shape_cast %get3A_234 : vector<16xf32> to vector<16xf32>
        %add3A_236 = arith.constant 9.99999971E-10 : f32
        %add3A_237 = vector.broadcast %add3A_236 : f32 to vector<16xf32>
        %add3A_238 = arith.addf %get3A_235, %add3A_237 : vector<16xf32>
        %swap3A_239 = arith.index_cast %add3A_232 : i32 to index
        %swap3A_240 = tpu.vector_load %arg8[%swap3A_239] {strides = array<i32>} : memref<1024xf32, #tpu.memory_space<vmem>>, vector<16xf32>,
        %swap3A_241 = vector.shape_cast %swap3A_240 : vector<16xf32> to vector<16xf32>
        %swap3A_242 = vector.shape_cast %add3A_238 : vector<16xf32> to vector<16xf32>
        tpu.vector_store %arg8[%swap3A_239], %swap3A_242 {strides = array<i32>} : memref<1024xf32, #tpu.memory_space<vmem>>, vector<16xf32>,
        %mul3A_243 = arith.constant 128 : i32
        %mul3A_244 = arith.muli %scan3A_188, %mul3A_243 : i32
        %add3A_245 = arith.constant 64 : i32
        %add3A_246 = arith.addi %mul3A_244, %add3A_245 : i32
        %get3A_247 = arith.index_cast %add3A_246 : i32 to index
        %get3A_248 = tpu.vector_load %arg8[%get3A_247] {strides = array<i32>} : memref<1024xf32, #tpu.memory_space<vmem>>, vector<16xf32>,
        %get3A_249 = vector.shape_cast %get3A_248 : vector<16xf32> to vector<16xf32>
        %add3A_250 = arith.constant 9.99999971E-10 : f32
        %add3A_251 = vector.broadcast %add3A_250 : f32 to vector<16xf32>
        %add3A_252 = arith.addf %get3A_249, %add3A_251 : vector<16xf32>
        %swap3A_253 = arith.index_cast %add3A_246 : i32 to index
        %swap3A_254 = tpu.vector_load %arg8[%swap3A_253] {strides = array<i32>} : memref<1024xf32, #tpu.memory_space<vmem>>, vector<16xf32>,
        %swap3A_255 = vector.shape_cast %swap3A_254 : vector<16xf32> to vector<16xf32>
        %swap3A_256 = vector.shape_cast %add3A_252 : vector<16xf32> to vector<16xf32>
        tpu.vector_store %arg8[%swap3A_253], %swap3A_256 {strides = array<i32>} : memref<1024xf32, #tpu.memory_space<vmem>>, vector<16xf32>,
        %mul3A_257 = arith.constant 128 : i32
        %mul3A_258 = arith.muli %scan3A_188, %mul3A_257 : i32
        %add3A_259 = arith.constant 80 : i32
        %add3A_260 = arith.addi %mul3A_258, %add3A_259 : i32
        %get3A_261 = arith.index_cast %add3A_260 : i32 to index
        %get3A_262 = tpu.vector_load %arg8[%get3A_261] {strides = array<i32>} : memref<1024xf32, #tpu.memory_space<vmem>>, vector<16xf32>,
        %get3A_263 = vector.shape_cast %get3A_262 : vector<16xf32> to vector<16xf32>
        %add3A_264 = arith.constant 9.99999971E-10 : f32
        %add3A_265 = vector.broadcast %add3A_264 : f32 to vector<16xf32>
        %add3A_266 = arith.addf %get3A_263, %add3A_265 : vector<16xf32>
        %swap3A_267 = arith.index_cast %add3A_260 : i32 to index
        %swap3A_268 = tpu.vector_load %arg8[%swap3A_267] {strides = array<i32>} : memref<1024xf32, #tpu.memory_space<vmem>>, vector<16xf32>,
        %swap3A_269 = vector.shape_cast %swap3A_268 : vector<16xf32> to vector<16xf32>
        %swap3A_270 = vector.shape_cast %add3A_266 : vector<16xf32> to vector<16xf32>
        tpu.vector_store %arg8[%swap3A_267], %swap3A_270 {strides = array<i32>} : memref<1024xf32, #tpu.memory_space<vmem>>, vector<16xf32>,
        %mul3A_271 = arith.constant 128 : i32
        %mul3A_272 = arith.muli %scan3A_188, %mul3A_271 : i32
        %add3A_273 = arith.constant 96 : i32
        %add3A_274 = arith.addi %mul3A_272, %add3A_273 : i32
        %get3A_275 = arith.index_cast %add3A_274 : i32 to index
        %get3A_276 = tpu.vector_load %arg8[%get3A_275] {strides = array<i32>} : memref<1024xf32, #tpu.memory_space<vmem>>, vector<16xf32>,
        %get3A_277 = vector.shape_cast %get3A_276 : vector<16xf32> to vector<16xf32>
        %add3A_278 = arith.constant 9.99999971E-10 : f32
        %add3A_279 = vector.broadcast %add3A_278 : f32 to vector<16xf32>
        %add3A_280 = arith.addf %get3A_277, %add3A_279 : vector<16xf32>
        %swap3A_281 = arith.index_cast %add3A_274 : i32 to index
        %swap3A_282 = tpu.vector_load %arg8[%swap3A_281] {strides = array<i32>} : memref<1024xf32, #tpu.memory_space<vmem>>, vector<16xf32>,
        %swap3A_283 = vector.shape_cast %swap3A_282 : vector<16xf32> to vector<16xf32>
        %swap3A_284 = vector.shape_cast %add3A_280 : vector<16xf32> to vector<16xf32>
        tpu.vector_store %arg8[%swap3A_281], %swap3A_284 {strides = array<i32>} : memref<1024xf32, #tpu.memory_space<vmem>>, vector<16xf32>,
        %mul3A_285 = arith.constant 128 : i32
        %mul3A_286 = arith.muli %scan3A_188, %mul3A_285 : i32
        %add3A_287 = arith.constant 112 : i32
        %add3A_288 = arith.addi %mul3A_286, %add3A_287 : i32
        %get3A_289 = arith.index_cast %add3A_288 : i32 to index
        %get3A_290 = tpu.vector_load %arg8[%get3A_289] {strides = array<i32>} : memref<1024xf32, #tpu.memory_space<vmem>>, vector<16xf32>,
        %get3A_291 = vector.shape_cast %get3A_290 : vector<16xf32> to vector<16xf32>
        %add3A_292 = arith.constant 9.99999971E-10 : f32
        %add3A_293 = vector.broadcast %add3A_292 : f32 to vector<16xf32>
        %add3A_294 = arith.addf %get3A_291, %add3A_293 : vector<16xf32>
        %swap3A_295 = arith.index_cast %add3A_288 : i32 to index
        %swap3A_296 = tpu.vector_load %arg8[%swap3A_295] {strides = array<i32>} : memref<1024xf32, #tpu.memory_space<vmem>>, vector<16xf32>,
        %swap3A_297 = vector.shape_cast %swap3A_296 : vector<16xf32> to vector<16xf32>
        %swap3A_298 = vector.shape_cast %add3A_294 : vector<16xf32> to vector<16xf32>
        tpu.vector_store %arg8[%swap3A_295], %swap3A_298 {strides = array<i32>} : memref<1024xf32, #tpu.memory_space<vmem>>, vector<16xf32>,
      }
      %scan3A_137 = arith.constant 8 : i32
      %dma_start3A_138 = arith.constant 0 : i32
      %dma_start3A_139 = tpu.memref_slice %arg6[%dma_start3A_138] : memref<100352xf32, #tpu.memory_space<vmem_shared>> -> memref<100352xf32, #tpu.memory_space<vmem_shared>>
      tpu.enqueue_indirect_dma source(%arg8 : memref<1024xf32, #tpu.memory_space<vmem>>) target(%dma_start3A_139 : memref<100352xf32, #tpu.memory_space<vmem_shared>>) offsets(%arg9 : memref<1024xi32, #tpu.memory_space<vmem>>) semaphore(%arg17 : memref<!tpu.dma_semaphore, #tpu.memory_space<semaphore_mem>>) {add = true}
      %dma_start3A_140 = arith.constant 0 : i32
      %dma_start3A_141 = tpu.memref_slice %arg7[%dma_start3A_140] : memref<100352xf32, #tpu.memory_space<vmem_shared>> -> memref<100352xf32, #tpu.memory_space<vmem_shared>>
      tpu.enqueue_indirect_dma source(%arg8 : memref<1024xf32, #tpu.memory_space<vmem>>) target(%dma_start3A_141 : memref<100352xf32, #tpu.memory_space<vmem_shared>>) offsets(%arg10 : memref<1024xi32, #tpu.memory_space<vmem>>) semaphore(%arg17 : memref<!tpu.dma_semaphore, #tpu.memory_space<semaphore_mem>>) {add = true}
      %dma_wait3A_142 = arith.constant 0 : i32
      %dma_wait3A_143 = tpu.memref_slice %arg6[%dma_wait3A_142] : memref<100352xf32, #tpu.memory_space<vmem_shared>> -> memref<100352xf32, #tpu.memory_space<vmem_shared>>
      tpu.wait_indirect_dma semaphore(%arg17 : memref<!tpu.dma_semaphore, #tpu.memory_space<semaphore_mem>>) src(%arg8 : memref<1024xf32, #tpu.memory_space<vmem>>) dst(%dma_wait3A_143 : memref<100352xf32, #tpu.memory_space<vmem_shared>>)
      %dma_wait3A_144 = arith.constant 0 : i32
      %dma_wait3A_145 = tpu.memref_slice %arg7[%dma_wait3A_144] : memref<100352xf32, #tpu.memory_space<vmem_shared>> -> memref<100352xf32, #tpu.memory_space<vmem_shared>>
      tpu.wait_indirect_dma semaphore(%arg17 : memref<!tpu.dma_semaphore, #tpu.memory_space<semaphore_mem>>) src(%arg8 : memref<1024xf32, #tpu.memory_space<vmem>>) dst(%dma_wait3A_145 : memref<100352xf32, #tpu.memory_space<vmem_shared>>)
      %mul3A_146 = arith.constant 128 : i32
      %mul3A_147 = arith.muli %add3A_100, %mul3A_146 : i32
      %dma_wait3A_148 = tpu.memref_slice %arg2[%mul3A_147] : memref<6400000xf32, #tpu.memory_space<hbm>> -> memref<1024xf32, #tpu.memory_space<hbm>>
      %dma_wait3A_149 = tpu.memref_slice %arg2[%mul3A_147] : memref<6400000xf32, #tpu.memory_space<hbm>> -> memref<1024xf32, #tpu.memory_space<hbm>>
      tpu.wait_dma2 semaphore(%arg16 : memref<!tpu.dma_semaphore, #tpu.memory_space<semaphore_mem>>) src(%dma_wait3A_149 : memref<1024xf32, #tpu.memory_space<hbm>>) dst(%arg11 : memref<1024xf32, #tpu.memory_space<vmem>>)
      %dma_wait3A_150 = arith.constant 0 : i32
      %dma_wait3A_151 = tpu.memref_slice %arg3[%dma_wait3A_150, %mul3A_147] : memref<2x6400000xi32, #tpu.memory_space<hbm>> -> memref<1x1024xi32, #tpu.memory_space<hbm>>
      %dma_wait3A_152 = tpu.memref_squeeze %dma_wait3A_151 : memref<1x1024xi32, #tpu.memory_space<hbm>> -> memref<1024xi32, #tpu.memory_space<hbm>>
      %dma_wait3A_153 = tpu.memref_slice %arg3[%dma_wait3A_150, %mul3A_147] : memref<2x6400000xi32, #tpu.memory_space<hbm>> -> memref<1x1024xi32, #tpu.memory_space<hbm>>
      %dma_wait3A_154 = tpu.memref_squeeze %dma_wait3A_153 : memref<1x1024xi32, #tpu.memory_space<hbm>> -> memref<1024xi32, #tpu.memory_space<hbm>>
      tpu.wait_dma2 semaphore(%arg16 : memref<!tpu.dma_semaphore, #tpu.memory_space<semaphore_mem>>) src(%dma_wait3A_154 : memref<1024xi32, #tpu.memory_space<hbm>>) dst(%arg12 : memref<1024xi32, #tpu.memory_space<vmem>>)
      %dma_wait3A_155 = arith.constant 1 : i32
      %dma_wait3A_156 = tpu.memref_slice %arg3[%dma_wait3A_155, %mul3A_147] : memref<2x6400000xi32, #tpu.memory_space<hbm>> -> memref<1x1024xi32, #tpu.memory_space<hbm>>
      %dma_wait3A_157 = tpu.memref_squeeze %dma_wait3A_156 : memref<1x1024xi32, #tpu.memory_space<hbm>> -> memref<1024xi32, #tpu.memory_space<hbm>>
      %dma_wait3A_158 = tpu.memref_slice %arg3[%dma_wait3A_155, %mul3A_147] : memref<2x6400000xi32, #tpu.memory_space<hbm>> -> memref<1x1024xi32, #tpu.memory_space<hbm>>
      %dma_wait3A_159 = tpu.memref_squeeze %dma_wait3A_158 : memref<1x1024xi32, #tpu.memory_space<hbm>> -> memref<1024xi32, #tpu.memory_space<hbm>>
      tpu.wait_dma2 semaphore(%arg16 : memref<!tpu.dma_semaphore, #tpu.memory_space<semaphore_mem>>) src(%dma_wait3A_159 : memref<1024xi32, #tpu.memory_space<hbm>>) dst(%arg13 : memref<1024xi32, #tpu.memory_space<vmem>>)
      %mul3A_160 = arith.constant 128 : i32
      %mul3A_161 = arith.muli %min3A_103, %mul3A_160 : i32
      %dma_start3A_162 = tpu.memref_slice %arg2[%mul3A_161] : memref<6400000xf32, #tpu.memory_space<hbm>> -> memref<1024xf32, #tpu.memory_space<hbm>>
      %dma_start3A_163 = tpu.memref_slice %arg2[%mul3A_161] : memref<6400000xf32, #tpu.memory_space<hbm>> -> memref<1024xf32, #tpu.memory_space<hbm>>
      tpu.enqueue_dma source(%dma_start3A_163 : memref<1024xf32, #tpu.memory_space<hbm>>) target(%arg8 : memref<1024xf32, #tpu.memory_space<vmem>>) target_semaphore(%arg15 : memref<!tpu.dma_semaphore, #tpu.memory_space<semaphore_mem>>)
      %dma_start3A_164 = arith.constant 0 : i32
      %dma_start3A_165 = tpu.memref_slice %arg3[%dma_start3A_164, %mul3A_161] : memref<2x6400000xi32, #tpu.memory_space<hbm>> -> memref<1x1024xi32, #tpu.memory_space<hbm>>
      %dma_start3A_166 = tpu.memref_squeeze %dma_start3A_165 : memref<1x1024xi32, #tpu.memory_space<hbm>> -> memref<1024xi32, #tpu.memory_space<hbm>>
      %dma_start3A_167 = tpu.memref_slice %arg3[%dma_start3A_164, %mul3A_161] : memref<2x6400000xi32, #tpu.memory_space<hbm>> -> memref<1x1024xi32, #tpu.memory_space<hbm>>
      %dma_start3A_168 = tpu.memref_squeeze %dma_start3A_167 : memref<1x1024xi32, #tpu.memory_space<hbm>> -> memref<1024xi32, #tpu.memory_space<hbm>>
      tpu.enqueue_dma source(%dma_start3A_168 : memref<1024xi32, #tpu.memory_space<hbm>>) target(%arg9 : memref<1024xi32, #tpu.memory_space<vmem>>) target_semaphore(%arg15 : memref<!tpu.dma_semaphore, #tpu.memory_space<semaphore_mem>>)
      %dma_start3A_169 = arith.constant 1 : i32
      %dma_start3A_170 = tpu.memref_slice %arg3[%dma_start3A_169, %mul3A_161] : memref<2x6400000xi32, #tpu.memory_space<hbm>> -> memref<1x1024xi32, #tpu.memory_space<hbm>>
      %dma_start3A_171 = tpu.memref_squeeze %dma_start3A_170 : memref<1x1024xi32, #tpu.memory_space<hbm>> -> memref<1024xi32, #tpu.memory_space<hbm>>
      %dma_start3A_172 = tpu.memref_slice %arg3[%dma_start3A_169, %mul3A_161] : memref<2x6400000xi32, #tpu.memory_space<hbm>> -> memref<1x1024xi32, #tpu.memory_space<hbm>>
      %dma_start3A_173 = tpu.memref_squeeze %dma_start3A_172 : memref<1x1024xi32, #tpu.memory_space<hbm>> -> memref<1024xi32, #tpu.memory_space<hbm>>
      tpu.enqueue_dma source(%dma_start3A_173 : memref<1024xi32, #tpu.memory_space<hbm>>) target(%arg10 : memref<1024xi32, #tpu.memory_space<vmem>>) target_semaphore(%arg15 : memref<!tpu.dma_semaphore, #tpu.memory_space<semaphore_mem>>)
      %scan3A_174 = arith.constant 0 : i32
      %scan3A_175 = arith.constant 0 : i32
      %scan3A_176 = arith.constant 8 : i32
      %scan3A_177 = arith.addi %scan3A_175, %scan3A_176 : i32
      %scan3A_178 = arith.constant 1 : i32
      scf.for %scan3A_188 = %scan3A_175 to %scan3A_177 step %scan3A_178  : i32 {
        %mul3A_189 = arith.constant 128 : i32
        %mul3A_190 = arith.muli %scan3A_188, %mul3A_189 : i32
        %add3A_191 = arith.constant 0 : i32
        %add3A_192 = arith.addi %mul3A_190, %add3A_191 : i32
        %get3A = arith.index_cast %add3A_192 : i32 to index
        %get3A_193 = tpu.vector_load %arg11[%get3A] {strides = array<i32>} : memref<1024xf32, #tpu.memory_space<vmem>>, vector<16xf32>,
        %get3A_194 = vector.shape_cast %get3A_193 : vector<16xf32> to vector<16xf32>
        %add3A_195 = arith.constant 9.99999971E-10 : f32
        %add3A_196 = vector.broadcast %add3A_195 : f32 to vector<16xf32>
        %add3A_197 = arith.addf %get3A_194, %add3A_196 : vector<16xf32>
        %swap3A = arith.index_cast %add3A_192 : i32 to index
        %swap3A_198 = tpu.vector_load %arg11[%swap3A] {strides = array<i32>} : memref<1024xf32, #tpu.memory_space<vmem>>, vector<16xf32>,
        %swap3A_199 = vector.shape_cast %swap3A_198 : vector<16xf32> to vector<16xf32>
        %swap3A_200 = vector.shape_cast %add3A_197 : vector<16xf32> to vector<16xf32>
        tpu.vector_store %arg11[%swap3A], %swap3A_200 {strides = array<i32>} : memref<1024xf32, #tpu.memory_space<vmem>>, vector<16xf32>,
        %mul3A_201 = arith.constant 128 : i32
        %mul3A_202 = arith.muli %scan3A_188, %mul3A_201 : i32
        %add3A_203 = arith.constant 16 : i32
        %add3A_204 = arith.addi %mul3A_202, %add3A_203 : i32
        %get3A_205 = arith.index_cast %add3A_204 : i32 to index
        %get3A_206 = tpu.vector_load %arg11[%get3A_205] {strides = array<i32>} : memref<1024xf32, #tpu.memory_space<vmem>>, vector<16xf32>,
        %get3A_207 = vector.shape_cast %get3A_206 : vector<16xf32> to vector<16xf32>
        %add3A_208 = arith.constant 9.99999971E-10 : f32
        %add3A_209 = vector.broadcast %add3A_208 : f32 to vector<16xf32>
        %add3A_210 = arith.addf %get3A_207, %add3A_209 : vector<16xf32>
        %swap3A_211 = arith.index_cast %add3A_204 : i32 to index
        %swap3A_212 = tpu.vector_load %arg11[%swap3A_211] {strides = array<i32>} : memref<1024xf32, #tpu.memory_space<vmem>>, vector<16xf32>,
        %swap3A_213 = vector.shape_cast %swap3A_212 : vector<16xf32> to vector<16xf32>
        %swap3A_214 = vector.shape_cast %add3A_210 : vector<16xf32> to vector<16xf32>
        tpu.vector_store %arg11[%swap3A_211], %swap3A_214 {strides = array<i32>} : memref<1024xf32, #tpu.memory_space<vmem>>, vector<16xf32>,
        %mul3A_215 = arith.constant 128 : i32
        %mul3A_216 = arith.muli %scan3A_188, %mul3A_215 : i32
        %add3A_217 = arith.constant 32 : i32
        %add3A_218 = arith.addi %mul3A_216, %add3A_217 : i32
        %get3A_219 = arith.index_cast %add3A_218 : i32 to index
        %get3A_220 = tpu.vector_load %arg11[%get3A_219] {strides = array<i32>} : memref<1024xf32, #tpu.memory_space<vmem>>, vector<16xf32>,
        %get3A_221 = vector.shape_cast %get3A_220 : vector<16xf32> to vector<16xf32>
        %add3A_222 = arith.constant 9.99999971E-10 : f32
        %add3A_223 = vector.broadcast %add3A_222 : f32 to vector<16xf32>
        %add3A_224 = arith.addf %get3A_221, %add3A_223 : vector<16xf32>
        %swap3A_225 = arith.index_cast %add3A_218 : i32 to index
        %swap3A_226 = tpu.vector_load %arg11[%swap3A_225] {strides = array<i32>} : memref<1024xf32, #tpu.memory_space<vmem>>, vector<16xf32>,
        %swap3A_227 = vector.shape_cast %swap3A_226 : vector<16xf32> to vector<16xf32>
        %swap3A_228 = vector.shape_cast %add3A_224 : vector<16xf32> to vector<16xf32>
        tpu.vector_store %arg11[%swap3A_225], %swap3A_228 {strides = array<i32>} : memref<1024xf32, #tpu.memory_space<vmem>>, vector<16xf32>,
        %mul3A_229 = arith.constant 128 : i32
        %mul3A_230 = arith.muli %scan3A_188, %mul3A_229 : i32
        %add3A_231 = arith.constant 48 : i32
        %add3A_232 = arith.addi %mul3A_230, %add3A_231 : i32
        %get3A_233 = arith.index_cast %add3A_232 : i32 to index
        %get3A_234 = tpu.vector_load %arg11[%get3A_233] {strides = array<i32>} : memref<1024xf32, #tpu.memory_space<vmem>>, vector<16xf32>,
        %get3A_235 = vector.shape_cast %get3A_234 : vector<16xf32> to vector<16xf32>
        %add3A_236 = arith.constant 9.99999971E-10 : f32
        %add3A_237 = vector.broadcast %add3A_236 : f32 to vector<16xf32>
        %add3A_238 = arith.addf %get3A_235, %add3A_237 : vector<16xf32>
        %swap3A_239 = arith.index_cast %add3A_232 : i32 to index
        %swap3A_240 = tpu.vector_load %arg11[%swap3A_239] {strides = array<i32>} : memref<1024xf32, #tpu.memory_space<vmem>>, vector<16xf32>,
        %swap3A_241 = vector.shape_cast %swap3A_240 : vector<16xf32> to vector<16xf32>
        %swap3A_242 = vector.shape_cast %add3A_238 : vector<16xf32> to vector<16xf32>
        tpu.vector_store %arg11[%swap3A_239], %swap3A_242 {strides = array<i32>} : memref<1024xf32, #tpu.memory_space<vmem>>, vector<16xf32>,
        %mul3A_243 = arith.constant 128 : i32
        %mul3A_244 = arith.muli %scan3A_188, %mul3A_243 : i32
        %add3A_245 = arith.constant 64 : i32
        %add3A_246 = arith.addi %mul3A_244, %add3A_245 : i32
        %get3A_247 = arith.index_cast %add3A_246 : i32 to index
        %get3A_248 = tpu.vector_load %arg11[%get3A_247] {strides = array<i32>} : memref<1024xf32, #tpu.memory_space<vmem>>, vector<16xf32>,
        %get3A_249 = vector.shape_cast %get3A_248 : vector<16xf32> to vector<16xf32>
        %add3A_250 = arith.constant 9.99999971E-10 : f32
        %add3A_251 = vector.broadcast %add3A_250 : f32 to vector<16xf32>
        %add3A_252 = arith.addf %get3A_249, %add3A_251 : vector<16xf32>
        %swap3A_253 = arith.index_cast %add3A_246 : i32 to index
        %swap3A_254 = tpu.vector_load %arg11[%swap3A_253] {strides = array<i32>} : memref<1024xf32, #tpu.memory_space<vmem>>, vector<16xf32>,
        %swap3A_255 = vector.shape_cast %swap3A_254 : vector<16xf32> to vector<16xf32>
        %swap3A_256 = vector.shape_cast %add3A_252 : vector<16xf32> to vector<16xf32>
        tpu.vector_store %arg11[%swap3A_253], %swap3A_256 {strides = array<i32>} : memref<1024xf32, #tpu.memory_space<vmem>>, vector<16xf32>,
        %mul3A_257 = arith.constant 128 : i32
        %mul3A_258 = arith.muli %scan3A_188, %mul3A_257 : i32
        %add3A_259 = arith.constant 80 : i32
        %add3A_260 = arith.addi %mul3A_258, %add3A_259 : i32
        %get3A_261 = arith.index_cast %add3A_260 : i32 to index
        %get3A_262 = tpu.vector_load %arg11[%get3A_261] {strides = array<i32>} : memref<1024xf32, #tpu.memory_space<vmem>>, vector<16xf32>,
        %get3A_263 = vector.shape_cast %get3A_262 : vector<16xf32> to vector<16xf32>
        %add3A_264 = arith.constant 9.99999971E-10 : f32
        %add3A_265 = vector.broadcast %add3A_264 : f32 to vector<16xf32>
        %add3A_266 = arith.addf %get3A_263, %add3A_265 : vector<16xf32>
        %swap3A_267 = arith.index_cast %add3A_260 : i32 to index
        %swap3A_268 = tpu.vector_load %arg11[%swap3A_267] {strides = array<i32>} : memref<1024xf32, #tpu.memory_space<vmem>>, vector<16xf32>,
        %swap3A_269 = vector.shape_cast %swap3A_268 : vector<16xf32> to vector<16xf32>
        %swap3A_270 = vector.shape_cast %add3A_266 : vector<16xf32> to vector<16xf32>
        tpu.vector_store %arg11[%swap3A_267], %swap3A_270 {strides = array<i32>} : memref<1024xf32, #tpu.memory_space<vmem>>, vector<16xf32>,
        %mul3A_271 = arith.constant 128 : i32
        %mul3A_272 = arith.muli %scan3A_188, %mul3A_271 : i32
        %add3A_273 = arith.constant 96 : i32
        %add3A_274 = arith.addi %mul3A_272, %add3A_273 : i32
        %get3A_275 = arith.index_cast %add3A_274 : i32 to index
        %get3A_276 = tpu.vector_load %arg11[%get3A_275] {strides = array<i32>} : memref<1024xf32, #tpu.memory_space<vmem>>, vector<16xf32>,
        %get3A_277 = vector.shape_cast %get3A_276 : vector<16xf32> to vector<16xf32>
        %add3A_278 = arith.constant 9.99999971E-10 : f32
        %add3A_279 = vector.broadcast %add3A_278 : f32 to vector<16xf32>
        %add3A_280 = arith.addf %get3A_277, %add3A_279 : vector<16xf32>
        %swap3A_281 = arith.index_cast %add3A_274 : i32 to index
        %swap3A_282 = tpu.vector_load %arg11[%swap3A_281] {strides = array<i32>} : memref<1024xf32, #tpu.memory_space<vmem>>, vector<16xf32>,
        %swap3A_283 = vector.shape_cast %swap3A_282 : vector<16xf32> to vector<16xf32>
        %swap3A_284 = vector.shape_cast %add3A_280 : vector<16xf32> to vector<16xf32>
        tpu.vector_store %arg11[%swap3A_281], %swap3A_284 {strides = array<i32>} : memref<1024xf32, #tpu.memory_space<vmem>>, vector<16xf32>,
        %mul3A_285 = arith.constant 128 : i32
        %mul3A_286 = arith.muli %scan3A_188, %mul3A_285 : i32
        %add3A_287 = arith.constant 112 : i32
        %add3A_288 = arith.addi %mul3A_286, %add3A_287 : i32
        %get3A_289 = arith.index_cast %add3A_288 : i32 to index
        %get3A_290 = tpu.vector_load %arg11[%get3A_289] {strides = array<i32>} : memref<1024xf32, #tpu.memory_space<vmem>>, vector<16xf32>,
        %get3A_291 = vector.shape_cast %get3A_290 : vector<16xf32> to vector<16xf32>
        %add3A_292 = arith.constant 9.99999971E-10 : f32
        %add3A_293 = vector.broadcast %add3A_292 : f32 to vector<16xf32>
        %add3A_294 = arith.addf %get3A_291, %add3A_293 : vector<16xf32>
        %swap3A_295 = arith.index_cast %add3A_288 : i32 to index
        %swap3A_296 = tpu.vector_load %arg11[%swap3A_295] {strides = array<i32>} : memref<1024xf32, #tpu.memory_space<vmem>>, vector<16xf32>,
        %swap3A_297 = vector.shape_cast %swap3A_296 : vector<16xf32> to vector<16xf32>
        %swap3A_298 = vector.shape_cast %add3A_294 : vector<16xf32> to vector<16xf32>
        tpu.vector_store %arg11[%swap3A_295], %swap3A_298 {strides = array<i32>} : memref<1024xf32, #tpu.memory_space<vmem>>, vector<16xf32>,
      }
      %scan3A_179 = arith.constant 8 : i32
      %dma_start3A_180 = arith.constant 0 : i32
      %dma_start3A_181 = tpu.memref_slice %arg6[%dma_start3A_180] : memref<100352xf32, #tpu.memory_space<vmem_shared>> -> memref<100352xf32, #tpu.memory_space<vmem_shared>>
      tpu.enqueue_indirect_dma source(%arg11 : memref<1024xf32, #tpu.memory_space<vmem>>) target(%dma_start3A_181 : memref<100352xf32, #tpu.memory_space<vmem_shared>>) offsets(%arg12 : memref<1024xi32, #tpu.memory_space<vmem>>) semaphore(%arg17 : memref<!tpu.dma_semaphore, #tpu.memory_space<semaphore_mem>>) {add = true}
      %dma_start3A_182 = arith.constant 0 : i32
      %dma_start3A_183 = tpu.memref_slice %arg7[%dma_start3A_182] : memref<100352xf32, #tpu.memory_space<vmem_shared>> -> memref<100352xf32, #tpu.memory_space<vmem_shared>>
      tpu.enqueue_indirect_dma source(%arg11 : memref<1024xf32, #tpu.memory_space<vmem>>) target(%dma_start3A_183 : memref<100352xf32, #tpu.memory_space<vmem_shared>>) offsets(%arg13 : memref<1024xi32, #tpu.memory_space<vmem>>) semaphore(%arg17 : memref<!tpu.dma_semaphore, #tpu.memory_space<semaphore_mem>>) {add = true}
      %dma_wait3A_184 = arith.constant 0 : i32
      %dma_wait3A_185 = tpu.memref_slice %arg6[%dma_wait3A_184] : memref<100352xf32, #tpu.memory_space<vmem_shared>> -> memref<100352xf32, #tpu.memory_space<vmem_shared>>
      tpu.wait_indirect_dma semaphore(%arg17 : memref<!tpu.dma_semaphore, #tpu.memory_space<semaphore_mem>>) src(%arg11 : memref<1024xf32, #tpu.memory_space<vmem>>) dst(%dma_wait3A_185 : memref<100352xf32, #tpu.memory_space<vmem_shared>>)
      %dma_wait3A_186 = arith.constant 0 : i32
      %dma_wait3A_187 = tpu.memref_slice %arg7[%dma_wait3A_186] : memref<100352xf32, #tpu.memory_space<vmem_shared>> -> memref<100352xf32, #tpu.memory_space<vmem_shared>>
      tpu.wait_indirect_dma semaphore(%arg17 : memref<!tpu.dma_semaphore, #tpu.memory_space<semaphore_mem>>) src(%arg11 : memref<1024xf32, #tpu.memory_space<vmem>>) dst(%dma_wait3A_187 : memref<100352xf32, #tpu.memory_space<vmem_shared>>)
    }
    %while3A_60 = arith.constant 1 : i32
    scf.for %while3A_93 = %while3A_58 to %while3A_54 step %while3A_60  : i32 {
      %mul3A_94 = arith.constant 2 : i32
      %mul3A_95 = arith.muli %mul3A_94, %while3A_93 : i32
      %mul3A_96 = arith.constant 8 : i32
      %mul3A_97 = arith.muli %mul3A_95, %mul3A_96 : i32
      %add3A_98 = arith.addi %mul3A_15, %mul3A_97 : i32
      %add3A_99 = arith.constant 8 : i32
      %add3A_100 = arith.addi %add3A_98, %add3A_99 : i32
      %add3A_101 = arith.constant 8 : i32
      %add3A_102 = arith.addi %add3A_100, %add3A_101 : i32
      %min3A_103 = arith.minsi %add3A_102, %add3A_19 : i32
      %mul3A_104 = arith.constant 128 : i32
      %mul3A_105 = arith.muli %add3A_98, %mul3A_104 : i32
      %dma_wait3A_106 = tpu.memref_slice %arg2[%mul3A_105] : memref<6400000xf32, #tpu.memory_space<hbm>> -> memref<1024xf32, #tpu.memory_space<hbm>>
      %dma_wait3A_107 = tpu.memref_slice %arg2[%mul3A_105] : memref<6400000xf32, #tpu.memory_space<hbm>> -> memref<1024xf32, #tpu.memory_space<hbm>>
      tpu.wait_dma2 semaphore(%arg15 : memref<!tpu.dma_semaphore, #tpu.memory_space<semaphore_mem>>) src(%dma_wait3A_107 : memref<1024xf32, #tpu.memory_space<hbm>>) dst(%arg8 : memref<1024xf32, #tpu.memory_space<vmem>>)
      %dma_wait3A_108 = arith.constant 0 : i32
      %dma_wait3A_109 = tpu.memref_slice %arg3[%dma_wait3A_108, %mul3A_105] : memref<2x6400000xi32, #tpu.memory_space<hbm>> -> memref<1x1024xi32, #tpu.memory_space<hbm>>
      %dma_wait3A_110 = tpu.memref_squeeze %dma_wait3A_109 : memref<1x1024xi32, #tpu.memory_space<hbm>> -> memref<1024xi32, #tpu.memory_space<hbm>>
      %dma_wait3A_111 = tpu.memref_slice %arg3[%dma_wait3A_108, %mul3A_105] : memref<2x6400000xi32, #tpu.memory_space<hbm>> -> memref<1x1024xi32, #tpu.memory_space<hbm>>
      %dma_wait3A_112 = tpu.memref_squeeze %dma_wait3A_111 : memref<1x1024xi32, #tpu.memory_space<hbm>> -> memref<1024xi32, #tpu.memory_space<hbm>>
      tpu.wait_dma2 semaphore(%arg15 : memref<!tpu.dma_semaphore, #tpu.memory_space<semaphore_mem>>) src(%dma_wait3A_112 : memref<1024xi32, #tpu.memory_space<hbm>>) dst(%arg9 : memref<1024xi32, #tpu.memory_space<vmem>>)
      %dma_wait3A_113 = arith.constant 1 : i32
      %dma_wait3A_114 = tpu.memref_slice %arg3[%dma_wait3A_113, %mul3A_105] : memref<2x6400000xi32, #tpu.memory_space<hbm>> -> memref<1x1024xi32, #tpu.memory_space<hbm>>
      %dma_wait3A_115 = tpu.memref_squeeze %dma_wait3A_114 : memref<1x1024xi32, #tpu.memory_space<hbm>> -> memref<1024xi32, #tpu.memory_space<hbm>>
      %dma_wait3A_116 = tpu.memref_slice %arg3[%dma_wait3A_113, %mul3A_105] : memref<2x6400000xi32, #tpu.memory_space<hbm>> -> memref<1x1024xi32, #tpu.memory_space<hbm>>
      %dma_wait3A_117 = tpu.memref_squeeze %dma_wait3A_116 : memref<1x1024xi32, #tpu.memory_space<hbm>> -> memref<1024xi32, #tpu.memory_space<hbm>>
      tpu.wait_dma2 semaphore(%arg15 : memref<!tpu.dma_semaphore, #tpu.memory_space<semaphore_mem>>) src(%dma_wait3A_117 : memref<1024xi32, #tpu.memory_space<hbm>>) dst(%arg10 : memref<1024xi32, #tpu.memory_space<vmem>>)
      %mul3A_118 = arith.constant 128 : i32
      %mul3A_119 = arith.muli %add3A_100, %mul3A_118 : i32
      %dma_start3A_120 = tpu.memref_slice %arg2[%mul3A_119] : memref<6400000xf32, #tpu.memory_space<hbm>> -> memref<1024xf32, #tpu.memory_space<hbm>>
      %dma_start3A_121 = tpu.memref_slice %arg2[%mul3A_119] : memref<6400000xf32, #tpu.memory_space<hbm>> -> memref<1024xf32, #tpu.memory_space<hbm>>
      tpu.enqueue_dma source(%dma_start3A_121 : memref<1024xf32, #tpu.memory_space<hbm>>) target(%arg11 : memref<1024xf32, #tpu.memory_space<vmem>>) target_semaphore(%arg16 : memref<!tpu.dma_semaphore, #tpu.memory_space<semaphore_mem>>)
      %dma_start3A_122 = arith.constant 0 : i32
      %dma_start3A_123 = tpu.memref_slice %arg3[%dma_start3A_122, %mul3A_119] : memref<2x6400000xi32, #tpu.memory_space<hbm>> -> memref<1x1024xi32, #tpu.memory_space<hbm>>
      %dma_start3A_124 = tpu.memref_squeeze %dma_start3A_123 : memref<1x1024xi32, #tpu.memory_space<hbm>> -> memref<1024xi32, #tpu.memory_space<hbm>>
      %dma_start3A_125 = tpu.memref_slice %arg3[%dma_start3A_122, %mul3A_119] : memref<2x6400000xi32, #tpu.memory_space<hbm>> -> memref<1x1024xi32, #tpu.memory_space<hbm>>
      %dma_start3A_126 = tpu.memref_squeeze %dma_start3A_125 : memref<1x1024xi32, #tpu.memory_space<hbm>> -> memref<1024xi32, #tpu.memory_space<hbm>>
      tpu.enqueue_dma source(%dma_start3A_126 : memref<1024xi32, #tpu.memory_space<hbm>>) target(%arg12 : memref<1024xi32, #tpu.memory_space<vmem>>) target_semaphore(%arg16 : memref<!tpu.dma_semaphore, #tpu.memory_space<semaphore_mem>>)
      %dma_start3A_127 = arith.constant 1 : i32
      %dma_start3A_128 = tpu.memref_slice %arg3[%dma_start3A_127, %mul3A_119] : memref<2x6400000xi32, #tpu.memory_space<hbm>> -> memref<1x1024xi32, #tpu.memory_space<hbm>>
      %dma_start3A_129 = tpu.memref_squeeze %dma_start3A_128 : memref<1x1024xi32, #tpu.memory_space<hbm>> -> memref<1024xi32, #tpu.memory_space<hbm>>
      %dma_start3A_130 = tpu.memref_slice %arg3[%dma_start3A_127, %mul3A_119] : memref<2x6400000xi32, #tpu.memory_space<hbm>> -> memref<1x1024xi32, #tpu.memory_space<hbm>>
      %dma_start3A_131 = tpu.memref_squeeze %dma_start3A_130 : memref<1x1024xi32, #tpu.memory_space<hbm>> -> memref<1024xi32, #tpu.memory_space<hbm>>
      tpu.enqueue_dma source(%dma_start3A_131 : memref<1024xi32, #tpu.memory_space<hbm>>) target(%arg13 : memref<1024xi32, #tpu.memory_space<vmem>>) target_semaphore(%arg16 : memref<!tpu.dma_semaphore, #tpu.memory_space<semaphore_mem>>)
      %scan3A_132 = arith.constant 0 : i32
      %scan3A_133 = arith.constant 0 : i32
      %scan3A_134 = arith.constant 8 : i32
      %scan3A_135 = arith.addi %scan3A_133, %scan3A_134 : i32
      %scan3A_136 = arith.constant 1 : i32
      scf.for %scan3A_188 = %scan3A_133 to %scan3A_135 step %scan3A_136  : i32 {
        %mul3A_189 = arith.constant 128 : i32
        %mul3A_190 = arith.muli %scan3A_188, %mul3A_189 : i32
        %add3A_191 = arith.constant 0 : i32
        %add3A_192 = arith.addi %mul3A_190, %add3A_191 : i32
        %get3A = arith.index_cast %add3A_192 : i32 to index
        %get3A_193 = tpu.vector_load %arg8[%get3A] {strides = array<i32>} : memref<1024xf32, #tpu.memory_space<vmem>>, vector<16xf32>,
        %get3A_194 = vector.shape_cast %get3A_193 : vector<16xf32> to vector<16xf32>
        %add3A_195 = arith.constant 9.99999971E-10 : f32
        %add3A_196 = vector.broadcast %add3A_195 : f32 to vector<16xf32>
        %add3A_197 = arith.addf %get3A_194, %add3A_196 : vector<16xf32>
        %swap3A = arith.index_cast %add3A_192 : i32 to index
        %swap3A_198 = tpu.vector_load %arg8[%swap3A] {strides = array<i32>} : memref<1024xf32, #tpu.memory_space<vmem>>, vector<16xf32>,
        %swap3A_199 = vector.shape_cast %swap3A_198 : vector<16xf32> to vector<16xf32>
        %swap3A_200 = vector.shape_cast %add3A_197 : vector<16xf32> to vector<16xf32>
        tpu.vector_store %arg8[%swap3A], %swap3A_200 {strides = array<i32>} : memref<1024xf32, #tpu.memory_space<vmem>>, vector<16xf32>,
        %mul3A_201 = arith.constant 128 : i32
        %mul3A_202 = arith.muli %scan3A_188, %mul3A_201 : i32
        %add3A_203 = arith.constant 16 : i32
        %add3A_204 = arith.addi %mul3A_202, %add3A_203 : i32
        %get3A_205 = arith.index_cast %add3A_204 : i32 to index
        %get3A_206 = tpu.vector_load %arg8[%get3A_205] {strides = array<i32>} : memref<1024xf32, #tpu.memory_space<vmem>>, vector<16xf32>,
        %get3A_207 = vector.shape_cast %get3A_206 : vector<16xf32> to vector<16xf32>
        %add3A_208 = arith.constant 9.99999971E-10 : f32
        %add3A_209 = vector.broadcast %add3A_208 : f32 to vector<16xf32>
        %add3A_210 = arith.addf %get3A_207, %add3A_209 : vector<16xf32>
        %swap3A_211 = arith.index_cast %add3A_204 : i32 to index
        %swap3A_212 = tpu.vector_load %arg8[%swap3A_211] {strides = array<i32>} : memref<1024xf32, #tpu.memory_space<vmem>>, vector<16xf32>,
        %swap3A_213 = vector.shape_cast %swap3A_212 : vector<16xf32> to vector<16xf32>
        %swap3A_214 = vector.shape_cast %add3A_210 : vector<16xf32> to vector<16xf32>
        tpu.vector_store %arg8[%swap3A_211], %swap3A_214 {strides = array<i32>} : memref<1024xf32, #tpu.memory_space<vmem>>, vector<16xf32>,
        %mul3A_215 = arith.constant 128 : i32
        %mul3A_216 = arith.muli %scan3A_188, %mul3A_215 : i32
        %add3A_217 = arith.constant 32 : i32
        %add3A_218 = arith.addi %mul3A_216, %add3A_217 : i32
        %get3A_219 = arith.index_cast %add3A_218 : i32 to index
        %get3A_220 = tpu.vector_load %arg8[%get3A_219] {strides = array<i32>} : memref<1024xf32, #tpu.memory_space<vmem>>, vector<16xf32>,
        %get3A_221 = vector.shape_cast %get3A_220 : vector<16xf32> to vector<16xf32>
        %add3A_222 = arith.constant 9.99999971E-10 : f32
        %add3A_223 = vector.broadcast %add3A_222 : f32 to vector<16xf32>
        %add3A_224 = arith.addf %get3A_221, %add3A_223 : vector<16xf32>
        %swap3A_225 = arith.index_cast %add3A_218 : i32 to index
        %swap3A_226 = tpu.vector_load %arg8[%swap3A_225] {strides = array<i32>} : memref<1024xf32, #tpu.memory_space<vmem>>, vector<16xf32>,
        %swap3A_227 = vector.shape_cast %swap3A_226 : vector<16xf32> to vector<16xf32>
        %swap3A_228 = vector.shape_cast %add3A_224 : vector<16xf32> to vector<16xf32>
        tpu.vector_store %arg8[%swap3A_225], %swap3A_228 {strides = array<i32>} : memref<1024xf32, #tpu.memory_space<vmem>>, vector<16xf32>,
        %mul3A_229 = arith.constant 128 : i32
        %mul3A_230 = arith.muli %scan3A_188, %mul3A_229 : i32
        %add3A_231 = arith.constant 48 : i32
        %add3A_232 = arith.addi %mul3A_230, %add3A_231 : i32
        %get3A_233 = arith.index_cast %add3A_232 : i32 to index
        %get3A_234 = tpu.vector_load %arg8[%get3A_233] {strides = array<i32>} : memref<1024xf32, #tpu.memory_space<vmem>>, vector<16xf32>,
        %get3A_235 = vector.shape_cast %get3A_234 : vector<16xf32> to vector<16xf32>
        %add3A_236 = arith.constant 9.99999971E-10 : f32
        %add3A_237 = vector.broadcast %add3A_236 : f32 to vector<16xf32>
        %add3A_238 = arith.addf %get3A_235, %add3A_237 : vector<16xf32>
        %swap3A_239 = arith.index_cast %add3A_232 : i32 to index
        %swap3A_240 = tpu.vector_load %arg8[%swap3A_239] {strides = array<i32>} : memref<1024xf32, #tpu.memory_space<vmem>>, vector<16xf32>,
        %swap3A_241 = vector.shape_cast %swap3A_240 : vector<16xf32> to vector<16xf32>
        %swap3A_242 = vector.shape_cast %add3A_238 : vector<16xf32> to vector<16xf32>
        tpu.vector_store %arg8[%swap3A_239], %swap3A_242 {strides = array<i32>} : memref<1024xf32, #tpu.memory_space<vmem>>, vector<16xf32>,
        %mul3A_243 = arith.constant 128 : i32
        %mul3A_244 = arith.muli %scan3A_188, %mul3A_243 : i32
        %add3A_245 = arith.constant 64 : i32
        %add3A_246 = arith.addi %mul3A_244, %add3A_245 : i32
        %get3A_247 = arith.index_cast %add3A_246 : i32 to index
        %get3A_248 = tpu.vector_load %arg8[%get3A_247] {strides = array<i32>} : memref<1024xf32, #tpu.memory_space<vmem>>, vector<16xf32>,
        %get3A_249 = vector.shape_cast %get3A_248 : vector<16xf32> to vector<16xf32>
        %add3A_250 = arith.constant 9.99999971E-10 : f32
        %add3A_251 = vector.broadcast %add3A_250 : f32 to vector<16xf32>
        %add3A_252 = arith.addf %get3A_249, %add3A_251 : vector<16xf32>
        %swap3A_253 = arith.index_cast %add3A_246 : i32 to index
        %swap3A_254 = tpu.vector_load %arg8[%swap3A_253] {strides = array<i32>} : memref<1024xf32, #tpu.memory_space<vmem>>, vector<16xf32>,
        %swap3A_255 = vector.shape_cast %swap3A_254 : vector<16xf32> to vector<16xf32>
        %swap3A_256 = vector.shape_cast %add3A_252 : vector<16xf32> to vector<16xf32>
        tpu.vector_store %arg8[%swap3A_253], %swap3A_256 {strides = array<i32>} : memref<1024xf32, #tpu.memory_space<vmem>>, vector<16xf32>,
        %mul3A_257 = arith.constant 128 : i32
        %mul3A_258 = arith.muli %scan3A_188, %mul3A_257 : i32
        %add3A_259 = arith.constant 80 : i32
        %add3A_260 = arith.addi %mul3A_258, %add3A_259 : i32
        %get3A_261 = arith.index_cast %add3A_260 : i32 to index
        %get3A_262 = tpu.vector_load %arg8[%get3A_261] {strides = array<i32>} : memref<1024xf32, #tpu.memory_space<vmem>>, vector<16xf32>,
        %get3A_263 = vector.shape_cast %get3A_262 : vector<16xf32> to vector<16xf32>
        %add3A_264 = arith.constant 9.99999971E-10 : f32
        %add3A_265 = vector.broadcast %add3A_264 : f32 to vector<16xf32>
        %add3A_266 = arith.addf %get3A_263, %add3A_265 : vector<16xf32>
        %swap3A_267 = arith.index_cast %add3A_260 : i32 to index
        %swap3A_268 = tpu.vector_load %arg8[%swap3A_267] {strides = array<i32>} : memref<1024xf32, #tpu.memory_space<vmem>>, vector<16xf32>,
        %swap3A_269 = vector.shape_cast %swap3A_268 : vector<16xf32> to vector<16xf32>
        %swap3A_270 = vector.shape_cast %add3A_266 : vector<16xf32> to vector<16xf32>
        tpu.vector_store %arg8[%swap3A_267], %swap3A_270 {strides = array<i32>} : memref<1024xf32, #tpu.memory_space<vmem>>, vector<16xf32>,
        %mul3A_271 = arith.constant 128 : i32
        %mul3A_272 = arith.muli %scan3A_188, %mul3A_271 : i32
        %add3A_273 = arith.constant 96 : i32
        %add3A_274 = arith.addi %mul3A_272, %add3A_273 : i32
        %get3A_275 = arith.index_cast %add3A_274 : i32 to index
        %get3A_276 = tpu.vector_load %arg8[%get3A_275] {strides = array<i32>} : memref<1024xf32, #tpu.memory_space<vmem>>, vector<16xf32>,
        %get3A_277 = vector.shape_cast %get3A_276 : vector<16xf32> to vector<16xf32>
        %add3A_278 = arith.constant 9.99999971E-10 : f32
        %add3A_279 = vector.broadcast %add3A_278 : f32 to vector<16xf32>
        %add3A_280 = arith.addf %get3A_277, %add3A_279 : vector<16xf32>
        %swap3A_281 = arith.index_cast %add3A_274 : i32 to index
        %swap3A_282 = tpu.vector_load %arg8[%swap3A_281] {strides = array<i32>} : memref<1024xf32, #tpu.memory_space<vmem>>, vector<16xf32>,
        %swap3A_283 = vector.shape_cast %swap3A_282 : vector<16xf32> to vector<16xf32>
        %swap3A_284 = vector.shape_cast %add3A_280 : vector<16xf32> to vector<16xf32>
        tpu.vector_store %arg8[%swap3A_281], %swap3A_284 {strides = array<i32>} : memref<1024xf32, #tpu.memory_space<vmem>>, vector<16xf32>,
        %mul3A_285 = arith.constant 128 : i32
        %mul3A_286 = arith.muli %scan3A_188, %mul3A_285 : i32
        %add3A_287 = arith.constant 112 : i32
        %add3A_288 = arith.addi %mul3A_286, %add3A_287 : i32
        %get3A_289 = arith.index_cast %add3A_288 : i32 to index
        %get3A_290 = tpu.vector_load %arg8[%get3A_289] {strides = array<i32>} : memref<1024xf32, #tpu.memory_space<vmem>>, vector<16xf32>,
        %get3A_291 = vector.shape_cast %get3A_290 : vector<16xf32> to vector<16xf32>
        %add3A_292 = arith.constant 9.99999971E-10 : f32
        %add3A_293 = vector.broadcast %add3A_292 : f32 to vector<16xf32>
        %add3A_294 = arith.addf %get3A_291, %add3A_293 : vector<16xf32>
        %swap3A_295 = arith.index_cast %add3A_288 : i32 to index
        %swap3A_296 = tpu.vector_load %arg8[%swap3A_295] {strides = array<i32>} : memref<1024xf32, #tpu.memory_space<vmem>>, vector<16xf32>,
        %swap3A_297 = vector.shape_cast %swap3A_296 : vector<16xf32> to vector<16xf32>
        %swap3A_298 = vector.shape_cast %add3A_294 : vector<16xf32> to vector<16xf32>
        tpu.vector_store %arg8[%swap3A_295], %swap3A_298 {strides = array<i32>} : memref<1024xf32, #tpu.memory_space<vmem>>, vector<16xf32>,
      }
      %scan3A_137 = arith.constant 8 : i32
      %dma_start3A_138 = arith.constant 0 : i32
      %dma_start3A_139 = tpu.memref_slice %arg6[%dma_start3A_138] : memref<100352xf32, #tpu.memory_space<vmem_shared>> -> memref<100352xf32, #tpu.memory_space<vmem_shared>>
      tpu.enqueue_indirect_dma source(%arg8 : memref<1024xf32, #tpu.memory_space<vmem>>) target(%dma_start3A_139 : memref<100352xf32, #tpu.memory_space<vmem_shared>>) offsets(%arg9 : memref<1024xi32, #tpu.memory_space<vmem>>) semaphore(%arg17 : memref<!tpu.dma_semaphore, #tpu.memory_space<semaphore_mem>>) {add = true}
      %dma_start3A_140 = arith.constant 0 : i32
      %dma_start3A_141 = tpu.memref_slice %arg7[%dma_start3A_140] : memref<100352xf32, #tpu.memory_space<vmem_shared>> -> memref<100352xf32, #tpu.memory_space<vmem_shared>>
      tpu.enqueue_indirect_dma source(%arg8 : memref<1024xf32, #tpu.memory_space<vmem>>) target(%dma_start3A_141 : memref<100352xf32, #tpu.memory_space<vmem_shared>>) offsets(%arg10 : memref<1024xi32, #tpu.memory_space<vmem>>) semaphore(%arg17 : memref<!tpu.dma_semaphore, #tpu.memory_space<semaphore_mem>>) {add = true}
      %dma_wait3A_142 = arith.constant 0 : i32
      %dma_wait3A_143 = tpu.memref_slice %arg6[%dma_wait3A_142] : memref<100352xf32, #tpu.memory_space<vmem_shared>> -> memref<100352xf32, #tpu.memory_space<vmem_shared>>
      tpu.wait_indirect_dma semaphore(%arg17 : memref<!tpu.dma_semaphore, #tpu.memory_space<semaphore_mem>>) src(%arg8 : memref<1024xf32, #tpu.memory_space<vmem>>) dst(%dma_wait3A_143 : memref<100352xf32, #tpu.memory_space<vmem_shared>>)
      %dma_wait3A_144 = arith.constant 0 : i32
      %dma_wait3A_145 = tpu.memref_slice %arg7[%dma_wait3A_144] : memref<100352xf32, #tpu.memory_space<vmem_shared>> -> memref<100352xf32, #tpu.memory_space<vmem_shared>>
      tpu.wait_indirect_dma semaphore(%arg17 : memref<!tpu.dma_semaphore, #tpu.memory_space<semaphore_mem>>) src(%arg8 : memref<1024xf32, #tpu.memory_space<vmem>>) dst(%dma_wait3A_145 : memref<100352xf32, #tpu.memory_space<vmem_shared>>)
      %mul3A_146 = arith.constant 128 : i32
      %mul3A_147 = arith.muli %add3A_100, %mul3A_146 : i32
      %dma_wait3A_148 = tpu.memref_slice %arg2[%mul3A_147] : memref<6400000xf32, #tpu.memory_space<hbm>> -> memref<1024xf32, #tpu.memory_space<hbm>>
      %dma_wait3A_149 = tpu.memref_slice %arg2[%mul3A_147] : memref<6400000xf32, #tpu.memory_space<hbm>> -> memref<1024xf32, #tpu.memory_space<hbm>>
      tpu.wait_dma2 semaphore(%arg16 : memref<!tpu.dma_semaphore, #tpu.memory_space<semaphore_mem>>) src(%dma_wait3A_149 : memref<1024xf32, #tpu.memory_space<hbm>>) dst(%arg11 : memref<1024xf32, #tpu.memory_space<vmem>>)
      %dma_wait3A_150 = arith.constant 0 : i32
      %dma_wait3A_151 = tpu.memref_slice %arg3[%dma_wait3A_150, %mul3A_147] : memref<2x6400000xi32, #tpu.memory_space<hbm>> -> memref<1x1024xi32, #tpu.memory_space<hbm>>
      %dma_wait3A_152 = tpu.memref_squeeze %dma_wait3A_151 : memref<1x1024xi32, #tpu.memory_space<hbm>> -> memref<1024xi32, #tpu.memory_space<hbm>>
      %dma_wait3A_153 = tpu.memref_slice %arg3[%dma_wait3A_150, %mul3A_147] : memref<2x6400000xi32, #tpu.memory_space<hbm>> -> memref<1x1024xi32, #tpu.memory_space<hbm>>
      %dma_wait3A_154 = tpu.memref_squeeze %dma_wait3A_153 : memref<1x1024xi32, #tpu.memory_space<hbm>> -> memref<1024xi32, #tpu.memory_space<hbm>>
      tpu.wait_dma2 semaphore(%arg16 : memref<!tpu.dma_semaphore, #tpu.memory_space<semaphore_mem>>) src(%dma_wait3A_154 : memref<1024xi32, #tpu.memory_space<hbm>>) dst(%arg12 : memref<1024xi32, #tpu.memory_space<vmem>>)
      %dma_wait3A_155 = arith.constant 1 : i32
      %dma_wait3A_156 = tpu.memref_slice %arg3[%dma_wait3A_155, %mul3A_147] : memref<2x6400000xi32, #tpu.memory_space<hbm>> -> memref<1x1024xi32, #tpu.memory_space<hbm>>
      %dma_wait3A_157 = tpu.memref_squeeze %dma_wait3A_156 : memref<1x1024xi32, #tpu.memory_space<hbm>> -> memref<1024xi32, #tpu.memory_space<hbm>>
      %dma_wait3A_158 = tpu.memref_slice %arg3[%dma_wait3A_155, %mul3A_147] : memref<2x6400000xi32, #tpu.memory_space<hbm>> -> memref<1x1024xi32, #tpu.memory_space<hbm>>
      %dma_wait3A_159 = tpu.memref_squeeze %dma_wait3A_158 : memref<1x1024xi32, #tpu.memory_space<hbm>> -> memref<1024xi32, #tpu.memory_space<hbm>>
      tpu.wait_dma2 semaphore(%arg16 : memref<!tpu.dma_semaphore, #tpu.memory_space<semaphore_mem>>) src(%dma_wait3A_159 : memref<1024xi32, #tpu.memory_space<hbm>>) dst(%arg13 : memref<1024xi32, #tpu.memory_space<vmem>>)
      %mul3A_160 = arith.constant 128 : i32
      %mul3A_161 = arith.muli %min3A_103, %mul3A_160 : i32
      %dma_start3A_162 = tpu.memref_slice %arg2[%mul3A_161] : memref<6400000xf32, #tpu.memory_space<hbm>> -> memref<1024xf32, #tpu.memory_space<hbm>>
      %dma_start3A_163 = tpu.memref_slice %arg2[%mul3A_161] : memref<6400000xf32, #tpu.memory_space<hbm>> -> memref<1024xf32, #tpu.memory_space<hbm>>
      tpu.enqueue_dma source(%dma_start3A_163 : memref<1024xf32, #tpu.memory_space<hbm>>) target(%arg8 : memref<1024xf32, #tpu.memory_space<vmem>>) target_semaphore(%arg15 : memref<!tpu.dma_semaphore, #tpu.memory_space<semaphore_mem>>)
      %dma_start3A_164 = arith.constant 0 : i32
      %dma_start3A_165 = tpu.memref_slice %arg3[%dma_start3A_164, %mul3A_161] : memref<2x6400000xi32, #tpu.memory_space<hbm>> -> memref<1x1024xi32, #tpu.memory_space<hbm>>
      %dma_start3A_166 = tpu.memref_squeeze %dma_start3A_165 : memref<1x1024xi32, #tpu.memory_space<hbm>> -> memref<1024xi32, #tpu.memory_space<hbm>>
      %dma_start3A_167 = tpu.memref_slice %arg3[%dma_start3A_164, %mul3A_161] : memref<2x6400000xi32, #tpu.memory_space<hbm>> -> memref<1x1024xi32, #tpu.memory_space<hbm>>
      %dma_start3A_168 = tpu.memref_squeeze %dma_start3A_167 : memref<1x1024xi32, #tpu.memory_space<hbm>> -> memref<1024xi32, #tpu.memory_space<hbm>>
      tpu.enqueue_dma source(%dma_start3A_168 : memref<1024xi32, #tpu.memory_space<hbm>>) target(%arg9 : memref<1024xi32, #tpu.memory_space<vmem>>) target_semaphore(%arg15 : memref<!tpu.dma_semaphore, #tpu.memory_space<semaphore_mem>>)
      %dma_start3A_169 = arith.constant 1 : i32
      %dma_start3A_170 = tpu.memref_slice %arg3[%dma_start3A_169, %mul3A_161] : memref<2x6400000xi32, #tpu.memory_space<hbm>> -> memref<1x1024xi32, #tpu.memory_space<hbm>>
      %dma_start3A_171 = tpu.memref_squeeze %dma_start3A_170 : memref<1x1024xi32, #tpu.memory_space<hbm>> -> memref<1024xi32, #tpu.memory_space<hbm>>
      %dma_start3A_172 = tpu.memref_slice %arg3[%dma_start3A_169, %mul3A_161] : memref<2x6400000xi32, #tpu.memory_space<hbm>> -> memref<1x1024xi32, #tpu.memory_space<hbm>>
      %dma_start3A_173 = tpu.memref_squeeze %dma_start3A_172 : memref<1x1024xi32, #tpu.memory_space<hbm>> -> memref<1024xi32, #tpu.memory_space<hbm>>
      tpu.enqueue_dma source(%dma_start3A_173 : memref<1024xi32, #tpu.memory_space<hbm>>) target(%arg10 : memref<1024xi32, #tpu.memory_space<vmem>>) target_semaphore(%arg15 : memref<!tpu.dma_semaphore, #tpu.memory_space<semaphore_mem>>)
      %scan3A_174 = arith.constant 0 : i32
      %scan3A_175 = arith.constant 0 : i32
      %scan3A_176 = arith.constant 8 : i32
      %scan3A_177 = arith.addi %scan3A_175, %scan3A_176 : i32
      %scan3A_178 = arith.constant 1 : i32
      scf.for %scan3A_188 = %scan3A_175 to %scan3A_177 step %scan3A_178  : i32 {
        %mul3A_189 = arith.constant 128 : i32
        %mul3A_190 = arith.muli %scan3A_188, %mul3A_189 : i32
        %add3A_191 = arith.constant 0 : i32
        %add3A_192 = arith.addi %mul3A_190, %add3A_191 : i32
        %get3A = arith.index_cast %add3A_192 : i32 to index
        %get3A_193 = tpu.vector_load %arg11[%get3A] {strides = array<i32>} : memref<1024xf32, #tpu.memory_space<vmem>>, vector<16xf32>,
        %get3A_194 = vector.shape_cast %get3A_193 : vector<16xf32> to vector<16xf32>
        %add3A_195 = arith.constant 9.99999971E-10 : f32
        %add3A_196 = vector.broadcast %add3A_195 : f32 to vector<16xf32>
        %add3A_197 = arith.addf %get3A_194, %add3A_196 : vector<16xf32>
        %swap3A = arith.index_cast %add3A_192 : i32 to index
        %swap3A_198 = tpu.vector_load %arg11[%swap3A] {strides = array<i32>} : memref<1024xf32, #tpu.memory_space<vmem>>, vector<16xf32>,
        %swap3A_199 = vector.shape_cast %swap3A_198 : vector<16xf32> to vector<16xf32>
        %swap3A_200 = vector.shape_cast %add3A_197 : vector<16xf32> to vector<16xf32>
        tpu.vector_store %arg11[%swap3A], %swap3A_200 {strides = array<i32>} : memref<1024xf32, #tpu.memory_space<vmem>>, vector<16xf32>,
        %mul3A_201 = arith.constant 128 : i32
        %mul3A_202 = arith.muli %scan3A_188, %mul3A_201 : i32
        %add3A_203 = arith.constant 16 : i32
        %add3A_204 = arith.addi %mul3A_202, %add3A_203 : i32
        %get3A_205 = arith.index_cast %add3A_204 : i32 to index
        %get3A_206 = tpu.vector_load %arg11[%get3A_205] {strides = array<i32>} : memref<1024xf32, #tpu.memory_space<vmem>>, vector<16xf32>,
        %get3A_207 = vector.shape_cast %get3A_206 : vector<16xf32> to vector<16xf32>
        %add3A_208 = arith.constant 9.99999971E-10 : f32
        %add3A_209 = vector.broadcast %add3A_208 : f32 to vector<16xf32>
        %add3A_210 = arith.addf %get3A_207, %add3A_209 : vector<16xf32>
        %swap3A_211 = arith.index_cast %add3A_204 : i32 to index
        %swap3A_212 = tpu.vector_load %arg11[%swap3A_211] {strides = array<i32>} : memref<1024xf32, #tpu.memory_space<vmem>>, vector<16xf32>,
        %swap3A_213 = vector.shape_cast %swap3A_212 : vector<16xf32> to vector<16xf32>
        %swap3A_214 = vector.shape_cast %add3A_210 : vector<16xf32> to vector<16xf32>
        tpu.vector_store %arg11[%swap3A_211], %swap3A_214 {strides = array<i32>} : memref<1024xf32, #tpu.memory_space<vmem>>, vector<16xf32>,
        %mul3A_215 = arith.constant 128 : i32
        %mul3A_216 = arith.muli %scan3A_188, %mul3A_215 : i32
        %add3A_217 = arith.constant 32 : i32
        %add3A_218 = arith.addi %mul3A_216, %add3A_217 : i32
        %get3A_219 = arith.index_cast %add3A_218 : i32 to index
        %get3A_220 = tpu.vector_load %arg11[%get3A_219] {strides = array<i32>} : memref<1024xf32, #tpu.memory_space<vmem>>, vector<16xf32>,
        %get3A_221 = vector.shape_cast %get3A_220 : vector<16xf32> to vector<16xf32>
        %add3A_222 = arith.constant 9.99999971E-10 : f32
        %add3A_223 = vector.broadcast %add3A_222 : f32 to vector<16xf32>
        %add3A_224 = arith.addf %get3A_221, %add3A_223 : vector<16xf32>
        %swap3A_225 = arith.index_cast %add3A_218 : i32 to index
        %swap3A_226 = tpu.vector_load %arg11[%swap3A_225] {strides = array<i32>} : memref<1024xf32, #tpu.memory_space<vmem>>, vector<16xf32>,
        %swap3A_227 = vector.shape_cast %swap3A_226 : vector<16xf32> to vector<16xf32>
        %swap3A_228 = vector.shape_cast %add3A_224 : vector<16xf32> to vector<16xf32>
        tpu.vector_store %arg11[%swap3A_225], %swap3A_228 {strides = array<i32>} : memref<1024xf32, #tpu.memory_space<vmem>>, vector<16xf32>,
        %mul3A_229 = arith.constant 128 : i32
        %mul3A_230 = arith.muli %scan3A_188, %mul3A_229 : i32
        %add3A_231 = arith.constant 48 : i32
        %add3A_232 = arith.addi %mul3A_230, %add3A_231 : i32
        %get3A_233 = arith.index_cast %add3A_232 : i32 to index
        %get3A_234 = tpu.vector_load %arg11[%get3A_233] {strides = array<i32>} : memref<1024xf32, #tpu.memory_space<vmem>>, vector<16xf32>,
        %get3A_235 = vector.shape_cast %get3A_234 : vector<16xf32> to vector<16xf32>
        %add3A_236 = arith.constant 9.99999971E-10 : f32
        %add3A_237 = vector.broadcast %add3A_236 : f32 to vector<16xf32>
        %add3A_238 = arith.addf %get3A_235, %add3A_237 : vector<16xf32>
        %swap3A_239 = arith.index_cast %add3A_232 : i32 to index
        %swap3A_240 = tpu.vector_load %arg11[%swap3A_239] {strides = array<i32>} : memref<1024xf32, #tpu.memory_space<vmem>>, vector<16xf32>,
        %swap3A_241 = vector.shape_cast %swap3A_240 : vector<16xf32> to vector<16xf32>
        %swap3A_242 = vector.shape_cast %add3A_238 : vector<16xf32> to vector<16xf32>
        tpu.vector_store %arg11[%swap3A_239], %swap3A_242 {strides = array<i32>} : memref<1024xf32, #tpu.memory_space<vmem>>, vector<16xf32>,
        %mul3A_243 = arith.constant 128 : i32
        %mul3A_244 = arith.muli %scan3A_188, %mul3A_243 : i32
        %add3A_245 = arith.constant 64 : i32
        %add3A_246 = arith.addi %mul3A_244, %add3A_245 : i32
        %get3A_247 = arith.index_cast %add3A_246 : i32 to index
        %get3A_248 = tpu.vector_load %arg11[%get3A_247] {strides = array<i32>} : memref<1024xf32, #tpu.memory_space<vmem>>, vector<16xf32>,
        %get3A_249 = vector.shape_cast %get3A_248 : vector<16xf32> to vector<16xf32>
        %add3A_250 = arith.constant 9.99999971E-10 : f32
        %add3A_251 = vector.broadcast %add3A_250 : f32 to vector<16xf32>
        %add3A_252 = arith.addf %get3A_249, %add3A_251 : vector<16xf32>
        %swap3A_253 = arith.index_cast %add3A_246 : i32 to index
        %swap3A_254 = tpu.vector_load %arg11[%swap3A_253] {strides = array<i32>} : memref<1024xf32, #tpu.memory_space<vmem>>, vector<16xf32>,
        %swap3A_255 = vector.shape_cast %swap3A_254 : vector<16xf32> to vector<16xf32>
        %swap3A_256 = vector.shape_cast %add3A_252 : vector<16xf32> to vector<16xf32>
        tpu.vector_store %arg11[%swap3A_253], %swap3A_256 {strides = array<i32>} : memref<1024xf32, #tpu.memory_space<vmem>>, vector<16xf32>,
        %mul3A_257 = arith.constant 128 : i32
        %mul3A_258 = arith.muli %scan3A_188, %mul3A_257 : i32
        %add3A_259 = arith.constant 80 : i32
        %add3A_260 = arith.addi %mul3A_258, %add3A_259 : i32
        %get3A_261 = arith.index_cast %add3A_260 : i32 to index
        %get3A_262 = tpu.vector_load %arg11[%get3A_261] {strides = array<i32>} : memref<1024xf32, #tpu.memory_space<vmem>>, vector<16xf32>,
        %get3A_263 = vector.shape_cast %get3A_262 : vector<16xf32> to vector<16xf32>
        %add3A_264 = arith.constant 9.99999971E-10 : f32
        %add3A_265 = vector.broadcast %add3A_264 : f32 to vector<16xf32>
        %add3A_266 = arith.addf %get3A_263, %add3A_265 : vector<16xf32>
        %swap3A_267 = arith.index_cast %add3A_260 : i32 to index
        %swap3A_268 = tpu.vector_load %arg11[%swap3A_267] {strides = array<i32>} : memref<1024xf32, #tpu.memory_space<vmem>>, vector<16xf32>,
        %swap3A_269 = vector.shape_cast %swap3A_268 : vector<16xf32> to vector<16xf32>
        %swap3A_270 = vector.shape_cast %add3A_266 : vector<16xf32> to vector<16xf32>
        tpu.vector_store %arg11[%swap3A_267], %swap3A_270 {strides = array<i32>} : memref<1024xf32, #tpu.memory_space<vmem>>, vector<16xf32>,
        %mul3A_271 = arith.constant 128 : i32
        %mul3A_272 = arith.muli %scan3A_188, %mul3A_271 : i32
        %add3A_273 = arith.constant 96 : i32
        %add3A_274 = arith.addi %mul3A_272, %add3A_273 : i32
        %get3A_275 = arith.index_cast %add3A_274 : i32 to index
        %get3A_276 = tpu.vector_load %arg11[%get3A_275] {strides = array<i32>} : memref<1024xf32, #tpu.memory_space<vmem>>, vector<16xf32>,
        %get3A_277 = vector.shape_cast %get3A_276 : vector<16xf32> to vector<16xf32>
        %add3A_278 = arith.constant 9.99999971E-10 : f32
        %add3A_279 = vector.broadcast %add3A_278 : f32 to vector<16xf32>
        %add3A_280 = arith.addf %get3A_277, %add3A_279 : vector<16xf32>
        %swap3A_281 = arith.index_cast %add3A_274 : i32 to index
        %swap3A_282 = tpu.vector_load %arg11[%swap3A_281] {strides = array<i32>} : memref<1024xf32, #tpu.memory_space<vmem>>, vector<16xf32>,
        %swap3A_283 = vector.shape_cast %swap3A_282 : vector<16xf32> to vector<16xf32>
        %swap3A_284 = vector.shape_cast %add3A_280 : vector<16xf32> to vector<16xf32>
        tpu.vector_store %arg11[%swap3A_281], %swap3A_284 {strides = array<i32>} : memref<1024xf32, #tpu.memory_space<vmem>>, vector<16xf32>,
        %mul3A_285 = arith.constant 128 : i32
        %mul3A_286 = arith.muli %scan3A_188, %mul3A_285 : i32
        %add3A_287 = arith.constant 112 : i32
        %add3A_288 = arith.addi %mul3A_286, %add3A_287 : i32
        %get3A_289 = arith.index_cast %add3A_288 : i32 to index
        %get3A_290 = tpu.vector_load %arg11[%get3A_289] {strides = array<i32>} : memref<1024xf32, #tpu.memory_space<vmem>>, vector<16xf32>,
        %get3A_291 = vector.shape_cast %get3A_290 : vector<16xf32> to vector<16xf32>
        %add3A_292 = arith.constant 9.99999971E-10 : f32
        %add3A_293 = vector.broadcast %add3A_292 : f32 to vector<16xf32>
        %add3A_294 = arith.addf %get3A_291, %add3A_293 : vector<16xf32>
        %swap3A_295 = arith.index_cast %add3A_288 : i32 to index
        %swap3A_296 = tpu.vector_load %arg11[%swap3A_295] {strides = array<i32>} : memref<1024xf32, #tpu.memory_space<vmem>>, vector<16xf32>,
        %swap3A_297 = vector.shape_cast %swap3A_296 : vector<16xf32> to vector<16xf32>
        %swap3A_298 = vector.shape_cast %add3A_294 : vector<16xf32> to vector<16xf32>
        tpu.vector_store %arg11[%swap3A_295], %swap3A_298 {strides = array<i32>} : memref<1024xf32, #tpu.memory_space<vmem>>, vector<16xf32>,
      }
      %scan3A_179 = arith.constant 8 : i32
      %dma_start3A_180 = arith.constant 0 : i32
      %dma_start3A_181 = tpu.memref_slice %arg6[%dma_start3A_180] : memref<100352xf32, #tpu.memory_space<vmem_shared>> -> memref<100352xf32, #tpu.memory_space<vmem_shared>>
      tpu.enqueue_indirect_dma source(%arg11 : memref<1024xf32, #tpu.memory_space<vmem>>) target(%dma_start3A_181 : memref<100352xf32, #tpu.memory_space<vmem_shared>>) offsets(%arg12 : memref<1024xi32, #tpu.memory_space<vmem>>) semaphore(%arg17 : memref<!tpu.dma_semaphore, #tpu.memory_space<semaphore_mem>>) {add = true}
      %dma_start3A_182 = arith.constant 0 : i32
      %dma_start3A_183 = tpu.memref_slice %arg7[%dma_start3A_182] : memref<100352xf32, #tpu.memory_space<vmem_shared>> -> memref<100352xf32, #tpu.memory_space<vmem_shared>>
      tpu.enqueue_indirect_dma source(%arg11 : memref<1024xf32, #tpu.memory_space<vmem>>) target(%dma_start3A_183 : memref<100352xf32, #tpu.memory_space<vmem_shared>>) offsets(%arg13 : memref<1024xi32, #tpu.memory_space<vmem>>) semaphore(%arg17 : memref<!tpu.dma_semaphore, #tpu.memory_space<semaphore_mem>>) {add = true}
      %dma_wait3A_184 = arith.constant 0 : i32
      %dma_wait3A_185 = tpu.memref_slice %arg6[%dma_wait3A_184] : memref<100352xf32, #tpu.memory_space<vmem_shared>> -> memref<100352xf32, #tpu.memory_space<vmem_shared>>
      tpu.wait_indirect_dma semaphore(%arg17 : memref<!tpu.dma_semaphore, #tpu.memory_space<semaphore_mem>>) src(%arg11 : memref<1024xf32, #tpu.memory_space<vmem>>) dst(%dma_wait3A_185 : memref<100352xf32, #tpu.memory_space<vmem_shared>>)
      %dma_wait3A_186 = arith.constant 0 : i32
      %dma_wait3A_187 = tpu.memref_slice %arg7[%dma_wait3A_186] : memref<100352xf32, #tpu.memory_space<vmem_shared>> -> memref<100352xf32, #tpu.memory_space<vmem_shared>>
      tpu.wait_indirect_dma semaphore(%arg17 : memref<!tpu.dma_semaphore, #tpu.memory_space<semaphore_mem>>) src(%arg11 : memref<1024xf32, #tpu.memory_space<vmem>>) dst(%dma_wait3A_187 : memref<100352xf32, #tpu.memory_space<vmem_shared>>)
    }
    %mul3A_61 = arith.constant 128 : i32
    %mul3A_62 = arith.muli %add3A_19, %mul3A_61 : i32
    %dma_wait3A = tpu.memref_slice %arg2[%mul3A_62] : memref<6400000xf32, #tpu.memory_space<hbm>> -> memref<1024xf32, #tpu.memory_space<hbm>>
    %dma_wait3A_63 = tpu.memref_slice %arg2[%mul3A_62] : memref<6400000xf32, #tpu.memory_space<hbm>> -> memref<1024xf32, #tpu.memory_space<hbm>>
    tpu.wait_dma2 semaphore(%arg15 : memref<!tpu.dma_semaphore, #tpu.memory_space<semaphore_mem>>) src(%dma_wait3A_63 : memref<1024xf32, #tpu.memory_space<hbm>>) dst(%arg8 : memref<1024xf32, #tpu.memory_space<vmem>>)
    %dma_wait3A_64 = arith.constant 0 : i32
    %dma_wait3A_65 = tpu.memref_slice %arg3[%dma_wait3A_64, %mul3A_62] : memref<2x6400000xi32, #tpu.memory_space<hbm>> -> memref<1x1024xi32, #tpu.memory_space<hbm>>
    %dma_wait3A_66 = tpu.memref_squeeze %dma_wait3A_65 : memref<1x1024xi32, #tpu.memory_space<hbm>> -> memref<1024xi32, #tpu.memory_space<hbm>>
    %dma_wait3A_67 = tpu.memref_slice %arg3[%dma_wait3A_64, %mul3A_62] : memref<2x6400000xi32, #tpu.memory_space<hbm>> -> memref<1x1024xi32, #tpu.memory_space<hbm>>
    %dma_wait3A_68 = tpu.memref_squeeze %dma_wait3A_67 : memref<1x1024xi32, #tpu.memory_space<hbm>> -> memref<1024xi32, #tpu.memory_space<hbm>>
    tpu.wait_dma2 semaphore(%arg15 : memref<!tpu.dma_semaphore, #tpu.memory_space<semaphore_mem>>) src(%dma_wait3A_68 : memref<1024xi32, #tpu.memory_space<hbm>>) dst(%arg9 : memref<1024xi32, #tpu.memory_space<vmem>>)
    %dma_wait3A_69 = arith.constant 1 : i32
    %dma_wait3A_70 = tpu.memref_slice %arg3[%dma_wait3A_69, %mul3A_62] : memref<2x6400000xi32, #tpu.memory_space<hbm>> -> memref<1x1024xi32, #tpu.memory_space<hbm>>
    %dma_wait3A_71 = tpu.memref_squeeze %dma_wait3A_70 : memref<1x1024xi32, #tpu.memory_space<hbm>> -> memref<1024xi32, #tpu.memory_space<hbm>>
    %dma_wait3A_72 = tpu.memref_slice %arg3[%dma_wait3A_69, %mul3A_62] : memref<2x6400000xi32, #tpu.memory_space<hbm>> -> memref<1x1024xi32, #tpu.memory_space<hbm>>
    %dma_wait3A_73 = tpu.memref_squeeze %dma_wait3A_72 : memref<1x1024xi32, #tpu.memory_space<hbm>> -> memref<1024xi32, #tpu.memory_space<hbm>>
    tpu.wait_dma2 semaphore(%arg15 : memref<!tpu.dma_semaphore, #tpu.memory_space<semaphore_mem>>) src(%dma_wait3A_73 : memref<1024xi32, #tpu.memory_space<hbm>>) dst(%arg10 : memref<1024xi32, #tpu.memory_space<vmem>>)
    %jit3A_74 = arith.constant 2 : i32
    %eq3A = arith.constant 0 : i32
    %eq3A_75 = arith.cmpi eq, %jit3A_74, %eq3A : i32
    %jit3A_76 = arith.constant 1 : i32
    %select_n3A_77 = arith.select %eq3A_75, %jit3A_76, %jit3A_74 : i32
    %rem3A_78 = arith.remsi %select_n3A, %select_n3A_77 : i32
    %ne3A_79 = arith.constant 0 : i32
    %ne3A_80 = arith.cmpi ne, %rem3A_78, %ne3A_79 : i32
    %lt3A_81 = arith.constant 0 : i32
    %lt3A_82 = arith.cmpi slt, %rem3A_78, %lt3A_81 : i32
    %lt3A_83 = arith.constant 0 : i32
    %lt3A_84 = arith.cmpi slt, %select_n3A_77, %lt3A_83 : i32
    %ne3A_85 = arith.xori %lt3A_82, %lt3A_84 : i1
    %and3A_86 = arith.andi %ne3A_85, %ne3A_80 : i1
    %add3A_87 = arith.addi %rem3A_78, %select_n3A_77 : i32
    %select_n3A_88 = arith.select %and3A_86, %add3A_87, %rem3A_78 : i32
    %eq3A_89 = arith.constant 1 : i32
    %eq3A_90 = arith.cmpi eq, %select_n3A_88, %eq3A_89 : i32
    %convert_element_type3A = arith.extui %eq3A_90 : i1 to i32
    %cond3A = arith.constant 0 : i32
    %cond3A_91 = arith.cmpi ne, %convert_element_type3A, %cond3A : i32
    scf.if %cond3A_91 {
      %scan3A_93 = arith.constant 0 : i32
      %scan3A_94 = arith.constant 0 : i32
      %scan3A_95 = arith.constant 8 : i32
      %scan3A_96 = arith.addi %scan3A_94, %scan3A_95 : i32
      %scan3A_97 = arith.constant 1 : i32
      scf.for %scan3A_107 = %scan3A_94 to %scan3A_96 step %scan3A_97  : i32 {
        %mul3A_108 = arith.constant 128 : i32
        %mul3A_109 = arith.muli %scan3A_107, %mul3A_108 : i32
        %add3A_110 = arith.constant 0 : i32
        %add3A_111 = arith.addi %mul3A_109, %add3A_110 : i32
        %get3A = arith.index_cast %add3A_111 : i32 to index
        %get3A_112 = tpu.vector_load %arg8[%get3A] {strides = array<i32>} : memref<1024xf32, #tpu.memory_space<vmem>>, vector<16xf32>,
        %get3A_113 = vector.shape_cast %get3A_112 : vector<16xf32> to vector<16xf32>
        %add3A_114 = arith.constant 9.99999971E-10 : f32
        %add3A_115 = vector.broadcast %add3A_114 : f32 to vector<16xf32>
        %add3A_116 = arith.addf %get3A_113, %add3A_115 : vector<16xf32>
        %swap3A = arith.index_cast %add3A_111 : i32 to index
        %swap3A_117 = tpu.vector_load %arg8[%swap3A] {strides = array<i32>} : memref<1024xf32, #tpu.memory_space<vmem>>, vector<16xf32>,
        %swap3A_118 = vector.shape_cast %swap3A_117 : vector<16xf32> to vector<16xf32>
        %swap3A_119 = vector.shape_cast %add3A_116 : vector<16xf32> to vector<16xf32>
        tpu.vector_store %arg8[%swap3A], %swap3A_119 {strides = array<i32>} : memref<1024xf32, #tpu.memory_space<vmem>>, vector<16xf32>,
        %mul3A_120 = arith.constant 128 : i32
        %mul3A_121 = arith.muli %scan3A_107, %mul3A_120 : i32
        %add3A_122 = arith.constant 16 : i32
        %add3A_123 = arith.addi %mul3A_121, %add3A_122 : i32
        %get3A_124 = arith.index_cast %add3A_123 : i32 to index
        %get3A_125 = tpu.vector_load %arg8[%get3A_124] {strides = array<i32>} : memref<1024xf32, #tpu.memory_space<vmem>>, vector<16xf32>,
        %get3A_126 = vector.shape_cast %get3A_125 : vector<16xf32> to vector<16xf32>
        %add3A_127 = arith.constant 9.99999971E-10 : f32
        %add3A_128 = vector.broadcast %add3A_127 : f32 to vector<16xf32>
        %add3A_129 = arith.addf %get3A_126, %add3A_128 : vector<16xf32>
        %swap3A_130 = arith.index_cast %add3A_123 : i32 to index
        %swap3A_131 = tpu.vector_load %arg8[%swap3A_130] {strides = array<i32>} : memref<1024xf32, #tpu.memory_space<vmem>>, vector<16xf32>,
        %swap3A_132 = vector.shape_cast %swap3A_131 : vector<16xf32> to vector<16xf32>
        %swap3A_133 = vector.shape_cast %add3A_129 : vector<16xf32> to vector<16xf32>
        tpu.vector_store %arg8[%swap3A_130], %swap3A_133 {strides = array<i32>} : memref<1024xf32, #tpu.memory_space<vmem>>, vector<16xf32>,
        %mul3A_134 = arith.constant 128 : i32
        %mul3A_135 = arith.muli %scan3A_107, %mul3A_134 : i32
        %add3A_136 = arith.constant 32 : i32
        %add3A_137 = arith.addi %mul3A_135, %add3A_136 : i32
        %get3A_138 = arith.index_cast %add3A_137 : i32 to index
        %get3A_139 = tpu.vector_load %arg8[%get3A_138] {strides = array<i32>} : memref<1024xf32, #tpu.memory_space<vmem>>, vector<16xf32>,
        %get3A_140 = vector.shape_cast %get3A_139 : vector<16xf32> to vector<16xf32>
        %add3A_141 = arith.constant 9.99999971E-10 : f32
        %add3A_142 = vector.broadcast %add3A_141 : f32 to vector<16xf32>
        %add3A_143 = arith.addf %get3A_140, %add3A_142 : vector<16xf32>
        %swap3A_144 = arith.index_cast %add3A_137 : i32 to index
        %swap3A_145 = tpu.vector_load %arg8[%swap3A_144] {strides = array<i32>} : memref<1024xf32, #tpu.memory_space<vmem>>, vector<16xf32>,
        %swap3A_146 = vector.shape_cast %swap3A_145 : vector<16xf32> to vector<16xf32>
        %swap3A_147 = vector.shape_cast %add3A_143 : vector<16xf32> to vector<16xf32>
        tpu.vector_store %arg8[%swap3A_144], %swap3A_147 {strides = array<i32>} : memref<1024xf32, #tpu.memory_space<vmem>>, vector<16xf32>,
        %mul3A_148 = arith.constant 128 : i32
        %mul3A_149 = arith.muli %scan3A_107, %mul3A_148 : i32
        %add3A_150 = arith.constant 48 : i32
        %add3A_151 = arith.addi %mul3A_149, %add3A_150 : i32
        %get3A_152 = arith.index_cast %add3A_151 : i32 to index
        %get3A_153 = tpu.vector_load %arg8[%get3A_152] {strides = array<i32>} : memref<1024xf32, #tpu.memory_space<vmem>>, vector<16xf32>,
        %get3A_154 = vector.shape_cast %get3A_153 : vector<16xf32> to vector<16xf32>
        %add3A_155 = arith.constant 9.99999971E-10 : f32
        %add3A_156 = vector.broadcast %add3A_155 : f32 to vector<16xf32>
        %add3A_157 = arith.addf %get3A_154, %add3A_156 : vector<16xf32>
        %swap3A_158 = arith.index_cast %add3A_151 : i32 to index
        %swap3A_159 = tpu.vector_load %arg8[%swap3A_158] {strides = array<i32>} : memref<1024xf32, #tpu.memory_space<vmem>>, vector<16xf32>,
        %swap3A_160 = vector.shape_cast %swap3A_159 : vector<16xf32> to vector<16xf32>
        %swap3A_161 = vector.shape_cast %add3A_157 : vector<16xf32> to vector<16xf32>
        tpu.vector_store %arg8[%swap3A_158], %swap3A_161 {strides = array<i32>} : memref<1024xf32, #tpu.memory_space<vmem>>, vector<16xf32>,
        %mul3A_162 = arith.constant 128 : i32
        %mul3A_163 = arith.muli %scan3A_107, %mul3A_162 : i32
        %add3A_164 = arith.constant 64 : i32
        %add3A_165 = arith.addi %mul3A_163, %add3A_164 : i32
        %get3A_166 = arith.index_cast %add3A_165 : i32 to index
        %get3A_167 = tpu.vector_load %arg8[%get3A_166] {strides = array<i32>} : memref<1024xf32, #tpu.memory_space<vmem>>, vector<16xf32>,
        %get3A_168 = vector.shape_cast %get3A_167 : vector<16xf32> to vector<16xf32>
        %add3A_169 = arith.constant 9.99999971E-10 : f32
        %add3A_170 = vector.broadcast %add3A_169 : f32 to vector<16xf32>
        %add3A_171 = arith.addf %get3A_168, %add3A_170 : vector<16xf32>
        %swap3A_172 = arith.index_cast %add3A_165 : i32 to index
        %swap3A_173 = tpu.vector_load %arg8[%swap3A_172] {strides = array<i32>} : memref<1024xf32, #tpu.memory_space<vmem>>, vector<16xf32>,
        %swap3A_174 = vector.shape_cast %swap3A_173 : vector<16xf32> to vector<16xf32>
        %swap3A_175 = vector.shape_cast %add3A_171 : vector<16xf32> to vector<16xf32>
        tpu.vector_store %arg8[%swap3A_172], %swap3A_175 {strides = array<i32>} : memref<1024xf32, #tpu.memory_space<vmem>>, vector<16xf32>,
        %mul3A_176 = arith.constant 128 : i32
        %mul3A_177 = arith.muli %scan3A_107, %mul3A_176 : i32
        %add3A_178 = arith.constant 80 : i32
        %add3A_179 = arith.addi %mul3A_177, %add3A_178 : i32
        %get3A_180 = arith.index_cast %add3A_179 : i32 to index
        %get3A_181 = tpu.vector_load %arg8[%get3A_180] {strides = array<i32>} : memref<1024xf32, #tpu.memory_space<vmem>>, vector<16xf32>,
        %get3A_182 = vector.shape_cast %get3A_181 : vector<16xf32> to vector<16xf32>
        %add3A_183 = arith.constant 9.99999971E-10 : f32
        %add3A_184 = vector.broadcast %add3A_183 : f32 to vector<16xf32>
        %add3A_185 = arith.addf %get3A_182, %add3A_184 : vector<16xf32>
        %swap3A_186 = arith.index_cast %add3A_179 : i32 to index
        %swap3A_187 = tpu.vector_load %arg8[%swap3A_186] {strides = array<i32>} : memref<1024xf32, #tpu.memory_space<vmem>>, vector<16xf32>,
        %swap3A_188 = vector.shape_cast %swap3A_187 : vector<16xf32> to vector<16xf32>
        %swap3A_189 = vector.shape_cast %add3A_185 : vector<16xf32> to vector<16xf32>
        tpu.vector_store %arg8[%swap3A_186], %swap3A_189 {strides = array<i32>} : memref<1024xf32, #tpu.memory_space<vmem>>, vector<16xf32>,
        %mul3A_190 = arith.constant 128 : i32
        %mul3A_191 = arith.muli %scan3A_107, %mul3A_190 : i32
        %add3A_192 = arith.constant 96 : i32
        %add3A_193 = arith.addi %mul3A_191, %add3A_192 : i32
        %get3A_194 = arith.index_cast %add3A_193 : i32 to index
        %get3A_195 = tpu.vector_load %arg8[%get3A_194] {strides = array<i32>} : memref<1024xf32, #tpu.memory_space<vmem>>, vector<16xf32>,
        %get3A_196 = vector.shape_cast %get3A_195 : vector<16xf32> to vector<16xf32>
        %add3A_197 = arith.constant 9.99999971E-10 : f32
        %add3A_198 = vector.broadcast %add3A_197 : f32 to vector<16xf32>
        %add3A_199 = arith.addf %get3A_196, %add3A_198 : vector<16xf32>
        %swap3A_200 = arith.index_cast %add3A_193 : i32 to index
        %swap3A_201 = tpu.vector_load %arg8[%swap3A_200] {strides = array<i32>} : memref<1024xf32, #tpu.memory_space<vmem>>, vector<16xf32>,
        %swap3A_202 = vector.shape_cast %swap3A_201 : vector<16xf32> to vector<16xf32>
        %swap3A_203 = vector.shape_cast %add3A_199 : vector<16xf32> to vector<16xf32>
        tpu.vector_store %arg8[%swap3A_200], %swap3A_203 {strides = array<i32>} : memref<1024xf32, #tpu.memory_space<vmem>>, vector<16xf32>,
        %mul3A_204 = arith.constant 128 : i32
        %mul3A_205 = arith.muli %scan3A_107, %mul3A_204 : i32
        %add3A_206 = arith.constant 112 : i32
        %add3A_207 = arith.addi %mul3A_205, %add3A_206 : i32
        %get3A_208 = arith.index_cast %add3A_207 : i32 to index
        %get3A_209 = tpu.vector_load %arg8[%get3A_208] {strides = array<i32>} : memref<1024xf32, #tpu.memory_space<vmem>>, vector<16xf32>,
        %get3A_210 = vector.shape_cast %get3A_209 : vector<16xf32> to vector<16xf32>
        %add3A_211 = arith.constant 9.99999971E-10 : f32
        %add3A_212 = vector.broadcast %add3A_211 : f32 to vector<16xf32>
        %add3A_213 = arith.addf %get3A_210, %add3A_212 : vector<16xf32>
        %swap3A_214 = arith.index_cast %add3A_207 : i32 to index
        %swap3A_215 = tpu.vector_load %arg8[%swap3A_214] {strides = array<i32>} : memref<1024xf32, #tpu.memory_space<vmem>>, vector<16xf32>,
        %swap3A_216 = vector.shape_cast %swap3A_215 : vector<16xf32> to vector<16xf32>
        %swap3A_217 = vector.shape_cast %add3A_213 : vector<16xf32> to vector<16xf32>
        tpu.vector_store %arg8[%swap3A_214], %swap3A_217 {strides = array<i32>} : memref<1024xf32, #tpu.memory_space<vmem>>, vector<16xf32>,
      }
      %scan3A_98 = arith.constant 8 : i32
      %dma_start3A_99 = arith.constant 0 : i32
      %dma_start3A_100 = tpu.memref_slice %arg6[%dma_start3A_99] : memref<100352xf32, #tpu.memory_space<vmem_shared>> -> memref<100352xf32, #tpu.memory_space<vmem_shared>>
      tpu.enqueue_indirect_dma source(%arg8 : memref<1024xf32, #tpu.memory_space<vmem>>) target(%dma_start3A_100 : memref<100352xf32, #tpu.memory_space<vmem_shared>>) offsets(%arg9 : memref<1024xi32, #tpu.memory_space<vmem>>) semaphore(%arg17 : memref<!tpu.dma_semaphore, #tpu.memory_space<semaphore_mem>>) {add = true}
      %dma_start3A_101 = arith.constant 0 : i32
      %dma_start3A_102 = tpu.memref_slice %arg7[%dma_start3A_101] : memref<100352xf32, #tpu.memory_space<vmem_shared>> -> memref<100352xf32, #tpu.memory_space<vmem_shared>>
      tpu.enqueue_indirect_dma source(%arg8 : memref<1024xf32, #tpu.memory_space<vmem>>) target(%dma_start3A_102 : memref<100352xf32, #tpu.memory_space<vmem_shared>>) offsets(%arg10 : memref<1024xi32, #tpu.memory_space<vmem>>) semaphore(%arg17 : memref<!tpu.dma_semaphore, #tpu.memory_space<semaphore_mem>>) {add = true}
      %dma_wait3A_103 = arith.constant 0 : i32
      %dma_wait3A_104 = tpu.memref_slice %arg6[%dma_wait3A_103] : memref<100352xf32, #tpu.memory_space<vmem_shared>> -> memref<100352xf32, #tpu.memory_space<vmem_shared>>
      tpu.wait_indirect_dma semaphore(%arg17 : memref<!tpu.dma_semaphore, #tpu.memory_space<semaphore_mem>>) src(%arg8 : memref<1024xf32, #tpu.memory_space<vmem>>) dst(%dma_wait3A_104 : memref<100352xf32, #tpu.memory_space<vmem_shared>>)
      %dma_wait3A_105 = arith.constant 0 : i32
      %dma_wait3A_106 = tpu.memref_slice %arg7[%dma_wait3A_105] : memref<100352xf32, #tpu.memory_space<vmem_shared>> -> memref<100352xf32, #tpu.memory_space<vmem_shared>>
      tpu.wait_indirect_dma semaphore(%arg17 : memref<!tpu.dma_semaphore, #tpu.memory_space<semaphore_mem>>) src(%arg8 : memref<1024xf32, #tpu.memory_space<vmem>>) dst(%dma_wait3A_106 : memref<100352xf32, #tpu.memory_space<vmem_shared>>)
    } else {
    }
    %barrier3A_92 = arith.constant 0 : index
    tpu.barrier barrier_id(%barrier3A_92)
    "tpu.region"() ({
      %run_scoped3A = tpu.sem_alloc : memref<!tpu.dma_semaphore, #tpu.memory_space<semaphore_mem>>
      %dma_start3A_93 = tpu.memref_slice %arg4[%arg0, %mul3A_7] : memref<2x100352xf32, #tpu.memory_space<hbm>> -> memref<1x6272xf32, #tpu.memory_space<hbm>>
      %dma_start3A_94 = tpu.memref_squeeze %dma_start3A_93 : memref<1x6272xf32, #tpu.memory_space<hbm>> -> memref<6272xf32, #tpu.memory_space<hbm>>
      %dma_start3A_95 = tpu.memref_slice %arg6[%mul3A_7] : memref<100352xf32, #tpu.memory_space<vmem_shared>> -> memref<6272xf32, #tpu.memory_space<vmem_shared>>
      tpu.enqueue_dma source(%dma_start3A_95 : memref<6272xf32, #tpu.memory_space<vmem_shared>>) target(%dma_start3A_94 : memref<6272xf32, #tpu.memory_space<hbm>>) target_semaphore(%run_scoped3A : memref<!tpu.dma_semaphore, #tpu.memory_space<semaphore_mem>>)
      %dma_wait3A_96 = tpu.memref_slice %arg4[%arg0, %mul3A_7] : memref<2x100352xf32, #tpu.memory_space<hbm>> -> memref<1x6272xf32, #tpu.memory_space<hbm>>
      %dma_wait3A_97 = tpu.memref_squeeze %dma_wait3A_96 : memref<1x6272xf32, #tpu.memory_space<hbm>> -> memref<6272xf32, #tpu.memory_space<hbm>>
      %dma_wait3A_98 = tpu.memref_slice %arg6[%mul3A_7] : memref<100352xf32, #tpu.memory_space<vmem_shared>> -> memref<6272xf32, #tpu.memory_space<vmem_shared>>
      tpu.wait_dma2 semaphore(%run_scoped3A : memref<!tpu.dma_semaphore, #tpu.memory_space<semaphore_mem>>) src(%dma_wait3A_98 : memref<6272xf32, #tpu.memory_space<vmem_shared>>) dst(%dma_wait3A_97 : memref<6272xf32, #tpu.memory_space<hbm>>)
      tpu.yield
    }) : () -> ()
    "tpu.region"() ({
      %run_scoped3A = tpu.sem_alloc : memref<!tpu.dma_semaphore, #tpu.memory_space<semaphore_mem>>
      %dma_start3A_93 = tpu.memref_slice %arg5[%arg0, %mul3A_7] : memref<2x100352xf32, #tpu.memory_space<hbm>> -> memref<1x6272xf32, #tpu.memory_space<hbm>>
      %dma_start3A_94 = tpu.memref_squeeze %dma_start3A_93 : memref<1x6272xf32, #tpu.memory_space<hbm>> -> memref<6272xf32, #tpu.memory_space<hbm>>
      %dma_start3A_95 = tpu.memref_slice %arg7[%mul3A_7] : memref<100352xf32, #tpu.memory_space<vmem_shared>> -> memref<6272xf32, #tpu.memory_space<vmem_shared>>
      tpu.enqueue_dma source(%dma_start3A_95 : memref<6272xf32, #tpu.memory_space<vmem_shared>>) target(%dma_start3A_94 : memref<6272xf32, #tpu.memory_space<hbm>>) target_semaphore(%run_scoped3A : memref<!tpu.dma_semaphore, #tpu.memory_space<semaphore_mem>>)
      %dma_wait3A_96 = tpu.memref_slice %arg5[%arg0, %mul3A_7] : memref<2x100352xf32, #tpu.memory_space<hbm>> -> memref<1x6272xf32, #tpu.memory_space<hbm>>
      %dma_wait3A_97 = tpu.memref_squeeze %dma_wait3A_96 : memref<1x6272xf32, #tpu.memory_space<hbm>> -> memref<6272xf32, #tpu.memory_space<hbm>>
      %dma_wait3A_98 = tpu.memref_slice %arg7[%mul3A_7] : memref<100352xf32, #tpu.memory_space<vmem_shared>> -> memref<6272xf32, #tpu.memory_space<vmem_shared>>
      tpu.wait_dma2 semaphore(%run_scoped3A : memref<!tpu.dma_semaphore, #tpu.memory_space<semaphore_mem>>) src(%dma_wait3A_98 : memref<6272xf32, #tpu.memory_space<vmem_shared>>) dst(%dma_wait3A_97 : memref<6272xf32, #tpu.memory_space<hbm>>)
      tpu.yield
    }) : () -> ()
    return
  }
}

#map = affine_map<(d0, d1) -> (0, 0)>
#map1 = affine_map<(d0, d1) -> (0)>
module attributes {stable_mosaic.version = 14 : i64} {
  func.func @_apply_kernel(%arg0: i32, %arg1: i32, %arg2: memref<2x100352xf32, #tpu.memory_space<hbm>>, %arg3: memref<2x100352xf32, #tpu.memory_space<hbm>>, %arg4: memref<6400000xf32, #tpu.memory_space<hbm>>, %arg5: memref<2x6400000xi32, #tpu.memory_space<hbm>>, %arg6: memref<6400000xf32, #tpu.memory_space<hbm>>, %arg7: memref<100352xf32, #tpu.memory_space<vmem_shared>>, %arg8: memref<100352xf32, #tpu.memory_space<vmem_shared>>, %arg9: memref<6272xf32, #tpu.memory_space<vmem>>, %arg10: memref<6272xf32, #tpu.memory_space<vmem>>, %arg11: memref<1024xf32, #tpu.memory_space<vmem>>, %arg12: memref<1024xi32, #tpu.memory_space<vmem>>, %arg13: memref<1024xi32, #tpu.memory_space<vmem>>, %arg14: memref<1024xf32, #tpu.memory_space<vmem>>, %arg15: memref<1024xi32, #tpu.memory_space<vmem>>, %arg16: memref<1024xi32, #tpu.memory_space<vmem>>, %arg17: memref<1024xf32, #tpu.memory_space<vmem>>, %arg18: memref<1024xf32, #tpu.memory_space<vmem>>, %arg19: memref<1024xf32, #tpu.memory_space<vmem>>, %arg20: memref<1024xf32, #tpu.memory_space<vmem>>, %arg21: memref<1024xf32, #tpu.memory_space<vmem>>, %arg22: memref<1024xf32, #tpu.memory_space<vmem>>, %arg23: memref<!tpu.dma_semaphore, #tpu.memory_space<semaphore_mem>>, %arg24: memref<!tpu.dma_semaphore, #tpu.memory_space<semaphore_mem>>, %arg25: memref<!tpu.dma_semaphore, #tpu.memory_space<semaphore_mem>>, %arg26: memref<!tpu.dma_semaphore, #tpu.memory_space<semaphore_mem>>, %arg27: memref<!tpu.dma_semaphore, #tpu.memory_space<semaphore_mem>>) attributes {dimension_semantics = [#tpu.dimension_semantics<core_parallel>, #tpu.dimension_semantics<subcore_parallel>], iteration_bounds = array<i64: 2, 16>, scalar_prefetch = 0 : i64, scratch_operands = 21 : i64, tpu.core_type = #tpu.core_type<sc_vector_subcore>, window_params = [{transform_indices = #map}, {transform_indices = #map}, {transform_indices = #map1}, {transform_indices = #map}, {transform_indices = #map1}]} {
    %mul3A = arith.constant 2 : i32
    %mul3A_0 = arith.muli %arg1, %mul3A : i32
    %add3A = arith.addi %mul3A_0, %arg0 : i32
    %mul3A_1 = arith.constant 6272 : i32
    %mul3A_2 = arith.muli %arg1, %mul3A_1 : i32
    %run_scoped3A = arith.constant 0 : i32
    "tpu.region"() ({
      %run_scoped3A_107 = tpu.sem_alloc : memref<!tpu.dma_semaphore, #tpu.memory_space<semaphore_mem>>
      %dma_start3A_108 = tpu.memref_slice %arg2[%run_scoped3A, %mul3A_2] : memref<2x100352xf32, #tpu.memory_space<hbm>> -> memref<1x6272xf32, #tpu.memory_space<hbm>>
      %dma_start3A_109 = tpu.memref_squeeze %dma_start3A_108 : memref<1x6272xf32, #tpu.memory_space<hbm>> -> memref<6272xf32, #tpu.memory_space<hbm>>
      %dma_start3A_110 = tpu.memref_slice %arg2[%run_scoped3A, %mul3A_2] : memref<2x100352xf32, #tpu.memory_space<hbm>> -> memref<1x6272xf32, #tpu.memory_space<hbm>>
      %dma_start3A_111 = tpu.memref_squeeze %dma_start3A_110 : memref<1x6272xf32, #tpu.memory_space<hbm>> -> memref<6272xf32, #tpu.memory_space<hbm>>
      tpu.enqueue_dma source(%dma_start3A_111 : memref<6272xf32, #tpu.memory_space<hbm>>) target(%arg9 : memref<6272xf32, #tpu.memory_space<vmem>>) target_semaphore(%run_scoped3A_107 : memref<!tpu.dma_semaphore, #tpu.memory_space<semaphore_mem>>)
      %dma_wait3A_112 = tpu.memref_slice %arg2[%run_scoped3A, %mul3A_2] : memref<2x100352xf32, #tpu.memory_space<hbm>> -> memref<1x6272xf32, #tpu.memory_space<hbm>>
      %dma_wait3A_113 = tpu.memref_squeeze %dma_wait3A_112 : memref<1x6272xf32, #tpu.memory_space<hbm>> -> memref<6272xf32, #tpu.memory_space<hbm>>
      %dma_wait3A_114 = tpu.memref_slice %arg2[%run_scoped3A, %mul3A_2] : memref<2x100352xf32, #tpu.memory_space<hbm>> -> memref<1x6272xf32, #tpu.memory_space<hbm>>
      %dma_wait3A_115 = tpu.memref_squeeze %dma_wait3A_114 : memref<1x6272xf32, #tpu.memory_space<hbm>> -> memref<6272xf32, #tpu.memory_space<hbm>>
      tpu.wait_dma2 semaphore(%run_scoped3A_107 : memref<!tpu.dma_semaphore, #tpu.memory_space<semaphore_mem>>) src(%dma_wait3A_115 : memref<6272xf32, #tpu.memory_space<hbm>>) dst(%arg9 : memref<6272xf32, #tpu.memory_space<vmem>>)
      tpu.yield
    }) : () -> ()
    %run_scoped3A_3 = arith.constant 1 : i32
    "tpu.region"() ({
      %run_scoped3A_107 = tpu.sem_alloc : memref<!tpu.dma_semaphore, #tpu.memory_space<semaphore_mem>>
      %dma_start3A_108 = tpu.memref_slice %arg2[%run_scoped3A_3, %mul3A_2] : memref<2x100352xf32, #tpu.memory_space<hbm>> -> memref<1x6272xf32, #tpu.memory_space<hbm>>
      %dma_start3A_109 = tpu.memref_squeeze %dma_start3A_108 : memref<1x6272xf32, #tpu.memory_space<hbm>> -> memref<6272xf32, #tpu.memory_space<hbm>>
      %dma_start3A_110 = tpu.memref_slice %arg2[%run_scoped3A_3, %mul3A_2] : memref<2x100352xf32, #tpu.memory_space<hbm>> -> memref<1x6272xf32, #tpu.memory_space<hbm>>
      %dma_start3A_111 = tpu.memref_squeeze %dma_start3A_110 : memref<1x6272xf32, #tpu.memory_space<hbm>> -> memref<6272xf32, #tpu.memory_space<hbm>>
      tpu.enqueue_dma source(%dma_start3A_111 : memref<6272xf32, #tpu.memory_space<hbm>>) target(%arg10 : memref<6272xf32, #tpu.memory_space<vmem>>) target_semaphore(%run_scoped3A_107 : memref<!tpu.dma_semaphore, #tpu.memory_space<semaphore_mem>>)
      %dma_wait3A_112 = tpu.memref_slice %arg2[%run_scoped3A_3, %mul3A_2] : memref<2x100352xf32, #tpu.memory_space<hbm>> -> memref<1x6272xf32, #tpu.memory_space<hbm>>
      %dma_wait3A_113 = tpu.memref_squeeze %dma_wait3A_112 : memref<1x6272xf32, #tpu.memory_space<hbm>> -> memref<6272xf32, #tpu.memory_space<hbm>>
      %dma_wait3A_114 = tpu.memref_slice %arg2[%run_scoped3A_3, %mul3A_2] : memref<2x100352xf32, #tpu.memory_space<hbm>> -> memref<1x6272xf32, #tpu.memory_space<hbm>>
      %dma_wait3A_115 = tpu.memref_squeeze %dma_wait3A_114 : memref<1x6272xf32, #tpu.memory_space<hbm>> -> memref<6272xf32, #tpu.memory_space<hbm>>
      tpu.wait_dma2 semaphore(%run_scoped3A_107 : memref<!tpu.dma_semaphore, #tpu.memory_space<semaphore_mem>>) src(%dma_wait3A_115 : memref<6272xf32, #tpu.memory_space<hbm>>) dst(%arg10 : memref<6272xf32, #tpu.memory_space<vmem>>)
      tpu.yield
    }) : () -> ()
    %scan3A = arith.constant 0 : i32
    %scan3A_4 = arith.constant 0 : i32
    %scan3A_5 = arith.constant 392 : i32
    %scan3A_6 = arith.addi %scan3A_4, %scan3A_5 : i32
    %scan3A_7 = arith.constant 1 : i32
    scf.for %scan3A_107 = %scan3A_4 to %scan3A_6 step %scan3A_7  : i32 {
      %mul3A_108 = arith.constant 16 : i32
      %mul3A_109 = arith.muli %scan3A_107, %mul3A_108 : i32
      %get3A = arith.index_cast %mul3A_109 : i32 to index
      %get3A_110 = tpu.vector_load %arg9[%get3A] {strides = array<i32>} : memref<6272xf32, #tpu.memory_space<vmem>>, vector<16xf32>,
      %get3A_111 = vector.shape_cast %get3A_110 : vector<16xf32> to vector<16xf32>
      %get3A_112 = arith.index_cast %mul3A_109 : i32 to index
      %get3A_113 = tpu.vector_load %arg10[%get3A_112] {strides = array<i32>} : memref<6272xf32, #tpu.memory_space<vmem>>, vector<16xf32>,
      %get3A_114 = vector.shape_cast %get3A_113 : vector<16xf32> to vector<16xf32>
      %add3A_115 = arith.addf %get3A_111, %get3A_114 : vector<16xf32>
      %bitcast_convert_type3A = tpu.bitcast %add3A_115 : vector<16xf32> -> vector<16xi32>
      %broadcast_in_dim3A = arith.constant 1597463007 : i32
      %broadcast_in_dim3A_116 = vector.broadcast %broadcast_in_dim3A : i32 to vector<16xi32>
      %broadcast_in_dim3A_117 = arith.constant 1 : i32
      %broadcast_in_dim3A_118 = vector.broadcast %broadcast_in_dim3A_117 : i32 to vector<16xi32>
      %shift_right_logical3A = arith.shrui %bitcast_convert_type3A, %broadcast_in_dim3A_118 : vector<16xi32>
      %sub3A_119 = arith.subi %broadcast_in_dim3A_116, %shift_right_logical3A : vector<16xi32>
      %bitcast_convert_type3A_120 = tpu.bitcast %sub3A_119 : vector<16xi32> -> vector<16xf32>
      %mul3A_121 = arith.constant 5.000000e-01 : f32
      %mul3A_122 = vector.broadcast %mul3A_121 : f32 to vector<16xf32>
      %mul3A_123 = arith.mulf %add3A_115, %mul3A_122 : vector<16xf32>
      %mul3A_124 = arith.mulf %mul3A_123, %bitcast_convert_type3A_120 : vector<16xf32>
      %mul3A_125 = arith.mulf %mul3A_124, %bitcast_convert_type3A_120 : vector<16xf32>
      %sub3A_126 = arith.constant 1.500000e+00 : f32
      %sub3A_127 = vector.broadcast %sub3A_126 : f32 to vector<16xf32>
      %sub3A_128 = arith.subf %sub3A_127, %mul3A_125 : vector<16xf32>
      %mul3A_129 = arith.mulf %bitcast_convert_type3A_120, %sub3A_128 : vector<16xf32>
      %mul3A_130 = arith.mulf %mul3A_123, %mul3A_129 : vector<16xf32>
      %mul3A_131 = arith.mulf %mul3A_130, %mul3A_129 : vector<16xf32>
      %sub3A_132 = arith.constant 1.500000e+00 : f32
      %sub3A_133 = vector.broadcast %sub3A_132 : f32 to vector<16xf32>
      %sub3A_134 = arith.subf %sub3A_133, %mul3A_131 : vector<16xf32>
      %mul3A_135 = arith.mulf %mul3A_129, %sub3A_134 : vector<16xf32>
      %mul3A_136 = arith.mulf %mul3A_123, %mul3A_135 : vector<16xf32>
      %mul3A_137 = arith.mulf %mul3A_136, %mul3A_135 : vector<16xf32>
      %sub3A_138 = arith.constant 1.500000e+00 : f32
      %sub3A_139 = vector.broadcast %sub3A_138 : f32 to vector<16xf32>
      %sub3A_140 = arith.subf %sub3A_139, %mul3A_137 : vector<16xf32>
      %mul3A_141 = arith.mulf %mul3A_135, %sub3A_140 : vector<16xf32>
      %swap3A = arith.index_cast %mul3A_109 : i32 to index
      %swap3A_142 = tpu.vector_load %arg9[%swap3A] {strides = array<i32>} : memref<6272xf32, #tpu.memory_space<vmem>>, vector<16xf32>,
      %swap3A_143 = vector.shape_cast %swap3A_142 : vector<16xf32> to vector<16xf32>
      %swap3A_144 = vector.shape_cast %mul3A_141 : vector<16xf32> to vector<16xf32>
      tpu.vector_store %arg9[%swap3A], %swap3A_144 {strides = array<i32>} : memref<6272xf32, #tpu.memory_space<vmem>>, vector<16xf32>,
    }
    %scan3A_8 = arith.constant 392 : i32
    "tpu.region"() ({
      %run_scoped3A_107 = tpu.sem_alloc : memref<!tpu.dma_semaphore, #tpu.memory_space<semaphore_mem>>
      %dma_start3A_108 = tpu.memref_slice %arg7[%mul3A_2] : memref<100352xf32, #tpu.memory_space<vmem_shared>> -> memref<6272xf32, #tpu.memory_space<vmem_shared>>
      %dma_start3A_109 = tpu.memref_slice %arg7[%mul3A_2] : memref<100352xf32, #tpu.memory_space<vmem_shared>> -> memref<6272xf32, #tpu.memory_space<vmem_shared>>
      tpu.enqueue_dma source(%arg9 : memref<6272xf32, #tpu.memory_space<vmem>>) target(%dma_start3A_109 : memref<6272xf32, #tpu.memory_space<vmem_shared>>) target_semaphore(%run_scoped3A_107 : memref<!tpu.dma_semaphore, #tpu.memory_space<semaphore_mem>>)
      %dma_wait3A_110 = tpu.memref_slice %arg7[%mul3A_2] : memref<100352xf32, #tpu.memory_space<vmem_shared>> -> memref<6272xf32, #tpu.memory_space<vmem_shared>>
      %dma_wait3A_111 = tpu.memref_slice %arg7[%mul3A_2] : memref<100352xf32, #tpu.memory_space<vmem_shared>> -> memref<6272xf32, #tpu.memory_space<vmem_shared>>
      tpu.wait_dma2 semaphore(%run_scoped3A_107 : memref<!tpu.dma_semaphore, #tpu.memory_space<semaphore_mem>>) src(%arg9 : memref<6272xf32, #tpu.memory_space<vmem>>) dst(%dma_wait3A_111 : memref<6272xf32, #tpu.memory_space<vmem_shared>>)
      tpu.yield
    }) : () -> ()
    %run_scoped3A_9 = arith.constant 0 : i32
    "tpu.region"() ({
      %run_scoped3A_107 = tpu.sem_alloc : memref<!tpu.dma_semaphore, #tpu.memory_space<semaphore_mem>>
      %dma_start3A_108 = tpu.memref_slice %arg3[%run_scoped3A_9, %mul3A_2] : memref<2x100352xf32, #tpu.memory_space<hbm>> -> memref<1x6272xf32, #tpu.memory_space<hbm>>
      %dma_start3A_109 = tpu.memref_squeeze %dma_start3A_108 : memref<1x6272xf32, #tpu.memory_space<hbm>> -> memref<6272xf32, #tpu.memory_space<hbm>>
      %dma_start3A_110 = tpu.memref_slice %arg3[%run_scoped3A_9, %mul3A_2] : memref<2x100352xf32, #tpu.memory_space<hbm>> -> memref<1x6272xf32, #tpu.memory_space<hbm>>
      %dma_start3A_111 = tpu.memref_squeeze %dma_start3A_110 : memref<1x6272xf32, #tpu.memory_space<hbm>> -> memref<6272xf32, #tpu.memory_space<hbm>>
      tpu.enqueue_dma source(%dma_start3A_111 : memref<6272xf32, #tpu.memory_space<hbm>>) target(%arg9 : memref<6272xf32, #tpu.memory_space<vmem>>) target_semaphore(%run_scoped3A_107 : memref<!tpu.dma_semaphore, #tpu.memory_space<semaphore_mem>>)
      %dma_wait3A_112 = tpu.memref_slice %arg3[%run_scoped3A_9, %mul3A_2] : memref<2x100352xf32, #tpu.memory_space<hbm>> -> memref<1x6272xf32, #tpu.memory_space<hbm>>
      %dma_wait3A_113 = tpu.memref_squeeze %dma_wait3A_112 : memref<1x6272xf32, #tpu.memory_space<hbm>> -> memref<6272xf32, #tpu.memory_space<hbm>>
      %dma_wait3A_114 = tpu.memref_slice %arg3[%run_scoped3A_9, %mul3A_2] : memref<2x100352xf32, #tpu.memory_space<hbm>> -> memref<1x6272xf32, #tpu.memory_space<hbm>>
      %dma_wait3A_115 = tpu.memref_squeeze %dma_wait3A_114 : memref<1x6272xf32, #tpu.memory_space<hbm>> -> memref<6272xf32, #tpu.memory_space<hbm>>
      tpu.wait_dma2 semaphore(%run_scoped3A_107 : memref<!tpu.dma_semaphore, #tpu.memory_space<semaphore_mem>>) src(%dma_wait3A_115 : memref<6272xf32, #tpu.memory_space<hbm>>) dst(%arg9 : memref<6272xf32, #tpu.memory_space<vmem>>)
      tpu.yield
    }) : () -> ()
    %run_scoped3A_10 = arith.constant 1 : i32
    "tpu.region"() ({
      %run_scoped3A_107 = tpu.sem_alloc : memref<!tpu.dma_semaphore, #tpu.memory_space<semaphore_mem>>
      %dma_start3A_108 = tpu.memref_slice %arg3[%run_scoped3A_10, %mul3A_2] : memref<2x100352xf32, #tpu.memory_space<hbm>> -> memref<1x6272xf32, #tpu.memory_space<hbm>>
      %dma_start3A_109 = tpu.memref_squeeze %dma_start3A_108 : memref<1x6272xf32, #tpu.memory_space<hbm>> -> memref<6272xf32, #tpu.memory_space<hbm>>
      %dma_start3A_110 = tpu.memref_slice %arg3[%run_scoped3A_10, %mul3A_2] : memref<2x100352xf32, #tpu.memory_space<hbm>> -> memref<1x6272xf32, #tpu.memory_space<hbm>>
      %dma_start3A_111 = tpu.memref_squeeze %dma_start3A_110 : memref<1x6272xf32, #tpu.memory_space<hbm>> -> memref<6272xf32, #tpu.memory_space<hbm>>
      tpu.enqueue_dma source(%dma_start3A_111 : memref<6272xf32, #tpu.memory_space<hbm>>) target(%arg10 : memref<6272xf32, #tpu.memory_space<vmem>>) target_semaphore(%run_scoped3A_107 : memref<!tpu.dma_semaphore, #tpu.memory_space<semaphore_mem>>)
      %dma_wait3A_112 = tpu.memref_slice %arg3[%run_scoped3A_10, %mul3A_2] : memref<2x100352xf32, #tpu.memory_space<hbm>> -> memref<1x6272xf32, #tpu.memory_space<hbm>>
      %dma_wait3A_113 = tpu.memref_squeeze %dma_wait3A_112 : memref<1x6272xf32, #tpu.memory_space<hbm>> -> memref<6272xf32, #tpu.memory_space<hbm>>
      %dma_wait3A_114 = tpu.memref_slice %arg3[%run_scoped3A_10, %mul3A_2] : memref<2x100352xf32, #tpu.memory_space<hbm>> -> memref<1x6272xf32, #tpu.memory_space<hbm>>
      %dma_wait3A_115 = tpu.memref_squeeze %dma_wait3A_114 : memref<1x6272xf32, #tpu.memory_space<hbm>> -> memref<6272xf32, #tpu.memory_space<hbm>>
      tpu.wait_dma2 semaphore(%run_scoped3A_107 : memref<!tpu.dma_semaphore, #tpu.memory_space<semaphore_mem>>) src(%dma_wait3A_115 : memref<6272xf32, #tpu.memory_space<hbm>>) dst(%arg10 : memref<6272xf32, #tpu.memory_space<vmem>>)
      tpu.yield
    }) : () -> ()
    %scan3A_11 = arith.constant 0 : i32
    %scan3A_12 = arith.constant 0 : i32
    %scan3A_13 = arith.constant 392 : i32
    %scan3A_14 = arith.addi %scan3A_12, %scan3A_13 : i32
    %scan3A_15 = arith.constant 1 : i32
    scf.for %scan3A_107 = %scan3A_12 to %scan3A_14 step %scan3A_15  : i32 {
      %mul3A_108 = arith.constant 16 : i32
      %mul3A_109 = arith.muli %scan3A_107, %mul3A_108 : i32
      %get3A = arith.index_cast %mul3A_109 : i32 to index
      %get3A_110 = tpu.vector_load %arg9[%get3A] {strides = array<i32>} : memref<6272xf32, #tpu.memory_space<vmem>>, vector<16xf32>,
      %get3A_111 = vector.shape_cast %get3A_110 : vector<16xf32> to vector<16xf32>
      %get3A_112 = arith.index_cast %mul3A_109 : i32 to index
      %get3A_113 = tpu.vector_load %arg10[%get3A_112] {strides = array<i32>} : memref<6272xf32, #tpu.memory_space<vmem>>, vector<16xf32>,
      %get3A_114 = vector.shape_cast %get3A_113 : vector<16xf32> to vector<16xf32>
      %add3A_115 = arith.addf %get3A_111, %get3A_114 : vector<16xf32>
      %bitcast_convert_type3A = tpu.bitcast %add3A_115 : vector<16xf32> -> vector<16xi32>
      %broadcast_in_dim3A = arith.constant 1597463007 : i32
      %broadcast_in_dim3A_116 = vector.broadcast %broadcast_in_dim3A : i32 to vector<16xi32>
      %broadcast_in_dim3A_117 = arith.constant 1 : i32
      %broadcast_in_dim3A_118 = vector.broadcast %broadcast_in_dim3A_117 : i32 to vector<16xi32>
      %shift_right_logical3A = arith.shrui %bitcast_convert_type3A, %broadcast_in_dim3A_118 : vector<16xi32>
      %sub3A_119 = arith.subi %broadcast_in_dim3A_116, %shift_right_logical3A : vector<16xi32>
      %bitcast_convert_type3A_120 = tpu.bitcast %sub3A_119 : vector<16xi32> -> vector<16xf32>
      %mul3A_121 = arith.constant 5.000000e-01 : f32
      %mul3A_122 = vector.broadcast %mul3A_121 : f32 to vector<16xf32>
      %mul3A_123 = arith.mulf %add3A_115, %mul3A_122 : vector<16xf32>
      %mul3A_124 = arith.mulf %mul3A_123, %bitcast_convert_type3A_120 : vector<16xf32>
      %mul3A_125 = arith.mulf %mul3A_124, %bitcast_convert_type3A_120 : vector<16xf32>
      %sub3A_126 = arith.constant 1.500000e+00 : f32
      %sub3A_127 = vector.broadcast %sub3A_126 : f32 to vector<16xf32>
      %sub3A_128 = arith.subf %sub3A_127, %mul3A_125 : vector<16xf32>
      %mul3A_129 = arith.mulf %bitcast_convert_type3A_120, %sub3A_128 : vector<16xf32>
      %mul3A_130 = arith.mulf %mul3A_123, %mul3A_129 : vector<16xf32>
      %mul3A_131 = arith.mulf %mul3A_130, %mul3A_129 : vector<16xf32>
      %sub3A_132 = arith.constant 1.500000e+00 : f32
      %sub3A_133 = vector.broadcast %sub3A_132 : f32 to vector<16xf32>
      %sub3A_134 = arith.subf %sub3A_133, %mul3A_131 : vector<16xf32>
      %mul3A_135 = arith.mulf %mul3A_129, %sub3A_134 : vector<16xf32>
      %mul3A_136 = arith.mulf %mul3A_123, %mul3A_135 : vector<16xf32>
      %mul3A_137 = arith.mulf %mul3A_136, %mul3A_135 : vector<16xf32>
      %sub3A_138 = arith.constant 1.500000e+00 : f32
      %sub3A_139 = vector.broadcast %sub3A_138 : f32 to vector<16xf32>
      %sub3A_140 = arith.subf %sub3A_139, %mul3A_137 : vector<16xf32>
      %mul3A_141 = arith.mulf %mul3A_135, %sub3A_140 : vector<16xf32>
      %swap3A = arith.index_cast %mul3A_109 : i32 to index
      %swap3A_142 = tpu.vector_load %arg9[%swap3A] {strides = array<i32>} : memref<6272xf32, #tpu.memory_space<vmem>>, vector<16xf32>,
      %swap3A_143 = vector.shape_cast %swap3A_142 : vector<16xf32> to vector<16xf32>
      %swap3A_144 = vector.shape_cast %mul3A_141 : vector<16xf32> to vector<16xf32>
      tpu.vector_store %arg9[%swap3A], %swap3A_144 {strides = array<i32>} : memref<6272xf32, #tpu.memory_space<vmem>>, vector<16xf32>,
    }
    %scan3A_16 = arith.constant 392 : i32
    "tpu.region"() ({
      %run_scoped3A_107 = tpu.sem_alloc : memref<!tpu.dma_semaphore, #tpu.memory_space<semaphore_mem>>
      %dma_start3A_108 = tpu.memref_slice %arg8[%mul3A_2] : memref<100352xf32, #tpu.memory_space<vmem_shared>> -> memref<6272xf32, #tpu.memory_space<vmem_shared>>
      %dma_start3A_109 = tpu.memref_slice %arg8[%mul3A_2] : memref<100352xf32, #tpu.memory_space<vmem_shared>> -> memref<6272xf32, #tpu.memory_space<vmem_shared>>
      tpu.enqueue_dma source(%arg9 : memref<6272xf32, #tpu.memory_space<vmem>>) target(%dma_start3A_109 : memref<6272xf32, #tpu.memory_space<vmem_shared>>) target_semaphore(%run_scoped3A_107 : memref<!tpu.dma_semaphore, #tpu.memory_space<semaphore_mem>>)
      %dma_wait3A_110 = tpu.memref_slice %arg8[%mul3A_2] : memref<100352xf32, #tpu.memory_space<vmem_shared>> -> memref<6272xf32, #tpu.memory_space<vmem_shared>>
      %dma_wait3A_111 = tpu.memref_slice %arg8[%mul3A_2] : memref<100352xf32, #tpu.memory_space<vmem_shared>> -> memref<6272xf32, #tpu.memory_space<vmem_shared>>
      tpu.wait_dma2 semaphore(%run_scoped3A_107 : memref<!tpu.dma_semaphore, #tpu.memory_space<semaphore_mem>>) src(%arg9 : memref<6272xf32, #tpu.memory_space<vmem>>) dst(%dma_wait3A_111 : memref<6272xf32, #tpu.memory_space<vmem_shared>>)
      tpu.yield
    }) : () -> ()
    %barrier3A = arith.constant 0 : index
    tpu.barrier barrier_id(%barrier3A)
    %mul3A_17 = arith.constant 195 : i32
    %mul3A_18 = arith.muli %add3A, %mul3A_17 : i32
    %min3A = arith.constant 10 : i32
    %min3A_19 = arith.minsi %add3A, %min3A : i32
    %add3A_20 = arith.addi %mul3A_18, %min3A_19 : i32
    %lt3A = arith.constant 10 : i32
    %lt3A_21 = arith.cmpi slt, %add3A, %lt3A : i32
    %jit3A = arith.constant 196 : i32
    %jit3A_22 = arith.constant 195 : i32
    %select_n3A = arith.select %lt3A_21, %jit3A, %jit3A_22 : i32
    %mul3A_23 = arith.constant 8 : i32
    %mul3A_24 = arith.muli %add3A_20, %mul3A_23 : i32
    %sub3A = arith.constant 1 : i32
    %sub3A_25 = arith.subi %select_n3A, %sub3A : i32
    %mul3A_26 = arith.constant 8 : i32
    %mul3A_27 = arith.muli %sub3A_25, %mul3A_26 : i32
    %add3A_28 = arith.addi %mul3A_24, %mul3A_27 : i32
    %mul3A_29 = arith.constant 128 : i32
    %mul3A_30 = arith.muli %mul3A_24, %mul3A_29 : i32
    %dma_start3A = tpu.memref_slice %arg4[%mul3A_30] : memref<6400000xf32, #tpu.memory_space<hbm>> -> memref<1024xf32, #tpu.memory_space<hbm>>
    %dma_start3A_31 = tpu.memref_slice %arg4[%mul3A_30] : memref<6400000xf32, #tpu.memory_space<hbm>> -> memref<1024xf32, #tpu.memory_space<hbm>>
    tpu.enqueue_dma source(%dma_start3A_31 : memref<1024xf32, #tpu.memory_space<hbm>>) target(%arg11 : memref<1024xf32, #tpu.memory_space<vmem>>) target_semaphore(%arg23 : memref<!tpu.dma_semaphore, #tpu.memory_space<semaphore_mem>>)
    %dma_start3A_32 = arith.constant 0 : i32
    %dma_start3A_33 = tpu.memref_slice %arg5[%dma_start3A_32, %mul3A_30] : memref<2x6400000xi32, #tpu.memory_space<hbm>> -> memref<1x1024xi32, #tpu.memory_space<hbm>>
    %dma_start3A_34 = tpu.memref_squeeze %dma_start3A_33 : memref<1x1024xi32, #tpu.memory_space<hbm>> -> memref<1024xi32, #tpu.memory_space<hbm>>
    %dma_start3A_35 = tpu.memref_slice %arg5[%dma_start3A_32, %mul3A_30] : memref<2x6400000xi32, #tpu.memory_space<hbm>> -> memref<1x1024xi32, #tpu.memory_space<hbm>>
    %dma_start3A_36 = tpu.memref_squeeze %dma_start3A_35 : memref<1x1024xi32, #tpu.memory_space<hbm>> -> memref<1024xi32, #tpu.memory_space<hbm>>
    tpu.enqueue_dma source(%dma_start3A_36 : memref<1024xi32, #tpu.memory_space<hbm>>) target(%arg12 : memref<1024xi32, #tpu.memory_space<vmem>>) target_semaphore(%arg23 : memref<!tpu.dma_semaphore, #tpu.memory_space<semaphore_mem>>)
    %dma_start3A_37 = arith.constant 1 : i32
    %dma_start3A_38 = tpu.memref_slice %arg5[%dma_start3A_37, %mul3A_30] : memref<2x6400000xi32, #tpu.memory_space<hbm>> -> memref<1x1024xi32, #tpu.memory_space<hbm>>
    %dma_start3A_39 = tpu.memref_squeeze %dma_start3A_38 : memref<1x1024xi32, #tpu.memory_space<hbm>> -> memref<1024xi32, #tpu.memory_space<hbm>>
    %dma_start3A_40 = tpu.memref_slice %arg5[%dma_start3A_37, %mul3A_30] : memref<2x6400000xi32, #tpu.memory_space<hbm>> -> memref<1x1024xi32, #tpu.memory_space<hbm>>
    %dma_start3A_41 = tpu.memref_squeeze %dma_start3A_40 : memref<1x1024xi32, #tpu.memory_space<hbm>> -> memref<1024xi32, #tpu.memory_space<hbm>>
    tpu.enqueue_dma source(%dma_start3A_41 : memref<1024xi32, #tpu.memory_space<hbm>>) target(%arg13 : memref<1024xi32, #tpu.memory_space<vmem>>) target_semaphore(%arg23 : memref<!tpu.dma_semaphore, #tpu.memory_space<semaphore_mem>>)
    %jit3A_42 = arith.constant 2 : i32
    %div3A = arith.divsi %select_n3A, %jit3A_42 : i32
    %sign3A = arith.constant 0 : i32
    %sign3A_43 = arith.cmpi sgt, %select_n3A, %sign3A : i32
    %sign3A_44 = arith.extui %sign3A_43 : i1 to i32
    %sign3A_45 = arith.constant 0 : i32
    %sign3A_46 = arith.cmpi slt, %select_n3A, %sign3A_45 : i32
    %sign3A_47 = arith.extui %sign3A_46 : i1 to i32
    %sign3A_48 = arith.subi %sign3A_44, %sign3A_47 : i32
    %sign3A_49 = arith.constant 0 : i32
    %sign3A_50 = arith.cmpi sgt, %jit3A_42, %sign3A_49 : i32
    %sign3A_51 = arith.extui %sign3A_50 : i1 to i32
    %sign3A_52 = arith.constant 0 : i32
    %sign3A_53 = arith.cmpi slt, %jit3A_42, %sign3A_52 : i32
    %sign3A_54 = arith.extui %sign3A_53 : i1 to i32
    %sign3A_55 = arith.subi %sign3A_51, %sign3A_54 : i32
    %ne3A = arith.cmpi ne, %sign3A_48, %sign3A_55 : i32
    %rem3A = arith.remsi %select_n3A, %jit3A_42 : i32
    %ne3A_56 = arith.constant 0 : i32
    %ne3A_57 = arith.cmpi ne, %rem3A, %ne3A_56 : i32
    %and3A = arith.andi %ne3A, %ne3A_57 : i1
    %sub3A_58 = arith.constant 1 : i32
    %sub3A_59 = arith.subi %div3A, %sub3A_58 : i32
    %select_n3A_60 = arith.select %and3A, %sub3A_59, %div3A : i32
    %while3A = arith.constant 0 : i32
    %while3A_61 = arith.constant 0 : i32
    %while3A_62 = arith.subi %select_n3A_60, %while3A_61 : i32
    %while3A_63 = arith.addi %while3A_61, %while3A_62 : i32
    %while3A_64 = arith.constant 1 : i32
    %while3A_65 = arith.divsi %while3A_62, %while3A_64 : i32
    %while3A_66 = arith.muli %while3A_65, %while3A_64 : i32
    %while3A_67 = arith.addi %while3A_61, %while3A_66 : i32
    %while3A_68 = arith.constant 1 : i32
    scf.for %while3A_107 = %while3A_61 to %while3A_67 step %while3A_68  : i32 {
      %mul3A_108 = arith.constant 2 : i32
      %mul3A_109 = arith.muli %mul3A_108, %while3A_107 : i32
      %mul3A_110 = arith.constant 8 : i32
      %mul3A_111 = arith.muli %mul3A_109, %mul3A_110 : i32
      %add3A_112 = arith.addi %mul3A_24, %mul3A_111 : i32
      %add3A_113 = arith.constant 8 : i32
      %add3A_114 = arith.addi %add3A_112, %add3A_113 : i32
      %add3A_115 = arith.constant 8 : i32
      %add3A_116 = arith.addi %add3A_114, %add3A_115 : i32
      %min3A_117 = arith.minsi %add3A_116, %add3A_28 : i32
      %mul3A_118 = arith.constant 128 : i32
      %mul3A_119 = arith.muli %add3A_112, %mul3A_118 : i32
      %dma_wait3A_120 = tpu.memref_slice %arg4[%mul3A_119] : memref<6400000xf32, #tpu.memory_space<hbm>> -> memref<1024xf32, #tpu.memory_space<hbm>>
      %dma_wait3A_121 = tpu.memref_slice %arg4[%mul3A_119] : memref<6400000xf32, #tpu.memory_space<hbm>> -> memref<1024xf32, #tpu.memory_space<hbm>>
      tpu.wait_dma2 semaphore(%arg23 : memref<!tpu.dma_semaphore, #tpu.memory_space<semaphore_mem>>) src(%dma_wait3A_121 : memref<1024xf32, #tpu.memory_space<hbm>>) dst(%arg11 : memref<1024xf32, #tpu.memory_space<vmem>>)
      %dma_wait3A_122 = arith.constant 0 : i32
      %dma_wait3A_123 = tpu.memref_slice %arg5[%dma_wait3A_122, %mul3A_119] : memref<2x6400000xi32, #tpu.memory_space<hbm>> -> memref<1x1024xi32, #tpu.memory_space<hbm>>
      %dma_wait3A_124 = tpu.memref_squeeze %dma_wait3A_123 : memref<1x1024xi32, #tpu.memory_space<hbm>> -> memref<1024xi32, #tpu.memory_space<hbm>>
      %dma_wait3A_125 = tpu.memref_slice %arg5[%dma_wait3A_122, %mul3A_119] : memref<2x6400000xi32, #tpu.memory_space<hbm>> -> memref<1x1024xi32, #tpu.memory_space<hbm>>
      %dma_wait3A_126 = tpu.memref_squeeze %dma_wait3A_125 : memref<1x1024xi32, #tpu.memory_space<hbm>> -> memref<1024xi32, #tpu.memory_space<hbm>>
      tpu.wait_dma2 semaphore(%arg23 : memref<!tpu.dma_semaphore, #tpu.memory_space<semaphore_mem>>) src(%dma_wait3A_126 : memref<1024xi32, #tpu.memory_space<hbm>>) dst(%arg12 : memref<1024xi32, #tpu.memory_space<vmem>>)
      %dma_wait3A_127 = arith.constant 1 : i32
      %dma_wait3A_128 = tpu.memref_slice %arg5[%dma_wait3A_127, %mul3A_119] : memref<2x6400000xi32, #tpu.memory_space<hbm>> -> memref<1x1024xi32, #tpu.memory_space<hbm>>
      %dma_wait3A_129 = tpu.memref_squeeze %dma_wait3A_128 : memref<1x1024xi32, #tpu.memory_space<hbm>> -> memref<1024xi32, #tpu.memory_space<hbm>>
      %dma_wait3A_130 = tpu.memref_slice %arg5[%dma_wait3A_127, %mul3A_119] : memref<2x6400000xi32, #tpu.memory_space<hbm>> -> memref<1x1024xi32, #tpu.memory_space<hbm>>
      %dma_wait3A_131 = tpu.memref_squeeze %dma_wait3A_130 : memref<1x1024xi32, #tpu.memory_space<hbm>> -> memref<1024xi32, #tpu.memory_space<hbm>>
      tpu.wait_dma2 semaphore(%arg23 : memref<!tpu.dma_semaphore, #tpu.memory_space<semaphore_mem>>) src(%dma_wait3A_131 : memref<1024xi32, #tpu.memory_space<hbm>>) dst(%arg13 : memref<1024xi32, #tpu.memory_space<vmem>>)
      %mul3A_132 = arith.constant 128 : i32
      %mul3A_133 = arith.muli %add3A_114, %mul3A_132 : i32
      %dma_start3A_134 = tpu.memref_slice %arg4[%mul3A_133] : memref<6400000xf32, #tpu.memory_space<hbm>> -> memref<1024xf32, #tpu.memory_space<hbm>>
      %dma_start3A_135 = tpu.memref_slice %arg4[%mul3A_133] : memref<6400000xf32, #tpu.memory_space<hbm>> -> memref<1024xf32, #tpu.memory_space<hbm>>
      tpu.enqueue_dma source(%dma_start3A_135 : memref<1024xf32, #tpu.memory_space<hbm>>) target(%arg14 : memref<1024xf32, #tpu.memory_space<vmem>>) target_semaphore(%arg24 : memref<!tpu.dma_semaphore, #tpu.memory_space<semaphore_mem>>)
      %dma_start3A_136 = arith.constant 0 : i32
      %dma_start3A_137 = tpu.memref_slice %arg5[%dma_start3A_136, %mul3A_133] : memref<2x6400000xi32, #tpu.memory_space<hbm>> -> memref<1x1024xi32, #tpu.memory_space<hbm>>
      %dma_start3A_138 = tpu.memref_squeeze %dma_start3A_137 : memref<1x1024xi32, #tpu.memory_space<hbm>> -> memref<1024xi32, #tpu.memory_space<hbm>>
      %dma_start3A_139 = tpu.memref_slice %arg5[%dma_start3A_136, %mul3A_133] : memref<2x6400000xi32, #tpu.memory_space<hbm>> -> memref<1x1024xi32, #tpu.memory_space<hbm>>
      %dma_start3A_140 = tpu.memref_squeeze %dma_start3A_139 : memref<1x1024xi32, #tpu.memory_space<hbm>> -> memref<1024xi32, #tpu.memory_space<hbm>>
      tpu.enqueue_dma source(%dma_start3A_140 : memref<1024xi32, #tpu.memory_space<hbm>>) target(%arg15 : memref<1024xi32, #tpu.memory_space<vmem>>) target_semaphore(%arg24 : memref<!tpu.dma_semaphore, #tpu.memory_space<semaphore_mem>>)
      %dma_start3A_141 = arith.constant 1 : i32
      %dma_start3A_142 = tpu.memref_slice %arg5[%dma_start3A_141, %mul3A_133] : memref<2x6400000xi32, #tpu.memory_space<hbm>> -> memref<1x1024xi32, #tpu.memory_space<hbm>>
      %dma_start3A_143 = tpu.memref_squeeze %dma_start3A_142 : memref<1x1024xi32, #tpu.memory_space<hbm>> -> memref<1024xi32, #tpu.memory_space<hbm>>
      %dma_start3A_144 = tpu.memref_slice %arg5[%dma_start3A_141, %mul3A_133] : memref<2x6400000xi32, #tpu.memory_space<hbm>> -> memref<1x1024xi32, #tpu.memory_space<hbm>>
      %dma_start3A_145 = tpu.memref_squeeze %dma_start3A_144 : memref<1x1024xi32, #tpu.memory_space<hbm>> -> memref<1024xi32, #tpu.memory_space<hbm>>
      tpu.enqueue_dma source(%dma_start3A_145 : memref<1024xi32, #tpu.memory_space<hbm>>) target(%arg16 : memref<1024xi32, #tpu.memory_space<vmem>>) target_semaphore(%arg24 : memref<!tpu.dma_semaphore, #tpu.memory_space<semaphore_mem>>)
      %eq3A_146 = arith.constant 0 : i32
      %eq3A_147 = arith.cmpi eq, %while3A_107, %eq3A_146 : i32
      %dma_start3A_148 = arith.constant 0 : i32
      %dma_start3A_149 = tpu.memref_slice %arg7[%dma_start3A_148] : memref<100352xf32, #tpu.memory_space<vmem_shared>> -> memref<100352xf32, #tpu.memory_space<vmem_shared>>
      tpu.enqueue_indirect_dma source(%dma_start3A_149 : memref<100352xf32, #tpu.memory_space<vmem_shared>>) target(%arg17 : memref<1024xf32, #tpu.memory_space<vmem>>) offsets(%arg12 : memref<1024xi32, #tpu.memory_space<vmem>>) semaphore(%arg25 : memref<!tpu.dma_semaphore, #tpu.memory_space<semaphore_mem>>)
      %dma_start3A_150 = arith.constant 0 : i32
      %dma_start3A_151 = tpu.memref_slice %arg8[%dma_start3A_150] : memref<100352xf32, #tpu.memory_space<vmem_shared>> -> memref<100352xf32, #tpu.memory_space<vmem_shared>>
      tpu.enqueue_indirect_dma source(%dma_start3A_151 : memref<100352xf32, #tpu.memory_space<vmem_shared>>) target(%arg18 : memref<1024xf32, #tpu.memory_space<vmem>>) offsets(%arg13 : memref<1024xi32, #tpu.memory_space<vmem>>) semaphore(%arg25 : memref<!tpu.dma_semaphore, #tpu.memory_space<semaphore_mem>>)
      %dma_wait3A_152 = arith.constant 0 : i32
      %dma_wait3A_153 = tpu.memref_slice %arg7[%dma_wait3A_152] : memref<100352xf32, #tpu.memory_space<vmem_shared>> -> memref<100352xf32, #tpu.memory_space<vmem_shared>>
      tpu.wait_indirect_dma semaphore(%arg25 : memref<!tpu.dma_semaphore, #tpu.memory_space<semaphore_mem>>) src(%dma_wait3A_153 : memref<100352xf32, #tpu.memory_space<vmem_shared>>) dst(%arg17 : memref<1024xf32, #tpu.memory_space<vmem>>)
      %dma_wait3A_154 = arith.constant 0 : i32
      %dma_wait3A_155 = tpu.memref_slice %arg8[%dma_wait3A_154] : memref<100352xf32, #tpu.memory_space<vmem_shared>> -> memref<100352xf32, #tpu.memory_space<vmem_shared>>
      tpu.wait_indirect_dma semaphore(%arg25 : memref<!tpu.dma_semaphore, #tpu.memory_space<semaphore_mem>>) src(%dma_wait3A_155 : memref<100352xf32, #tpu.memory_space<vmem_shared>>) dst(%arg18 : memref<1024xf32, #tpu.memory_space<vmem>>)
      %mul3A_156 = arith.constant 128 : i32
      %mul3A_157 = arith.muli %add3A_112, %mul3A_156 : i32
      %not3A = arith.constant true
      %not3A_158 = arith.xori %eq3A_147, %not3A : i1
      %convert_element_type3A_159 = arith.extui %not3A_158 : i1 to i32
      %cond3A_160 = arith.constant 0 : i32
      %cond3A_161 = arith.cmpi ne, %convert_element_type3A_159, %cond3A_160 : i32
      scf.if %cond3A_161 {
        %dma_wait3A_223 = tpu.memref_slice %arg6[%mul3A_157] : memref<6400000xf32, #tpu.memory_space<hbm>> -> memref<1024xf32, #tpu.memory_space<hbm>>
        %dma_wait3A_224 = tpu.memref_slice %arg6[%mul3A_157] : memref<6400000xf32, #tpu.memory_space<hbm>> -> memref<1024xf32, #tpu.memory_space<hbm>>
        tpu.wait_dma2 semaphore(%arg26 : memref<!tpu.dma_semaphore, #tpu.memory_space<semaphore_mem>>) src(%arg21 : memref<1024xf32, #tpu.memory_space<vmem>>) dst(%dma_wait3A_224 : memref<1024xf32, #tpu.memory_space<hbm>>)
      } else {
      }
      %scan3A_162 = arith.constant 0 : i32
      %scan3A_163 = arith.constant 0 : i32
      %scan3A_164 = arith.constant 8 : i32
      %scan3A_165 = arith.addi %scan3A_163, %scan3A_164 : i32
      %scan3A_166 = arith.constant 1 : i32
      scf.for %scan3A_223 = %scan3A_163 to %scan3A_165 step %scan3A_166  : i32 {
        %mul3A_224 = arith.constant 128 : i32
        %mul3A_225 = arith.muli %scan3A_223, %mul3A_224 : i32
        %add3A_226 = arith.constant 0 : i32
        %add3A_227 = arith.addi %mul3A_225, %add3A_226 : i32
        %get3A = arith.index_cast %add3A_227 : i32 to index
        %get3A_228 = tpu.vector_load %arg17[%get3A] {strides = array<i32>} : memref<1024xf32, #tpu.memory_space<vmem>>, vector<16xf32>,
        %get3A_229 = vector.shape_cast %get3A_228 : vector<16xf32> to vector<16xf32>
        %get3A_230 = arith.index_cast %add3A_227 : i32 to index
        %get3A_231 = tpu.vector_load %arg18[%get3A_230] {strides = array<i32>} : memref<1024xf32, #tpu.memory_space<vmem>>, vector<16xf32>,
        %get3A_232 = vector.shape_cast %get3A_231 : vector<16xf32> to vector<16xf32>
        %mul3A_233 = arith.mulf %get3A_229, %get3A_232 : vector<16xf32>
        %get3A_234 = arith.index_cast %add3A_227 : i32 to index
        %get3A_235 = tpu.vector_load %arg11[%get3A_234] {strides = array<i32>} : memref<1024xf32, #tpu.memory_space<vmem>>, vector<16xf32>,
        %get3A_236 = vector.shape_cast %get3A_235 : vector<16xf32> to vector<16xf32>
        %add3A_237 = arith.constant 9.99999971E-10 : f32
        %add3A_238 = vector.broadcast %add3A_237 : f32 to vector<16xf32>
        %add3A_239 = arith.addf %get3A_236, %add3A_238 : vector<16xf32>
        %mul3A_240 = arith.mulf %mul3A_233, %add3A_239 : vector<16xf32>
        %swap3A = arith.index_cast %add3A_227 : i32 to index
        %swap3A_241 = tpu.vector_load %arg21[%swap3A] {strides = array<i32>} : memref<1024xf32, #tpu.memory_space<vmem>>, vector<16xf32>,
        %swap3A_242 = vector.shape_cast %swap3A_241 : vector<16xf32> to vector<16xf32>
        %swap3A_243 = vector.shape_cast %mul3A_240 : vector<16xf32> to vector<16xf32>
        tpu.vector_store %arg21[%swap3A], %swap3A_243 {strides = array<i32>} : memref<1024xf32, #tpu.memory_space<vmem>>, vector<16xf32>,
        %mul3A_244 = arith.constant 128 : i32
        %mul3A_245 = arith.muli %scan3A_223, %mul3A_244 : i32
        %add3A_246 = arith.constant 16 : i32
        %add3A_247 = arith.addi %mul3A_245, %add3A_246 : i32
        %get3A_248 = arith.index_cast %add3A_247 : i32 to index
        %get3A_249 = tpu.vector_load %arg17[%get3A_248] {strides = array<i32>} : memref<1024xf32, #tpu.memory_space<vmem>>, vector<16xf32>,
        %get3A_250 = vector.shape_cast %get3A_249 : vector<16xf32> to vector<16xf32>
        %get3A_251 = arith.index_cast %add3A_247 : i32 to index
        %get3A_252 = tpu.vector_load %arg18[%get3A_251] {strides = array<i32>} : memref<1024xf32, #tpu.memory_space<vmem>>, vector<16xf32>,
        %get3A_253 = vector.shape_cast %get3A_252 : vector<16xf32> to vector<16xf32>
        %mul3A_254 = arith.mulf %get3A_250, %get3A_253 : vector<16xf32>
        %get3A_255 = arith.index_cast %add3A_247 : i32 to index
        %get3A_256 = tpu.vector_load %arg11[%get3A_255] {strides = array<i32>} : memref<1024xf32, #tpu.memory_space<vmem>>, vector<16xf32>,
        %get3A_257 = vector.shape_cast %get3A_256 : vector<16xf32> to vector<16xf32>
        %add3A_258 = arith.constant 9.99999971E-10 : f32
        %add3A_259 = vector.broadcast %add3A_258 : f32 to vector<16xf32>
        %add3A_260 = arith.addf %get3A_257, %add3A_259 : vector<16xf32>
        %mul3A_261 = arith.mulf %mul3A_254, %add3A_260 : vector<16xf32>
        %swap3A_262 = arith.index_cast %add3A_247 : i32 to index
        %swap3A_263 = tpu.vector_load %arg21[%swap3A_262] {strides = array<i32>} : memref<1024xf32, #tpu.memory_space<vmem>>, vector<16xf32>,
        %swap3A_264 = vector.shape_cast %swap3A_263 : vector<16xf32> to vector<16xf32>
        %swap3A_265 = vector.shape_cast %mul3A_261 : vector<16xf32> to vector<16xf32>
        tpu.vector_store %arg21[%swap3A_262], %swap3A_265 {strides = array<i32>} : memref<1024xf32, #tpu.memory_space<vmem>>, vector<16xf32>,
        %mul3A_266 = arith.constant 128 : i32
        %mul3A_267 = arith.muli %scan3A_223, %mul3A_266 : i32
        %add3A_268 = arith.constant 32 : i32
        %add3A_269 = arith.addi %mul3A_267, %add3A_268 : i32
        %get3A_270 = arith.index_cast %add3A_269 : i32 to index
        %get3A_271 = tpu.vector_load %arg17[%get3A_270] {strides = array<i32>} : memref<1024xf32, #tpu.memory_space<vmem>>, vector<16xf32>,
        %get3A_272 = vector.shape_cast %get3A_271 : vector<16xf32> to vector<16xf32>
        %get3A_273 = arith.index_cast %add3A_269 : i32 to index
        %get3A_274 = tpu.vector_load %arg18[%get3A_273] {strides = array<i32>} : memref<1024xf32, #tpu.memory_space<vmem>>, vector<16xf32>,
        %get3A_275 = vector.shape_cast %get3A_274 : vector<16xf32> to vector<16xf32>
        %mul3A_276 = arith.mulf %get3A_272, %get3A_275 : vector<16xf32>
        %get3A_277 = arith.index_cast %add3A_269 : i32 to index
        %get3A_278 = tpu.vector_load %arg11[%get3A_277] {strides = array<i32>} : memref<1024xf32, #tpu.memory_space<vmem>>, vector<16xf32>,
        %get3A_279 = vector.shape_cast %get3A_278 : vector<16xf32> to vector<16xf32>
        %add3A_280 = arith.constant 9.99999971E-10 : f32
        %add3A_281 = vector.broadcast %add3A_280 : f32 to vector<16xf32>
        %add3A_282 = arith.addf %get3A_279, %add3A_281 : vector<16xf32>
        %mul3A_283 = arith.mulf %mul3A_276, %add3A_282 : vector<16xf32>
        %swap3A_284 = arith.index_cast %add3A_269 : i32 to index
        %swap3A_285 = tpu.vector_load %arg21[%swap3A_284] {strides = array<i32>} : memref<1024xf32, #tpu.memory_space<vmem>>, vector<16xf32>,
        %swap3A_286 = vector.shape_cast %swap3A_285 : vector<16xf32> to vector<16xf32>
        %swap3A_287 = vector.shape_cast %mul3A_283 : vector<16xf32> to vector<16xf32>
        tpu.vector_store %arg21[%swap3A_284], %swap3A_287 {strides = array<i32>} : memref<1024xf32, #tpu.memory_space<vmem>>, vector<16xf32>,
        %mul3A_288 = arith.constant 128 : i32
        %mul3A_289 = arith.muli %scan3A_223, %mul3A_288 : i32
        %add3A_290 = arith.constant 48 : i32
        %add3A_291 = arith.addi %mul3A_289, %add3A_290 : i32
        %get3A_292 = arith.index_cast %add3A_291 : i32 to index
        %get3A_293 = tpu.vector_load %arg17[%get3A_292] {strides = array<i32>} : memref<1024xf32, #tpu.memory_space<vmem>>, vector<16xf32>,
        %get3A_294 = vector.shape_cast %get3A_293 : vector<16xf32> to vector<16xf32>
        %get3A_295 = arith.index_cast %add3A_291 : i32 to index
        %get3A_296 = tpu.vector_load %arg18[%get3A_295] {strides = array<i32>} : memref<1024xf32, #tpu.memory_space<vmem>>, vector<16xf32>,
        %get3A_297 = vector.shape_cast %get3A_296 : vector<16xf32> to vector<16xf32>
        %mul3A_298 = arith.mulf %get3A_294, %get3A_297 : vector<16xf32>
        %get3A_299 = arith.index_cast %add3A_291 : i32 to index
        %get3A_300 = tpu.vector_load %arg11[%get3A_299] {strides = array<i32>} : memref<1024xf32, #tpu.memory_space<vmem>>, vector<16xf32>,
        %get3A_301 = vector.shape_cast %get3A_300 : vector<16xf32> to vector<16xf32>
        %add3A_302 = arith.constant 9.99999971E-10 : f32
        %add3A_303 = vector.broadcast %add3A_302 : f32 to vector<16xf32>
        %add3A_304 = arith.addf %get3A_301, %add3A_303 : vector<16xf32>
        %mul3A_305 = arith.mulf %mul3A_298, %add3A_304 : vector<16xf32>
        %swap3A_306 = arith.index_cast %add3A_291 : i32 to index
        %swap3A_307 = tpu.vector_load %arg21[%swap3A_306] {strides = array<i32>} : memref<1024xf32, #tpu.memory_space<vmem>>, vector<16xf32>,
        %swap3A_308 = vector.shape_cast %swap3A_307 : vector<16xf32> to vector<16xf32>
        %swap3A_309 = vector.shape_cast %mul3A_305 : vector<16xf32> to vector<16xf32>
        tpu.vector_store %arg21[%swap3A_306], %swap3A_309 {strides = array<i32>} : memref<1024xf32, #tpu.memory_space<vmem>>, vector<16xf32>,
        %mul3A_310 = arith.constant 128 : i32
        %mul3A_311 = arith.muli %scan3A_223, %mul3A_310 : i32
        %add3A_312 = arith.constant 64 : i32
        %add3A_313 = arith.addi %mul3A_311, %add3A_312 : i32
        %get3A_314 = arith.index_cast %add3A_313 : i32 to index
        %get3A_315 = tpu.vector_load %arg17[%get3A_314] {strides = array<i32>} : memref<1024xf32, #tpu.memory_space<vmem>>, vector<16xf32>,
        %get3A_316 = vector.shape_cast %get3A_315 : vector<16xf32> to vector<16xf32>
        %get3A_317 = arith.index_cast %add3A_313 : i32 to index
        %get3A_318 = tpu.vector_load %arg18[%get3A_317] {strides = array<i32>} : memref<1024xf32, #tpu.memory_space<vmem>>, vector<16xf32>,
        %get3A_319 = vector.shape_cast %get3A_318 : vector<16xf32> to vector<16xf32>
        %mul3A_320 = arith.mulf %get3A_316, %get3A_319 : vector<16xf32>
        %get3A_321 = arith.index_cast %add3A_313 : i32 to index
        %get3A_322 = tpu.vector_load %arg11[%get3A_321] {strides = array<i32>} : memref<1024xf32, #tpu.memory_space<vmem>>, vector<16xf32>,
        %get3A_323 = vector.shape_cast %get3A_322 : vector<16xf32> to vector<16xf32>
        %add3A_324 = arith.constant 9.99999971E-10 : f32
        %add3A_325 = vector.broadcast %add3A_324 : f32 to vector<16xf32>
        %add3A_326 = arith.addf %get3A_323, %add3A_325 : vector<16xf32>
        %mul3A_327 = arith.mulf %mul3A_320, %add3A_326 : vector<16xf32>
        %swap3A_328 = arith.index_cast %add3A_313 : i32 to index
        %swap3A_329 = tpu.vector_load %arg21[%swap3A_328] {strides = array<i32>} : memref<1024xf32, #tpu.memory_space<vmem>>, vector<16xf32>,
        %swap3A_330 = vector.shape_cast %swap3A_329 : vector<16xf32> to vector<16xf32>
        %swap3A_331 = vector.shape_cast %mul3A_327 : vector<16xf32> to vector<16xf32>
        tpu.vector_store %arg21[%swap3A_328], %swap3A_331 {strides = array<i32>} : memref<1024xf32, #tpu.memory_space<vmem>>, vector<16xf32>,
        %mul3A_332 = arith.constant 128 : i32
        %mul3A_333 = arith.muli %scan3A_223, %mul3A_332 : i32
        %add3A_334 = arith.constant 80 : i32
        %add3A_335 = arith.addi %mul3A_333, %add3A_334 : i32
        %get3A_336 = arith.index_cast %add3A_335 : i32 to index
        %get3A_337 = tpu.vector_load %arg17[%get3A_336] {strides = array<i32>} : memref<1024xf32, #tpu.memory_space<vmem>>, vector<16xf32>,
        %get3A_338 = vector.shape_cast %get3A_337 : vector<16xf32> to vector<16xf32>
        %get3A_339 = arith.index_cast %add3A_335 : i32 to index
        %get3A_340 = tpu.vector_load %arg18[%get3A_339] {strides = array<i32>} : memref<1024xf32, #tpu.memory_space<vmem>>, vector<16xf32>,
        %get3A_341 = vector.shape_cast %get3A_340 : vector<16xf32> to vector<16xf32>
        %mul3A_342 = arith.mulf %get3A_338, %get3A_341 : vector<16xf32>
        %get3A_343 = arith.index_cast %add3A_335 : i32 to index
        %get3A_344 = tpu.vector_load %arg11[%get3A_343] {strides = array<i32>} : memref<1024xf32, #tpu.memory_space<vmem>>, vector<16xf32>,
        %get3A_345 = vector.shape_cast %get3A_344 : vector<16xf32> to vector<16xf32>
        %add3A_346 = arith.constant 9.99999971E-10 : f32
        %add3A_347 = vector.broadcast %add3A_346 : f32 to vector<16xf32>
        %add3A_348 = arith.addf %get3A_345, %add3A_347 : vector<16xf32>
        %mul3A_349 = arith.mulf %mul3A_342, %add3A_348 : vector<16xf32>
        %swap3A_350 = arith.index_cast %add3A_335 : i32 to index
        %swap3A_351 = tpu.vector_load %arg21[%swap3A_350] {strides = array<i32>} : memref<1024xf32, #tpu.memory_space<vmem>>, vector<16xf32>,
        %swap3A_352 = vector.shape_cast %swap3A_351 : vector<16xf32> to vector<16xf32>
        %swap3A_353 = vector.shape_cast %mul3A_349 : vector<16xf32> to vector<16xf32>
        tpu.vector_store %arg21[%swap3A_350], %swap3A_353 {strides = array<i32>} : memref<1024xf32, #tpu.memory_space<vmem>>, vector<16xf32>,
        %mul3A_354 = arith.constant 128 : i32
        %mul3A_355 = arith.muli %scan3A_223, %mul3A_354 : i32
        %add3A_356 = arith.constant 96 : i32
        %add3A_357 = arith.addi %mul3A_355, %add3A_356 : i32
        %get3A_358 = arith.index_cast %add3A_357 : i32 to index
        %get3A_359 = tpu.vector_load %arg17[%get3A_358] {strides = array<i32>} : memref<1024xf32, #tpu.memory_space<vmem>>, vector<16xf32>,
        %get3A_360 = vector.shape_cast %get3A_359 : vector<16xf32> to vector<16xf32>
        %get3A_361 = arith.index_cast %add3A_357 : i32 to index
        %get3A_362 = tpu.vector_load %arg18[%get3A_361] {strides = array<i32>} : memref<1024xf32, #tpu.memory_space<vmem>>, vector<16xf32>,
        %get3A_363 = vector.shape_cast %get3A_362 : vector<16xf32> to vector<16xf32>
        %mul3A_364 = arith.mulf %get3A_360, %get3A_363 : vector<16xf32>
        %get3A_365 = arith.index_cast %add3A_357 : i32 to index
        %get3A_366 = tpu.vector_load %arg11[%get3A_365] {strides = array<i32>} : memref<1024xf32, #tpu.memory_space<vmem>>, vector<16xf32>,
        %get3A_367 = vector.shape_cast %get3A_366 : vector<16xf32> to vector<16xf32>
        %add3A_368 = arith.constant 9.99999971E-10 : f32
        %add3A_369 = vector.broadcast %add3A_368 : f32 to vector<16xf32>
        %add3A_370 = arith.addf %get3A_367, %add3A_369 : vector<16xf32>
        %mul3A_371 = arith.mulf %mul3A_364, %add3A_370 : vector<16xf32>
        %swap3A_372 = arith.index_cast %add3A_357 : i32 to index
        %swap3A_373 = tpu.vector_load %arg21[%swap3A_372] {strides = array<i32>} : memref<1024xf32, #tpu.memory_space<vmem>>, vector<16xf32>,
        %swap3A_374 = vector.shape_cast %swap3A_373 : vector<16xf32> to vector<16xf32>
        %swap3A_375 = vector.shape_cast %mul3A_371 : vector<16xf32> to vector<16xf32>
        tpu.vector_store %arg21[%swap3A_372], %swap3A_375 {strides = array<i32>} : memref<1024xf32, #tpu.memory_space<vmem>>, vector<16xf32>,
        %mul3A_376 = arith.constant 128 : i32
        %mul3A_377 = arith.muli %scan3A_223, %mul3A_376 : i32
        %add3A_378 = arith.constant 112 : i32
        %add3A_379 = arith.addi %mul3A_377, %add3A_378 : i32
        %get3A_380 = arith.index_cast %add3A_379 : i32 to index
        %get3A_381 = tpu.vector_load %arg17[%get3A_380] {strides = array<i32>} : memref<1024xf32, #tpu.memory_space<vmem>>, vector<16xf32>,
        %get3A_382 = vector.shape_cast %get3A_381 : vector<16xf32> to vector<16xf32>
        %get3A_383 = arith.index_cast %add3A_379 : i32 to index
        %get3A_384 = tpu.vector_load %arg18[%get3A_383] {strides = array<i32>} : memref<1024xf32, #tpu.memory_space<vmem>>, vector<16xf32>,
        %get3A_385 = vector.shape_cast %get3A_384 : vector<16xf32> to vector<16xf32>
        %mul3A_386 = arith.mulf %get3A_382, %get3A_385 : vector<16xf32>
        %get3A_387 = arith.index_cast %add3A_379 : i32 to index
        %get3A_388 = tpu.vector_load %arg11[%get3A_387] {strides = array<i32>} : memref<1024xf32, #tpu.memory_space<vmem>>, vector<16xf32>,
        %get3A_389 = vector.shape_cast %get3A_388 : vector<16xf32> to vector<16xf32>
        %add3A_390 = arith.constant 9.99999971E-10 : f32
        %add3A_391 = vector.broadcast %add3A_390 : f32 to vector<16xf32>
        %add3A_392 = arith.addf %get3A_389, %add3A_391 : vector<16xf32>
        %mul3A_393 = arith.mulf %mul3A_386, %add3A_392 : vector<16xf32>
        %swap3A_394 = arith.index_cast %add3A_379 : i32 to index
        %swap3A_395 = tpu.vector_load %arg21[%swap3A_394] {strides = array<i32>} : memref<1024xf32, #tpu.memory_space<vmem>>, vector<16xf32>,
        %swap3A_396 = vector.shape_cast %swap3A_395 : vector<16xf32> to vector<16xf32>
        %swap3A_397 = vector.shape_cast %mul3A_393 : vector<16xf32> to vector<16xf32>
        tpu.vector_store %arg21[%swap3A_394], %swap3A_397 {strides = array<i32>} : memref<1024xf32, #tpu.memory_space<vmem>>, vector<16xf32>,
      }
      %scan3A_167 = arith.constant 8 : i32
      %dma_start3A_168 = tpu.memref_slice %arg6[%mul3A_157] : memref<6400000xf32, #tpu.memory_space<hbm>> -> memref<1024xf32, #tpu.memory_space<hbm>>
      %dma_start3A_169 = tpu.memref_slice %arg6[%mul3A_157] : memref<6400000xf32, #tpu.memory_space<hbm>> -> memref<1024xf32, #tpu.memory_space<hbm>>
      tpu.enqueue_dma source(%arg21 : memref<1024xf32, #tpu.memory_space<vmem>>) target(%dma_start3A_169 : memref<1024xf32, #tpu.memory_space<hbm>>) target_semaphore(%arg26 : memref<!tpu.dma_semaphore, #tpu.memory_space<semaphore_mem>>)
      %mul3A_170 = arith.constant 128 : i32
      %mul3A_171 = arith.muli %add3A_114, %mul3A_170 : i32
      %dma_wait3A_172 = tpu.memref_slice %arg4[%mul3A_171] : memref<6400000xf32, #tpu.memory_space<hbm>> -> memref<1024xf32, #tpu.memory_space<hbm>>
      %dma_wait3A_173 = tpu.memref_slice %arg4[%mul3A_171] : memref<6400000xf32, #tpu.memory_space<hbm>> -> memref<1024xf32, #tpu.memory_space<hbm>>
      tpu.wait_dma2 semaphore(%arg24 : memref<!tpu.dma_semaphore, #tpu.memory_space<semaphore_mem>>) src(%dma_wait3A_173 : memref<1024xf32, #tpu.memory_space<hbm>>) dst(%arg14 : memref<1024xf32, #tpu.memory_space<vmem>>)
      %dma_wait3A_174 = arith.constant 0 : i32
      %dma_wait3A_175 = tpu.memref_slice %arg5[%dma_wait3A_174, %mul3A_171] : memref<2x6400000xi32, #tpu.memory_space<hbm>> -> memref<1x1024xi32, #tpu.memory_space<hbm>>
      %dma_wait3A_176 = tpu.memref_squeeze %dma_wait3A_175 : memref<1x1024xi32, #tpu.memory_space<hbm>> -> memref<1024xi32, #tpu.memory_space<hbm>>
      %dma_wait3A_177 = tpu.memref_slice %arg5[%dma_wait3A_174, %mul3A_171] : memref<2x6400000xi32, #tpu.memory_space<hbm>> -> memref<1x1024xi32, #tpu.memory_space<hbm>>
      %dma_wait3A_178 = tpu.memref_squeeze %dma_wait3A_177 : memref<1x1024xi32, #tpu.memory_space<hbm>> -> memref<1024xi32, #tpu.memory_space<hbm>>
      tpu.wait_dma2 semaphore(%arg24 : memref<!tpu.dma_semaphore, #tpu.memory_space<semaphore_mem>>) src(%dma_wait3A_178 : memref<1024xi32, #tpu.memory_space<hbm>>) dst(%arg15 : memref<1024xi32, #tpu.memory_space<vmem>>)
      %dma_wait3A_179 = arith.constant 1 : i32
      %dma_wait3A_180 = tpu.memref_slice %arg5[%dma_wait3A_179, %mul3A_171] : memref<2x6400000xi32, #tpu.memory_space<hbm>> -> memref<1x1024xi32, #tpu.memory_space<hbm>>
      %dma_wait3A_181 = tpu.memref_squeeze %dma_wait3A_180 : memref<1x1024xi32, #tpu.memory_space<hbm>> -> memref<1024xi32, #tpu.memory_space<hbm>>
      %dma_wait3A_182 = tpu.memref_slice %arg5[%dma_wait3A_179, %mul3A_171] : memref<2x6400000xi32, #tpu.memory_space<hbm>> -> memref<1x1024xi32, #tpu.memory_space<hbm>>
      %dma_wait3A_183 = tpu.memref_squeeze %dma_wait3A_182 : memref<1x1024xi32, #tpu.memory_space<hbm>> -> memref<1024xi32, #tpu.memory_space<hbm>>
      tpu.wait_dma2 semaphore(%arg24 : memref<!tpu.dma_semaphore, #tpu.memory_space<semaphore_mem>>) src(%dma_wait3A_183 : memref<1024xi32, #tpu.memory_space<hbm>>) dst(%arg16 : memref<1024xi32, #tpu.memory_space<vmem>>)
      %mul3A_184 = arith.constant 128 : i32
      %mul3A_185 = arith.muli %min3A_117, %mul3A_184 : i32
      %dma_start3A_186 = tpu.memref_slice %arg4[%mul3A_185] : memref<6400000xf32, #tpu.memory_space<hbm>> -> memref<1024xf32, #tpu.memory_space<hbm>>
      %dma_start3A_187 = tpu.memref_slice %arg4[%mul3A_185] : memref<6400000xf32, #tpu.memory_space<hbm>> -> memref<1024xf32, #tpu.memory_space<hbm>>
      tpu.enqueue_dma source(%dma_start3A_187 : memref<1024xf32, #tpu.memory_space<hbm>>) target(%arg11 : memref<1024xf32, #tpu.memory_space<vmem>>) target_semaphore(%arg23 : memref<!tpu.dma_semaphore, #tpu.memory_space<semaphore_mem>>)
      %dma_start3A_188 = arith.constant 0 : i32
      %dma_start3A_189 = tpu.memref_slice %arg5[%dma_start3A_188, %mul3A_185] : memref<2x6400000xi32, #tpu.memory_space<hbm>> -> memref<1x1024xi32, #tpu.memory_space<hbm>>
      %dma_start3A_190 = tpu.memref_squeeze %dma_start3A_189 : memref<1x1024xi32, #tpu.memory_space<hbm>> -> memref<1024xi32, #tpu.memory_space<hbm>>
      %dma_start3A_191 = tpu.memref_slice %arg5[%dma_start3A_188, %mul3A_185] : memref<2x6400000xi32, #tpu.memory_space<hbm>> -> memref<1x1024xi32, #tpu.memory_space<hbm>>
      %dma_start3A_192 = tpu.memref_squeeze %dma_start3A_191 : memref<1x1024xi32, #tpu.memory_space<hbm>> -> memref<1024xi32, #tpu.memory_space<hbm>>
      tpu.enqueue_dma source(%dma_start3A_192 : memref<1024xi32, #tpu.memory_space<hbm>>) target(%arg12 : memref<1024xi32, #tpu.memory_space<vmem>>) target_semaphore(%arg23 : memref<!tpu.dma_semaphore, #tpu.memory_space<semaphore_mem>>)
      %dma_start3A_193 = arith.constant 1 : i32
      %dma_start3A_194 = tpu.memref_slice %arg5[%dma_start3A_193, %mul3A_185] : memref<2x6400000xi32, #tpu.memory_space<hbm>> -> memref<1x1024xi32, #tpu.memory_space<hbm>>
      %dma_start3A_195 = tpu.memref_squeeze %dma_start3A_194 : memref<1x1024xi32, #tpu.memory_space<hbm>> -> memref<1024xi32, #tpu.memory_space<hbm>>
      %dma_start3A_196 = tpu.memref_slice %arg5[%dma_start3A_193, %mul3A_185] : memref<2x6400000xi32, #tpu.memory_space<hbm>> -> memref<1x1024xi32, #tpu.memory_space<hbm>>
      %dma_start3A_197 = tpu.memref_squeeze %dma_start3A_196 : memref<1x1024xi32, #tpu.memory_space<hbm>> -> memref<1024xi32, #tpu.memory_space<hbm>>
      tpu.enqueue_dma source(%dma_start3A_197 : memref<1024xi32, #tpu.memory_space<hbm>>) target(%arg13 : memref<1024xi32, #tpu.memory_space<vmem>>) target_semaphore(%arg23 : memref<!tpu.dma_semaphore, #tpu.memory_space<semaphore_mem>>)
      %eq3A_198 = arith.constant 0 : i32
      %eq3A_199 = arith.cmpi eq, %while3A_107, %eq3A_198 : i32
      %dma_start3A_200 = arith.constant 0 : i32
      %dma_start3A_201 = tpu.memref_slice %arg7[%dma_start3A_200] : memref<100352xf32, #tpu.memory_space<vmem_shared>> -> memref<100352xf32, #tpu.memory_space<vmem_shared>>
      tpu.enqueue_indirect_dma source(%dma_start3A_201 : memref<100352xf32, #tpu.memory_space<vmem_shared>>) target(%arg19 : memref<1024xf32, #tpu.memory_space<vmem>>) offsets(%arg15 : memref<1024xi32, #tpu.memory_space<vmem>>) semaphore(%arg25 : memref<!tpu.dma_semaphore, #tpu.memory_space<semaphore_mem>>)
      %dma_start3A_202 = arith.constant 0 : i32
      %dma_start3A_203 = tpu.memref_slice %arg8[%dma_start3A_202] : memref<100352xf32, #tpu.memory_space<vmem_shared>> -> memref<100352xf32, #tpu.memory_space<vmem_shared>>
      tpu.enqueue_indirect_dma source(%dma_start3A_203 : memref<100352xf32, #tpu.memory_space<vmem_shared>>) target(%arg20 : memref<1024xf32, #tpu.memory_space<vmem>>) offsets(%arg16 : memref<1024xi32, #tpu.memory_space<vmem>>) semaphore(%arg25 : memref<!tpu.dma_semaphore, #tpu.memory_space<semaphore_mem>>)
      %dma_wait3A_204 = arith.constant 0 : i32
      %dma_wait3A_205 = tpu.memref_slice %arg7[%dma_wait3A_204] : memref<100352xf32, #tpu.memory_space<vmem_shared>> -> memref<100352xf32, #tpu.memory_space<vmem_shared>>
      tpu.wait_indirect_dma semaphore(%arg25 : memref<!tpu.dma_semaphore, #tpu.memory_space<semaphore_mem>>) src(%dma_wait3A_205 : memref<100352xf32, #tpu.memory_space<vmem_shared>>) dst(%arg19 : memref<1024xf32, #tpu.memory_space<vmem>>)
      %dma_wait3A_206 = arith.constant 0 : i32
      %dma_wait3A_207 = tpu.memref_slice %arg8[%dma_wait3A_206] : memref<100352xf32, #tpu.memory_space<vmem_shared>> -> memref<100352xf32, #tpu.memory_space<vmem_shared>>
      tpu.wait_indirect_dma semaphore(%arg25 : memref<!tpu.dma_semaphore, #tpu.memory_space<semaphore_mem>>) src(%dma_wait3A_207 : memref<100352xf32, #tpu.memory_space<vmem_shared>>) dst(%arg20 : memref<1024xf32, #tpu.memory_space<vmem>>)
      %mul3A_208 = arith.constant 128 : i32
      %mul3A_209 = arith.muli %add3A_114, %mul3A_208 : i32
      %not3A_210 = arith.constant true
      %not3A_211 = arith.xori %eq3A_199, %not3A_210 : i1
      %convert_element_type3A_212 = arith.extui %not3A_211 : i1 to i32
      %cond3A_213 = arith.constant 0 : i32
      %cond3A_214 = arith.cmpi ne, %convert_element_type3A_212, %cond3A_213 : i32
      scf.if %cond3A_214 {
        %dma_wait3A_223 = tpu.memref_slice %arg6[%mul3A_209] : memref<6400000xf32, #tpu.memory_space<hbm>> -> memref<1024xf32, #tpu.memory_space<hbm>>
        %dma_wait3A_224 = tpu.memref_slice %arg6[%mul3A_209] : memref<6400000xf32, #tpu.memory_space<hbm>> -> memref<1024xf32, #tpu.memory_space<hbm>>
        tpu.wait_dma2 semaphore(%arg27 : memref<!tpu.dma_semaphore, #tpu.memory_space<semaphore_mem>>) src(%arg22 : memref<1024xf32, #tpu.memory_space<vmem>>) dst(%dma_wait3A_224 : memref<1024xf32, #tpu.memory_space<hbm>>)
      } else {
      }
      %scan3A_215 = arith.constant 0 : i32
      %scan3A_216 = arith.constant 0 : i32
      %scan3A_217 = arith.constant 8 : i32
      %scan3A_218 = arith.addi %scan3A_216, %scan3A_217 : i32
      %scan3A_219 = arith.constant 1 : i32
      scf.for %scan3A_223 = %scan3A_216 to %scan3A_218 step %scan3A_219  : i32 {
        %mul3A_224 = arith.constant 128 : i32
        %mul3A_225 = arith.muli %scan3A_223, %mul3A_224 : i32
        %add3A_226 = arith.constant 0 : i32
        %add3A_227 = arith.addi %mul3A_225, %add3A_226 : i32
        %get3A = arith.index_cast %add3A_227 : i32 to index
        %get3A_228 = tpu.vector_load %arg19[%get3A] {strides = array<i32>} : memref<1024xf32, #tpu.memory_space<vmem>>, vector<16xf32>,
        %get3A_229 = vector.shape_cast %get3A_228 : vector<16xf32> to vector<16xf32>
        %get3A_230 = arith.index_cast %add3A_227 : i32 to index
        %get3A_231 = tpu.vector_load %arg20[%get3A_230] {strides = array<i32>} : memref<1024xf32, #tpu.memory_space<vmem>>, vector<16xf32>,
        %get3A_232 = vector.shape_cast %get3A_231 : vector<16xf32> to vector<16xf32>
        %mul3A_233 = arith.mulf %get3A_229, %get3A_232 : vector<16xf32>
        %get3A_234 = arith.index_cast %add3A_227 : i32 to index
        %get3A_235 = tpu.vector_load %arg14[%get3A_234] {strides = array<i32>} : memref<1024xf32, #tpu.memory_space<vmem>>, vector<16xf32>,
        %get3A_236 = vector.shape_cast %get3A_235 : vector<16xf32> to vector<16xf32>
        %add3A_237 = arith.constant 9.99999971E-10 : f32
        %add3A_238 = vector.broadcast %add3A_237 : f32 to vector<16xf32>
        %add3A_239 = arith.addf %get3A_236, %add3A_238 : vector<16xf32>
        %mul3A_240 = arith.mulf %mul3A_233, %add3A_239 : vector<16xf32>
        %swap3A = arith.index_cast %add3A_227 : i32 to index
        %swap3A_241 = tpu.vector_load %arg22[%swap3A] {strides = array<i32>} : memref<1024xf32, #tpu.memory_space<vmem>>, vector<16xf32>,
        %swap3A_242 = vector.shape_cast %swap3A_241 : vector<16xf32> to vector<16xf32>
        %swap3A_243 = vector.shape_cast %mul3A_240 : vector<16xf32> to vector<16xf32>
        tpu.vector_store %arg22[%swap3A], %swap3A_243 {strides = array<i32>} : memref<1024xf32, #tpu.memory_space<vmem>>, vector<16xf32>,
        %mul3A_244 = arith.constant 128 : i32
        %mul3A_245 = arith.muli %scan3A_223, %mul3A_244 : i32
        %add3A_246 = arith.constant 16 : i32
        %add3A_247 = arith.addi %mul3A_245, %add3A_246 : i32
        %get3A_248 = arith.index_cast %add3A_247 : i32 to index
        %get3A_249 = tpu.vector_load %arg19[%get3A_248] {strides = array<i32>} : memref<1024xf32, #tpu.memory_space<vmem>>, vector<16xf32>,
        %get3A_250 = vector.shape_cast %get3A_249 : vector<16xf32> to vector<16xf32>
        %get3A_251 = arith.index_cast %add3A_247 : i32 to index
        %get3A_252 = tpu.vector_load %arg20[%get3A_251] {strides = array<i32>} : memref<1024xf32, #tpu.memory_space<vmem>>, vector<16xf32>,
        %get3A_253 = vector.shape_cast %get3A_252 : vector<16xf32> to vector<16xf32>
        %mul3A_254 = arith.mulf %get3A_250, %get3A_253 : vector<16xf32>
        %get3A_255 = arith.index_cast %add3A_247 : i32 to index
        %get3A_256 = tpu.vector_load %arg14[%get3A_255] {strides = array<i32>} : memref<1024xf32, #tpu.memory_space<vmem>>, vector<16xf32>,
        %get3A_257 = vector.shape_cast %get3A_256 : vector<16xf32> to vector<16xf32>
        %add3A_258 = arith.constant 9.99999971E-10 : f32
        %add3A_259 = vector.broadcast %add3A_258 : f32 to vector<16xf32>
        %add3A_260 = arith.addf %get3A_257, %add3A_259 : vector<16xf32>
        %mul3A_261 = arith.mulf %mul3A_254, %add3A_260 : vector<16xf32>
        %swap3A_262 = arith.index_cast %add3A_247 : i32 to index
        %swap3A_263 = tpu.vector_load %arg22[%swap3A_262] {strides = array<i32>} : memref<1024xf32, #tpu.memory_space<vmem>>, vector<16xf32>,
        %swap3A_264 = vector.shape_cast %swap3A_263 : vector<16xf32> to vector<16xf32>
        %swap3A_265 = vector.shape_cast %mul3A_261 : vector<16xf32> to vector<16xf32>
        tpu.vector_store %arg22[%swap3A_262], %swap3A_265 {strides = array<i32>} : memref<1024xf32, #tpu.memory_space<vmem>>, vector<16xf32>,
        %mul3A_266 = arith.constant 128 : i32
        %mul3A_267 = arith.muli %scan3A_223, %mul3A_266 : i32
        %add3A_268 = arith.constant 32 : i32
        %add3A_269 = arith.addi %mul3A_267, %add3A_268 : i32
        %get3A_270 = arith.index_cast %add3A_269 : i32 to index
        %get3A_271 = tpu.vector_load %arg19[%get3A_270] {strides = array<i32>} : memref<1024xf32, #tpu.memory_space<vmem>>, vector<16xf32>,
        %get3A_272 = vector.shape_cast %get3A_271 : vector<16xf32> to vector<16xf32>
        %get3A_273 = arith.index_cast %add3A_269 : i32 to index
        %get3A_274 = tpu.vector_load %arg20[%get3A_273] {strides = array<i32>} : memref<1024xf32, #tpu.memory_space<vmem>>, vector<16xf32>,
        %get3A_275 = vector.shape_cast %get3A_274 : vector<16xf32> to vector<16xf32>
        %mul3A_276 = arith.mulf %get3A_272, %get3A_275 : vector<16xf32>
        %get3A_277 = arith.index_cast %add3A_269 : i32 to index
        %get3A_278 = tpu.vector_load %arg14[%get3A_277] {strides = array<i32>} : memref<1024xf32, #tpu.memory_space<vmem>>, vector<16xf32>,
        %get3A_279 = vector.shape_cast %get3A_278 : vector<16xf32> to vector<16xf32>
        %add3A_280 = arith.constant 9.99999971E-10 : f32
        %add3A_281 = vector.broadcast %add3A_280 : f32 to vector<16xf32>
        %add3A_282 = arith.addf %get3A_279, %add3A_281 : vector<16xf32>
        %mul3A_283 = arith.mulf %mul3A_276, %add3A_282 : vector<16xf32>
        %swap3A_284 = arith.index_cast %add3A_269 : i32 to index
        %swap3A_285 = tpu.vector_load %arg22[%swap3A_284] {strides = array<i32>} : memref<1024xf32, #tpu.memory_space<vmem>>, vector<16xf32>,
        %swap3A_286 = vector.shape_cast %swap3A_285 : vector<16xf32> to vector<16xf32>
        %swap3A_287 = vector.shape_cast %mul3A_283 : vector<16xf32> to vector<16xf32>
        tpu.vector_store %arg22[%swap3A_284], %swap3A_287 {strides = array<i32>} : memref<1024xf32, #tpu.memory_space<vmem>>, vector<16xf32>,
        %mul3A_288 = arith.constant 128 : i32
        %mul3A_289 = arith.muli %scan3A_223, %mul3A_288 : i32
        %add3A_290 = arith.constant 48 : i32
        %add3A_291 = arith.addi %mul3A_289, %add3A_290 : i32
        %get3A_292 = arith.index_cast %add3A_291 : i32 to index
        %get3A_293 = tpu.vector_load %arg19[%get3A_292] {strides = array<i32>} : memref<1024xf32, #tpu.memory_space<vmem>>, vector<16xf32>,
        %get3A_294 = vector.shape_cast %get3A_293 : vector<16xf32> to vector<16xf32>
        %get3A_295 = arith.index_cast %add3A_291 : i32 to index
        %get3A_296 = tpu.vector_load %arg20[%get3A_295] {strides = array<i32>} : memref<1024xf32, #tpu.memory_space<vmem>>, vector<16xf32>,
        %get3A_297 = vector.shape_cast %get3A_296 : vector<16xf32> to vector<16xf32>
        %mul3A_298 = arith.mulf %get3A_294, %get3A_297 : vector<16xf32>
        %get3A_299 = arith.index_cast %add3A_291 : i32 to index
        %get3A_300 = tpu.vector_load %arg14[%get3A_299] {strides = array<i32>} : memref<1024xf32, #tpu.memory_space<vmem>>, vector<16xf32>,
        %get3A_301 = vector.shape_cast %get3A_300 : vector<16xf32> to vector<16xf32>
        %add3A_302 = arith.constant 9.99999971E-10 : f32
        %add3A_303 = vector.broadcast %add3A_302 : f32 to vector<16xf32>
        %add3A_304 = arith.addf %get3A_301, %add3A_303 : vector<16xf32>
        %mul3A_305 = arith.mulf %mul3A_298, %add3A_304 : vector<16xf32>
        %swap3A_306 = arith.index_cast %add3A_291 : i32 to index
        %swap3A_307 = tpu.vector_load %arg22[%swap3A_306] {strides = array<i32>} : memref<1024xf32, #tpu.memory_space<vmem>>, vector<16xf32>,
        %swap3A_308 = vector.shape_cast %swap3A_307 : vector<16xf32> to vector<16xf32>
        %swap3A_309 = vector.shape_cast %mul3A_305 : vector<16xf32> to vector<16xf32>
        tpu.vector_store %arg22[%swap3A_306], %swap3A_309 {strides = array<i32>} : memref<1024xf32, #tpu.memory_space<vmem>>, vector<16xf32>,
        %mul3A_310 = arith.constant 128 : i32
        %mul3A_311 = arith.muli %scan3A_223, %mul3A_310 : i32
        %add3A_312 = arith.constant 64 : i32
        %add3A_313 = arith.addi %mul3A_311, %add3A_312 : i32
        %get3A_314 = arith.index_cast %add3A_313 : i32 to index
        %get3A_315 = tpu.vector_load %arg19[%get3A_314] {strides = array<i32>} : memref<1024xf32, #tpu.memory_space<vmem>>, vector<16xf32>,
        %get3A_316 = vector.shape_cast %get3A_315 : vector<16xf32> to vector<16xf32>
        %get3A_317 = arith.index_cast %add3A_313 : i32 to index
        %get3A_318 = tpu.vector_load %arg20[%get3A_317] {strides = array<i32>} : memref<1024xf32, #tpu.memory_space<vmem>>, vector<16xf32>,
        %get3A_319 = vector.shape_cast %get3A_318 : vector<16xf32> to vector<16xf32>
        %mul3A_320 = arith.mulf %get3A_316, %get3A_319 : vector<16xf32>
        %get3A_321 = arith.index_cast %add3A_313 : i32 to index
        %get3A_322 = tpu.vector_load %arg14[%get3A_321] {strides = array<i32>} : memref<1024xf32, #tpu.memory_space<vmem>>, vector<16xf32>,
        %get3A_323 = vector.shape_cast %get3A_322 : vector<16xf32> to vector<16xf32>
        %add3A_324 = arith.constant 9.99999971E-10 : f32
        %add3A_325 = vector.broadcast %add3A_324 : f32 to vector<16xf32>
        %add3A_326 = arith.addf %get3A_323, %add3A_325 : vector<16xf32>
        %mul3A_327 = arith.mulf %mul3A_320, %add3A_326 : vector<16xf32>
        %swap3A_328 = arith.index_cast %add3A_313 : i32 to index
        %swap3A_329 = tpu.vector_load %arg22[%swap3A_328] {strides = array<i32>} : memref<1024xf32, #tpu.memory_space<vmem>>, vector<16xf32>,
        %swap3A_330 = vector.shape_cast %swap3A_329 : vector<16xf32> to vector<16xf32>
        %swap3A_331 = vector.shape_cast %mul3A_327 : vector<16xf32> to vector<16xf32>
        tpu.vector_store %arg22[%swap3A_328], %swap3A_331 {strides = array<i32>} : memref<1024xf32, #tpu.memory_space<vmem>>, vector<16xf32>,
        %mul3A_332 = arith.constant 128 : i32
        %mul3A_333 = arith.muli %scan3A_223, %mul3A_332 : i32
        %add3A_334 = arith.constant 80 : i32
        %add3A_335 = arith.addi %mul3A_333, %add3A_334 : i32
        %get3A_336 = arith.index_cast %add3A_335 : i32 to index
        %get3A_337 = tpu.vector_load %arg19[%get3A_336] {strides = array<i32>} : memref<1024xf32, #tpu.memory_space<vmem>>, vector<16xf32>,
        %get3A_338 = vector.shape_cast %get3A_337 : vector<16xf32> to vector<16xf32>
        %get3A_339 = arith.index_cast %add3A_335 : i32 to index
        %get3A_340 = tpu.vector_load %arg20[%get3A_339] {strides = array<i32>} : memref<1024xf32, #tpu.memory_space<vmem>>, vector<16xf32>,
        %get3A_341 = vector.shape_cast %get3A_340 : vector<16xf32> to vector<16xf32>
        %mul3A_342 = arith.mulf %get3A_338, %get3A_341 : vector<16xf32>
        %get3A_343 = arith.index_cast %add3A_335 : i32 to index
        %get3A_344 = tpu.vector_load %arg14[%get3A_343] {strides = array<i32>} : memref<1024xf32, #tpu.memory_space<vmem>>, vector<16xf32>,
        %get3A_345 = vector.shape_cast %get3A_344 : vector<16xf32> to vector<16xf32>
        %add3A_346 = arith.constant 9.99999971E-10 : f32
        %add3A_347 = vector.broadcast %add3A_346 : f32 to vector<16xf32>
        %add3A_348 = arith.addf %get3A_345, %add3A_347 : vector<16xf32>
        %mul3A_349 = arith.mulf %mul3A_342, %add3A_348 : vector<16xf32>
        %swap3A_350 = arith.index_cast %add3A_335 : i32 to index
        %swap3A_351 = tpu.vector_load %arg22[%swap3A_350] {strides = array<i32>} : memref<1024xf32, #tpu.memory_space<vmem>>, vector<16xf32>,
        %swap3A_352 = vector.shape_cast %swap3A_351 : vector<16xf32> to vector<16xf32>
        %swap3A_353 = vector.shape_cast %mul3A_349 : vector<16xf32> to vector<16xf32>
        tpu.vector_store %arg22[%swap3A_350], %swap3A_353 {strides = array<i32>} : memref<1024xf32, #tpu.memory_space<vmem>>, vector<16xf32>,
        %mul3A_354 = arith.constant 128 : i32
        %mul3A_355 = arith.muli %scan3A_223, %mul3A_354 : i32
        %add3A_356 = arith.constant 96 : i32
        %add3A_357 = arith.addi %mul3A_355, %add3A_356 : i32
        %get3A_358 = arith.index_cast %add3A_357 : i32 to index
        %get3A_359 = tpu.vector_load %arg19[%get3A_358] {strides = array<i32>} : memref<1024xf32, #tpu.memory_space<vmem>>, vector<16xf32>,
        %get3A_360 = vector.shape_cast %get3A_359 : vector<16xf32> to vector<16xf32>
        %get3A_361 = arith.index_cast %add3A_357 : i32 to index
        %get3A_362 = tpu.vector_load %arg20[%get3A_361] {strides = array<i32>} : memref<1024xf32, #tpu.memory_space<vmem>>, vector<16xf32>,
        %get3A_363 = vector.shape_cast %get3A_362 : vector<16xf32> to vector<16xf32>
        %mul3A_364 = arith.mulf %get3A_360, %get3A_363 : vector<16xf32>
        %get3A_365 = arith.index_cast %add3A_357 : i32 to index
        %get3A_366 = tpu.vector_load %arg14[%get3A_365] {strides = array<i32>} : memref<1024xf32, #tpu.memory_space<vmem>>, vector<16xf32>,
        %get3A_367 = vector.shape_cast %get3A_366 : vector<16xf32> to vector<16xf32>
        %add3A_368 = arith.constant 9.99999971E-10 : f32
        %add3A_369 = vector.broadcast %add3A_368 : f32 to vector<16xf32>
        %add3A_370 = arith.addf %get3A_367, %add3A_369 : vector<16xf32>
        %mul3A_371 = arith.mulf %mul3A_364, %add3A_370 : vector<16xf32>
        %swap3A_372 = arith.index_cast %add3A_357 : i32 to index
        %swap3A_373 = tpu.vector_load %arg22[%swap3A_372] {strides = array<i32>} : memref<1024xf32, #tpu.memory_space<vmem>>, vector<16xf32>,
        %swap3A_374 = vector.shape_cast %swap3A_373 : vector<16xf32> to vector<16xf32>
        %swap3A_375 = vector.shape_cast %mul3A_371 : vector<16xf32> to vector<16xf32>
        tpu.vector_store %arg22[%swap3A_372], %swap3A_375 {strides = array<i32>} : memref<1024xf32, #tpu.memory_space<vmem>>, vector<16xf32>,
        %mul3A_376 = arith.constant 128 : i32
        %mul3A_377 = arith.muli %scan3A_223, %mul3A_376 : i32
        %add3A_378 = arith.constant 112 : i32
        %add3A_379 = arith.addi %mul3A_377, %add3A_378 : i32
        %get3A_380 = arith.index_cast %add3A_379 : i32 to index
        %get3A_381 = tpu.vector_load %arg19[%get3A_380] {strides = array<i32>} : memref<1024xf32, #tpu.memory_space<vmem>>, vector<16xf32>,
        %get3A_382 = vector.shape_cast %get3A_381 : vector<16xf32> to vector<16xf32>
        %get3A_383 = arith.index_cast %add3A_379 : i32 to index
        %get3A_384 = tpu.vector_load %arg20[%get3A_383] {strides = array<i32>} : memref<1024xf32, #tpu.memory_space<vmem>>, vector<16xf32>,
        %get3A_385 = vector.shape_cast %get3A_384 : vector<16xf32> to vector<16xf32>
        %mul3A_386 = arith.mulf %get3A_382, %get3A_385 : vector<16xf32>
        %get3A_387 = arith.index_cast %add3A_379 : i32 to index
        %get3A_388 = tpu.vector_load %arg14[%get3A_387] {strides = array<i32>} : memref<1024xf32, #tpu.memory_space<vmem>>, vector<16xf32>,
        %get3A_389 = vector.shape_cast %get3A_388 : vector<16xf32> to vector<16xf32>
        %add3A_390 = arith.constant 9.99999971E-10 : f32
        %add3A_391 = vector.broadcast %add3A_390 : f32 to vector<16xf32>
        %add3A_392 = arith.addf %get3A_389, %add3A_391 : vector<16xf32>
        %mul3A_393 = arith.mulf %mul3A_386, %add3A_392 : vector<16xf32>
        %swap3A_394 = arith.index_cast %add3A_379 : i32 to index
        %swap3A_395 = tpu.vector_load %arg22[%swap3A_394] {strides = array<i32>} : memref<1024xf32, #tpu.memory_space<vmem>>, vector<16xf32>,
        %swap3A_396 = vector.shape_cast %swap3A_395 : vector<16xf32> to vector<16xf32>
        %swap3A_397 = vector.shape_cast %mul3A_393 : vector<16xf32> to vector<16xf32>
        tpu.vector_store %arg22[%swap3A_394], %swap3A_397 {strides = array<i32>} : memref<1024xf32, #tpu.memory_space<vmem>>, vector<16xf32>,
      }
      %scan3A_220 = arith.constant 8 : i32
      %dma_start3A_221 = tpu.memref_slice %arg6[%mul3A_209] : memref<6400000xf32, #tpu.memory_space<hbm>> -> memref<1024xf32, #tpu.memory_space<hbm>>
      %dma_start3A_222 = tpu.memref_slice %arg6[%mul3A_209] : memref<6400000xf32, #tpu.memory_space<hbm>> -> memref<1024xf32, #tpu.memory_space<hbm>>
      tpu.enqueue_dma source(%arg22 : memref<1024xf32, #tpu.memory_space<vmem>>) target(%dma_start3A_222 : memref<1024xf32, #tpu.memory_space<hbm>>) target_semaphore(%arg27 : memref<!tpu.dma_semaphore, #tpu.memory_space<semaphore_mem>>)
    }
    %while3A_69 = arith.constant 1 : i32
    scf.for %while3A_107 = %while3A_67 to %while3A_63 step %while3A_69  : i32 {
      %mul3A_108 = arith.constant 2 : i32
      %mul3A_109 = arith.muli %mul3A_108, %while3A_107 : i32
      %mul3A_110 = arith.constant 8 : i32
      %mul3A_111 = arith.muli %mul3A_109, %mul3A_110 : i32
      %add3A_112 = arith.addi %mul3A_24, %mul3A_111 : i32
      %add3A_113 = arith.constant 8 : i32
      %add3A_114 = arith.addi %add3A_112, %add3A_113 : i32
      %add3A_115 = arith.constant 8 : i32
      %add3A_116 = arith.addi %add3A_114, %add3A_115 : i32
      %min3A_117 = arith.minsi %add3A_116, %add3A_28 : i32
      %mul3A_118 = arith.constant 128 : i32
      %mul3A_119 = arith.muli %add3A_112, %mul3A_118 : i32
      %dma_wait3A_120 = tpu.memref_slice %arg4[%mul3A_119] : memref<6400000xf32, #tpu.memory_space<hbm>> -> memref<1024xf32, #tpu.memory_space<hbm>>
      %dma_wait3A_121 = tpu.memref_slice %arg4[%mul3A_119] : memref<6400000xf32, #tpu.memory_space<hbm>> -> memref<1024xf32, #tpu.memory_space<hbm>>
      tpu.wait_dma2 semaphore(%arg23 : memref<!tpu.dma_semaphore, #tpu.memory_space<semaphore_mem>>) src(%dma_wait3A_121 : memref<1024xf32, #tpu.memory_space<hbm>>) dst(%arg11 : memref<1024xf32, #tpu.memory_space<vmem>>)
      %dma_wait3A_122 = arith.constant 0 : i32
      %dma_wait3A_123 = tpu.memref_slice %arg5[%dma_wait3A_122, %mul3A_119] : memref<2x6400000xi32, #tpu.memory_space<hbm>> -> memref<1x1024xi32, #tpu.memory_space<hbm>>
      %dma_wait3A_124 = tpu.memref_squeeze %dma_wait3A_123 : memref<1x1024xi32, #tpu.memory_space<hbm>> -> memref<1024xi32, #tpu.memory_space<hbm>>
      %dma_wait3A_125 = tpu.memref_slice %arg5[%dma_wait3A_122, %mul3A_119] : memref<2x6400000xi32, #tpu.memory_space<hbm>> -> memref<1x1024xi32, #tpu.memory_space<hbm>>
      %dma_wait3A_126 = tpu.memref_squeeze %dma_wait3A_125 : memref<1x1024xi32, #tpu.memory_space<hbm>> -> memref<1024xi32, #tpu.memory_space<hbm>>
      tpu.wait_dma2 semaphore(%arg23 : memref<!tpu.dma_semaphore, #tpu.memory_space<semaphore_mem>>) src(%dma_wait3A_126 : memref<1024xi32, #tpu.memory_space<hbm>>) dst(%arg12 : memref<1024xi32, #tpu.memory_space<vmem>>)
      %dma_wait3A_127 = arith.constant 1 : i32
      %dma_wait3A_128 = tpu.memref_slice %arg5[%dma_wait3A_127, %mul3A_119] : memref<2x6400000xi32, #tpu.memory_space<hbm>> -> memref<1x1024xi32, #tpu.memory_space<hbm>>
      %dma_wait3A_129 = tpu.memref_squeeze %dma_wait3A_128 : memref<1x1024xi32, #tpu.memory_space<hbm>> -> memref<1024xi32, #tpu.memory_space<hbm>>
      %dma_wait3A_130 = tpu.memref_slice %arg5[%dma_wait3A_127, %mul3A_119] : memref<2x6400000xi32, #tpu.memory_space<hbm>> -> memref<1x1024xi32, #tpu.memory_space<hbm>>
      %dma_wait3A_131 = tpu.memref_squeeze %dma_wait3A_130 : memref<1x1024xi32, #tpu.memory_space<hbm>> -> memref<1024xi32, #tpu.memory_space<hbm>>
      tpu.wait_dma2 semaphore(%arg23 : memref<!tpu.dma_semaphore, #tpu.memory_space<semaphore_mem>>) src(%dma_wait3A_131 : memref<1024xi32, #tpu.memory_space<hbm>>) dst(%arg13 : memref<1024xi32, #tpu.memory_space<vmem>>)
      %mul3A_132 = arith.constant 128 : i32
      %mul3A_133 = arith.muli %add3A_114, %mul3A_132 : i32
      %dma_start3A_134 = tpu.memref_slice %arg4[%mul3A_133] : memref<6400000xf32, #tpu.memory_space<hbm>> -> memref<1024xf32, #tpu.memory_space<hbm>>
      %dma_start3A_135 = tpu.memref_slice %arg4[%mul3A_133] : memref<6400000xf32, #tpu.memory_space<hbm>> -> memref<1024xf32, #tpu.memory_space<hbm>>
      tpu.enqueue_dma source(%dma_start3A_135 : memref<1024xf32, #tpu.memory_space<hbm>>) target(%arg14 : memref<1024xf32, #tpu.memory_space<vmem>>) target_semaphore(%arg24 : memref<!tpu.dma_semaphore, #tpu.memory_space<semaphore_mem>>)
      %dma_start3A_136 = arith.constant 0 : i32
      %dma_start3A_137 = tpu.memref_slice %arg5[%dma_start3A_136, %mul3A_133] : memref<2x6400000xi32, #tpu.memory_space<hbm>> -> memref<1x1024xi32, #tpu.memory_space<hbm>>
      %dma_start3A_138 = tpu.memref_squeeze %dma_start3A_137 : memref<1x1024xi32, #tpu.memory_space<hbm>> -> memref<1024xi32, #tpu.memory_space<hbm>>
      %dma_start3A_139 = tpu.memref_slice %arg5[%dma_start3A_136, %mul3A_133] : memref<2x6400000xi32, #tpu.memory_space<hbm>> -> memref<1x1024xi32, #tpu.memory_space<hbm>>
      %dma_start3A_140 = tpu.memref_squeeze %dma_start3A_139 : memref<1x1024xi32, #tpu.memory_space<hbm>> -> memref<1024xi32, #tpu.memory_space<hbm>>
      tpu.enqueue_dma source(%dma_start3A_140 : memref<1024xi32, #tpu.memory_space<hbm>>) target(%arg15 : memref<1024xi32, #tpu.memory_space<vmem>>) target_semaphore(%arg24 : memref<!tpu.dma_semaphore, #tpu.memory_space<semaphore_mem>>)
      %dma_start3A_141 = arith.constant 1 : i32
      %dma_start3A_142 = tpu.memref_slice %arg5[%dma_start3A_141, %mul3A_133] : memref<2x6400000xi32, #tpu.memory_space<hbm>> -> memref<1x1024xi32, #tpu.memory_space<hbm>>
      %dma_start3A_143 = tpu.memref_squeeze %dma_start3A_142 : memref<1x1024xi32, #tpu.memory_space<hbm>> -> memref<1024xi32, #tpu.memory_space<hbm>>
      %dma_start3A_144 = tpu.memref_slice %arg5[%dma_start3A_141, %mul3A_133] : memref<2x6400000xi32, #tpu.memory_space<hbm>> -> memref<1x1024xi32, #tpu.memory_space<hbm>>
      %dma_start3A_145 = tpu.memref_squeeze %dma_start3A_144 : memref<1x1024xi32, #tpu.memory_space<hbm>> -> memref<1024xi32, #tpu.memory_space<hbm>>
      tpu.enqueue_dma source(%dma_start3A_145 : memref<1024xi32, #tpu.memory_space<hbm>>) target(%arg16 : memref<1024xi32, #tpu.memory_space<vmem>>) target_semaphore(%arg24 : memref<!tpu.dma_semaphore, #tpu.memory_space<semaphore_mem>>)
      %eq3A_146 = arith.constant 0 : i32
      %eq3A_147 = arith.cmpi eq, %while3A_107, %eq3A_146 : i32
      %dma_start3A_148 = arith.constant 0 : i32
      %dma_start3A_149 = tpu.memref_slice %arg7[%dma_start3A_148] : memref<100352xf32, #tpu.memory_space<vmem_shared>> -> memref<100352xf32, #tpu.memory_space<vmem_shared>>
      tpu.enqueue_indirect_dma source(%dma_start3A_149 : memref<100352xf32, #tpu.memory_space<vmem_shared>>) target(%arg17 : memref<1024xf32, #tpu.memory_space<vmem>>) offsets(%arg12 : memref<1024xi32, #tpu.memory_space<vmem>>) semaphore(%arg25 : memref<!tpu.dma_semaphore, #tpu.memory_space<semaphore_mem>>)
      %dma_start3A_150 = arith.constant 0 : i32
      %dma_start3A_151 = tpu.memref_slice %arg8[%dma_start3A_150] : memref<100352xf32, #tpu.memory_space<vmem_shared>> -> memref<100352xf32, #tpu.memory_space<vmem_shared>>
      tpu.enqueue_indirect_dma source(%dma_start3A_151 : memref<100352xf32, #tpu.memory_space<vmem_shared>>) target(%arg18 : memref<1024xf32, #tpu.memory_space<vmem>>) offsets(%arg13 : memref<1024xi32, #tpu.memory_space<vmem>>) semaphore(%arg25 : memref<!tpu.dma_semaphore, #tpu.memory_space<semaphore_mem>>)
      %dma_wait3A_152 = arith.constant 0 : i32
      %dma_wait3A_153 = tpu.memref_slice %arg7[%dma_wait3A_152] : memref<100352xf32, #tpu.memory_space<vmem_shared>> -> memref<100352xf32, #tpu.memory_space<vmem_shared>>
      tpu.wait_indirect_dma semaphore(%arg25 : memref<!tpu.dma_semaphore, #tpu.memory_space<semaphore_mem>>) src(%dma_wait3A_153 : memref<100352xf32, #tpu.memory_space<vmem_shared>>) dst(%arg17 : memref<1024xf32, #tpu.memory_space<vmem>>)
      %dma_wait3A_154 = arith.constant 0 : i32
      %dma_wait3A_155 = tpu.memref_slice %arg8[%dma_wait3A_154] : memref<100352xf32, #tpu.memory_space<vmem_shared>> -> memref<100352xf32, #tpu.memory_space<vmem_shared>>
      tpu.wait_indirect_dma semaphore(%arg25 : memref<!tpu.dma_semaphore, #tpu.memory_space<semaphore_mem>>) src(%dma_wait3A_155 : memref<100352xf32, #tpu.memory_space<vmem_shared>>) dst(%arg18 : memref<1024xf32, #tpu.memory_space<vmem>>)
      %mul3A_156 = arith.constant 128 : i32
      %mul3A_157 = arith.muli %add3A_112, %mul3A_156 : i32
      %not3A = arith.constant true
      %not3A_158 = arith.xori %eq3A_147, %not3A : i1
      %convert_element_type3A_159 = arith.extui %not3A_158 : i1 to i32
      %cond3A_160 = arith.constant 0 : i32
      %cond3A_161 = arith.cmpi ne, %convert_element_type3A_159, %cond3A_160 : i32
      scf.if %cond3A_161 {
        %dma_wait3A_223 = tpu.memref_slice %arg6[%mul3A_157] : memref<6400000xf32, #tpu.memory_space<hbm>> -> memref<1024xf32, #tpu.memory_space<hbm>>
        %dma_wait3A_224 = tpu.memref_slice %arg6[%mul3A_157] : memref<6400000xf32, #tpu.memory_space<hbm>> -> memref<1024xf32, #tpu.memory_space<hbm>>
        tpu.wait_dma2 semaphore(%arg26 : memref<!tpu.dma_semaphore, #tpu.memory_space<semaphore_mem>>) src(%arg21 : memref<1024xf32, #tpu.memory_space<vmem>>) dst(%dma_wait3A_224 : memref<1024xf32, #tpu.memory_space<hbm>>)
      } else {
      }
      %scan3A_162 = arith.constant 0 : i32
      %scan3A_163 = arith.constant 0 : i32
      %scan3A_164 = arith.constant 8 : i32
      %scan3A_165 = arith.addi %scan3A_163, %scan3A_164 : i32
      %scan3A_166 = arith.constant 1 : i32
      scf.for %scan3A_223 = %scan3A_163 to %scan3A_165 step %scan3A_166  : i32 {
        %mul3A_224 = arith.constant 128 : i32
        %mul3A_225 = arith.muli %scan3A_223, %mul3A_224 : i32
        %add3A_226 = arith.constant 0 : i32
        %add3A_227 = arith.addi %mul3A_225, %add3A_226 : i32
        %get3A = arith.index_cast %add3A_227 : i32 to index
        %get3A_228 = tpu.vector_load %arg17[%get3A] {strides = array<i32>} : memref<1024xf32, #tpu.memory_space<vmem>>, vector<16xf32>,
        %get3A_229 = vector.shape_cast %get3A_228 : vector<16xf32> to vector<16xf32>
        %get3A_230 = arith.index_cast %add3A_227 : i32 to index
        %get3A_231 = tpu.vector_load %arg18[%get3A_230] {strides = array<i32>} : memref<1024xf32, #tpu.memory_space<vmem>>, vector<16xf32>,
        %get3A_232 = vector.shape_cast %get3A_231 : vector<16xf32> to vector<16xf32>
        %mul3A_233 = arith.mulf %get3A_229, %get3A_232 : vector<16xf32>
        %get3A_234 = arith.index_cast %add3A_227 : i32 to index
        %get3A_235 = tpu.vector_load %arg11[%get3A_234] {strides = array<i32>} : memref<1024xf32, #tpu.memory_space<vmem>>, vector<16xf32>,
        %get3A_236 = vector.shape_cast %get3A_235 : vector<16xf32> to vector<16xf32>
        %add3A_237 = arith.constant 9.99999971E-10 : f32
        %add3A_238 = vector.broadcast %add3A_237 : f32 to vector<16xf32>
        %add3A_239 = arith.addf %get3A_236, %add3A_238 : vector<16xf32>
        %mul3A_240 = arith.mulf %mul3A_233, %add3A_239 : vector<16xf32>
        %swap3A = arith.index_cast %add3A_227 : i32 to index
        %swap3A_241 = tpu.vector_load %arg21[%swap3A] {strides = array<i32>} : memref<1024xf32, #tpu.memory_space<vmem>>, vector<16xf32>,
        %swap3A_242 = vector.shape_cast %swap3A_241 : vector<16xf32> to vector<16xf32>
        %swap3A_243 = vector.shape_cast %mul3A_240 : vector<16xf32> to vector<16xf32>
        tpu.vector_store %arg21[%swap3A], %swap3A_243 {strides = array<i32>} : memref<1024xf32, #tpu.memory_space<vmem>>, vector<16xf32>,
        %mul3A_244 = arith.constant 128 : i32
        %mul3A_245 = arith.muli %scan3A_223, %mul3A_244 : i32
        %add3A_246 = arith.constant 16 : i32
        %add3A_247 = arith.addi %mul3A_245, %add3A_246 : i32
        %get3A_248 = arith.index_cast %add3A_247 : i32 to index
        %get3A_249 = tpu.vector_load %arg17[%get3A_248] {strides = array<i32>} : memref<1024xf32, #tpu.memory_space<vmem>>, vector<16xf32>,
        %get3A_250 = vector.shape_cast %get3A_249 : vector<16xf32> to vector<16xf32>
        %get3A_251 = arith.index_cast %add3A_247 : i32 to index
        %get3A_252 = tpu.vector_load %arg18[%get3A_251] {strides = array<i32>} : memref<1024xf32, #tpu.memory_space<vmem>>, vector<16xf32>,
        %get3A_253 = vector.shape_cast %get3A_252 : vector<16xf32> to vector<16xf32>
        %mul3A_254 = arith.mulf %get3A_250, %get3A_253 : vector<16xf32>
        %get3A_255 = arith.index_cast %add3A_247 : i32 to index
        %get3A_256 = tpu.vector_load %arg11[%get3A_255] {strides = array<i32>} : memref<1024xf32, #tpu.memory_space<vmem>>, vector<16xf32>,
        %get3A_257 = vector.shape_cast %get3A_256 : vector<16xf32> to vector<16xf32>
        %add3A_258 = arith.constant 9.99999971E-10 : f32
        %add3A_259 = vector.broadcast %add3A_258 : f32 to vector<16xf32>
        %add3A_260 = arith.addf %get3A_257, %add3A_259 : vector<16xf32>
        %mul3A_261 = arith.mulf %mul3A_254, %add3A_260 : vector<16xf32>
        %swap3A_262 = arith.index_cast %add3A_247 : i32 to index
        %swap3A_263 = tpu.vector_load %arg21[%swap3A_262] {strides = array<i32>} : memref<1024xf32, #tpu.memory_space<vmem>>, vector<16xf32>,
        %swap3A_264 = vector.shape_cast %swap3A_263 : vector<16xf32> to vector<16xf32>
        %swap3A_265 = vector.shape_cast %mul3A_261 : vector<16xf32> to vector<16xf32>
        tpu.vector_store %arg21[%swap3A_262], %swap3A_265 {strides = array<i32>} : memref<1024xf32, #tpu.memory_space<vmem>>, vector<16xf32>,
        %mul3A_266 = arith.constant 128 : i32
        %mul3A_267 = arith.muli %scan3A_223, %mul3A_266 : i32
        %add3A_268 = arith.constant 32 : i32
        %add3A_269 = arith.addi %mul3A_267, %add3A_268 : i32
        %get3A_270 = arith.index_cast %add3A_269 : i32 to index
        %get3A_271 = tpu.vector_load %arg17[%get3A_270] {strides = array<i32>} : memref<1024xf32, #tpu.memory_space<vmem>>, vector<16xf32>,
        %get3A_272 = vector.shape_cast %get3A_271 : vector<16xf32> to vector<16xf32>
        %get3A_273 = arith.index_cast %add3A_269 : i32 to index
        %get3A_274 = tpu.vector_load %arg18[%get3A_273] {strides = array<i32>} : memref<1024xf32, #tpu.memory_space<vmem>>, vector<16xf32>,
        %get3A_275 = vector.shape_cast %get3A_274 : vector<16xf32> to vector<16xf32>
        %mul3A_276 = arith.mulf %get3A_272, %get3A_275 : vector<16xf32>
        %get3A_277 = arith.index_cast %add3A_269 : i32 to index
        %get3A_278 = tpu.vector_load %arg11[%get3A_277] {strides = array<i32>} : memref<1024xf32, #tpu.memory_space<vmem>>, vector<16xf32>,
        %get3A_279 = vector.shape_cast %get3A_278 : vector<16xf32> to vector<16xf32>
        %add3A_280 = arith.constant 9.99999971E-10 : f32
        %add3A_281 = vector.broadcast %add3A_280 : f32 to vector<16xf32>
        %add3A_282 = arith.addf %get3A_279, %add3A_281 : vector<16xf32>
        %mul3A_283 = arith.mulf %mul3A_276, %add3A_282 : vector<16xf32>
        %swap3A_284 = arith.index_cast %add3A_269 : i32 to index
        %swap3A_285 = tpu.vector_load %arg21[%swap3A_284] {strides = array<i32>} : memref<1024xf32, #tpu.memory_space<vmem>>, vector<16xf32>,
        %swap3A_286 = vector.shape_cast %swap3A_285 : vector<16xf32> to vector<16xf32>
        %swap3A_287 = vector.shape_cast %mul3A_283 : vector<16xf32> to vector<16xf32>
        tpu.vector_store %arg21[%swap3A_284], %swap3A_287 {strides = array<i32>} : memref<1024xf32, #tpu.memory_space<vmem>>, vector<16xf32>,
        %mul3A_288 = arith.constant 128 : i32
        %mul3A_289 = arith.muli %scan3A_223, %mul3A_288 : i32
        %add3A_290 = arith.constant 48 : i32
        %add3A_291 = arith.addi %mul3A_289, %add3A_290 : i32
        %get3A_292 = arith.index_cast %add3A_291 : i32 to index
        %get3A_293 = tpu.vector_load %arg17[%get3A_292] {strides = array<i32>} : memref<1024xf32, #tpu.memory_space<vmem>>, vector<16xf32>,
        %get3A_294 = vector.shape_cast %get3A_293 : vector<16xf32> to vector<16xf32>
        %get3A_295 = arith.index_cast %add3A_291 : i32 to index
        %get3A_296 = tpu.vector_load %arg18[%get3A_295] {strides = array<i32>} : memref<1024xf32, #tpu.memory_space<vmem>>, vector<16xf32>,
        %get3A_297 = vector.shape_cast %get3A_296 : vector<16xf32> to vector<16xf32>
        %mul3A_298 = arith.mulf %get3A_294, %get3A_297 : vector<16xf32>
        %get3A_299 = arith.index_cast %add3A_291 : i32 to index
        %get3A_300 = tpu.vector_load %arg11[%get3A_299] {strides = array<i32>} : memref<1024xf32, #tpu.memory_space<vmem>>, vector<16xf32>,
        %get3A_301 = vector.shape_cast %get3A_300 : vector<16xf32> to vector<16xf32>
        %add3A_302 = arith.constant 9.99999971E-10 : f32
        %add3A_303 = vector.broadcast %add3A_302 : f32 to vector<16xf32>
        %add3A_304 = arith.addf %get3A_301, %add3A_303 : vector<16xf32>
        %mul3A_305 = arith.mulf %mul3A_298, %add3A_304 : vector<16xf32>
        %swap3A_306 = arith.index_cast %add3A_291 : i32 to index
        %swap3A_307 = tpu.vector_load %arg21[%swap3A_306] {strides = array<i32>} : memref<1024xf32, #tpu.memory_space<vmem>>, vector<16xf32>,
        %swap3A_308 = vector.shape_cast %swap3A_307 : vector<16xf32> to vector<16xf32>
        %swap3A_309 = vector.shape_cast %mul3A_305 : vector<16xf32> to vector<16xf32>
        tpu.vector_store %arg21[%swap3A_306], %swap3A_309 {strides = array<i32>} : memref<1024xf32, #tpu.memory_space<vmem>>, vector<16xf32>,
        %mul3A_310 = arith.constant 128 : i32
        %mul3A_311 = arith.muli %scan3A_223, %mul3A_310 : i32
        %add3A_312 = arith.constant 64 : i32
        %add3A_313 = arith.addi %mul3A_311, %add3A_312 : i32
        %get3A_314 = arith.index_cast %add3A_313 : i32 to index
        %get3A_315 = tpu.vector_load %arg17[%get3A_314] {strides = array<i32>} : memref<1024xf32, #tpu.memory_space<vmem>>, vector<16xf32>,
        %get3A_316 = vector.shape_cast %get3A_315 : vector<16xf32> to vector<16xf32>
        %get3A_317 = arith.index_cast %add3A_313 : i32 to index
        %get3A_318 = tpu.vector_load %arg18[%get3A_317] {strides = array<i32>} : memref<1024xf32, #tpu.memory_space<vmem>>, vector<16xf32>,
        %get3A_319 = vector.shape_cast %get3A_318 : vector<16xf32> to vector<16xf32>
        %mul3A_320 = arith.mulf %get3A_316, %get3A_319 : vector<16xf32>
        %get3A_321 = arith.index_cast %add3A_313 : i32 to index
        %get3A_322 = tpu.vector_load %arg11[%get3A_321] {strides = array<i32>} : memref<1024xf32, #tpu.memory_space<vmem>>, vector<16xf32>,
        %get3A_323 = vector.shape_cast %get3A_322 : vector<16xf32> to vector<16xf32>
        %add3A_324 = arith.constant 9.99999971E-10 : f32
        %add3A_325 = vector.broadcast %add3A_324 : f32 to vector<16xf32>
        %add3A_326 = arith.addf %get3A_323, %add3A_325 : vector<16xf32>
        %mul3A_327 = arith.mulf %mul3A_320, %add3A_326 : vector<16xf32>
        %swap3A_328 = arith.index_cast %add3A_313 : i32 to index
        %swap3A_329 = tpu.vector_load %arg21[%swap3A_328] {strides = array<i32>} : memref<1024xf32, #tpu.memory_space<vmem>>, vector<16xf32>,
        %swap3A_330 = vector.shape_cast %swap3A_329 : vector<16xf32> to vector<16xf32>
        %swap3A_331 = vector.shape_cast %mul3A_327 : vector<16xf32> to vector<16xf32>
        tpu.vector_store %arg21[%swap3A_328], %swap3A_331 {strides = array<i32>} : memref<1024xf32, #tpu.memory_space<vmem>>, vector<16xf32>,
        %mul3A_332 = arith.constant 128 : i32
        %mul3A_333 = arith.muli %scan3A_223, %mul3A_332 : i32
        %add3A_334 = arith.constant 80 : i32
        %add3A_335 = arith.addi %mul3A_333, %add3A_334 : i32
        %get3A_336 = arith.index_cast %add3A_335 : i32 to index
        %get3A_337 = tpu.vector_load %arg17[%get3A_336] {strides = array<i32>} : memref<1024xf32, #tpu.memory_space<vmem>>, vector<16xf32>,
        %get3A_338 = vector.shape_cast %get3A_337 : vector<16xf32> to vector<16xf32>
        %get3A_339 = arith.index_cast %add3A_335 : i32 to index
        %get3A_340 = tpu.vector_load %arg18[%get3A_339] {strides = array<i32>} : memref<1024xf32, #tpu.memory_space<vmem>>, vector<16xf32>,
        %get3A_341 = vector.shape_cast %get3A_340 : vector<16xf32> to vector<16xf32>
        %mul3A_342 = arith.mulf %get3A_338, %get3A_341 : vector<16xf32>
        %get3A_343 = arith.index_cast %add3A_335 : i32 to index
        %get3A_344 = tpu.vector_load %arg11[%get3A_343] {strides = array<i32>} : memref<1024xf32, #tpu.memory_space<vmem>>, vector<16xf32>,
        %get3A_345 = vector.shape_cast %get3A_344 : vector<16xf32> to vector<16xf32>
        %add3A_346 = arith.constant 9.99999971E-10 : f32
        %add3A_347 = vector.broadcast %add3A_346 : f32 to vector<16xf32>
        %add3A_348 = arith.addf %get3A_345, %add3A_347 : vector<16xf32>
        %mul3A_349 = arith.mulf %mul3A_342, %add3A_348 : vector<16xf32>
        %swap3A_350 = arith.index_cast %add3A_335 : i32 to index
        %swap3A_351 = tpu.vector_load %arg21[%swap3A_350] {strides = array<i32>} : memref<1024xf32, #tpu.memory_space<vmem>>, vector<16xf32>,
        %swap3A_352 = vector.shape_cast %swap3A_351 : vector<16xf32> to vector<16xf32>
        %swap3A_353 = vector.shape_cast %mul3A_349 : vector<16xf32> to vector<16xf32>
        tpu.vector_store %arg21[%swap3A_350], %swap3A_353 {strides = array<i32>} : memref<1024xf32, #tpu.memory_space<vmem>>, vector<16xf32>,
        %mul3A_354 = arith.constant 128 : i32
        %mul3A_355 = arith.muli %scan3A_223, %mul3A_354 : i32
        %add3A_356 = arith.constant 96 : i32
        %add3A_357 = arith.addi %mul3A_355, %add3A_356 : i32
        %get3A_358 = arith.index_cast %add3A_357 : i32 to index
        %get3A_359 = tpu.vector_load %arg17[%get3A_358] {strides = array<i32>} : memref<1024xf32, #tpu.memory_space<vmem>>, vector<16xf32>,
        %get3A_360 = vector.shape_cast %get3A_359 : vector<16xf32> to vector<16xf32>
        %get3A_361 = arith.index_cast %add3A_357 : i32 to index
        %get3A_362 = tpu.vector_load %arg18[%get3A_361] {strides = array<i32>} : memref<1024xf32, #tpu.memory_space<vmem>>, vector<16xf32>,
        %get3A_363 = vector.shape_cast %get3A_362 : vector<16xf32> to vector<16xf32>
        %mul3A_364 = arith.mulf %get3A_360, %get3A_363 : vector<16xf32>
        %get3A_365 = arith.index_cast %add3A_357 : i32 to index
        %get3A_366 = tpu.vector_load %arg11[%get3A_365] {strides = array<i32>} : memref<1024xf32, #tpu.memory_space<vmem>>, vector<16xf32>,
        %get3A_367 = vector.shape_cast %get3A_366 : vector<16xf32> to vector<16xf32>
        %add3A_368 = arith.constant 9.99999971E-10 : f32
        %add3A_369 = vector.broadcast %add3A_368 : f32 to vector<16xf32>
        %add3A_370 = arith.addf %get3A_367, %add3A_369 : vector<16xf32>
        %mul3A_371 = arith.mulf %mul3A_364, %add3A_370 : vector<16xf32>
        %swap3A_372 = arith.index_cast %add3A_357 : i32 to index
        %swap3A_373 = tpu.vector_load %arg21[%swap3A_372] {strides = array<i32>} : memref<1024xf32, #tpu.memory_space<vmem>>, vector<16xf32>,
        %swap3A_374 = vector.shape_cast %swap3A_373 : vector<16xf32> to vector<16xf32>
        %swap3A_375 = vector.shape_cast %mul3A_371 : vector<16xf32> to vector<16xf32>
        tpu.vector_store %arg21[%swap3A_372], %swap3A_375 {strides = array<i32>} : memref<1024xf32, #tpu.memory_space<vmem>>, vector<16xf32>,
        %mul3A_376 = arith.constant 128 : i32
        %mul3A_377 = arith.muli %scan3A_223, %mul3A_376 : i32
        %add3A_378 = arith.constant 112 : i32
        %add3A_379 = arith.addi %mul3A_377, %add3A_378 : i32
        %get3A_380 = arith.index_cast %add3A_379 : i32 to index
        %get3A_381 = tpu.vector_load %arg17[%get3A_380] {strides = array<i32>} : memref<1024xf32, #tpu.memory_space<vmem>>, vector<16xf32>,
        %get3A_382 = vector.shape_cast %get3A_381 : vector<16xf32> to vector<16xf32>
        %get3A_383 = arith.index_cast %add3A_379 : i32 to index
        %get3A_384 = tpu.vector_load %arg18[%get3A_383] {strides = array<i32>} : memref<1024xf32, #tpu.memory_space<vmem>>, vector<16xf32>,
        %get3A_385 = vector.shape_cast %get3A_384 : vector<16xf32> to vector<16xf32>
        %mul3A_386 = arith.mulf %get3A_382, %get3A_385 : vector<16xf32>
        %get3A_387 = arith.index_cast %add3A_379 : i32 to index
        %get3A_388 = tpu.vector_load %arg11[%get3A_387] {strides = array<i32>} : memref<1024xf32, #tpu.memory_space<vmem>>, vector<16xf32>,
        %get3A_389 = vector.shape_cast %get3A_388 : vector<16xf32> to vector<16xf32>
        %add3A_390 = arith.constant 9.99999971E-10 : f32
        %add3A_391 = vector.broadcast %add3A_390 : f32 to vector<16xf32>
        %add3A_392 = arith.addf %get3A_389, %add3A_391 : vector<16xf32>
        %mul3A_393 = arith.mulf %mul3A_386, %add3A_392 : vector<16xf32>
        %swap3A_394 = arith.index_cast %add3A_379 : i32 to index
        %swap3A_395 = tpu.vector_load %arg21[%swap3A_394] {strides = array<i32>} : memref<1024xf32, #tpu.memory_space<vmem>>, vector<16xf32>,
        %swap3A_396 = vector.shape_cast %swap3A_395 : vector<16xf32> to vector<16xf32>
        %swap3A_397 = vector.shape_cast %mul3A_393 : vector<16xf32> to vector<16xf32>
        tpu.vector_store %arg21[%swap3A_394], %swap3A_397 {strides = array<i32>} : memref<1024xf32, #tpu.memory_space<vmem>>, vector<16xf32>,
      }
      %scan3A_167 = arith.constant 8 : i32
      %dma_start3A_168 = tpu.memref_slice %arg6[%mul3A_157] : memref<6400000xf32, #tpu.memory_space<hbm>> -> memref<1024xf32, #tpu.memory_space<hbm>>
      %dma_start3A_169 = tpu.memref_slice %arg6[%mul3A_157] : memref<6400000xf32, #tpu.memory_space<hbm>> -> memref<1024xf32, #tpu.memory_space<hbm>>
      tpu.enqueue_dma source(%arg21 : memref<1024xf32, #tpu.memory_space<vmem>>) target(%dma_start3A_169 : memref<1024xf32, #tpu.memory_space<hbm>>) target_semaphore(%arg26 : memref<!tpu.dma_semaphore, #tpu.memory_space<semaphore_mem>>)
      %mul3A_170 = arith.constant 128 : i32
      %mul3A_171 = arith.muli %add3A_114, %mul3A_170 : i32
      %dma_wait3A_172 = tpu.memref_slice %arg4[%mul3A_171] : memref<6400000xf32, #tpu.memory_space<hbm>> -> memref<1024xf32, #tpu.memory_space<hbm>>
      %dma_wait3A_173 = tpu.memref_slice %arg4[%mul3A_171] : memref<6400000xf32, #tpu.memory_space<hbm>> -> memref<1024xf32, #tpu.memory_space<hbm>>
      tpu.wait_dma2 semaphore(%arg24 : memref<!tpu.dma_semaphore, #tpu.memory_space<semaphore_mem>>) src(%dma_wait3A_173 : memref<1024xf32, #tpu.memory_space<hbm>>) dst(%arg14 : memref<1024xf32, #tpu.memory_space<vmem>>)
      %dma_wait3A_174 = arith.constant 0 : i32
      %dma_wait3A_175 = tpu.memref_slice %arg5[%dma_wait3A_174, %mul3A_171] : memref<2x6400000xi32, #tpu.memory_space<hbm>> -> memref<1x1024xi32, #tpu.memory_space<hbm>>
      %dma_wait3A_176 = tpu.memref_squeeze %dma_wait3A_175 : memref<1x1024xi32, #tpu.memory_space<hbm>> -> memref<1024xi32, #tpu.memory_space<hbm>>
      %dma_wait3A_177 = tpu.memref_slice %arg5[%dma_wait3A_174, %mul3A_171] : memref<2x6400000xi32, #tpu.memory_space<hbm>> -> memref<1x1024xi32, #tpu.memory_space<hbm>>
      %dma_wait3A_178 = tpu.memref_squeeze %dma_wait3A_177 : memref<1x1024xi32, #tpu.memory_space<hbm>> -> memref<1024xi32, #tpu.memory_space<hbm>>
      tpu.wait_dma2 semaphore(%arg24 : memref<!tpu.dma_semaphore, #tpu.memory_space<semaphore_mem>>) src(%dma_wait3A_178 : memref<1024xi32, #tpu.memory_space<hbm>>) dst(%arg15 : memref<1024xi32, #tpu.memory_space<vmem>>)
      %dma_wait3A_179 = arith.constant 1 : i32
      %dma_wait3A_180 = tpu.memref_slice %arg5[%dma_wait3A_179, %mul3A_171] : memref<2x6400000xi32, #tpu.memory_space<hbm>> -> memref<1x1024xi32, #tpu.memory_space<hbm>>
      %dma_wait3A_181 = tpu.memref_squeeze %dma_wait3A_180 : memref<1x1024xi32, #tpu.memory_space<hbm>> -> memref<1024xi32, #tpu.memory_space<hbm>>
      %dma_wait3A_182 = tpu.memref_slice %arg5[%dma_wait3A_179, %mul3A_171] : memref<2x6400000xi32, #tpu.memory_space<hbm>> -> memref<1x1024xi32, #tpu.memory_space<hbm>>
      %dma_wait3A_183 = tpu.memref_squeeze %dma_wait3A_182 : memref<1x1024xi32, #tpu.memory_space<hbm>> -> memref<1024xi32, #tpu.memory_space<hbm>>
      tpu.wait_dma2 semaphore(%arg24 : memref<!tpu.dma_semaphore, #tpu.memory_space<semaphore_mem>>) src(%dma_wait3A_183 : memref<1024xi32, #tpu.memory_space<hbm>>) dst(%arg16 : memref<1024xi32, #tpu.memory_space<vmem>>)
      %mul3A_184 = arith.constant 128 : i32
      %mul3A_185 = arith.muli %min3A_117, %mul3A_184 : i32
      %dma_start3A_186 = tpu.memref_slice %arg4[%mul3A_185] : memref<6400000xf32, #tpu.memory_space<hbm>> -> memref<1024xf32, #tpu.memory_space<hbm>>
      %dma_start3A_187 = tpu.memref_slice %arg4[%mul3A_185] : memref<6400000xf32, #tpu.memory_space<hbm>> -> memref<1024xf32, #tpu.memory_space<hbm>>
      tpu.enqueue_dma source(%dma_start3A_187 : memref<1024xf32, #tpu.memory_space<hbm>>) target(%arg11 : memref<1024xf32, #tpu.memory_space<vmem>>) target_semaphore(%arg23 : memref<!tpu.dma_semaphore, #tpu.memory_space<semaphore_mem>>)
      %dma_start3A_188 = arith.constant 0 : i32
      %dma_start3A_189 = tpu.memref_slice %arg5[%dma_start3A_188, %mul3A_185] : memref<2x6400000xi32, #tpu.memory_space<hbm>> -> memref<1x1024xi32, #tpu.memory_space<hbm>>
      %dma_start3A_190 = tpu.memref_squeeze %dma_start3A_189 : memref<1x1024xi32, #tpu.memory_space<hbm>> -> memref<1024xi32, #tpu.memory_space<hbm>>
      %dma_start3A_191 = tpu.memref_slice %arg5[%dma_start3A_188, %mul3A_185] : memref<2x6400000xi32, #tpu.memory_space<hbm>> -> memref<1x1024xi32, #tpu.memory_space<hbm>>
      %dma_start3A_192 = tpu.memref_squeeze %dma_start3A_191 : memref<1x1024xi32, #tpu.memory_space<hbm>> -> memref<1024xi32, #tpu.memory_space<hbm>>
      tpu.enqueue_dma source(%dma_start3A_192 : memref<1024xi32, #tpu.memory_space<hbm>>) target(%arg12 : memref<1024xi32, #tpu.memory_space<vmem>>) target_semaphore(%arg23 : memref<!tpu.dma_semaphore, #tpu.memory_space<semaphore_mem>>)
      %dma_start3A_193 = arith.constant 1 : i32
      %dma_start3A_194 = tpu.memref_slice %arg5[%dma_start3A_193, %mul3A_185] : memref<2x6400000xi32, #tpu.memory_space<hbm>> -> memref<1x1024xi32, #tpu.memory_space<hbm>>
      %dma_start3A_195 = tpu.memref_squeeze %dma_start3A_194 : memref<1x1024xi32, #tpu.memory_space<hbm>> -> memref<1024xi32, #tpu.memory_space<hbm>>
      %dma_start3A_196 = tpu.memref_slice %arg5[%dma_start3A_193, %mul3A_185] : memref<2x6400000xi32, #tpu.memory_space<hbm>> -> memref<1x1024xi32, #tpu.memory_space<hbm>>
      %dma_start3A_197 = tpu.memref_squeeze %dma_start3A_196 : memref<1x1024xi32, #tpu.memory_space<hbm>> -> memref<1024xi32, #tpu.memory_space<hbm>>
      tpu.enqueue_dma source(%dma_start3A_197 : memref<1024xi32, #tpu.memory_space<hbm>>) target(%arg13 : memref<1024xi32, #tpu.memory_space<vmem>>) target_semaphore(%arg23 : memref<!tpu.dma_semaphore, #tpu.memory_space<semaphore_mem>>)
      %eq3A_198 = arith.constant 0 : i32
      %eq3A_199 = arith.cmpi eq, %while3A_107, %eq3A_198 : i32
      %dma_start3A_200 = arith.constant 0 : i32
      %dma_start3A_201 = tpu.memref_slice %arg7[%dma_start3A_200] : memref<100352xf32, #tpu.memory_space<vmem_shared>> -> memref<100352xf32, #tpu.memory_space<vmem_shared>>
      tpu.enqueue_indirect_dma source(%dma_start3A_201 : memref<100352xf32, #tpu.memory_space<vmem_shared>>) target(%arg19 : memref<1024xf32, #tpu.memory_space<vmem>>) offsets(%arg15 : memref<1024xi32, #tpu.memory_space<vmem>>) semaphore(%arg25 : memref<!tpu.dma_semaphore, #tpu.memory_space<semaphore_mem>>)
      %dma_start3A_202 = arith.constant 0 : i32
      %dma_start3A_203 = tpu.memref_slice %arg8[%dma_start3A_202] : memref<100352xf32, #tpu.memory_space<vmem_shared>> -> memref<100352xf32, #tpu.memory_space<vmem_shared>>
      tpu.enqueue_indirect_dma source(%dma_start3A_203 : memref<100352xf32, #tpu.memory_space<vmem_shared>>) target(%arg20 : memref<1024xf32, #tpu.memory_space<vmem>>) offsets(%arg16 : memref<1024xi32, #tpu.memory_space<vmem>>) semaphore(%arg25 : memref<!tpu.dma_semaphore, #tpu.memory_space<semaphore_mem>>)
      %dma_wait3A_204 = arith.constant 0 : i32
      %dma_wait3A_205 = tpu.memref_slice %arg7[%dma_wait3A_204] : memref<100352xf32, #tpu.memory_space<vmem_shared>> -> memref<100352xf32, #tpu.memory_space<vmem_shared>>
      tpu.wait_indirect_dma semaphore(%arg25 : memref<!tpu.dma_semaphore, #tpu.memory_space<semaphore_mem>>) src(%dma_wait3A_205 : memref<100352xf32, #tpu.memory_space<vmem_shared>>) dst(%arg19 : memref<1024xf32, #tpu.memory_space<vmem>>)
      %dma_wait3A_206 = arith.constant 0 : i32
      %dma_wait3A_207 = tpu.memref_slice %arg8[%dma_wait3A_206] : memref<100352xf32, #tpu.memory_space<vmem_shared>> -> memref<100352xf32, #tpu.memory_space<vmem_shared>>
      tpu.wait_indirect_dma semaphore(%arg25 : memref<!tpu.dma_semaphore, #tpu.memory_space<semaphore_mem>>) src(%dma_wait3A_207 : memref<100352xf32, #tpu.memory_space<vmem_shared>>) dst(%arg20 : memref<1024xf32, #tpu.memory_space<vmem>>)
      %mul3A_208 = arith.constant 128 : i32
      %mul3A_209 = arith.muli %add3A_114, %mul3A_208 : i32
      %not3A_210 = arith.constant true
      %not3A_211 = arith.xori %eq3A_199, %not3A_210 : i1
      %convert_element_type3A_212 = arith.extui %not3A_211 : i1 to i32
      %cond3A_213 = arith.constant 0 : i32
      %cond3A_214 = arith.cmpi ne, %convert_element_type3A_212, %cond3A_213 : i32
      scf.if %cond3A_214 {
        %dma_wait3A_223 = tpu.memref_slice %arg6[%mul3A_209] : memref<6400000xf32, #tpu.memory_space<hbm>> -> memref<1024xf32, #tpu.memory_space<hbm>>
        %dma_wait3A_224 = tpu.memref_slice %arg6[%mul3A_209] : memref<6400000xf32, #tpu.memory_space<hbm>> -> memref<1024xf32, #tpu.memory_space<hbm>>
        tpu.wait_dma2 semaphore(%arg27 : memref<!tpu.dma_semaphore, #tpu.memory_space<semaphore_mem>>) src(%arg22 : memref<1024xf32, #tpu.memory_space<vmem>>) dst(%dma_wait3A_224 : memref<1024xf32, #tpu.memory_space<hbm>>)
      } else {
      }
      %scan3A_215 = arith.constant 0 : i32
      %scan3A_216 = arith.constant 0 : i32
      %scan3A_217 = arith.constant 8 : i32
      %scan3A_218 = arith.addi %scan3A_216, %scan3A_217 : i32
      %scan3A_219 = arith.constant 1 : i32
      scf.for %scan3A_223 = %scan3A_216 to %scan3A_218 step %scan3A_219  : i32 {
        %mul3A_224 = arith.constant 128 : i32
        %mul3A_225 = arith.muli %scan3A_223, %mul3A_224 : i32
        %add3A_226 = arith.constant 0 : i32
        %add3A_227 = arith.addi %mul3A_225, %add3A_226 : i32
        %get3A = arith.index_cast %add3A_227 : i32 to index
        %get3A_228 = tpu.vector_load %arg19[%get3A] {strides = array<i32>} : memref<1024xf32, #tpu.memory_space<vmem>>, vector<16xf32>,
        %get3A_229 = vector.shape_cast %get3A_228 : vector<16xf32> to vector<16xf32>
        %get3A_230 = arith.index_cast %add3A_227 : i32 to index
        %get3A_231 = tpu.vector_load %arg20[%get3A_230] {strides = array<i32>} : memref<1024xf32, #tpu.memory_space<vmem>>, vector<16xf32>,
        %get3A_232 = vector.shape_cast %get3A_231 : vector<16xf32> to vector<16xf32>
        %mul3A_233 = arith.mulf %get3A_229, %get3A_232 : vector<16xf32>
        %get3A_234 = arith.index_cast %add3A_227 : i32 to index
        %get3A_235 = tpu.vector_load %arg14[%get3A_234] {strides = array<i32>} : memref<1024xf32, #tpu.memory_space<vmem>>, vector<16xf32>,
        %get3A_236 = vector.shape_cast %get3A_235 : vector<16xf32> to vector<16xf32>
        %add3A_237 = arith.constant 9.99999971E-10 : f32
        %add3A_238 = vector.broadcast %add3A_237 : f32 to vector<16xf32>
        %add3A_239 = arith.addf %get3A_236, %add3A_238 : vector<16xf32>
        %mul3A_240 = arith.mulf %mul3A_233, %add3A_239 : vector<16xf32>
        %swap3A = arith.index_cast %add3A_227 : i32 to index
        %swap3A_241 = tpu.vector_load %arg22[%swap3A] {strides = array<i32>} : memref<1024xf32, #tpu.memory_space<vmem>>, vector<16xf32>,
        %swap3A_242 = vector.shape_cast %swap3A_241 : vector<16xf32> to vector<16xf32>
        %swap3A_243 = vector.shape_cast %mul3A_240 : vector<16xf32> to vector<16xf32>
        tpu.vector_store %arg22[%swap3A], %swap3A_243 {strides = array<i32>} : memref<1024xf32, #tpu.memory_space<vmem>>, vector<16xf32>,
        %mul3A_244 = arith.constant 128 : i32
        %mul3A_245 = arith.muli %scan3A_223, %mul3A_244 : i32
        %add3A_246 = arith.constant 16 : i32
        %add3A_247 = arith.addi %mul3A_245, %add3A_246 : i32
        %get3A_248 = arith.index_cast %add3A_247 : i32 to index
        %get3A_249 = tpu.vector_load %arg19[%get3A_248] {strides = array<i32>} : memref<1024xf32, #tpu.memory_space<vmem>>, vector<16xf32>,
        %get3A_250 = vector.shape_cast %get3A_249 : vector<16xf32> to vector<16xf32>
        %get3A_251 = arith.index_cast %add3A_247 : i32 to index
        %get3A_252 = tpu.vector_load %arg20[%get3A_251] {strides = array<i32>} : memref<1024xf32, #tpu.memory_space<vmem>>, vector<16xf32>,
        %get3A_253 = vector.shape_cast %get3A_252 : vector<16xf32> to vector<16xf32>
        %mul3A_254 = arith.mulf %get3A_250, %get3A_253 : vector<16xf32>
        %get3A_255 = arith.index_cast %add3A_247 : i32 to index
        %get3A_256 = tpu.vector_load %arg14[%get3A_255] {strides = array<i32>} : memref<1024xf32, #tpu.memory_space<vmem>>, vector<16xf32>,
        %get3A_257 = vector.shape_cast %get3A_256 : vector<16xf32> to vector<16xf32>
        %add3A_258 = arith.constant 9.99999971E-10 : f32
        %add3A_259 = vector.broadcast %add3A_258 : f32 to vector<16xf32>
        %add3A_260 = arith.addf %get3A_257, %add3A_259 : vector<16xf32>
        %mul3A_261 = arith.mulf %mul3A_254, %add3A_260 : vector<16xf32>
        %swap3A_262 = arith.index_cast %add3A_247 : i32 to index
        %swap3A_263 = tpu.vector_load %arg22[%swap3A_262] {strides = array<i32>} : memref<1024xf32, #tpu.memory_space<vmem>>, vector<16xf32>,
        %swap3A_264 = vector.shape_cast %swap3A_263 : vector<16xf32> to vector<16xf32>
        %swap3A_265 = vector.shape_cast %mul3A_261 : vector<16xf32> to vector<16xf32>
        tpu.vector_store %arg22[%swap3A_262], %swap3A_265 {strides = array<i32>} : memref<1024xf32, #tpu.memory_space<vmem>>, vector<16xf32>,
        %mul3A_266 = arith.constant 128 : i32
        %mul3A_267 = arith.muli %scan3A_223, %mul3A_266 : i32
        %add3A_268 = arith.constant 32 : i32
        %add3A_269 = arith.addi %mul3A_267, %add3A_268 : i32
        %get3A_270 = arith.index_cast %add3A_269 : i32 to index
        %get3A_271 = tpu.vector_load %arg19[%get3A_270] {strides = array<i32>} : memref<1024xf32, #tpu.memory_space<vmem>>, vector<16xf32>,
        %get3A_272 = vector.shape_cast %get3A_271 : vector<16xf32> to vector<16xf32>
        %get3A_273 = arith.index_cast %add3A_269 : i32 to index
        %get3A_274 = tpu.vector_load %arg20[%get3A_273] {strides = array<i32>} : memref<1024xf32, #tpu.memory_space<vmem>>, vector<16xf32>,
        %get3A_275 = vector.shape_cast %get3A_274 : vector<16xf32> to vector<16xf32>
        %mul3A_276 = arith.mulf %get3A_272, %get3A_275 : vector<16xf32>
        %get3A_277 = arith.index_cast %add3A_269 : i32 to index
        %get3A_278 = tpu.vector_load %arg14[%get3A_277] {strides = array<i32>} : memref<1024xf32, #tpu.memory_space<vmem>>, vector<16xf32>,
        %get3A_279 = vector.shape_cast %get3A_278 : vector<16xf32> to vector<16xf32>
        %add3A_280 = arith.constant 9.99999971E-10 : f32
        %add3A_281 = vector.broadcast %add3A_280 : f32 to vector<16xf32>
        %add3A_282 = arith.addf %get3A_279, %add3A_281 : vector<16xf32>
        %mul3A_283 = arith.mulf %mul3A_276, %add3A_282 : vector<16xf32>
        %swap3A_284 = arith.index_cast %add3A_269 : i32 to index
        %swap3A_285 = tpu.vector_load %arg22[%swap3A_284] {strides = array<i32>} : memref<1024xf32, #tpu.memory_space<vmem>>, vector<16xf32>,
        %swap3A_286 = vector.shape_cast %swap3A_285 : vector<16xf32> to vector<16xf32>
        %swap3A_287 = vector.shape_cast %mul3A_283 : vector<16xf32> to vector<16xf32>
        tpu.vector_store %arg22[%swap3A_284], %swap3A_287 {strides = array<i32>} : memref<1024xf32, #tpu.memory_space<vmem>>, vector<16xf32>,
        %mul3A_288 = arith.constant 128 : i32
        %mul3A_289 = arith.muli %scan3A_223, %mul3A_288 : i32
        %add3A_290 = arith.constant 48 : i32
        %add3A_291 = arith.addi %mul3A_289, %add3A_290 : i32
        %get3A_292 = arith.index_cast %add3A_291 : i32 to index
        %get3A_293 = tpu.vector_load %arg19[%get3A_292] {strides = array<i32>} : memref<1024xf32, #tpu.memory_space<vmem>>, vector<16xf32>,
        %get3A_294 = vector.shape_cast %get3A_293 : vector<16xf32> to vector<16xf32>
        %get3A_295 = arith.index_cast %add3A_291 : i32 to index
        %get3A_296 = tpu.vector_load %arg20[%get3A_295] {strides = array<i32>} : memref<1024xf32, #tpu.memory_space<vmem>>, vector<16xf32>,
        %get3A_297 = vector.shape_cast %get3A_296 : vector<16xf32> to vector<16xf32>
        %mul3A_298 = arith.mulf %get3A_294, %get3A_297 : vector<16xf32>
        %get3A_299 = arith.index_cast %add3A_291 : i32 to index
        %get3A_300 = tpu.vector_load %arg14[%get3A_299] {strides = array<i32>} : memref<1024xf32, #tpu.memory_space<vmem>>, vector<16xf32>,
        %get3A_301 = vector.shape_cast %get3A_300 : vector<16xf32> to vector<16xf32>
        %add3A_302 = arith.constant 9.99999971E-10 : f32
        %add3A_303 = vector.broadcast %add3A_302 : f32 to vector<16xf32>
        %add3A_304 = arith.addf %get3A_301, %add3A_303 : vector<16xf32>
        %mul3A_305 = arith.mulf %mul3A_298, %add3A_304 : vector<16xf32>
        %swap3A_306 = arith.index_cast %add3A_291 : i32 to index
        %swap3A_307 = tpu.vector_load %arg22[%swap3A_306] {strides = array<i32>} : memref<1024xf32, #tpu.memory_space<vmem>>, vector<16xf32>,
        %swap3A_308 = vector.shape_cast %swap3A_307 : vector<16xf32> to vector<16xf32>
        %swap3A_309 = vector.shape_cast %mul3A_305 : vector<16xf32> to vector<16xf32>
        tpu.vector_store %arg22[%swap3A_306], %swap3A_309 {strides = array<i32>} : memref<1024xf32, #tpu.memory_space<vmem>>, vector<16xf32>,
        %mul3A_310 = arith.constant 128 : i32
        %mul3A_311 = arith.muli %scan3A_223, %mul3A_310 : i32
        %add3A_312 = arith.constant 64 : i32
        %add3A_313 = arith.addi %mul3A_311, %add3A_312 : i32
        %get3A_314 = arith.index_cast %add3A_313 : i32 to index
        %get3A_315 = tpu.vector_load %arg19[%get3A_314] {strides = array<i32>} : memref<1024xf32, #tpu.memory_space<vmem>>, vector<16xf32>,
        %get3A_316 = vector.shape_cast %get3A_315 : vector<16xf32> to vector<16xf32>
        %get3A_317 = arith.index_cast %add3A_313 : i32 to index
        %get3A_318 = tpu.vector_load %arg20[%get3A_317] {strides = array<i32>} : memref<1024xf32, #tpu.memory_space<vmem>>, vector<16xf32>,
        %get3A_319 = vector.shape_cast %get3A_318 : vector<16xf32> to vector<16xf32>
        %mul3A_320 = arith.mulf %get3A_316, %get3A_319 : vector<16xf32>
        %get3A_321 = arith.index_cast %add3A_313 : i32 to index
        %get3A_322 = tpu.vector_load %arg14[%get3A_321] {strides = array<i32>} : memref<1024xf32, #tpu.memory_space<vmem>>, vector<16xf32>,
        %get3A_323 = vector.shape_cast %get3A_322 : vector<16xf32> to vector<16xf32>
        %add3A_324 = arith.constant 9.99999971E-10 : f32
        %add3A_325 = vector.broadcast %add3A_324 : f32 to vector<16xf32>
        %add3A_326 = arith.addf %get3A_323, %add3A_325 : vector<16xf32>
        %mul3A_327 = arith.mulf %mul3A_320, %add3A_326 : vector<16xf32>
        %swap3A_328 = arith.index_cast %add3A_313 : i32 to index
        %swap3A_329 = tpu.vector_load %arg22[%swap3A_328] {strides = array<i32>} : memref<1024xf32, #tpu.memory_space<vmem>>, vector<16xf32>,
        %swap3A_330 = vector.shape_cast %swap3A_329 : vector<16xf32> to vector<16xf32>
        %swap3A_331 = vector.shape_cast %mul3A_327 : vector<16xf32> to vector<16xf32>
        tpu.vector_store %arg22[%swap3A_328], %swap3A_331 {strides = array<i32>} : memref<1024xf32, #tpu.memory_space<vmem>>, vector<16xf32>,
        %mul3A_332 = arith.constant 128 : i32
        %mul3A_333 = arith.muli %scan3A_223, %mul3A_332 : i32
        %add3A_334 = arith.constant 80 : i32
        %add3A_335 = arith.addi %mul3A_333, %add3A_334 : i32
        %get3A_336 = arith.index_cast %add3A_335 : i32 to index
        %get3A_337 = tpu.vector_load %arg19[%get3A_336] {strides = array<i32>} : memref<1024xf32, #tpu.memory_space<vmem>>, vector<16xf32>,
        %get3A_338 = vector.shape_cast %get3A_337 : vector<16xf32> to vector<16xf32>
        %get3A_339 = arith.index_cast %add3A_335 : i32 to index
        %get3A_340 = tpu.vector_load %arg20[%get3A_339] {strides = array<i32>} : memref<1024xf32, #tpu.memory_space<vmem>>, vector<16xf32>,
        %get3A_341 = vector.shape_cast %get3A_340 : vector<16xf32> to vector<16xf32>
        %mul3A_342 = arith.mulf %get3A_338, %get3A_341 : vector<16xf32>
        %get3A_343 = arith.index_cast %add3A_335 : i32 to index
        %get3A_344 = tpu.vector_load %arg14[%get3A_343] {strides = array<i32>} : memref<1024xf32, #tpu.memory_space<vmem>>, vector<16xf32>,
        %get3A_345 = vector.shape_cast %get3A_344 : vector<16xf32> to vector<16xf32>
        %add3A_346 = arith.constant 9.99999971E-10 : f32
        %add3A_347 = vector.broadcast %add3A_346 : f32 to vector<16xf32>
        %add3A_348 = arith.addf %get3A_345, %add3A_347 : vector<16xf32>
        %mul3A_349 = arith.mulf %mul3A_342, %add3A_348 : vector<16xf32>
        %swap3A_350 = arith.index_cast %add3A_335 : i32 to index
        %swap3A_351 = tpu.vector_load %arg22[%swap3A_350] {strides = array<i32>} : memref<1024xf32, #tpu.memory_space<vmem>>, vector<16xf32>,
        %swap3A_352 = vector.shape_cast %swap3A_351 : vector<16xf32> to vector<16xf32>
        %swap3A_353 = vector.shape_cast %mul3A_349 : vector<16xf32> to vector<16xf32>
        tpu.vector_store %arg22[%swap3A_350], %swap3A_353 {strides = array<i32>} : memref<1024xf32, #tpu.memory_space<vmem>>, vector<16xf32>,
        %mul3A_354 = arith.constant 128 : i32
        %mul3A_355 = arith.muli %scan3A_223, %mul3A_354 : i32
        %add3A_356 = arith.constant 96 : i32
        %add3A_357 = arith.addi %mul3A_355, %add3A_356 : i32
        %get3A_358 = arith.index_cast %add3A_357 : i32 to index
        %get3A_359 = tpu.vector_load %arg19[%get3A_358] {strides = array<i32>} : memref<1024xf32, #tpu.memory_space<vmem>>, vector<16xf32>,
        %get3A_360 = vector.shape_cast %get3A_359 : vector<16xf32> to vector<16xf32>
        %get3A_361 = arith.index_cast %add3A_357 : i32 to index
        %get3A_362 = tpu.vector_load %arg20[%get3A_361] {strides = array<i32>} : memref<1024xf32, #tpu.memory_space<vmem>>, vector<16xf32>,
        %get3A_363 = vector.shape_cast %get3A_362 : vector<16xf32> to vector<16xf32>
        %mul3A_364 = arith.mulf %get3A_360, %get3A_363 : vector<16xf32>
        %get3A_365 = arith.index_cast %add3A_357 : i32 to index
        %get3A_366 = tpu.vector_load %arg14[%get3A_365] {strides = array<i32>} : memref<1024xf32, #tpu.memory_space<vmem>>, vector<16xf32>,
        %get3A_367 = vector.shape_cast %get3A_366 : vector<16xf32> to vector<16xf32>
        %add3A_368 = arith.constant 9.99999971E-10 : f32
        %add3A_369 = vector.broadcast %add3A_368 : f32 to vector<16xf32>
        %add3A_370 = arith.addf %get3A_367, %add3A_369 : vector<16xf32>
        %mul3A_371 = arith.mulf %mul3A_364, %add3A_370 : vector<16xf32>
        %swap3A_372 = arith.index_cast %add3A_357 : i32 to index
        %swap3A_373 = tpu.vector_load %arg22[%swap3A_372] {strides = array<i32>} : memref<1024xf32, #tpu.memory_space<vmem>>, vector<16xf32>,
        %swap3A_374 = vector.shape_cast %swap3A_373 : vector<16xf32> to vector<16xf32>
        %swap3A_375 = vector.shape_cast %mul3A_371 : vector<16xf32> to vector<16xf32>
        tpu.vector_store %arg22[%swap3A_372], %swap3A_375 {strides = array<i32>} : memref<1024xf32, #tpu.memory_space<vmem>>, vector<16xf32>,
        %mul3A_376 = arith.constant 128 : i32
        %mul3A_377 = arith.muli %scan3A_223, %mul3A_376 : i32
        %add3A_378 = arith.constant 112 : i32
        %add3A_379 = arith.addi %mul3A_377, %add3A_378 : i32
        %get3A_380 = arith.index_cast %add3A_379 : i32 to index
        %get3A_381 = tpu.vector_load %arg19[%get3A_380] {strides = array<i32>} : memref<1024xf32, #tpu.memory_space<vmem>>, vector<16xf32>,
        %get3A_382 = vector.shape_cast %get3A_381 : vector<16xf32> to vector<16xf32>
        %get3A_383 = arith.index_cast %add3A_379 : i32 to index
        %get3A_384 = tpu.vector_load %arg20[%get3A_383] {strides = array<i32>} : memref<1024xf32, #tpu.memory_space<vmem>>, vector<16xf32>,
        %get3A_385 = vector.shape_cast %get3A_384 : vector<16xf32> to vector<16xf32>
        %mul3A_386 = arith.mulf %get3A_382, %get3A_385 : vector<16xf32>
        %get3A_387 = arith.index_cast %add3A_379 : i32 to index
        %get3A_388 = tpu.vector_load %arg14[%get3A_387] {strides = array<i32>} : memref<1024xf32, #tpu.memory_space<vmem>>, vector<16xf32>,
        %get3A_389 = vector.shape_cast %get3A_388 : vector<16xf32> to vector<16xf32>
        %add3A_390 = arith.constant 9.99999971E-10 : f32
        %add3A_391 = vector.broadcast %add3A_390 : f32 to vector<16xf32>
        %add3A_392 = arith.addf %get3A_389, %add3A_391 : vector<16xf32>
        %mul3A_393 = arith.mulf %mul3A_386, %add3A_392 : vector<16xf32>
        %swap3A_394 = arith.index_cast %add3A_379 : i32 to index
        %swap3A_395 = tpu.vector_load %arg22[%swap3A_394] {strides = array<i32>} : memref<1024xf32, #tpu.memory_space<vmem>>, vector<16xf32>,
        %swap3A_396 = vector.shape_cast %swap3A_395 : vector<16xf32> to vector<16xf32>
        %swap3A_397 = vector.shape_cast %mul3A_393 : vector<16xf32> to vector<16xf32>
        tpu.vector_store %arg22[%swap3A_394], %swap3A_397 {strides = array<i32>} : memref<1024xf32, #tpu.memory_space<vmem>>, vector<16xf32>,
      }
      %scan3A_220 = arith.constant 8 : i32
      %dma_start3A_221 = tpu.memref_slice %arg6[%mul3A_209] : memref<6400000xf32, #tpu.memory_space<hbm>> -> memref<1024xf32, #tpu.memory_space<hbm>>
      %dma_start3A_222 = tpu.memref_slice %arg6[%mul3A_209] : memref<6400000xf32, #tpu.memory_space<hbm>> -> memref<1024xf32, #tpu.memory_space<hbm>>
      tpu.enqueue_dma source(%arg22 : memref<1024xf32, #tpu.memory_space<vmem>>) target(%dma_start3A_222 : memref<1024xf32, #tpu.memory_space<hbm>>) target_semaphore(%arg27 : memref<!tpu.dma_semaphore, #tpu.memory_space<semaphore_mem>>)
    }
    %mul3A_70 = arith.constant 128 : i32
    %mul3A_71 = arith.muli %add3A_28, %mul3A_70 : i32
    %dma_wait3A = tpu.memref_slice %arg4[%mul3A_71] : memref<6400000xf32, #tpu.memory_space<hbm>> -> memref<1024xf32, #tpu.memory_space<hbm>>
    %dma_wait3A_72 = tpu.memref_slice %arg4[%mul3A_71] : memref<6400000xf32, #tpu.memory_space<hbm>> -> memref<1024xf32, #tpu.memory_space<hbm>>
    tpu.wait_dma2 semaphore(%arg23 : memref<!tpu.dma_semaphore, #tpu.memory_space<semaphore_mem>>) src(%dma_wait3A_72 : memref<1024xf32, #tpu.memory_space<hbm>>) dst(%arg11 : memref<1024xf32, #tpu.memory_space<vmem>>)
    %dma_wait3A_73 = arith.constant 0 : i32
    %dma_wait3A_74 = tpu.memref_slice %arg5[%dma_wait3A_73, %mul3A_71] : memref<2x6400000xi32, #tpu.memory_space<hbm>> -> memref<1x1024xi32, #tpu.memory_space<hbm>>
    %dma_wait3A_75 = tpu.memref_squeeze %dma_wait3A_74 : memref<1x1024xi32, #tpu.memory_space<hbm>> -> memref<1024xi32, #tpu.memory_space<hbm>>
    %dma_wait3A_76 = tpu.memref_slice %arg5[%dma_wait3A_73, %mul3A_71] : memref<2x6400000xi32, #tpu.memory_space<hbm>> -> memref<1x1024xi32, #tpu.memory_space<hbm>>
    %dma_wait3A_77 = tpu.memref_squeeze %dma_wait3A_76 : memref<1x1024xi32, #tpu.memory_space<hbm>> -> memref<1024xi32, #tpu.memory_space<hbm>>
    tpu.wait_dma2 semaphore(%arg23 : memref<!tpu.dma_semaphore, #tpu.memory_space<semaphore_mem>>) src(%dma_wait3A_77 : memref<1024xi32, #tpu.memory_space<hbm>>) dst(%arg12 : memref<1024xi32, #tpu.memory_space<vmem>>)
    %dma_wait3A_78 = arith.constant 1 : i32
    %dma_wait3A_79 = tpu.memref_slice %arg5[%dma_wait3A_78, %mul3A_71] : memref<2x6400000xi32, #tpu.memory_space<hbm>> -> memref<1x1024xi32, #tpu.memory_space<hbm>>
    %dma_wait3A_80 = tpu.memref_squeeze %dma_wait3A_79 : memref<1x1024xi32, #tpu.memory_space<hbm>> -> memref<1024xi32, #tpu.memory_space<hbm>>
    %dma_wait3A_81 = tpu.memref_slice %arg5[%dma_wait3A_78, %mul3A_71] : memref<2x6400000xi32, #tpu.memory_space<hbm>> -> memref<1x1024xi32, #tpu.memory_space<hbm>>
    %dma_wait3A_82 = tpu.memref_squeeze %dma_wait3A_81 : memref<1x1024xi32, #tpu.memory_space<hbm>> -> memref<1024xi32, #tpu.memory_space<hbm>>
    tpu.wait_dma2 semaphore(%arg23 : memref<!tpu.dma_semaphore, #tpu.memory_space<semaphore_mem>>) src(%dma_wait3A_82 : memref<1024xi32, #tpu.memory_space<hbm>>) dst(%arg13 : memref<1024xi32, #tpu.memory_space<vmem>>)
    %jit3A_83 = arith.constant 2 : i32
    %eq3A = arith.constant 0 : i32
    %eq3A_84 = arith.cmpi eq, %jit3A_83, %eq3A : i32
    %jit3A_85 = arith.constant 1 : i32
    %select_n3A_86 = arith.select %eq3A_84, %jit3A_85, %jit3A_83 : i32
    %rem3A_87 = arith.remsi %select_n3A, %select_n3A_86 : i32
    %ne3A_88 = arith.constant 0 : i32
    %ne3A_89 = arith.cmpi ne, %rem3A_87, %ne3A_88 : i32
    %lt3A_90 = arith.constant 0 : i32
    %lt3A_91 = arith.cmpi slt, %rem3A_87, %lt3A_90 : i32
    %lt3A_92 = arith.constant 0 : i32
    %lt3A_93 = arith.cmpi slt, %select_n3A_86, %lt3A_92 : i32
    %ne3A_94 = arith.xori %lt3A_91, %lt3A_93 : i1
    %and3A_95 = arith.andi %ne3A_94, %ne3A_89 : i1
    %add3A_96 = arith.addi %rem3A_87, %select_n3A_86 : i32
    %select_n3A_97 = arith.select %and3A_95, %add3A_96, %rem3A_87 : i32
    %eq3A_98 = arith.constant 1 : i32
    %eq3A_99 = arith.cmpi eq, %select_n3A_97, %eq3A_98 : i32
    %convert_element_type3A = arith.extui %eq3A_99 : i1 to i32
    %cond3A = arith.constant 0 : i32
    %cond3A_100 = arith.cmpi ne, %convert_element_type3A, %cond3A : i32
    scf.if %cond3A_100 {
      %dma_start3A_107 = arith.constant 0 : i32
      %dma_start3A_108 = tpu.memref_slice %arg7[%dma_start3A_107] : memref<100352xf32, #tpu.memory_space<vmem_shared>> -> memref<100352xf32, #tpu.memory_space<vmem_shared>>
      tpu.enqueue_indirect_dma source(%dma_start3A_108 : memref<100352xf32, #tpu.memory_space<vmem_shared>>) target(%arg17 : memref<1024xf32, #tpu.memory_space<vmem>>) offsets(%arg12 : memref<1024xi32, #tpu.memory_space<vmem>>) semaphore(%arg25 : memref<!tpu.dma_semaphore, #tpu.memory_space<semaphore_mem>>)
      %dma_start3A_109 = arith.constant 0 : i32
      %dma_start3A_110 = tpu.memref_slice %arg8[%dma_start3A_109] : memref<100352xf32, #tpu.memory_space<vmem_shared>> -> memref<100352xf32, #tpu.memory_space<vmem_shared>>
      tpu.enqueue_indirect_dma source(%dma_start3A_110 : memref<100352xf32, #tpu.memory_space<vmem_shared>>) target(%arg18 : memref<1024xf32, #tpu.memory_space<vmem>>) offsets(%arg13 : memref<1024xi32, #tpu.memory_space<vmem>>) semaphore(%arg25 : memref<!tpu.dma_semaphore, #tpu.memory_space<semaphore_mem>>)
      %dma_wait3A_111 = arith.constant 0 : i32
      %dma_wait3A_112 = tpu.memref_slice %arg7[%dma_wait3A_111] : memref<100352xf32, #tpu.memory_space<vmem_shared>> -> memref<100352xf32, #tpu.memory_space<vmem_shared>>
      tpu.wait_indirect_dma semaphore(%arg25 : memref<!tpu.dma_semaphore, #tpu.memory_space<semaphore_mem>>) src(%dma_wait3A_112 : memref<100352xf32, #tpu.memory_space<vmem_shared>>) dst(%arg17 : memref<1024xf32, #tpu.memory_space<vmem>>)
      %dma_wait3A_113 = arith.constant 0 : i32
      %dma_wait3A_114 = tpu.memref_slice %arg8[%dma_wait3A_113] : memref<100352xf32, #tpu.memory_space<vmem_shared>> -> memref<100352xf32, #tpu.memory_space<vmem_shared>>
      tpu.wait_indirect_dma semaphore(%arg25 : memref<!tpu.dma_semaphore, #tpu.memory_space<semaphore_mem>>) src(%dma_wait3A_114 : memref<100352xf32, #tpu.memory_space<vmem_shared>>) dst(%arg18 : memref<1024xf32, #tpu.memory_space<vmem>>)
      %mul3A_115 = arith.constant 128 : i32
      %mul3A_116 = arith.muli %add3A_28, %mul3A_115 : i32
      %not3A = arith.constant false
      %not3A_117 = arith.constant true
      %not3A_118 = arith.xori %not3A, %not3A_117 : i1
      %convert_element_type3A_119 = arith.extui %not3A_118 : i1 to i32
      %cond3A_120 = arith.constant 0 : i32
      %cond3A_121 = arith.cmpi ne, %convert_element_type3A_119, %cond3A_120 : i32
      scf.if %cond3A_121 {
        %dma_wait3A_130 = tpu.memref_slice %arg6[%mul3A_116] : memref<6400000xf32, #tpu.memory_space<hbm>> -> memref<1024xf32, #tpu.memory_space<hbm>>
        %dma_wait3A_131 = tpu.memref_slice %arg6[%mul3A_116] : memref<6400000xf32, #tpu.memory_space<hbm>> -> memref<1024xf32, #tpu.memory_space<hbm>>
        tpu.wait_dma2 semaphore(%arg26 : memref<!tpu.dma_semaphore, #tpu.memory_space<semaphore_mem>>) src(%arg21 : memref<1024xf32, #tpu.memory_space<vmem>>) dst(%dma_wait3A_131 : memref<1024xf32, #tpu.memory_space<hbm>>)
      } else {
      }
      %scan3A_122 = arith.constant 0 : i32
      %scan3A_123 = arith.constant 0 : i32
      %scan3A_124 = arith.constant 8 : i32
      %scan3A_125 = arith.addi %scan3A_123, %scan3A_124 : i32
      %scan3A_126 = arith.constant 1 : i32
      scf.for %scan3A_130 = %scan3A_123 to %scan3A_125 step %scan3A_126  : i32 {
        %mul3A_131 = arith.constant 128 : i32
        %mul3A_132 = arith.muli %scan3A_130, %mul3A_131 : i32
        %add3A_133 = arith.constant 0 : i32
        %add3A_134 = arith.addi %mul3A_132, %add3A_133 : i32
        %get3A = arith.index_cast %add3A_134 : i32 to index
        %get3A_135 = tpu.vector_load %arg17[%get3A] {strides = array<i32>} : memref<1024xf32, #tpu.memory_space<vmem>>, vector<16xf32>,
        %get3A_136 = vector.shape_cast %get3A_135 : vector<16xf32> to vector<16xf32>
        %get3A_137 = arith.index_cast %add3A_134 : i32 to index
        %get3A_138 = tpu.vector_load %arg18[%get3A_137] {strides = array<i32>} : memref<1024xf32, #tpu.memory_space<vmem>>, vector<16xf32>,
        %get3A_139 = vector.shape_cast %get3A_138 : vector<16xf32> to vector<16xf32>
        %mul3A_140 = arith.mulf %get3A_136, %get3A_139 : vector<16xf32>
        %get3A_141 = arith.index_cast %add3A_134 : i32 to index
        %get3A_142 = tpu.vector_load %arg11[%get3A_141] {strides = array<i32>} : memref<1024xf32, #tpu.memory_space<vmem>>, vector<16xf32>,
        %get3A_143 = vector.shape_cast %get3A_142 : vector<16xf32> to vector<16xf32>
        %add3A_144 = arith.constant 9.99999971E-10 : f32
        %add3A_145 = vector.broadcast %add3A_144 : f32 to vector<16xf32>
        %add3A_146 = arith.addf %get3A_143, %add3A_145 : vector<16xf32>
        %mul3A_147 = arith.mulf %mul3A_140, %add3A_146 : vector<16xf32>
        %swap3A = arith.index_cast %add3A_134 : i32 to index
        %swap3A_148 = tpu.vector_load %arg21[%swap3A] {strides = array<i32>} : memref<1024xf32, #tpu.memory_space<vmem>>, vector<16xf32>,
        %swap3A_149 = vector.shape_cast %swap3A_148 : vector<16xf32> to vector<16xf32>
        %swap3A_150 = vector.shape_cast %mul3A_147 : vector<16xf32> to vector<16xf32>
        tpu.vector_store %arg21[%swap3A], %swap3A_150 {strides = array<i32>} : memref<1024xf32, #tpu.memory_space<vmem>>, vector<16xf32>,
        %mul3A_151 = arith.constant 128 : i32
        %mul3A_152 = arith.muli %scan3A_130, %mul3A_151 : i32
        %add3A_153 = arith.constant 16 : i32
        %add3A_154 = arith.addi %mul3A_152, %add3A_153 : i32
        %get3A_155 = arith.index_cast %add3A_154 : i32 to index
        %get3A_156 = tpu.vector_load %arg17[%get3A_155] {strides = array<i32>} : memref<1024xf32, #tpu.memory_space<vmem>>, vector<16xf32>,
        %get3A_157 = vector.shape_cast %get3A_156 : vector<16xf32> to vector<16xf32>
        %get3A_158 = arith.index_cast %add3A_154 : i32 to index
        %get3A_159 = tpu.vector_load %arg18[%get3A_158] {strides = array<i32>} : memref<1024xf32, #tpu.memory_space<vmem>>, vector<16xf32>,
        %get3A_160 = vector.shape_cast %get3A_159 : vector<16xf32> to vector<16xf32>
        %mul3A_161 = arith.mulf %get3A_157, %get3A_160 : vector<16xf32>
        %get3A_162 = arith.index_cast %add3A_154 : i32 to index
        %get3A_163 = tpu.vector_load %arg11[%get3A_162] {strides = array<i32>} : memref<1024xf32, #tpu.memory_space<vmem>>, vector<16xf32>,
        %get3A_164 = vector.shape_cast %get3A_163 : vector<16xf32> to vector<16xf32>
        %add3A_165 = arith.constant 9.99999971E-10 : f32
        %add3A_166 = vector.broadcast %add3A_165 : f32 to vector<16xf32>
        %add3A_167 = arith.addf %get3A_164, %add3A_166 : vector<16xf32>
        %mul3A_168 = arith.mulf %mul3A_161, %add3A_167 : vector<16xf32>
        %swap3A_169 = arith.index_cast %add3A_154 : i32 to index
        %swap3A_170 = tpu.vector_load %arg21[%swap3A_169] {strides = array<i32>} : memref<1024xf32, #tpu.memory_space<vmem>>, vector<16xf32>,
        %swap3A_171 = vector.shape_cast %swap3A_170 : vector<16xf32> to vector<16xf32>
        %swap3A_172 = vector.shape_cast %mul3A_168 : vector<16xf32> to vector<16xf32>
        tpu.vector_store %arg21[%swap3A_169], %swap3A_172 {strides = array<i32>} : memref<1024xf32, #tpu.memory_space<vmem>>, vector<16xf32>,
        %mul3A_173 = arith.constant 128 : i32
        %mul3A_174 = arith.muli %scan3A_130, %mul3A_173 : i32
        %add3A_175 = arith.constant 32 : i32
        %add3A_176 = arith.addi %mul3A_174, %add3A_175 : i32
        %get3A_177 = arith.index_cast %add3A_176 : i32 to index
        %get3A_178 = tpu.vector_load %arg17[%get3A_177] {strides = array<i32>} : memref<1024xf32, #tpu.memory_space<vmem>>, vector<16xf32>,
        %get3A_179 = vector.shape_cast %get3A_178 : vector<16xf32> to vector<16xf32>
        %get3A_180 = arith.index_cast %add3A_176 : i32 to index
        %get3A_181 = tpu.vector_load %arg18[%get3A_180] {strides = array<i32>} : memref<1024xf32, #tpu.memory_space<vmem>>, vector<16xf32>,
        %get3A_182 = vector.shape_cast %get3A_181 : vector<16xf32> to vector<16xf32>
        %mul3A_183 = arith.mulf %get3A_179, %get3A_182 : vector<16xf32>
        %get3A_184 = arith.index_cast %add3A_176 : i32 to index
        %get3A_185 = tpu.vector_load %arg11[%get3A_184] {strides = array<i32>} : memref<1024xf32, #tpu.memory_space<vmem>>, vector<16xf32>,
        %get3A_186 = vector.shape_cast %get3A_185 : vector<16xf32> to vector<16xf32>
        %add3A_187 = arith.constant 9.99999971E-10 : f32
        %add3A_188 = vector.broadcast %add3A_187 : f32 to vector<16xf32>
        %add3A_189 = arith.addf %get3A_186, %add3A_188 : vector<16xf32>
        %mul3A_190 = arith.mulf %mul3A_183, %add3A_189 : vector<16xf32>
        %swap3A_191 = arith.index_cast %add3A_176 : i32 to index
        %swap3A_192 = tpu.vector_load %arg21[%swap3A_191] {strides = array<i32>} : memref<1024xf32, #tpu.memory_space<vmem>>, vector<16xf32>,
        %swap3A_193 = vector.shape_cast %swap3A_192 : vector<16xf32> to vector<16xf32>
        %swap3A_194 = vector.shape_cast %mul3A_190 : vector<16xf32> to vector<16xf32>
        tpu.vector_store %arg21[%swap3A_191], %swap3A_194 {strides = array<i32>} : memref<1024xf32, #tpu.memory_space<vmem>>, vector<16xf32>,
        %mul3A_195 = arith.constant 128 : i32
        %mul3A_196 = arith.muli %scan3A_130, %mul3A_195 : i32
        %add3A_197 = arith.constant 48 : i32
        %add3A_198 = arith.addi %mul3A_196, %add3A_197 : i32
        %get3A_199 = arith.index_cast %add3A_198 : i32 to index
        %get3A_200 = tpu.vector_load %arg17[%get3A_199] {strides = array<i32>} : memref<1024xf32, #tpu.memory_space<vmem>>, vector<16xf32>,
        %get3A_201 = vector.shape_cast %get3A_200 : vector<16xf32> to vector<16xf32>
        %get3A_202 = arith.index_cast %add3A_198 : i32 to index
        %get3A_203 = tpu.vector_load %arg18[%get3A_202] {strides = array<i32>} : memref<1024xf32, #tpu.memory_space<vmem>>, vector<16xf32>,
        %get3A_204 = vector.shape_cast %get3A_203 : vector<16xf32> to vector<16xf32>
        %mul3A_205 = arith.mulf %get3A_201, %get3A_204 : vector<16xf32>
        %get3A_206 = arith.index_cast %add3A_198 : i32 to index
        %get3A_207 = tpu.vector_load %arg11[%get3A_206] {strides = array<i32>} : memref<1024xf32, #tpu.memory_space<vmem>>, vector<16xf32>,
        %get3A_208 = vector.shape_cast %get3A_207 : vector<16xf32> to vector<16xf32>
        %add3A_209 = arith.constant 9.99999971E-10 : f32
        %add3A_210 = vector.broadcast %add3A_209 : f32 to vector<16xf32>
        %add3A_211 = arith.addf %get3A_208, %add3A_210 : vector<16xf32>
        %mul3A_212 = arith.mulf %mul3A_205, %add3A_211 : vector<16xf32>
        %swap3A_213 = arith.index_cast %add3A_198 : i32 to index
        %swap3A_214 = tpu.vector_load %arg21[%swap3A_213] {strides = array<i32>} : memref<1024xf32, #tpu.memory_space<vmem>>, vector<16xf32>,
        %swap3A_215 = vector.shape_cast %swap3A_214 : vector<16xf32> to vector<16xf32>
        %swap3A_216 = vector.shape_cast %mul3A_212 : vector<16xf32> to vector<16xf32>
        tpu.vector_store %arg21[%swap3A_213], %swap3A_216 {strides = array<i32>} : memref<1024xf32, #tpu.memory_space<vmem>>, vector<16xf32>,
        %mul3A_217 = arith.constant 128 : i32
        %mul3A_218 = arith.muli %scan3A_130, %mul3A_217 : i32
        %add3A_219 = arith.constant 64 : i32
        %add3A_220 = arith.addi %mul3A_218, %add3A_219 : i32
        %get3A_221 = arith.index_cast %add3A_220 : i32 to index
        %get3A_222 = tpu.vector_load %arg17[%get3A_221] {strides = array<i32>} : memref<1024xf32, #tpu.memory_space<vmem>>, vector<16xf32>,
        %get3A_223 = vector.shape_cast %get3A_222 : vector<16xf32> to vector<16xf32>
        %get3A_224 = arith.index_cast %add3A_220 : i32 to index
        %get3A_225 = tpu.vector_load %arg18[%get3A_224] {strides = array<i32>} : memref<1024xf32, #tpu.memory_space<vmem>>, vector<16xf32>,
        %get3A_226 = vector.shape_cast %get3A_225 : vector<16xf32> to vector<16xf32>
        %mul3A_227 = arith.mulf %get3A_223, %get3A_226 : vector<16xf32>
        %get3A_228 = arith.index_cast %add3A_220 : i32 to index
        %get3A_229 = tpu.vector_load %arg11[%get3A_228] {strides = array<i32>} : memref<1024xf32, #tpu.memory_space<vmem>>, vector<16xf32>,
        %get3A_230 = vector.shape_cast %get3A_229 : vector<16xf32> to vector<16xf32>
        %add3A_231 = arith.constant 9.99999971E-10 : f32
        %add3A_232 = vector.broadcast %add3A_231 : f32 to vector<16xf32>
        %add3A_233 = arith.addf %get3A_230, %add3A_232 : vector<16xf32>
        %mul3A_234 = arith.mulf %mul3A_227, %add3A_233 : vector<16xf32>
        %swap3A_235 = arith.index_cast %add3A_220 : i32 to index
        %swap3A_236 = tpu.vector_load %arg21[%swap3A_235] {strides = array<i32>} : memref<1024xf32, #tpu.memory_space<vmem>>, vector<16xf32>,
        %swap3A_237 = vector.shape_cast %swap3A_236 : vector<16xf32> to vector<16xf32>
        %swap3A_238 = vector.shape_cast %mul3A_234 : vector<16xf32> to vector<16xf32>
        tpu.vector_store %arg21[%swap3A_235], %swap3A_238 {strides = array<i32>} : memref<1024xf32, #tpu.memory_space<vmem>>, vector<16xf32>,
        %mul3A_239 = arith.constant 128 : i32
        %mul3A_240 = arith.muli %scan3A_130, %mul3A_239 : i32
        %add3A_241 = arith.constant 80 : i32
        %add3A_242 = arith.addi %mul3A_240, %add3A_241 : i32
        %get3A_243 = arith.index_cast %add3A_242 : i32 to index
        %get3A_244 = tpu.vector_load %arg17[%get3A_243] {strides = array<i32>} : memref<1024xf32, #tpu.memory_space<vmem>>, vector<16xf32>,
        %get3A_245 = vector.shape_cast %get3A_244 : vector<16xf32> to vector<16xf32>
        %get3A_246 = arith.index_cast %add3A_242 : i32 to index
        %get3A_247 = tpu.vector_load %arg18[%get3A_246] {strides = array<i32>} : memref<1024xf32, #tpu.memory_space<vmem>>, vector<16xf32>,
        %get3A_248 = vector.shape_cast %get3A_247 : vector<16xf32> to vector<16xf32>
        %mul3A_249 = arith.mulf %get3A_245, %get3A_248 : vector<16xf32>
        %get3A_250 = arith.index_cast %add3A_242 : i32 to index
        %get3A_251 = tpu.vector_load %arg11[%get3A_250] {strides = array<i32>} : memref<1024xf32, #tpu.memory_space<vmem>>, vector<16xf32>,
        %get3A_252 = vector.shape_cast %get3A_251 : vector<16xf32> to vector<16xf32>
        %add3A_253 = arith.constant 9.99999971E-10 : f32
        %add3A_254 = vector.broadcast %add3A_253 : f32 to vector<16xf32>
        %add3A_255 = arith.addf %get3A_252, %add3A_254 : vector<16xf32>
        %mul3A_256 = arith.mulf %mul3A_249, %add3A_255 : vector<16xf32>
        %swap3A_257 = arith.index_cast %add3A_242 : i32 to index
        %swap3A_258 = tpu.vector_load %arg21[%swap3A_257] {strides = array<i32>} : memref<1024xf32, #tpu.memory_space<vmem>>, vector<16xf32>,
        %swap3A_259 = vector.shape_cast %swap3A_258 : vector<16xf32> to vector<16xf32>
        %swap3A_260 = vector.shape_cast %mul3A_256 : vector<16xf32> to vector<16xf32>
        tpu.vector_store %arg21[%swap3A_257], %swap3A_260 {strides = array<i32>} : memref<1024xf32, #tpu.memory_space<vmem>>, vector<16xf32>,
        %mul3A_261 = arith.constant 128 : i32
        %mul3A_262 = arith.muli %scan3A_130, %mul3A_261 : i32
        %add3A_263 = arith.constant 96 : i32
        %add3A_264 = arith.addi %mul3A_262, %add3A_263 : i32
        %get3A_265 = arith.index_cast %add3A_264 : i32 to index
        %get3A_266 = tpu.vector_load %arg17[%get3A_265] {strides = array<i32>} : memref<1024xf32, #tpu.memory_space<vmem>>, vector<16xf32>,
        %get3A_267 = vector.shape_cast %get3A_266 : vector<16xf32> to vector<16xf32>
        %get3A_268 = arith.index_cast %add3A_264 : i32 to index
        %get3A_269 = tpu.vector_load %arg18[%get3A_268] {strides = array<i32>} : memref<1024xf32, #tpu.memory_space<vmem>>, vector<16xf32>,
        %get3A_270 = vector.shape_cast %get3A_269 : vector<16xf32> to vector<16xf32>
        %mul3A_271 = arith.mulf %get3A_267, %get3A_270 : vector<16xf32>
        %get3A_272 = arith.index_cast %add3A_264 : i32 to index
        %get3A_273 = tpu.vector_load %arg11[%get3A_272] {strides = array<i32>} : memref<1024xf32, #tpu.memory_space<vmem>>, vector<16xf32>,
        %get3A_274 = vector.shape_cast %get3A_273 : vector<16xf32> to vector<16xf32>
        %add3A_275 = arith.constant 9.99999971E-10 : f32
        %add3A_276 = vector.broadcast %add3A_275 : f32 to vector<16xf32>
        %add3A_277 = arith.addf %get3A_274, %add3A_276 : vector<16xf32>
        %mul3A_278 = arith.mulf %mul3A_271, %add3A_277 : vector<16xf32>
        %swap3A_279 = arith.index_cast %add3A_264 : i32 to index
        %swap3A_280 = tpu.vector_load %arg21[%swap3A_279] {strides = array<i32>} : memref<1024xf32, #tpu.memory_space<vmem>>, vector<16xf32>,
        %swap3A_281 = vector.shape_cast %swap3A_280 : vector<16xf32> to vector<16xf32>
        %swap3A_282 = vector.shape_cast %mul3A_278 : vector<16xf32> to vector<16xf32>
        tpu.vector_store %arg21[%swap3A_279], %swap3A_282 {strides = array<i32>} : memref<1024xf32, #tpu.memory_space<vmem>>, vector<16xf32>,
        %mul3A_283 = arith.constant 128 : i32
        %mul3A_284 = arith.muli %scan3A_130, %mul3A_283 : i32
        %add3A_285 = arith.constant 112 : i32
        %add3A_286 = arith.addi %mul3A_284, %add3A_285 : i32
        %get3A_287 = arith.index_cast %add3A_286 : i32 to index
        %get3A_288 = tpu.vector_load %arg17[%get3A_287] {strides = array<i32>} : memref<1024xf32, #tpu.memory_space<vmem>>, vector<16xf32>,
        %get3A_289 = vector.shape_cast %get3A_288 : vector<16xf32> to vector<16xf32>
        %get3A_290 = arith.index_cast %add3A_286 : i32 to index
        %get3A_291 = tpu.vector_load %arg18[%get3A_290] {strides = array<i32>} : memref<1024xf32, #tpu.memory_space<vmem>>, vector<16xf32>,
        %get3A_292 = vector.shape_cast %get3A_291 : vector<16xf32> to vector<16xf32>
        %mul3A_293 = arith.mulf %get3A_289, %get3A_292 : vector<16xf32>
        %get3A_294 = arith.index_cast %add3A_286 : i32 to index
        %get3A_295 = tpu.vector_load %arg11[%get3A_294] {strides = array<i32>} : memref<1024xf32, #tpu.memory_space<vmem>>, vector<16xf32>,
        %get3A_296 = vector.shape_cast %get3A_295 : vector<16xf32> to vector<16xf32>
        %add3A_297 = arith.constant 9.99999971E-10 : f32
        %add3A_298 = vector.broadcast %add3A_297 : f32 to vector<16xf32>
        %add3A_299 = arith.addf %get3A_296, %add3A_298 : vector<16xf32>
        %mul3A_300 = arith.mulf %mul3A_293, %add3A_299 : vector<16xf32>
        %swap3A_301 = arith.index_cast %add3A_286 : i32 to index
        %swap3A_302 = tpu.vector_load %arg21[%swap3A_301] {strides = array<i32>} : memref<1024xf32, #tpu.memory_space<vmem>>, vector<16xf32>,
        %swap3A_303 = vector.shape_cast %swap3A_302 : vector<16xf32> to vector<16xf32>
        %swap3A_304 = vector.shape_cast %mul3A_300 : vector<16xf32> to vector<16xf32>
        tpu.vector_store %arg21[%swap3A_301], %swap3A_304 {strides = array<i32>} : memref<1024xf32, #tpu.memory_space<vmem>>, vector<16xf32>,
      }
      %scan3A_127 = arith.constant 8 : i32
      %dma_start3A_128 = tpu.memref_slice %arg6[%mul3A_116] : memref<6400000xf32, #tpu.memory_space<hbm>> -> memref<1024xf32, #tpu.memory_space<hbm>>
      %dma_start3A_129 = tpu.memref_slice %arg6[%mul3A_116] : memref<6400000xf32, #tpu.memory_space<hbm>> -> memref<1024xf32, #tpu.memory_space<hbm>>
      tpu.enqueue_dma source(%arg21 : memref<1024xf32, #tpu.memory_space<vmem>>) target(%dma_start3A_129 : memref<1024xf32, #tpu.memory_space<hbm>>) target_semaphore(%arg26 : memref<!tpu.dma_semaphore, #tpu.memory_space<semaphore_mem>>)
    } else {
    }
    %mul3A_101 = arith.constant 128 : i32
    %mul3A_102 = arith.muli %add3A_28, %mul3A_101 : i32
    %dma_wait3A_103 = tpu.memref_slice %arg6[%mul3A_102] : memref<6400000xf32, #tpu.memory_space<hbm>> -> memref<1024xf32, #tpu.memory_space<hbm>>
    %dma_wait3A_104 = tpu.memref_slice %arg6[%mul3A_102] : memref<6400000xf32, #tpu.memory_space<hbm>> -> memref<1024xf32, #tpu.memory_space<hbm>>
    tpu.wait_dma2 semaphore(%arg26 : memref<!tpu.dma_semaphore, #tpu.memory_space<semaphore_mem>>) src(%arg21 : memref<1024xf32, #tpu.memory_space<vmem>>) dst(%dma_wait3A_104 : memref<1024xf32, #tpu.memory_space<hbm>>)
    %dma_wait3A_105 = tpu.memref_slice %arg6[%mul3A_102] : memref<6400000xf32, #tpu.memory_space<hbm>> -> memref<1024xf32, #tpu.memory_space<hbm>>
    %dma_wait3A_106 = tpu.memref_slice %arg6[%mul3A_102] : memref<6400000xf32, #tpu.memory_space<hbm>> -> memref<1024xf32, #tpu.memory_space<hbm>>
    tpu.wait_dma2 semaphore(%arg27 : memref<!tpu.dma_semaphore, #tpu.memory_space<semaphore_mem>>) src(%arg22 : memref<1024xf32, #tpu.memory_space<vmem>>) dst(%dma_wait3A_106 : memref<1024xf32, #tpu.memory_space<hbm>>)
    return
  }
}

</mosaic_0001>

<sc_bundles>
// kernel: kernel.4.cloned.1.call-start
scs
__scs_entry_jumppad:
0x0: {  	(pc) =	sbr.rel $0x88, $3  }
0x1: {  	(tag) =	ssettag $0x0;
	lr =	simm.s32 $0x1  }
0x2: {  	[smem:$0x3F9F] =	sst lr;
	_ =	strace $0xD0000000  }
0x3: {  	_ = 	snop  }
0x4: {  	_ = 	snop  }
0x5: {  	_ = 	snop  }
0x6: {  	_ = 	snop  }
0x7: {  	_ = 	snop  }
__scs_overlays_trampoline_lowered:
0x8: {  	[smem:$0x3FAE] =	sst s0  }
0x9: {  	[smem:$0x3FAF] =	sst s1  }
0xa: {  	[smem:$0x3FB0] =	sst s2  }
0xb: {  	[smem:$0x3FB1] =	sst s3  }
0xc: {  	[smem:$0x3FB2] =	sst s4  }
0xd: {  	[smem:$0x3FB3] =	sst s5  }
0xe: {  	[smem:$0x3FB4] =	sst s6  }
0xf: {  	[smem:$0x3FB5] =	sst s7  }
0x10: {  	[smem:$0x3FB6] =	sst s8  }
0x11: {  	[smem:$0x3FB7] =	sst s9;
	s0 =	simm.s32 @!p0 $0x0  }
0x12: {  	s1 =	sld [smem:$0x3F9D];
	s0 =	simm.s32 @p0 $0x1  }
0x13: {  	[smem:$0x3FB8] =	sst s0;
	s0 =	simm.s32 @!p1 $0x0  }
0x14: {  	s2 =	sld [smem:$0x3F9C];
	s0 =	simm.s32 @p1 $0x1  }
0x15: {  	[smem:$0x3FB9] =	sst s0;
	s0 =	simm.s32 @!p2 $0x0  }
0x16: {  	s3 =	sld [smem:$0x3FDB];
	s0 =	simm.s32 @p2 $0x1  }
0x17: {  	s4 =	simm.s32 $0x1BF5;
	[smem:$0x3FBB] =	sst s0  }
0x18: {  	s0 =	sld [smem:$0x3F9E];
	_ =	swait.ge [sflag:s4], $0x0  }
0x19: {  	s7 =	sld [smem:$0x3F9F]  }
0x1a: {  	s8 =	sadd.s32 $0xFFFFE003, lr  }
0x1b: {  	s9 =	sadd.s32 $0xFFFFFEF7, lr;
	s5 =	simm.s32 $0xFFFFFFFF;
	p2 =	slt.u32 s8, $0xFFFFF086  }
0x1c: {  	p1 =	slt.u32 s9, $0xF7A;
	s5 =	simm.s32 @!p2 $0x0  }
0x1d: {  	s5 =	simm.s32 @p1 $0x1;
	p0 =	seq.s32 s7, s2  }
0x1e: {  	s7 =	smul.u32 @!p0 $0xF7A, s2;
	p2 =	seq.s32 @!p0 s5, $0x0  }
0x1f: {  	s9 =	smul.u32 $0xF7A, s1;
	s8 =	simm.s32 @!p0 $0x1BF5;
	p2 =	por !p2, p0  }
0x20: {  	[sflag:s8] =	ssyncset.s32 @!p0 $0xFFFFF086;
	s6 =	sadd.s32 @!p0 s3, s7;
	s7 =	simm.s32 @!p0 $0x108  }
0x21: {  	s3 =	sadd.s32 s3, s9;
	s6 =	sadd.s32 @!p0 $0x88, s6;
	s7 =	simm.s32 @p2 $0x1082  }
0x22: {  	[simem:s7], [sflag:s8] =	dma.local @!p0 [hbm:s6], $0xF7A  }
0x23: {  	s9 =	sor.u32 $0xD0000000, s2;
	s6 =	simm.s32 $0x108;
	_ =	swait.ge @!p0 [sflag:s8], $0x0  }
0x24: {  	s3 =	sadd.s32 $0x88, s3;
	s6 =	simm.s32 @!p1 $0x1082;
	[sflag:s4] =	ssyncset.s32 $0xFFFFF086  }
0x25: {  	[simem:s6], [sflag:s4] =	dma.local [hbm:s3], $0xF7A  }
0x26: {  	[smem:$0x3F9F] =	sst s1;
	(tag) =	ssettag s2;
	_ =	strace s9  }
0x27: {  	s1 =	sld [smem:$0x3FAF]  }
0x28: {  	s2 =	sld [smem:$0x3FB0]  }
0x29: {  	s4 =	sld [smem:$0x3FB2]  }
0x2a: {  	p0 =	seq.s32 s5, $0x0;
	s5 =	sld [smem:$0x3FB3]  }
0x2b: {  	s6 =	sld [smem:$0x3FB4]  }
0x2c: {  	s7 =	sld [smem:$0x3FB5]  }
0x2d: {  	s3 =	simm.s32 $0x108;
	s8 =	sld [smem:$0x3FB6]  }
0x2e: {  	s3 =	simm.s32 @!p0 $0x1082;
	s9 =	sld [smem:$0x3FB7]  }
0x2f: {  	lr =	sadd.s32 s0, s3;
	s0 =	sld [smem:$0x3FAE]  }
0x30: {  	s3 =	sld [smem:$0x3FB1]  }
0x31: {  	[smem:$0x3FBA] =	sst s10  }
0x32: {  	s10 =	sld [smem:$0x3FB8];
	_ =	sdelay $0x3  }
0x33: {  	p0 =	seq.s32 s10, $0x1;
	s10 =	sld [smem:$0x3FBA];
	_ =	sdelay $0x3  }
0x34: {  	[smem:$0x3FBA] =	sst s10  }
0x35: {  	s10 =	sld [smem:$0x3FB9];
	_ =	sdelay $0x3  }
0x36: {  	p1 =	seq.s32 s10, $0x1;
	s10 =	sld [smem:$0x3FBA];
	_ =	sdelay $0x3  }
0x37: {  	[smem:$0x3FBA] =	sst s10  }
0x38: {  	s10 =	sld [smem:$0x3FBB]  }
0x39: {  	_ = 	snop;
	(pc) =	sbr.ind lr, $3  }
0x3a: {  	_ = 	snop  }
0x3b: {  	_ = 	snop  }
0x3c: {  	p2 =	seq.s32 s10, $0x1;
	s10 =	sld [smem:$0x3FBA]  }
0x3d: {  	_ =	shalt  }
0x3e: {  	_ =	shalt  }
0x3f: {  	_ =	shalt  }
0x40: {  	_ =	shalt  }
0x41: {  	_ =	shalt  }
0x42: {  	_ =	shalt  }
0x43: {  	_ =	shalt  }
0x44: {  	_ =	shalt  }
0x45: {  	_ =	shalt  }
0x46: {  	_ =	shalt  }
0x47: {  	_ =	shalt  }
0x48: {  	_ =	shalt  }
0x49: {  	_ =	shalt  }
0x4a: {  	_ =	shalt  }
0x4b: {  	_ =	shalt  }
0x4c: {  	_ =	shalt  }
0x4d: {  	_ =	shalt  }
0x4e: {  	_ =	shalt  }
0x4f: {  	_ =	shalt  }
0x50: {  	_ =	shalt  }
0x51: {  	_ =	shalt  }
0x52: {  	_ =	shalt  }
0x53: {  	_ =	shalt  }
0x54: {  	_ =	shalt  }
0x55: {  	_ =	shalt  }
0x56: {  	_ =	shalt  }
0x57: {  	_ =	shalt  }
0x58: {  	_ =	shalt  }
0x59: {  	_ =	shalt  }
0x5a: {  	_ =	shalt  }
0x5b: {  	_ =	shalt  }
0x5c: {  	_ =	shalt  }
0x5d: {  	_ =	shalt  }
0x5e: {  	_ =	shalt  }
0x5f: {  	_ =	shalt  }
0x60: {  	_ =	shalt  }
0x61: {  	_ =	shalt  }
0x62: {  	_ =	shalt  }
0x63: {  	_ =	shalt  }
0x64: {  	_ =	shalt  }
0x65: {  	_ =	shalt  }
0x66: {  	_ =	shalt  }
0x67: {  	_ =	shalt  }
0x68: {  	_ =	shalt  }
0x69: {  	_ =	shalt  }
0x6a: {  	_ =	shalt  }
0x6b: {  	_ =	shalt  }
0x6c: {  	_ =	shalt  }
0x6d: {  	_ =	shalt  }
0x6e: {  	_ =	shalt  }
0x6f: {  	_ =	shalt  }
0x70: {  	_ =	shalt  }
0x71: {  	_ =	shalt  }
0x72: {  	_ =	shalt  }
0x73: {  	_ =	shalt  }
0x74: {  	_ =	shalt  }
0x75: {  	_ =	shalt  }
0x76: {  	_ =	shalt  }
0x77: {  	_ =	shalt  }
0x78: {  	_ =	shalt  }
0x79: {  	_ =	shalt  }
0x7a: {  	_ =	shalt  }
0x7b: {  	_ =	shalt  }
0x7c: {  	_ =	shalt  }
0x7d: {  	_ =	shalt  }
0x7e: {  	_ =	shalt  }
0x7f: {  	_ =	shalt  }
0x80: {  	_ =	shalt  }
0x81: {  	_ =	shalt  }
0x82: {  	_ =	shalt  }
0x83: {  	_ =	shalt  }
0x84: {  	_ =	shalt  }
0x85: {  	_ =	shalt  }
0x86: {  	_ =	shalt  }
0x87: {  	_ =	shalt  }
.Lfunc_end0:
.L_simem_size_0:
called_computation_lowered:
.L_overlay_start_0:
0x88: {  	s2 =	sld [smem:$0x3FD9]  }
0x89: {  	s3 =	sld [smem:$0x3FFE];
	_ =	sdelay $0x1  }
0x8a: {  	s1 =	srdreg.scid  }
0x8b: {  	s0 =	sand.u32 $0x1, s1  }
0x8c: {  	s17 =	sshll.u32 s0, $0xA;
	s2 =	sadd.s32 s3, s2  }
0x8d: {  	s2 =	sadd.s32 s2, s17  }
0x8e: {  	[smem:$0x3FC6] =	sst s2  }
0x8f: {  	_ = 	snop  }
0x90: {  	s2 =	sld [smem:$0x3FC9]  }
0x91: {  	s18 =	sld [smem:$0x3FC8];
	(tm) =	ssettm $0x1  }
0x92: {  	s4 =	sld [smem:$0x3FFB];
	_ =	sdelay $0x3  }
0x93: {  	_ =	strace s4  }
0x94: {  	s4 =	sld [smem:$0x3FFC];
	_ =	sdelay $0x3  }
0x95: {  	_ =	strace s4  }
0x96: {  	s4 =	sld [smem:$0x3FFD];
	_ =	sdelay $0x3  }
0x97: {  	_ =	strace s4  }
0x98: {  	_ =	strace $0x8FFFFFFF  }
0x99: {  	s19 =	sld [smem:$0x3FDB];
	_ =	sdelay $0x1  }
0x9a: {  	s5 =	simm.s32 $_scs_section_size  }
0x9b: {  	s6 =	simm.s32 $_size__tile_overlayer_lowered;
	s7 =	simm.s32 $_tile_overlayer_lowered  }
0x9c: {  	s22 =	simm.s32 $0x1BFF;
	s21 =	sshll.u32 s7, $0x1;
	s4 =	sadd.s32 s5, s19  }
0x9d: {  	s8 =	simm.s32 $0x0;
	s20 =	sshll.u32 s6, $0x1;
	s6 =	sadd.s32 s21, s4  }
0x9e: {  	[timem:s8], [sflag:s22] =	dma.local [hbm:s6], s20  }
0x9f: {  	_ =	swait.ge [sflag:s22], s20  }
0xa0: {  	s5 =	ssub.s32 $0x0, s20;
	[sflag:s22] =	ssyncset.done $0x0  }
0xa1: {  	[sflag:s22] =	ssyncadd.s32 s5;
	_ =	sdelay $0x1  }
0xa2: {  	s23 =	simm.s32 $0x1B8B  }
0xa3: {  	_ =	swait.ge [sflag:s23], $0x1  }
0xa4: {  	[sflag:s23] =	ssyncset.done $0x0  }
0xa5: {  	s25 =	simm.s32 $0x1B8E;
	s24 =	sld [smem:$0x3FFE];
	[sflag:s23] =	ssyncadd.s32 $0xFFFFFFFF  }
0xa6: {  	s26 =	simm.s32 $execute0_lowered;
	[smem:$0x3FD2] =	sst s25  }
0xa7: {  	s6 =	sshll.u32 s26, $0x1;
	_ =	strace $0x80000046;
	[dreg:$0x1] =	wrdreg $0xFFFFFFFF  }
0xa8: {  	s28 =	simm.s32 $_size_execute0_lowered;
	s4 =	sadd.s32 s4, s6;
	[dreg:$0x0] =	wrdreg $0x0  }
0xa9: {  	s6 =	sshll.u32 s28, $0x1;
	[dreg:$0x2] =	wrdreg s4  }
0xaa: {  	[dreg:$0x3] =	wrdreg s6  }
0xab: {  	[dreg:$0x4] =	wrdreg $0xC0  }
0xac: {  	_ =	task [dreg:s8], $0x5FFFF  }
0xad: {  	[dreg:$0x1] =	wrdreg $0xFFFFFFFF  }
0xae: {  	[dreg:$0x0] =	wrdreg $0x60  }
0xaf: {  	[dreg:$0x2] =	wrdreg s2  }
0xb0: {  	[dreg:$0x3] =	wrdreg s18  }
0xb1: {  	[dreg:$0x4] =	wrdreg s24  }
0xb2: {  	[dreg:$0x5] =	wrdreg $0x0  }
0xb3: {  	[dreg:$0x6] =	wrdreg $0x18800  }
0xb4: {  	[dreg:$0x7] =	wrdreg $0x9  }
0xb5: {  	_ =	task.clear_ibuf [dreg:s8], $0x8FFFF;
	_ =	strace $0x90000046  }
0xb6: {  	s29 =	simm.s32 $0x9;
	_ =	strace $0x80000048  }
0xb7: {  	_ =	swait.ge [sflag:s29], $0x1  }
0xb8: {  	[sflag:s29] =	ssyncadd.s32 $0xFFFFFFFF  }
0xb9: {  	_ =	strace $0x90000048  }
0xba: {  	_ =	sfence  }
0xbb: {  	s30 =	sld [smem:$0x0];
	_ =	sdelay $0x2  }
0xbc: {  	s31 =	sshll.u32 s1, $0xD;
	s1 =	sshrl.u32 s1, $0x2  }
0xbd: {  	s3 =	sand.u32 $0x4000, s31;
	s1 =	sadd.s32 s1, s30  }
0xbe: {  	s0 =	sor.u32 s3, s0;
	s1 =	sshll.u32 s1, $0x11  }
0xbf: {  	s0 =	sor.u32 s1, s0  }
0xc0: {  	s0 =	sadd.s32 $0x8F2B, s0  }
0xc1: {  	[sflag:s0] =	ssyncadd.remote.s32 $0x1  }
0xc2: {  	_ =	sfence.sel $0xFFFF  }
0xc3: {  	[dreg:$0x0] =	wrdreg $0xFFFFFFFF;
	(pc) =	sbr.abs _section_cstart, $3  }
0xc4: {  	[dreg:$0x1] =	wrdreg $0xFFFFFFFF  }
0xc5: {  	_ =	task.clear_ibuf [dreg:s8], $0x2FFFF;
	_ =	strace $0x9FFFFFFF  }
0xc6: {  	(tm) =	ssettm $0x7FFFFFFF  }
0xc7: {  	_ =	shalt  }
tec
execute0_lowered:
.L_overlay_start_1:
0x0: {  	(tag) =	ssettag $0x1  }
0x1: {  	s0 =	rddreg [dreg:$0x0]  }
0x2: {  	s2 =	rddreg [dreg:$0x1]  }
0x3: {  	s1 =	rddreg [dreg:$0x2]  }
0x4: {  	s4 =	rddreg [dreg:$0x3];
	s3 =	srdreg.scid  }
0x5: {  	s9 =	stileid.u32;
	s5 =	rddreg [dreg:$0x4]  }
0x6: {  	s6 =	simm.s32 $0x0;
	s11 =	simm.s32 $0xC4;
	s20 =	simm.s32 $0x4  }
0x7: {  	s28 =	simm.s32 $0x3D00;
	s29 =	simm.s32 $0x4100;
	s30 =	simm.s32 $0x4500  }
0x8: {  	s31 =	simm.s32 $0x400;
	s3 =	sand.u32 $0x1, s3;
	s7 =	smul.u32 $0x3100, s9  }
0x9: {  	[smem:$0x7FF] =	sst s6;
	s21 =	sshll.u32 s9, $0x1;
	p0 =	slt.u32 s9, $0x5  }
0xa: {  	s9 =	smul.u32 $0x1880, s9;
	s8 =	sshll.u32 s3, $0x7;
	_ =	strace $0x80000047  }
0xb: {  	s11 =	simm.s32 @!p0 $0xC3;
	s7 =	sor.u32 s8, s7;
	s8 =	sor.u32 s3, s21  }
0xc: {  	s3 =	ssub.s32 $0x2, s3;
	s10 =	sshll.u32 s11, $0x3;
	s15 =	sshrl.u32 s11, $0x1  }
0xd: {  	s11 =	sand.u32 $0x1, s11;
	s21 =	simm.s32 $0x3100;
	s7 =	sshrl.u32 s7, $0x3  }
0xe: {  	s22 =	smul.u32 $0xC3, s8;
	s8 =	smin.u32 s8, $0xA;
	s23 =	sshrl.u32 s3, $0x1  }
0xf: {  	p0 =	seq.s32 s11, $0x0;
	s1 =	sadd.s32 s7, s1;
	s3 =	ssub.s32 s3, s23  }
0x10: {  	s23 =	simm.s32 $0x100;
	s12 =	sadd.s32 s8, s22;
	s8 =	sadd.s32 s9, s4  }
0x11: {  	s9 =	sadd.s32 s9, s5;
	s25 =	sadd.s32 $0xC00, s1;
	s1 =	sadd.s32 $0x6E00, s1  }
0x12: {  	s26 =	smax.u32 s3, $0x1;
	s22 =	simm.s32 $0x80;
	s3 =	simm.s32 $0x3  }
0x13: {  	s7 =	sshll.u32 s12, $0x3;
	s13 =	sshll.u32 s12, $0x7;
	[dreg:$0x9] =	wrdreg s25  }
0x14: {  	s24 =	sshll.u32 s12, $0x8;
	s12 =	sadd.s32 $0x10, s2;
	[dreg:$0xa] =	wrdreg s1  }
.Ltmp0:
0x15: {  	[dreg:$0xb] =	wrdreg s26;
	s25 =	simm.s32 $0x3900;
	(pc) =	sbr.rel .LBB2_1-.Ltmp0, $4  }
0x16: {  	s26 =	simm.s32 $0x1;
	s1 =	simm.s32 $0x2;
	s13 =	sadd.s32 s0, s13  }
0x17: {  	s10 =	sadd.s32 s7, s10;
	s14 =	sadd.s32 s2, s24;
	[dreg:$0x6] =	wrdreg s13  }
0x18: {  	s10 =	sadd.s32 $0xFFFFFFF8, s10;
	[dreg:$0x7] =	wrdreg s14;
	s13 =	sadd.s32 s24, s12  }
0x19: {  	v0 =	vimm.f32 $0.0e+00;
	s24 =	simm.s32 $0x3500;
	[dreg:$0x8] =	wrdreg s13;
	s13 =	simm.s32 $0x10  }
.LBB2_13:
0x1a: {  	s11 =	stileid.u32  }
0x1b: {  	[bflag:$0x0] =	sbarrier.arrive $0xFFFF;
	s14 =	sshrl.u32 s8, $0x3;
	s11 =	sshll.u32 s11, $0x6  }
0x1c: {  	s17 =	simm.s32 $0x20;
	s16 =	rddreg [dreg:$0x9];
	s11 =	sor.u32 $0x1C04, s11  }
0x1d: {  	[hbm:s16@s17], [sflag:s11] =	dma.strided [spmem:s14@s13], $0x310, s26, $0x10   }
0x1e: {  	_ =	swait.ge [sflag:s20], $0x310  }
0x1f: {  	[sflag:s20] =	ssyncset.done $0x0  }
0x20: {  	s16 =	sshrl.u32 s9, $0x3;
	s18 =	rddreg [dreg:$0xa];
	[sflag:s20] =	ssyncadd.s32 $0xFFFFFCF0  }
0x21: {  	[hbm:s18@s17], [sflag:s11] =	dma.strided [spmem:s16@s13], $0x310, s26, $0x10   }
0x22: {  	_ =	swait.ge [sflag:s20], $0x310  }
0x23: {  	s6 =	sadd.s32 $0x1, s6;
	s19 =	rddreg [dreg:$0xb]  }
0x24: {  	p1 =	sne.s32 s6, s19  }
.Ltmp1:
0x25: {  	_ = 	snop;
	(pc) =	sbr.rel @!p1 .LBB2_14-.Ltmp1, $3  }
0x26: {  	_ =	sdelay $0x1  }
0x27: {  	[sflag:s20] =	ssyncset.done $0x0  }
0x28: {  	[sflag:s20] =	ssyncadd.s32 $0xFFFFFCF0  }
.LBB2_1:
0x29: {  	s14 =	simm.s32 $0x40;
	s16 =	simm.s32 $0x0  }
.LBB2_2:
0x2a: {  	p1 =	sne.s32 s14, $0x61C0;
	[tilespmem:s16+$0x4900] =	vst v0;
	s16 =	smov.u32 s14;
	s14 =	sadd.s32 $0x40, s14  }
.Ltmp2:
0x2b: {  	(pc) =	sbr.rel @p1 .LBB2_2-.Ltmp2, $2  }
0x2c: {  	_ =	sdelay $0x2  }
0x2d: {  	s16 =	sshra.s32 s16, $0x2  }
0x2e: {  	[tilespmem:s16+$0x4900] =	vst v0;
	s11 =	simm.s32 $0x4900  }
0x2f: {  	[spmem:s8] =	stream.linear.scatter [tilespmem:s11], [sflag:$0x4], $0x1880, $0x38;
	[tilespmem:$0x6180] =	vst v63  }
0x30: {  	_ =	swait.ge [sflag:s20], $0x1880  }
0x31: {  	[sflag:s20] =	ssyncset.done $0x0  }
0x32: {  	[sflag:s20] =	ssyncadd.s32 $0xFFFFE780  }
0x33: {  	[spmem:s9] =	stream.linear.scatter [tilespmem:s11], [sflag:$0x4], $0x1880, $0x38;
	[tilespmem:$0x6180] =	vst v63  }
0x34: {  	_ =	swait.ge [sflag:s20], $0x1880  }
0x35: {  	[sflag:s20] =	ssyncset.done $0x0  }
0x36: {  	[sflag:s20] =	ssyncadd.s32 $0xFFFFE780  }
0x37: {  	[bflag:$0x0] =	sbarrier.arrive $0xFFFF  }
0x38: {  	s14 =	simm.s32 $0x0;
	s17 =	rddreg [dreg:$0x6]  }
0x39: {  	[tilespmem:s21], [sflag:$0x1] =	stream.linear.gather [hbm4b:s17+s14], $0x400, $0x38;
	[tilespmem:$0x6180] =	vst v63  }
0x3a: {  	s18 =	rddreg [dreg:$0x7]  }
0x3b: {  	[tilespmem:s24], [sflag:$0x1] =	stream.strided.gather [hbm4b:s18+s22], $0x400, s23, s22, $0x38;
	[tilespmem:$0x6180] =	vst v63  }
0x3c: {  	s19 =	rddreg [dreg:$0x8]  }
0x3d: {  	[tilespmem:s25], [sflag:$0x1] =	stream.strided.gather [hbm4b:s19+s22], $0x400, s23, s22, $0x38;
	[tilespmem:$0x6180] =	vst v63  }
0x3e: {  	s19 =	simm.s32 $0x0  }
.LBB2_4:
0x3f: {  	_ =	swait.ge [sflag:s26], $0x400  }
0x40: {  	[sflag:s26] =	ssyncset.done $0x0  }
0x41: {  	[sflag:s26] =	ssyncadd.s32 $0xFFFFFC00  }
0x42: {  	s16 =	sshll.u32 s19, $0x4;
	_ =	swait.ge [sflag:s26], $0x400  }
0x43: {  	s16 =	sadd.s32 s7, s16;
	[sflag:s26] =	ssyncset.done $0x0  }
0x44: {  	s17 =	sadd.s32 $0x8, s16;
	[sflag:s26] =	ssyncadd.s32 $0xFFFFFC00  }
0x45: {  	s18 =	sshll.u32 s17, $0x4;
	_ =	swait.ge [sflag:s26], $0x400  }
0x46: {  	s17 =	sshll.u32 s17, $0x5;
	s18 =	sand.u32 $0x1FFFFF80, s18;
	[sflag:s26] =	ssyncset.done $0x0  }
0x47: {  	s17 =	sand.u32 $0x1FFFFF00, s17;
	s18 =	sadd.s32 s0, s18;
	[sflag:s26] =	ssyncadd.s32 $0xFFFFFC00  }
0x48: {  	[tilespmem:s28], [sflag:$0x2] =	stream.linear.gather [hbm4b:s18+s14], $0x400, $0x38;
	[tilespmem:$0x6180] =	vst v63  }
0x49: {  	s11 =	sadd.s32 s2, s17  }
0x4a: {  	[tilespmem:s29], [sflag:$0x2] =	stream.strided.gather [hbm4b:s11+s22], $0x400, s23, s22, $0x38;
	[tilespmem:$0x6180] =	vst v63  }
0x4b: {  	s17 =	sadd.s32 s17, s12  }
0x4c: {  	[tilespmem:s30], [sflag:$0x2] =	stream.strided.gather [hbm4b:s17+s22], $0x400, s23, s22, $0x38;
	[tilespmem:$0x6180] =	vst v63  }
0x4d: {  	s17 =	simm.s32 $0x0  }
0x4e: {  	v4 =	vld [tilespmem:s17+$0x3100]  }
0x4f: {  	v6 =	vld [tilespmem:s17+$0x3110]  }
0x50: {  	v5 =	vld [tilespmem:s17+$0x3120]  }
0x51: {  	v3 =	vld [tilespmem:s17+$0x3130]  }
0x52: {  	v1 =	vld [tilespmem:s17+$0x3140]  }
0x53: {  	v2 =	vld [tilespmem:s17+$0x3150];
	v7 =	vadd.f32 $9.999999710e-10, v4  }
0x54: {  	s18 =	simm.s32 $0x200;
	v6 =	vadd.f32 $9.999999710e-10, v6;
	v4 =	vld [tilespmem:s17+$0x3160]  }
.LBB2_5:
0x55: {  	s11 =	sshra.s32 s18, $0x2;
	p1 =	sne.s32 s18, $0xE00;
	[tilespmem:s17+$0x3100] =	vst v7;
	v5 =	vadd.f32 $9.999999710e-10, v5;
	v7 =	vld [tilespmem:s17+$0x3170]  }
0x56: {  	v8 =	vld [tilespmem:s11+$0x3100];
	[tilespmem:s17+$0x3110] =	vst v6;
	v3 =	vadd.f32 $9.999999710e-10, v3  }
0x57: {  	v6 =	vld [tilespmem:s11+$0x3110];
	[tilespmem:s17+$0x3120] =	vst v5;
	v1 =	vadd.f32 $9.999999710e-10, v1  }
.Ltmp3:
0x58: {  	v5 =	vld [tilespmem:s11+$0x3120];
	[tilespmem:s17+$0x3130] =	vst v3;
	v2 =	vadd.f32 $9.999999710e-10, v2;
	(pc) =	sbr.rel @p1 .LBB2_5-.Ltmp3, $4  }
0x59: {  	v3 =	vld [tilespmem:s11+$0x3130];
	[tilespmem:s17+$0x3140] =	vst v1;
	v4 =	vadd.f32 $9.999999710e-10, v4  }
0x5a: {  	v1 =	vld [tilespmem:s11+$0x3140];
	[tilespmem:s17+$0x3150] =	vst v2;
	v9 =	vadd.f32 $9.999999710e-10, v7  }
0x5b: {  	v7 =	vadd.f32 $9.999999710e-10, v8;
	v2 =	vld [tilespmem:s11+$0x3150];
	[tilespmem:s17+$0x3160] =	vst v4  }
0x5c: {  	s18 =	sadd.s32 $0x200, s18;
	v6 =	vadd.f32 $9.999999710e-10, v6;
	v4 =	vld [tilespmem:s11+$0x3160];
	[tilespmem:s17+$0x3170] =	vst v9;
	s17 =	smov.u32 s11  }
0x5d: {  	[tilespmem:s17+$0x3100] =	vst v7;
	v5 =	vadd.f32 $9.999999710e-10, v5;
	v7 =	vld [tilespmem:s17+$0x3170]  }
0x5e: {  	[tilespmem:s17+$0x3110] =	vst v6;
	v3 =	vadd.f32 $9.999999710e-10, v3  }
0x5f: {  	[tilespmem:s17+$0x3120] =	vst v5;
	v1 =	vadd.f32 $9.999999710e-10, v1  }
0x60: {  	[tilespmem:s17+$0x3130] =	vst v3;
	v2 =	vadd.f32 $9.999999710e-10, v2  }
0x61: {  	[tilespmem:s17+$0x3140] =	vst v1;
	v1 =	vadd.f32 $9.999999710e-10, v4  }
0x62: {  	[tilespmem:s17+$0x3150] =	vst v2;
	v2 =	vadd.f32 $9.999999710e-10, v7  }
0x63: {  	[tilespmem:s17+$0x3160] =	vst v1  }
0x64: {  	[tilespmem:s17+$0x3170] =	vst v2  }
0x65: {  	[spmem:s4] =	stream.indirect.scatter.add.f32 [tilespmem:s21], [sflag:$0x3], $0x1, s24, s31, $0xb8;
	[tilespmem:$0x6180] =	vst v63  }
0x66: {  	_ = 	snop  }
0x67: {  	[spmem:s5] =	stream.indirect.scatter.add.f32 [tilespmem:s21], [sflag:$0x3], $0x1, s25, s31, $0xb8;
	[tilespmem:$0x6180] =	vst v63  }
0x68: {  	_ =	swait.ge [sflag:s3], $0x400  }
0x69: {  	[sflag:s3] =	ssyncset.done $0x0  }
0x6a: {  	[sflag:s3] =	ssyncadd.s32 $0xFFFFFC00  }
0x6b: {  	_ =	swait.ge [sflag:s3], $0x400  }
0x6c: {  	[sflag:s3] =	ssyncset.done $0x0  }
0x6d: {  	[sflag:s3] =	ssyncadd.s32 $0xFFFFFC00  }
0x6e: {  	_ =	swait.ge [sflag:s1], $0x400  }
0x6f: {  	[sflag:s1] =	ssyncset.done $0x0  }
0x70: {  	[sflag:s1] =	ssyncadd.s32 $0xFFFFFC00  }
0x71: {  	s11 =	sadd.s32 $0x10, s16;
	_ =	swait.ge [sflag:s1], $0x400  }
0x72: {  	s16 =	smov.u32 s10;
	p1 =	slt.s32 s11, s10;
	[sflag:s1] =	ssyncset.done $0x0  }
0x73: {  	s16 =	smov.u32 @p1 s11;
	[sflag:s1] =	ssyncadd.s32 $0xFFFFFC00  }
0x74: {  	s11 =	sshll.u32 s16, $0x4;
	_ =	swait.ge [sflag:s1], $0x400  }
0x75: {  	s18 =	simm.s32 $0x0;
	s11 =	sand.u32 $0x1FFFFF80, s11;
	[sflag:s1] =	ssyncset.done $0x0  }
0x76: {  	s11 =	sadd.s32 s0, s11;
	s17 =	sshll.u32 s16, $0x5;
	[sflag:s1] =	ssyncadd.s32 $0xFFFFFC00  }
0x77: {  	[tilespmem:s21], [sflag:$0x1] =	stream.linear.gather [hbm4b:s11+s18], $0x400, $0x38;
	[tilespmem:$0x6180] =	vst v63  }
0x78: {  	s11 =	sand.u32 $0x1FFFFF00, s17  }
0x79: {  	s18 =	sadd.s32 s2, s11  }
0x7a: {  	[tilespmem:s24], [sflag:$0x1] =	stream.strided.gather [hbm4b:s18+s22], $0x400, s23, s22, $0x38;
	[tilespmem:$0x6180] =	vst v63  }
0x7b: {  	s16 =	simm.s32 $0x0;
	s11 =	sadd.s32 s11, s12  }
0x7c: {  	[tilespmem:s25], [sflag:$0x1] =	stream.strided.gather [hbm4b:s11+s22], $0x400, s23, s22, $0x38;
	[tilespmem:$0x6180] =	vst v63  }
0x7d: {  	v4 =	vld [tilespmem:s16+$0x3D00]  }
0x7e: {  	v6 =	vld [tilespmem:s16+$0x3D10]  }
0x7f: {  	v5 =	vld [tilespmem:s16+$0x3D20]  }
0x80: {  	v3 =	vld [tilespmem:s16+$0x3D30]  }
0x81: {  	v1 =	vld [tilespmem:s16+$0x3D40]  }
0x82: {  	v2 =	vld [tilespmem:s16+$0x3D50];
	v7 =	vadd.f32 $9.999999710e-10, v4  }
0x83: {  	s17 =	simm.s32 $0x200;
	v6 =	vadd.f32 $9.999999710e-10, v6;
	v4 =	vld [tilespmem:s16+$0x3D60]  }
.LBB2_7:
0x84: {  	s11 =	sshra.s32 s17, $0x2;
	p1 =	sne.s32 s17, $0xE00;
	[tilespmem:s16+$0x3D00] =	vst v7;
	v5 =	vadd.f32 $9.999999710e-10, v5;
	v7 =	vld [tilespmem:s16+$0x3D70]  }
0x85: {  	v8 =	vld [tilespmem:s11+$0x3D00];
	[tilespmem:s16+$0x3D10] =	vst v6;
	v3 =	vadd.f32 $9.999999710e-10, v3  }
0x86: {  	v6 =	vld [tilespmem:s11+$0x3D10];
	[tilespmem:s16+$0x3D20] =	vst v5;
	v1 =	vadd.f32 $9.999999710e-10, v1  }
.Ltmp4:
0x87: {  	v5 =	vld [tilespmem:s11+$0x3D20];
	[tilespmem:s16+$0x3D30] =	vst v3;
	v2 =	vadd.f32 $9.999999710e-10, v2;
	(pc) =	sbr.rel @p1 .LBB2_7-.Ltmp4, $4  }
0x88: {  	v3 =	vld [tilespmem:s11+$0x3D30];
	[tilespmem:s16+$0x3D40] =	vst v1;
	v4 =	vadd.f32 $9.999999710e-10, v4  }
0x89: {  	v1 =	vld [tilespmem:s11+$0x3D40];
	[tilespmem:s16+$0x3D50] =	vst v2;
	v9 =	vadd.f32 $9.999999710e-10, v7  }
0x8a: {  	v7 =	vadd.f32 $9.999999710e-10, v8;
	v2 =	vld [tilespmem:s11+$0x3D50];
	[tilespmem:s16+$0x3D60] =	vst v4  }
0x8b: {  	s17 =	sadd.s32 $0x200, s17;
	v6 =	vadd.f32 $9.999999710e-10, v6;
	v4 =	vld [tilespmem:s11+$0x3D60];
	[tilespmem:s16+$0x3D70] =	vst v9;
	s16 =	smov.u32 s11  }
0x8c: {  	[tilespmem:s16+$0x3D00] =	vst v7;
	v5 =	vadd.f32 $9.999999710e-10, v5;
	v63 =	vld [tilespmem:s16+$0x3D70]  }
0x8d: {  	[tilespmem:s16+$0x3D10] =	vst v6;
	v3 =	vadd.f32 $9.999999710e-10, v3  }
0x8e: {  	[tilespmem:s16+$0x3D20] =	vst v5;
	v1 =	vadd.f32 $9.999999710e-10, v1  }
0x8f: {  	[tilespmem:s16+$0x3D30] =	vst v3;
	v2 =	vadd.f32 $9.999999710e-10, v2  }
0x90: {  	[tilespmem:s16+$0x3D40] =	vst v1;
	v1 =	vadd.f32 $9.999999710e-10, v4  }
0x91: {  	[tilespmem:s16+$0x3D50] =	vst v2;
	v2 =	vadd.f32 $9.999999710e-10, v63  }
0x92: {  	[tilespmem:s16+$0x3D60] =	vst v1  }
0x93: {  	[tilespmem:s16+$0x3D70] =	vst v2  }
0x94: {  	[spmem:s4] =	stream.indirect.scatter.add.f32 [tilespmem:s28], [sflag:$0x3], $0x1, s29, s31, $0xb8;
	[tilespmem:$0x6180] =	vst v63  }
0x95: {  	s19 =	sadd.s32 $0x1, s19  }
0x96: {  	[spmem:s5] =	stream.indirect.scatter.add.f32 [tilespmem:s28], [sflag:$0x3], $0x1, s30, s31, $0xb8;
	[tilespmem:$0x6180] =	vst v63  }
0x97: {  	p1 =	sne.s32 s19, s15;
	_ =	swait.ge [sflag:s3], $0x400  }
.Ltmp5:
0x98: {  	[sflag:s3] =	ssyncset.done $0x0;
	(pc) =	sbr.rel @p1 .LBB2_4-.Ltmp5, $4  }
0x99: {  	[sflag:s3] =	ssyncadd.s32 $0xFFFFFC00  }
0x9a: {  	_ =	swait.ge [sflag:s3], $0x400  }
0x9b: {  	[sflag:s3] =	ssyncset.done $0x0  }
0x9c: {  	[sflag:s3] =	ssyncadd.s32 $0xFFFFFC00  }
0x9d: {  	_ =	swait.ge [sflag:s26], $0x400  }
0x9e: {  	[sflag:s26] =	ssyncset.done $0x0  }
0x9f: {  	[sflag:s26] =	ssyncadd.s32 $0xFFFFFC00  }
0xa0: {  	_ =	swait.ge [sflag:s26], $0x400  }
.Ltmp6:
0xa1: {  	[sflag:s26] =	ssyncset.done $0x0;
	(pc) =	sbr.rel @p0 .LBB2_13-.Ltmp6, $4  }
0xa2: {  	[sflag:s26] =	ssyncadd.s32 $0xFFFFFC00  }
0xa3: {  	_ =	swait.ge [sflag:s26], $0x400  }
0xa4: {  	[sflag:s26] =	ssyncset.done $0x0  }
0xa5: {  	[sflag:s26] =	ssyncadd.s32 $0xFFFFFC00  }
0xa6: {  	s14 =	simm.s32 $0x0  }
0xa7: {  	v4 =	vld [tilespmem:s14+$0x3100]  }
0xa8: {  	v6 =	vld [tilespmem:s14+$0x3110]  }
0xa9: {  	v5 =	vld [tilespmem:s14+$0x3120]  }
0xaa: {  	v3 =	vld [tilespmem:s14+$0x3130]  }
0xab: {  	v1 =	vld [tilespmem:s14+$0x3140]  }
0xac: {  	v2 =	vld [tilespmem:s14+$0x3150];
	v7 =	vadd.f32 $9.999999710e-10, v4  }
0xad: {  	s16 =	simm.s32 $0x200;
	v6 =	vadd.f32 $9.999999710e-10, v6;
	v4 =	vld [tilespmem:s14+$0x3160]  }
.LBB2_11:
0xae: {  	s11 =	sshra.s32 s16, $0x2;
	p1 =	sne.s32 s16, $0xE00;
	[tilespmem:s14+$0x3100] =	vst v7;
	v5 =	vadd.f32 $9.999999710e-10, v5;
	v7 =	vld [tilespmem:s14+$0x3170]  }
0xaf: {  	v8 =	vld [tilespmem:s11+$0x3100];
	[tilespmem:s14+$0x3110] =	vst v6;
	v3 =	vadd.f32 $9.999999710e-10, v3  }
0xb0: {  	v6 =	vld [tilespmem:s11+$0x3110];
	[tilespmem:s14+$0x3120] =	vst v5;
	v1 =	vadd.f32 $9.999999710e-10, v1  }
.Ltmp7:
0xb1: {  	v5 =	vld [tilespmem:s11+$0x3120];
	[tilespmem:s14+$0x3130] =	vst v3;
	v2 =	vadd.f32 $9.999999710e-10, v2;
	(pc) =	sbr.rel @p1 .LBB2_11-.Ltmp7, $4  }
0xb2: {  	v3 =	vld [tilespmem:s11+$0x3130];
	[tilespmem:s14+$0x3140] =	vst v1;
	v4 =	vadd.f32 $9.999999710e-10, v4  }
0xb3: {  	v1 =	vld [tilespmem:s11+$0x3140];
	[tilespmem:s14+$0x3150] =	vst v2;
	v9 =	vadd.f32 $9.999999710e-10, v7  }
0xb4: {  	v7 =	vadd.f32 $9.999999710e-10, v8;
	v2 =	vld [tilespmem:s11+$0x3150];
	[tilespmem:s14+$0x3160] =	vst v4  }
0xb5: {  	s16 =	sadd.s32 $0x200, s16;
	v6 =	vadd.f32 $9.999999710e-10, v6;
	v4 =	vld [tilespmem:s11+$0x3160];
	[tilespmem:s14+$0x3170] =	vst v9;
	s14 =	smov.u32 s11  }
0xb6: {  	[tilespmem:s14+$0x3100] =	vst v7;
	v5 =	vadd.f32 $9.999999710e-10, v5;
	v63 =	vld [tilespmem:s14+$0x3170]  }
0xb7: {  	[tilespmem:s14+$0x3110] =	vst v6;
	v3 =	vadd.f32 $9.999999710e-10, v3  }
0xb8: {  	[tilespmem:s14+$0x3120] =	vst v5;
	v1 =	vadd.f32 $9.999999710e-10, v1  }
0xb9: {  	[tilespmem:s14+$0x3130] =	vst v3;
	v2 =	vadd.f32 $9.999999710e-10, v2  }
0xba: {  	[tilespmem:s14+$0x3140] =	vst v1;
	v1 =	vadd.f32 $9.999999710e-10, v4  }
0xbb: {  	[tilespmem:s14+$0x3150] =	vst v2;
	v2 =	vadd.f32 $9.999999710e-10, v63  }
0xbc: {  	[tilespmem:s14+$0x3160] =	vst v1  }
0xbd: {  	[tilespmem:s14+$0x3170] =	vst v2  }
0xbe: {  	[spmem:s4] =	stream.indirect.scatter.add.f32 [tilespmem:s21], [sflag:$0x3], $0x1, s24, s31, $0xb8;
	[tilespmem:$0x6180] =	vst v63  }
0xbf: {  	_ = 	snop  }
0xc0: {  	[spmem:s5] =	stream.indirect.scatter.add.f32 [tilespmem:s21], [sflag:$0x3], $0x1, s25, s31, $0xb8;
	[tilespmem:$0x6180] =	vst v63  }
0xc1: {  	_ =	swait.ge [sflag:s3], $0x400  }
.Ltmp8:
0xc2: {  	[sflag:s3] =	ssyncset.done $0x0;
	(pc) =	sbr.rel .LBB2_13-.Ltmp8, $4  }
0xc3: {  	[sflag:s3] =	ssyncadd.s32 $0xFFFFFC00  }
0xc4: {  	_ =	swait.ge [sflag:s3], $0x400  }
0xc5: {  	[sflag:s3] =	ssyncset.done $0x0  }
0xc6: {  	[sflag:s3] =	ssyncadd.s32 $0xFFFFFC00  }
.LBB2_14:
0xc7: {  	_ =	sfence.sel $0x180000  }
0xc8: {  	[bflag:$0x0] =	sbarrier.arrive $0xFFFF  }
0xc9: {  	_ =	strace $0x90000047  }
0xca: {  	s0 =	stileid.u32;
	[bflag:$0x2] =	sbarrier.arrive $0xFFFF  }
0xcb: {  	p0 =	sne.s32 s0, $0x0;
	s0 =	rddreg [dreg:$0x5]  }
0xcc: {  	s0 =	sadd.s32 @!p0 $0x100000, s0  }
0xcd: {  	[sflag:s0] =	ssyncadd.tile.s32 @!p0 $0x1;
	_ =	shalt  }
.Lfunc_end2:
_tile_overlayer_lowered:
.L_overlay_start_2:
0xce: {  	(tag) =	ssettag $0x2  }
0xcf: {  	s0 =	rddreg [dreg:$0x0];
	s2 =	stileid.u32  }
0xd0: {  	s1 =	rddreg [dreg:$0x1];
	p0 =	sne.s32 s2, $0x0  }
0xd1: {  	s3 =	rddreg [dreg:$0x2];
	[bflag:$0x3] =	sbarrier.arrive $0xFFFF;
	s2 =	simm.s32 @!p0 $0x1C04  }
0xd2: {  	[timem:s3], [sflag:s2] =	dma.local @!p0 [hbm:s0], s1  }
0xd3: {  	s0 =	simm.s32 @!p0 $0x4  }
0xd4: {  	_ =	swait.ge @!p0 [sflag:s0], s1  }
0xd5: {  	s1 =	ssub.s32 @!p0 $0x0, s1;
	[sflag:s0] =	ssyncset.done @!p0 $0x0  }
0xd6: {  	[sflag:s0] =	ssyncadd.s32 @!p0 s1  }
0xd7: {  	[bflag:$0x3] =	sbarrier.arrive $0xFFFF  }
0xd8: {  	_ =	shalt  }

// kernel: kernel.7.cloned.1.call-start
scs
__scs_entry_jumppad:
0x0: {  	(pc) =	sbr.rel $0x88, $3  }
0x1: {  	(tag) =	ssettag $0x0;
	lr =	simm.s32 $0x1  }
0x2: {  	[smem:$0x3F9F] =	sst lr;
	_ =	strace $0xD0000000  }
0x3: {  	_ = 	snop  }
0x4: {  	_ = 	snop  }
0x5: {  	_ = 	snop  }
0x6: {  	_ = 	snop  }
0x7: {  	_ = 	snop  }
__scs_overlays_trampoline_lowered:
0x8: {  	[smem:$0x3FAE] =	sst s0  }
0x9: {  	[smem:$0x3FAF] =	sst s1  }
0xa: {  	[smem:$0x3FB0] =	sst s2  }
0xb: {  	[smem:$0x3FB1] =	sst s3  }
0xc: {  	[smem:$0x3FB2] =	sst s4  }
0xd: {  	[smem:$0x3FB3] =	sst s5  }
0xe: {  	[smem:$0x3FB4] =	sst s6  }
0xf: {  	[smem:$0x3FB5] =	sst s7  }
0x10: {  	[smem:$0x3FB6] =	sst s8  }
0x11: {  	[smem:$0x3FB7] =	sst s9;
	s0 =	simm.s32 @!p0 $0x0  }
0x12: {  	s1 =	sld [smem:$0x3F9D];
	s0 =	simm.s32 @p0 $0x1  }
0x13: {  	[smem:$0x3FB8] =	sst s0;
	s0 =	simm.s32 @!p1 $0x0  }
0x14: {  	s2 =	sld [smem:$0x3F9C];
	s0 =	simm.s32 @p1 $0x1  }
0x15: {  	[smem:$0x3FB9] =	sst s0;
	s0 =	simm.s32 @!p2 $0x0  }
0x16: {  	s3 =	sld [smem:$0x3FDB];
	s0 =	simm.s32 @p2 $0x1  }
0x17: {  	s4 =	simm.s32 $0x1BF5;
	[smem:$0x3FBB] =	sst s0  }
0x18: {  	s0 =	sld [smem:$0x3F9E];
	_ =	swait.ge [sflag:s4], $0x0  }
0x19: {  	s7 =	sld [smem:$0x3F9F]  }
0x1a: {  	s8 =	sadd.s32 $0xFFFFE003, lr  }
0x1b: {  	s9 =	sadd.s32 $0xFFFFFEF7, lr;
	s5 =	simm.s32 $0xFFFFFFFF;
	p2 =	slt.u32 s8, $0xFFFFF086  }
0x1c: {  	p1 =	slt.u32 s9, $0xF7A;
	s5 =	simm.s32 @!p2 $0x0  }
0x1d: {  	s5 =	simm.s32 @p1 $0x1;
	p0 =	seq.s32 s7, s2  }
0x1e: {  	s7 =	smul.u32 @!p0 $0xF7A, s2;
	p2 =	seq.s32 @!p0 s5, $0x0  }
0x1f: {  	s9 =	smul.u32 $0xF7A, s1;
	s8 =	simm.s32 @!p0 $0x1BF5;
	p2 =	por !p2, p0  }
0x20: {  	[sflag:s8] =	ssyncset.s32 @!p0 $0xFFFFF086;
	s6 =	sadd.s32 @!p0 s3, s7;
	s7 =	simm.s32 @!p0 $0x108  }
0x21: {  	s3 =	sadd.s32 s3, s9;
	s6 =	sadd.s32 @!p0 $0x88, s6;
	s7 =	simm.s32 @p2 $0x1082  }
0x22: {  	[simem:s7], [sflag:s8] =	dma.local @!p0 [hbm:s6], $0xF7A  }
0x23: {  	s9 =	sor.u32 $0xD0000000, s2;
	s6 =	simm.s32 $0x108;
	_ =	swait.ge @!p0 [sflag:s8], $0x0  }
0x24: {  	s3 =	sadd.s32 $0x88, s3;
	s6 =	simm.s32 @!p1 $0x1082;
	[sflag:s4] =	ssyncset.s32 $0xFFFFF086  }
0x25: {  	[simem:s6], [sflag:s4] =	dma.local [hbm:s3], $0xF7A  }
0x26: {  	[smem:$0x3F9F] =	sst s1;
	(tag) =	ssettag s2;
	_ =	strace s9  }
0x27: {  	s1 =	sld [smem:$0x3FAF]  }
0x28: {  	s2 =	sld [smem:$0x3FB0]  }
0x29: {  	s4 =	sld [smem:$0x3FB2]  }
0x2a: {  	p0 =	seq.s32 s5, $0x0;
	s5 =	sld [smem:$0x3FB3]  }
0x2b: {  	s6 =	sld [smem:$0x3FB4]  }
0x2c: {  	s7 =	sld [smem:$0x3FB5]  }
0x2d: {  	s3 =	simm.s32 $0x108;
	s8 =	sld [smem:$0x3FB6]  }
0x2e: {  	s3 =	simm.s32 @!p0 $0x1082;
	s9 =	sld [smem:$0x3FB7]  }
0x2f: {  	lr =	sadd.s32 s0, s3;
	s0 =	sld [smem:$0x3FAE]  }
0x30: {  	s3 =	sld [smem:$0x3FB1]  }
0x31: {  	[smem:$0x3FBA] =	sst s10  }
0x32: {  	s10 =	sld [smem:$0x3FB8];
	_ =	sdelay $0x3  }
0x33: {  	p0 =	seq.s32 s10, $0x1;
	s10 =	sld [smem:$0x3FBA];
	_ =	sdelay $0x3  }
0x34: {  	[smem:$0x3FBA] =	sst s10  }
0x35: {  	s10 =	sld [smem:$0x3FB9];
	_ =	sdelay $0x3  }
0x36: {  	p1 =	seq.s32 s10, $0x1;
	s10 =	sld [smem:$0x3FBA];
	_ =	sdelay $0x3  }
0x37: {  	[smem:$0x3FBA] =	sst s10  }
0x38: {  	s10 =	sld [smem:$0x3FBB]  }
0x39: {  	_ = 	snop;
	(pc) =	sbr.ind lr, $3  }
0x3a: {  	_ = 	snop  }
0x3b: {  	_ = 	snop  }
0x3c: {  	p2 =	seq.s32 s10, $0x1;
	s10 =	sld [smem:$0x3FBA]  }
0x3d: {  	_ =	shalt  }
0x3e: {  	_ =	shalt  }
0x3f: {  	_ =	shalt  }
0x40: {  	_ =	shalt  }
0x41: {  	_ =	shalt  }
0x42: {  	_ =	shalt  }
0x43: {  	_ =	shalt  }
0x44: {  	_ =	shalt  }
0x45: {  	_ =	shalt  }
0x46: {  	_ =	shalt  }
0x47: {  	_ =	shalt  }
0x48: {  	_ =	shalt  }
0x49: {  	_ =	shalt  }
0x4a: {  	_ =	shalt  }
0x4b: {  	_ =	shalt  }
0x4c: {  	_ =	shalt  }
0x4d: {  	_ =	shalt  }
0x4e: {  	_ =	shalt  }
0x4f: {  	_ =	shalt  }
0x50: {  	_ =	shalt  }
0x51: {  	_ =	shalt  }
0x52: {  	_ =	shalt  }
0x53: {  	_ =	shalt  }
0x54: {  	_ =	shalt  }
0x55: {  	_ =	shalt  }
0x56: {  	_ =	shalt  }
0x57: {  	_ =	shalt  }
0x58: {  	_ =	shalt  }
0x59: {  	_ =	shalt  }
0x5a: {  	_ =	shalt  }
0x5b: {  	_ =	shalt  }
0x5c: {  	_ =	shalt  }
0x5d: {  	_ =	shalt  }
0x5e: {  	_ =	shalt  }
0x5f: {  	_ =	shalt  }
0x60: {  	_ =	shalt  }
0x61: {  	_ =	shalt  }
0x62: {  	_ =	shalt  }
0x63: {  	_ =	shalt  }
0x64: {  	_ =	shalt  }
0x65: {  	_ =	shalt  }
0x66: {  	_ =	shalt  }
0x67: {  	_ =	shalt  }
0x68: {  	_ =	shalt  }
0x69: {  	_ =	shalt  }
0x6a: {  	_ =	shalt  }
0x6b: {  	_ =	shalt  }
0x6c: {  	_ =	shalt  }
0x6d: {  	_ =	shalt  }
0x6e: {  	_ =	shalt  }
0x6f: {  	_ =	shalt  }
0x70: {  	_ =	shalt  }
0x71: {  	_ =	shalt  }
0x72: {  	_ =	shalt  }
0x73: {  	_ =	shalt  }
0x74: {  	_ =	shalt  }
0x75: {  	_ =	shalt  }
0x76: {  	_ =	shalt  }
0x77: {  	_ =	shalt  }
0x78: {  	_ =	shalt  }
0x79: {  	_ =	shalt  }
0x7a: {  	_ =	shalt  }
0x7b: {  	_ =	shalt  }
0x7c: {  	_ =	shalt  }
0x7d: {  	_ =	shalt  }
0x7e: {  	_ =	shalt  }
0x7f: {  	_ =	shalt  }
0x80: {  	_ =	shalt  }
0x81: {  	_ =	shalt  }
0x82: {  	_ =	shalt  }
0x83: {  	_ =	shalt  }
0x84: {  	_ =	shalt  }
0x85: {  	_ =	shalt  }
0x86: {  	_ =	shalt  }
0x87: {  	_ =	shalt  }
.Lfunc_end0:
.L_simem_size_0:
called_computation.1_lowered:
.L_overlay_start_0:
0x88: {  	s2 =	sld [smem:$0x3FD9]  }
0x89: {  	s3 =	sld [smem:$0x3FFE];
	_ =	sdelay $0x1  }
0x8a: {  	s1 =	srdreg.scid  }
0x8b: {  	s0 =	sand.u32 $0x1, s1  }
0x8c: {  	s17 =	sshll.u32 s0, $0xA;
	s2 =	sadd.s32 s3, s2  }
0x8d: {  	s2 =	sadd.s32 s2, s17  }
0x8e: {  	[smem:$0x3FC6] =	sst s2  }
0x8f: {  	_ = 	snop  }
0x90: {  	s2 =	sld [smem:$0x3FC9]  }
0x91: {  	s18 =	sld [smem:$0x3FC8]  }
0x92: {  	s4 =	sld [smem:$0x3FD0];
	(tm) =	ssettm $0x1  }
0x93: {  	s5 =	sld [smem:$0x3FFB];
	_ =	sdelay $0x3  }
0x94: {  	_ =	strace s5  }
0x95: {  	s5 =	sld [smem:$0x3FFC];
	_ =	sdelay $0x3  }
0x96: {  	_ =	strace s5  }
0x97: {  	s5 =	sld [smem:$0x3FFD];
	_ =	sdelay $0x3  }
0x98: {  	_ =	strace s5  }
0x99: {  	_ =	strace $0x8FFFFFFF  }
0x9a: {  	s19 =	sld [smem:$0x3FDB];
	_ =	sdelay $0x1  }
0x9b: {  	s6 =	simm.s32 $_scs_section_size  }
0x9c: {  	s7 =	simm.s32 $_size__tile_overlayer_lowered;
	s8 =	simm.s32 $_tile_overlayer_lowered  }
0x9d: {  	s22 =	simm.s32 $0x1BFF;
	s21 =	sshll.u32 s8, $0x1;
	s5 =	sadd.s32 s6, s19  }
0x9e: {  	s9 =	simm.s32 $0x0;
	s20 =	sshll.u32 s7, $0x1;
	s7 =	sadd.s32 s21, s5  }
0x9f: {  	[timem:s9], [sflag:s22] =	dma.local [hbm:s7], s20  }
0xa0: {  	_ =	swait.ge [sflag:s22], s20  }
0xa1: {  	s6 =	ssub.s32 $0x0, s20;
	[sflag:s22] =	ssyncset.done $0x0  }
0xa2: {  	[sflag:s22] =	ssyncadd.s32 s6;
	_ =	sdelay $0x1  }
0xa3: {  	s23 =	simm.s32 $0x1B8B  }
0xa4: {  	_ =	swait.ge [sflag:s23], $0x1  }
0xa5: {  	[sflag:s23] =	ssyncset.done $0x0  }
0xa6: {  	s25 =	simm.s32 $0x1B8E;
	s24 =	sld [smem:$0x3FFE];
	[sflag:s23] =	ssyncadd.s32 $0xFFFFFFFF  }
0xa7: {  	s26 =	simm.s32 $execute0_lowered;
	[smem:$0x3FD2] =	sst s25  }
0xa8: {  	s7 =	sshll.u32 s26, $0x1;
	_ =	strace $0x80000049;
	[dreg:$0x1] =	wrdreg $0xFFFFFFFF  }
0xa9: {  	s28 =	simm.s32 $_size_execute0_lowered;
	s5 =	sadd.s32 s5, s7;
	[dreg:$0x0] =	wrdreg $0x0  }
0xaa: {  	s7 =	sshll.u32 s28, $0x1;
	[dreg:$0x2] =	wrdreg s5  }
0xab: {  	[dreg:$0x3] =	wrdreg s7  }
0xac: {  	[dreg:$0x4] =	wrdreg $0xC0  }
0xad: {  	_ =	task [dreg:s9], $0x5FFFF  }
0xae: {  	[dreg:$0x1] =	wrdreg $0xFFFFFFFF  }
0xaf: {  	[dreg:$0x0] =	wrdreg $0x60  }
0xb0: {  	[dreg:$0x2] =	wrdreg s24  }
0xb1: {  	[dreg:$0x3] =	wrdreg s2  }
0xb2: {  	[dreg:$0x4] =	wrdreg s18  }
0xb3: {  	[dreg:$0x5] =	wrdreg s4  }
0xb4: {  	[dreg:$0x6] =	wrdreg $0x0  }
0xb5: {  	[dreg:$0x7] =	wrdreg $0x18800  }
0xb6: {  	[dreg:$0x8] =	wrdreg $0x9  }
0xb7: {  	_ =	task.clear_ibuf [dreg:s9], $0x9FFFF;
	_ =	strace $0x90000049  }
0xb8: {  	s29 =	simm.s32 $0x9;
	_ =	strace $0x8000004B  }
0xb9: {  	_ =	swait.ge [sflag:s29], $0x1  }
0xba: {  	[sflag:s29] =	ssyncadd.s32 $0xFFFFFFFF  }
0xbb: {  	_ =	strace $0x9000004B  }
0xbc: {  	_ =	sfence  }
0xbd: {  	s30 =	sld [smem:$0x0];
	_ =	sdelay $0x2  }
0xbe: {  	s31 =	sshll.u32 s1, $0xD;
	s1 =	sshrl.u32 s1, $0x2  }
0xbf: {  	s3 =	sand.u32 $0x4000, s31;
	s1 =	sadd.s32 s1, s30  }
0xc0: {  	s0 =	sor.u32 s3, s0;
	s1 =	sshll.u32 s1, $0x11  }
0xc1: {  	s0 =	sor.u32 s1, s0  }
0xc2: {  	s0 =	sadd.s32 $0x8F2B, s0  }
0xc3: {  	[sflag:s0] =	ssyncadd.remote.s32 $0x1  }
0xc4: {  	_ =	sfence.sel $0xFFFF  }
0xc5: {  	[dreg:$0x0] =	wrdreg $0xFFFFFFFF;
	(pc) =	sbr.abs _section_cstart, $3  }
0xc6: {  	[dreg:$0x1] =	wrdreg $0xFFFFFFFF  }
0xc7: {  	_ =	task.clear_ibuf [dreg:s9], $0x2FFFF;
	_ =	strace $0x9FFFFFFF  }
0xc8: {  	(tm) =	ssettm $0x7FFFFFFF  }
0xc9: {  	_ =	shalt  }
tec
execute0_lowered:
.L_overlay_start_1:
0x0: {  	(tag) =	ssettag $0x1  }
0x1: {  	s0 =	rddreg [dreg:$0x0]  }
0x2: {  	s1 =	rddreg [dreg:$0x1]  }
0x3: {  	s2 =	rddreg [dreg:$0x2]  }
0x4: {  	s3 =	rddreg [dreg:$0x3]  }
0x5: {  	s4 =	rddreg [dreg:$0x4]  }
0x6: {  	s5 =	rddreg [dreg:$0x5]  }
0x7: {  	s6 =	simm.s32 $0x0;
	s7 =	srdreg.scid;
	s14 =	stileid.u32  }
0x8: {  	s29 =	simm.s32 $0x6200;
	s30 =	simm.s32 $0x6600;
	s31 =	simm.s32 $0x6A00  }
0x9: {  	[smem:$0x7FF] =	sst s6;
	s8 =	sadd.s32 $0xC00, s0;
	s7 =	sand.u32 $0x1, s7  }
0xa: {  	s0 =	sadd.s32 $0x6E00, s0;
	s11 =	sshll.u32 s14, $0x1;
	s12 =	smul.u32 $0x620, s14  }
0xb: {  	s15 =	smul.u32 $0x1880, s14;
	p0 =	slt.u32 s14, $0x5;
	s14 =	simm.s32 $0xC4  }
0xc: {  	_ =	strace $0x8000004A;
	s9 =	ssub.s32 $0x2, s7;
	s7 =	sor.u32 s7, s11  }
0xd: {  	s14 =	simm.s32 @!p0 $0xC3;
	s10 =	sshrl.u32 s9, $0x1;
	s16 =	sadd.s32 s8, s12  }
0xe: {  	s13 =	sor.u32 $0x10, s12;
	s17 =	smul.u32 $0xC3, s7;
	s7 =	smin.u32 s7, $0xA  }
0xf: {  	s19 =	sadd.s32 s15, s4;
	s20 =	sshll.u32 s14, $0x3;
	[dreg:$0x7] =	wrdreg s16  }
0x10: {  	s12 =	sadd.s32 s0, s12;
	s22 =	sadd.s32 s15, s5;
	[dreg:$0x9] =	wrdreg s19  }
0x11: {  	s26 =	sand.u32 $0x1, s14;
	s9 =	ssub.s32 s9, s10;
	[dreg:$0xa] =	wrdreg s12  }
0x12: {  	s8 =	sadd.s32 s8, s13;
	s0 =	sadd.s32 s0, s13;
	[dreg:$0xc] =	wrdreg s22  }
0x13: {  	p0 =	seq.s32 s26, $0x0;
	s22 =	simm.s32 $0x3100;
	s26 =	simm.s32 $0x4980  }
0x14: {  	s10 =	simm.s32 $0x7A00;
	s12 =	simm.s32 $0x7E00;
	s13 =	simm.s32 $0x3  }
0x15: {  	s16 =	simm.s32 $0x2;
	s19 =	simm.s32 $0x0;
	[dreg:$0x8] =	wrdreg s8  }
0x16: {  	s18 =	sadd.s32 s7, s17;
	[dreg:$0xb] =	wrdreg s0;
	s17 =	sadd.s32 $0x10, s2  }
0x17: {  	s28 =	smax.u32 s9, $0x1;
	s9 =	simm.s32 $0x400;
	s11 =	sshll.u32 s18, $0x3  }
0x18: {  	s23 =	sshll.u32 s18, $0x7;
	s24 =	sshll.u32 s18, $0x8;
	[dreg:$0x11] =	wrdreg s28  }
0x19: {  	s21 =	sadd.s32 s11, s20;
	s0 =	sadd.s32 s1, s23;
	s8 =	sadd.s32 s2, s24  }
0x1a: {  	s20 =	sshrl.u32 s14, $0x1;
	s23 =	simm.s32 $0x80;
	s14 =	simm.s32 $0x8A00  }
.Ltmp0:
0x1b: {  	s7 =	sadd.s32 $0xFFFFFFF8, s21;
	[dreg:$0xd] =	wrdreg s0;
	(pc) =	sbr.rel .LBB2_1-.Ltmp0, $4  }
0x1c: {  	[dreg:$0xe] =	wrdreg s8;
	s0 =	sadd.s32 s24, s17;
	s25 =	sshll.u32 s7, $0x4  }
0x1d: {  	s24 =	simm.s32 $0x100;
	[dreg:$0xf] =	wrdreg s0;
	s0 =	sand.u32 $0x1FFFFF80, s25  }
0x1e: {  	s21 =	simm.s32 $0x7200;
	s8 =	simm.s32 $0x7600;
	s0 =	sadd.s32 s3, s0  }
0x1f: {  	s25 =	simm.s32 $0x6;
	[dreg:$0x10] =	wrdreg s0;
	s0 =	simm.s32 $0x1  }
.LBB2_15:
0x20: {  	s15 =	simm.s32 $0x4  }
0x21: {  	_ =	swait.ge [sflag:s15], $0x400  }
0x22: {  	[sflag:s15] =	ssyncset.done $0x0  }
0x23: {  	s18 =	simm.s32 $0x5;
	[sflag:s15] =	ssyncadd.s32 $0xFFFFFC00  }
0x24: {  	_ =	swait.ge [sflag:s18], $0x400  }
0x25: {  	s19 =	sadd.s32 $0x1, s19;
	s28 =	rddreg [dreg:$0x11]  }
0x26: {  	p1 =	sne.s32 s19, s28  }
.Ltmp1:
0x27: {  	_ = 	snop;
	(pc) =	sbr.rel @!p1 .LBB2_16-.Ltmp1, $3  }
0x28: {  	_ =	sdelay $0x1  }
0x29: {  	[sflag:s18] =	ssyncset.done $0x0  }
0x2a: {  	s25 =	simm.s32 $0x6;
	[sflag:s18] =	ssyncadd.s32 $0xFFFFFC00  }
.LBB2_1:
0x2b: {  	[dreg:$0x12] =	wrdreg s19  }
0x2c: {  	s15 =	rddreg [dreg:$0x7]  }
0x2d: {  	[tilespmem:s22], [sflag:$0x6] =	stream.strided.gather [hbm4b:s15+s23], $0x1880, s24, s23, $0x38;
	[tilespmem:$0x9200] =	vst v63  }
0x2e: {  	_ =	swait.ge [sflag:s25], $0x1880  }
0x2f: {  	[sflag:s25] =	ssyncset.done $0x0  }
0x30: {  	s28 =	rddreg [dreg:$0x8];
	[sflag:s25] =	ssyncadd.s32 $0xFFFFE780  }
0x31: {  	[tilespmem:s26], [sflag:$0x6] =	stream.strided.gather [hbm4b:s28+s23], $0x1880, s24, s23, $0x38;
	[tilespmem:$0x9200] =	vst v63  }
0x32: {  	_ =	swait.ge [sflag:s25], $0x1880  }
0x33: {  	[sflag:s25] =	ssyncset.done $0x0  }
0x34: {  	s15 =	simm.s32 $0x0;
	[sflag:s25] =	ssyncadd.s32 $0xFFFFE780  }
0x35: {  	s18 =	simm.s32 $0x40;
	v0 =	vld [tilespmem:s15+$0x4980]  }
.LBB2_2:
0x36: {  	p1 =	sne.s32 s18, $0x61C0;
	v1 =	vld [tilespmem:s15+$0x3100];
	_ =	sdelay $0x4  }
0x37: {  	v0 =	vadd.f32 v0, v1;
	_ =	sdelay $0x1  }
0x38: {  	v1 =	vshrl.u32 v0, $0x1;
	v0 =	vmul.f32 $5.000000000e-01, v0  }
0x39: {  	v1 =	vsub.s32 $0x5F3759DF, v1  }
0x3a: {  	v2 =	vmul.f32 v1, v0;
	_ =	sdelay $0x1  }
0x3b: {  	v2 =	vmul.f32 v1, v2;
	_ =	sdelay $0x1  }
0x3c: {  	v2 =	vsub.f32 $1.500000000e+00, v2;
	_ =	sdelay $0x1  }
0x3d: {  	v1 =	vmul.f32 v1, v2;
	_ =	sdelay $0x1  }
0x3e: {  	v2 =	vmul.f32 v1, v0;
	_ =	sdelay $0x1  }
0x3f: {  	v2 =	vmul.f32 v2, v1;
	_ =	sdelay $0x1  }
0x40: {  	v2 =	vsub.f32 $1.500000000e+00, v2;
	_ =	sdelay $0x1  }
0x41: {  	v1 =	vmul.f32 v2, v1;
	_ =	sdelay $0x1  }
0x42: {  	v0 =	vmul.f32 v1, v0;
	_ =	sdelay $0x1  }
0x43: {  	v0 =	vmul.f32 v0, v1;
	_ =	sdelay $0x1  }
.Ltmp2:
0x44: {  	v0 =	vsub.f32 $1.500000000e+00, v0;
	(pc) =	sbr.rel @p1 .LBB2_2-.Ltmp2, $4  }
0x45: {  	_ = 	snop  }
0x46: {  	v1 =	vmul.f32 v0, v1  }
0x47: {  	s19 =	sshra.s32 s18, $0x2  }
0x48: {  	s18 =	sadd.s32 $0x40, s18;
	v0 =	vld [tilespmem:s19+$0x4980];
	[tilespmem:s15+$0x3100] =	vst v1;
	s15 =	smov.u32 s19  }
0x49: {  	v1 =	vld [tilespmem:s15+$0x3100];
	_ =	sdelay $0x4  }
0x4a: {  	v0 =	vadd.f32 v0, v1;
	_ =	sdelay $0x1  }
0x4b: {  	v1 =	vshrl.u32 v0, $0x1;
	v0 =	vmul.f32 $5.000000000e-01, v0  }
0x4c: {  	v1 =	vsub.s32 $0x5F3759DF, v1  }
0x4d: {  	v2 =	vmul.f32 v1, v0;
	_ =	sdelay $0x1  }
0x4e: {  	v2 =	vmul.f32 v1, v2;
	_ =	sdelay $0x1  }
0x4f: {  	v2 =	vsub.f32 $1.500000000e+00, v2;
	_ =	sdelay $0x1  }
0x50: {  	v1 =	vmul.f32 v1, v2;
	_ =	sdelay $0x1  }
0x51: {  	v2 =	vmul.f32 v1, v0;
	_ =	sdelay $0x1  }
0x52: {  	v2 =	vmul.f32 v2, v1;
	_ =	sdelay $0x1  }
0x53: {  	v2 =	vsub.f32 $1.500000000e+00, v2;
	_ =	sdelay $0x1  }
0x54: {  	v1 =	vmul.f32 v2, v1;
	_ =	sdelay $0x1  }
0x55: {  	v0 =	vmul.f32 v1, v0;
	_ =	sdelay $0x1  }
0x56: {  	v0 =	vmul.f32 v0, v1;
	_ =	sdelay $0x1  }
0x57: {  	v0 =	vsub.f32 $1.500000000e+00, v0;
	_ =	sdelay $0x1  }
0x58: {  	v0 =	vmul.f32 v0, v1;
	_ =	sdelay $0x1  }
0x59: {  	s18 =	rddreg [dreg:$0x9];
	[tilespmem:s15+$0x3100] =	vst v0  }
0x5a: {  	[spmem:s18] =	stream.linear.scatter [tilespmem:s22], [sflag:$0x6], $0x1880, $0x38;
	[tilespmem:$0x9200] =	vst v63  }
0x5b: {  	_ =	swait.ge [sflag:s25], $0x1880  }
0x5c: {  	[sflag:s25] =	ssyncset.done $0x0  }
0x5d: {  	s19 =	rddreg [dreg:$0xa];
	[sflag:s25] =	ssyncadd.s32 $0xFFFFE780  }
0x5e: {  	[tilespmem:s22], [sflag:$0x6] =	stream.strided.gather [hbm4b:s19+s23], $0x1880, s24, s23, $0x38;
	[tilespmem:$0x9200] =	vst v63  }
0x5f: {  	_ =	swait.ge [sflag:s25], $0x1880  }
0x60: {  	[sflag:s25] =	ssyncset.done $0x0  }
0x61: {  	s28 =	rddreg [dreg:$0xb];
	[sflag:s25] =	ssyncadd.s32 $0xFFFFE780  }
0x62: {  	[tilespmem:s26], [sflag:$0x6] =	stream.strided.gather [hbm4b:s28+s23], $0x1880, s24, s23, $0x38;
	[tilespmem:$0x9200] =	vst v63  }
0x63: {  	_ =	swait.ge [sflag:s25], $0x1880  }
0x64: {  	[sflag:s25] =	ssyncset.done $0x0  }
0x65: {  	s15 =	simm.s32 $0x0;
	[sflag:s25] =	ssyncadd.s32 $0xFFFFE780  }
0x66: {  	s18 =	simm.s32 $0x40;
	v0 =	vld [tilespmem:s15+$0x4980]  }
.LBB2_4:
0x67: {  	p1 =	sne.s32 s18, $0x61C0;
	v1 =	vld [tilespmem:s15+$0x3100];
	_ =	sdelay $0x4  }
0x68: {  	v0 =	vadd.f32 v0, v1;
	_ =	sdelay $0x1  }
0x69: {  	v1 =	vshrl.u32 v0, $0x1;
	v0 =	vmul.f32 $5.000000000e-01, v0  }
0x6a: {  	v1 =	vsub.s32 $0x5F3759DF, v1  }
0x6b: {  	v2 =	vmul.f32 v1, v0;
	_ =	sdelay $0x1  }
0x6c: {  	v2 =	vmul.f32 v1, v2;
	_ =	sdelay $0x1  }
0x6d: {  	v2 =	vsub.f32 $1.500000000e+00, v2;
	_ =	sdelay $0x1  }
0x6e: {  	v1 =	vmul.f32 v1, v2;
	_ =	sdelay $0x1  }
0x6f: {  	v2 =	vmul.f32 v1, v0;
	_ =	sdelay $0x1  }
0x70: {  	v2 =	vmul.f32 v2, v1;
	_ =	sdelay $0x1  }
0x71: {  	v2 =	vsub.f32 $1.500000000e+00, v2;
	_ =	sdelay $0x1  }
0x72: {  	v1 =	vmul.f32 v2, v1;
	_ =	sdelay $0x1  }
0x73: {  	v0 =	vmul.f32 v1, v0;
	_ =	sdelay $0x1  }
0x74: {  	v0 =	vmul.f32 v0, v1;
	_ =	sdelay $0x1  }
.Ltmp3:
0x75: {  	v0 =	vsub.f32 $1.500000000e+00, v0;
	(pc) =	sbr.rel @p1 .LBB2_4-.Ltmp3, $4  }
0x76: {  	_ = 	snop  }
0x77: {  	v1 =	vmul.f32 v0, v1  }
0x78: {  	s19 =	sshra.s32 s18, $0x2  }
0x79: {  	s18 =	sadd.s32 $0x40, s18;
	v0 =	vld [tilespmem:s19+$0x4980];
	[tilespmem:s15+$0x3100] =	vst v1;
	s15 =	smov.u32 s19  }
0x7a: {  	v1 =	vld [tilespmem:s15+$0x3100];
	_ =	sdelay $0x4  }
0x7b: {  	v0 =	vadd.f32 v0, v1;
	_ =	sdelay $0x1  }
0x7c: {  	v1 =	vshrl.u32 v0, $0x1;
	v0 =	vmul.f32 $5.000000000e-01, v0  }
0x7d: {  	v1 =	vsub.s32 $0x5F3759DF, v1  }
0x7e: {  	v2 =	vmul.f32 v1, v0;
	_ =	sdelay $0x1  }
0x7f: {  	v2 =	vmul.f32 v1, v2;
	_ =	sdelay $0x1  }
0x80: {  	v2 =	vsub.f32 $1.500000000e+00, v2;
	_ =	sdelay $0x1  }
0x81: {  	v1 =	vmul.f32 v1, v2;
	_ =	sdelay $0x1  }
0x82: {  	v2 =	vmul.f32 v1, v0;
	_ =	sdelay $0x1  }
0x83: {  	v2 =	vmul.f32 v2, v1;
	_ =	sdelay $0x1  }
0x84: {  	v2 =	vsub.f32 $1.500000000e+00, v2;
	_ =	sdelay $0x1  }
0x85: {  	v1 =	vmul.f32 v2, v1;
	_ =	sdelay $0x1  }
0x86: {  	v0 =	vmul.f32 v1, v0;
	_ =	sdelay $0x1  }
0x87: {  	v0 =	vmul.f32 v0, v1;
	_ =	sdelay $0x1  }
0x88: {  	v0 =	vsub.f32 $1.500000000e+00, v0;
	_ =	sdelay $0x1  }
0x89: {  	v0 =	vmul.f32 v0, v1;
	_ =	sdelay $0x1  }
0x8a: {  	s19 =	rddreg [dreg:$0xc];
	[tilespmem:s15+$0x3100] =	vst v0  }
0x8b: {  	[spmem:s19] =	stream.linear.scatter [tilespmem:s22], [sflag:$0x6], $0x1880, $0x38;
	[tilespmem:$0x9200] =	vst v63  }
0x8c: {  	_ =	swait.ge [sflag:s25], $0x1880  }
0x8d: {  	[sflag:s25] =	ssyncset.done $0x0  }
0x8e: {  	[sflag:s25] =	ssyncadd.s32 $0xFFFFE780  }
0x8f: {  	[bflag:$0x0] =	sbarrier.arrive $0xFFFF  }
0x90: {  	s22 =	simm.s32 $0x0;
	s25 =	rddreg [dreg:$0xd]  }
0x91: {  	[tilespmem:s29], [sflag:$0x1] =	stream.linear.gather [hbm4b:s25+s22], $0x400, $0x38;
	[tilespmem:$0x9200] =	vst v63  }
0x92: {  	s26 =	rddreg [dreg:$0xe]  }
0x93: {  	[tilespmem:s30], [sflag:$0x1] =	stream.strided.gather [hbm4b:s26+s23], $0x400, s24, s23, $0x38;
	[tilespmem:$0x9200] =	vst v63  }
0x94: {  	s28 =	rddreg [dreg:$0xf]  }
0x95: {  	[tilespmem:s31], [sflag:$0x1] =	stream.strided.gather [hbm4b:s28+s23], $0x400, s24, s23, $0x38;
	[tilespmem:$0x9200] =	vst v63  }
.LBB2_6:
0x96: {  	_ =	swait.ge [sflag:s0], $0x400  }
0x97: {  	[sflag:s0] =	ssyncset.done $0x0  }
0x98: {  	[sflag:s0] =	ssyncadd.s32 $0xFFFFFC00  }
0x99: {  	s15 =	sshll.u32 s22, $0x4;
	_ =	swait.ge [sflag:s0], $0x400  }
0x9a: {  	s26 =	sadd.s32 s11, s15;
	[sflag:s0] =	ssyncset.done $0x0  }
0x9b: {  	s15 =	sadd.s32 $0x8, s26;
	[sflag:s0] =	ssyncadd.s32 $0xFFFFFC00  }
0x9c: {  	s19 =	simm.s32 $0x6E00;
	s18 =	sshll.u32 s15, $0x4;
	_ =	swait.ge [sflag:s0], $0x400  }
0x9d: {  	s15 =	sshll.u32 s15, $0x5;
	s25 =	sand.u32 $0x1FFFFF80, s18;
	[sflag:s0] =	ssyncset.done $0x0  }
0x9e: {  	s15 =	sand.u32 $0x1FFFFF00, s15;
	s18 =	sadd.s32 s1, s25;
	[sflag:s0] =	ssyncadd.s32 $0xFFFFFC00  }
0x9f: {  	[tilespmem:s19], [sflag:$0x2] =	stream.linear.gather [hbm4b:s18+s6], $0x400, $0x38;
	[tilespmem:$0x9200] =	vst v63  }
0xa0: {  	s19 =	sadd.s32 s2, s15  }
0xa1: {  	[tilespmem:s21], [sflag:$0x2] =	stream.strided.gather [hbm4b:s19+s23], $0x400, s24, s23, $0x38;
	[tilespmem:$0x9200] =	vst v63  }
0xa2: {  	s15 =	sadd.s32 s15, s17  }
0xa3: {  	[tilespmem:s8], [sflag:$0x2] =	stream.strided.gather [hbm4b:s15+s23], $0x400, s24, s23, $0x38;
	[tilespmem:$0x9200] =	vst v63  }
0xa4: {  	_ = 	snop  }
0xa5: {  	[tilespmem:s10], [sflag:$0x3] =	stream.indirect.gather [spmem:s4], $0x1, s30, s9, $0xb8;
	[tilespmem:$0x9200] =	vst v63  }
0xa6: {  	_ = 	snop  }
0xa7: {  	[tilespmem:s12], [sflag:$0x3] =	stream.indirect.gather [spmem:s5], $0x1, s31, s9, $0xb8;
	[tilespmem:$0x9200] =	vst v63  }
0xa8: {  	_ =	swait.ge [sflag:s13], $0x400  }
0xa9: {  	[sflag:s13] =	ssyncset.done $0x0  }
0xaa: {  	[sflag:s13] =	ssyncadd.s32 $0xFFFFFC00  }
0xab: {  	_ =	swait.ge [sflag:s13], $0x400  }
0xac: {  	p1 =	seq.s32 s22, $0x0;
	[sflag:s13] =	ssyncset.done $0x0  }
0xad: {  	s15 =	simm.s32 @!p1 $0x4;
	[sflag:s13] =	ssyncadd.s32 $0xFFFFFC00  }
0xae: {  	_ =	swait.ge @!p1 [sflag:s15], $0x400  }
0xaf: {  	[sflag:s15] =	ssyncset.done @!p1 $0x0  }
0xb0: {  	s28 =	simm.s32 $0x0;
	[sflag:s15] =	ssyncadd.s32 @!p1 $0xFFFFFC00  }
0xb1: {  	v0 =	vld [tilespmem:s28+$0x7A70]  }
0xb2: {  	v1 =	vld [tilespmem:s28+$0x7E70]  }
0xb3: {  	v2 =	vld [tilespmem:s28+$0x6270]  }
0xb4: {  	v3 =	vld [tilespmem:s28+$0x7A00]  }
0xb5: {  	v4 =	vld [tilespmem:s28+$0x7E00]  }
0xb6: {  	v5 =	vld [tilespmem:s28+$0x6200]  }
0xb7: {  	v6 =	vld [tilespmem:s28+$0x7A10]  }
0xb8: {  	v7 =	vld [tilespmem:s28+$0x7E10]  }
0xb9: {  	v8 =	vld [tilespmem:s28+$0x7A20];
	v0 =	vmul.f32 v1, v0;
	v1 =	vadd.f32 $9.999999710e-10, v2  }
0xba: {  	v2 =	vld [tilespmem:s28+$0x6210]  }
0xbb: {  	v3 =	vmul.f32 v4, v3;
	v4 =	vadd.f32 $9.999999710e-10, v5;
	v5 =	vld [tilespmem:s28+$0x6220];
	v0 =	vmul.f32 v1, v0  }
0xbc: {  	v1 =	vld [tilespmem:s28+$0x7E20]  }
0xbd: {  	[tilespmem:s28+$0x8A70] =	vst v0;
	v0 =	vmul.f32 v4, v3;
	v3 =	vld [tilespmem:s28+$0x7A30]  }
0xbe: {  	v4 =	vld [tilespmem:s28+$0x7E30]  }
0xbf: {  	v6 =	vmul.f32 v7, v6;
	v2 =	vadd.f32 $9.999999710e-10, v2;
	[tilespmem:s28+$0x8A00] =	vst v0;
	v0 =	vld [tilespmem:s28+$0x6230]  }
0xc0: {  	v7 =	vld [tilespmem:s28+$0x7E40]  }
0xc1: {  	v2 =	vmul.f32 v2, v6;
	v6 =	vld [tilespmem:s28+$0x7A40]  }
0xc2: {  	v5 =	vadd.f32 $9.999999710e-10, v5;
	v1 =	vmul.f32 v1, v8;
	v8 =	vld [tilespmem:s28+$0x6240]  }
0xc3: {  	v9 =	vld [tilespmem:s28+$0x7E50]  }
0xc4: {  	v10 =	vld [tilespmem:s28+$0x6250];
	[tilespmem:s28+$0x8A10] =	vst v2;
	v1 =	vmul.f32 v5, v1;
	v2 =	vmul.f32 v4, v3;
	v0 =	vadd.f32 $9.999999710e-10, v0  }
0xc5: {  	v5 =	vld [tilespmem:s28+$0x7A50]  }
0xc6: {  	[tilespmem:s28+$0x8A20] =	vst v1;
	v1 =	vmul.f32 v0, v2;
	v0 =	vld [tilespmem:s28+$0x7A60]  }
0xc7: {  	v3 =	vmul.f32 v7, v6;
	v6 =	vadd.f32 $9.999999710e-10, v8;
	v2 =	vld [tilespmem:s28+$0x7E60]  }
0xc8: {  	s18 =	simm.s32 $0x80;
	s19 =	sadd.s32 $0x10, s26;
	v4 =	vld [tilespmem:s28+$0x6260];
	[tilespmem:s28+$0x8A30] =	vst v1  }
0xc9: {  	p2 =	slt.s32 s19, s7;
	s15 =	smov.u32 s7;
	v6 =	vmul.f32 v6, v3;
	v1 =	vld [tilespmem:s18+$0x7A70]  }
0xca: {  	s15 =	smov.u32 @p2 s19;
	s19 =	simm.s32 $0x400;
	v7 =	vadd.f32 $9.999999710e-10, v10;
	v5 =	vmul.f32 v9, v5;
	v3 =	vld [tilespmem:s18+$0x7E70]  }
.LBB2_7:
0xcb: {  	p2 =	sne.s32 s19, $0xE00;
	v8 =	vld [tilespmem:s18+$0x6270];
	[tilespmem:s28+$0x8A40] =	vst v6  }
0xcc: {  	v6 =	vld [tilespmem:s18+$0x7A00];
	v5 =	vmul.f32 v7, v5;
	v0 =	vmul.f32 v2, v0  }
0xcd: {  	v2 =	vld [tilespmem:s18+$0x7E00];
	v4 =	vadd.f32 $9.999999710e-10, v4  }
0xce: {  	v7 =	vld [tilespmem:s18+$0x6200];
	[tilespmem:s28+$0x8A50] =	vst v5  }
0xcf: {  	v5 =	vld [tilespmem:s18+$0x7A10];
	v0 =	vmul.f32 v4, v0  }
0xd0: {  	v1 =	vmul.f32 v3, v1;
	v4 =	vld [tilespmem:s18+$0x7E10];
	v3 =	vadd.f32 $9.999999710e-10, v8  }
0xd1: {  	v8 =	vld [tilespmem:s18+$0x6210];
	[tilespmem:s28+$0x8A60] =	vst v0;
	s28 =	smov.u32 s18  }
0xd2: {  	v0 =	vmul.f32 v2, v6;
	v2 =	vld [tilespmem:s28+$0x7A20];
	v1 =	vmul.f32 v3, v1  }
0xd3: {  	v3 =	vadd.f32 $9.999999710e-10, v7;
	v6 =	vld [tilespmem:s28+$0x7E20]  }
0xd4: {  	v7 =	vld [tilespmem:s28+$0x6220];
	[tilespmem:s28+$0x8A70] =	vst v1  }
0xd5: {  	v0 =	vmul.f32 v3, v0;
	v1 =	vmul.f32 v4, v5;
	v3 =	vld [tilespmem:s28+$0x7A30]  }
0xd6: {  	v4 =	vadd.f32 $9.999999710e-10, v8;
	v5 =	vld [tilespmem:s28+$0x7E30]  }
0xd7: {  	[tilespmem:s28+$0x8A00] =	vst v0;
	v0 =	vld [tilespmem:s28+$0x6230]  }
0xd8: {  	v1 =	vmul.f32 v4, v1;
	v2 =	vmul.f32 v6, v2;
	v4 =	vld [tilespmem:s28+$0x7A40]  }
0xd9: {  	v6 =	vadd.f32 $9.999999710e-10, v7;
	v7 =	vld [tilespmem:s28+$0x7E40]  }
0xda: {  	[tilespmem:s28+$0x8A10] =	vst v1;
	v1 =	vld [tilespmem:s28+$0x6240]  }
0xdb: {  	v2 =	vmul.f32 v6, v2;
	v3 =	vmul.f32 v5, v3;
	v5 =	vld [tilespmem:s28+$0x7A50]  }
0xdc: {  	v0 =	vadd.f32 $9.999999710e-10, v0;
	v8 =	vld [tilespmem:s28+$0x7E50]  }
0xdd: {  	[tilespmem:s28+$0x8A20] =	vst v2;
	v9 =	vld [tilespmem:s28+$0x6250]  }
.Ltmp4:
0xde: {  	v3 =	vmul.f32 v0, v3;
	v6 =	vmul.f32 v7, v4;
	v0 =	vld [tilespmem:s28+$0x7A60];
	(pc) =	sbr.rel @p2 .LBB2_7-.Ltmp4, $4  }
0xdf: {  	v7 =	vadd.f32 $9.999999710e-10, v1;
	v2 =	vld [tilespmem:s28+$0x7E60]  }
0xe0: {  	s18 =	sshra.s32 s19, $0x2;
	[tilespmem:s28+$0x8A30] =	vst v3;
	v4 =	vld [tilespmem:s28+$0x6260]  }
0xe1: {  	v1 =	vld [tilespmem:s18+$0x7A70];
	v6 =	vmul.f32 v7, v6;
	v5 =	vmul.f32 v8, v5  }
0xe2: {  	s19 =	sadd.s32 $0x200, s19;
	v3 =	vld [tilespmem:s18+$0x7E70];
	v7 =	vadd.f32 $9.999999710e-10, v9  }
0xe3: {  	v8 =	vld [tilespmem:s18+$0x6270];
	[tilespmem:s28+$0x8A40] =	vst v6  }
0xe4: {  	v6 =	vld [tilespmem:s18+$0x7A00];
	v5 =	vmul.f32 v7, v5  }
0xe5: {  	v7 =	vld [tilespmem:s18+$0x7E00];
	v0 =	vmul.f32 v2, v0;
	v2 =	vadd.f32 $9.999999710e-10, v4  }
0xe6: {  	v9 =	vld [tilespmem:s18+$0x6200];
	[tilespmem:s28+$0x8A50] =	vst v5  }
0xe7: {  	v4 =	vld [tilespmem:s18+$0x7A10];
	v0 =	vmul.f32 v2, v0  }
0xe8: {  	v2 =	vld [tilespmem:s18+$0x7E10]  }
0xe9: {  	v5 =	vld [tilespmem:s18+$0x6210];
	v1 =	vmul.f32 v3, v1;
	v3 =	vadd.f32 $9.999999710e-10, v8;
	[tilespmem:s28+$0x8A60] =	vst v0  }
0xea: {  	v0 =	vld [tilespmem:s18+$0x7A20]  }
0xeb: {  	v6 =	vmul.f32 v7, v6;
	v7 =	vadd.f32 $9.999999710e-10, v9;
	v1 =	vmul.f32 v3, v1;
	v3 =	vld [tilespmem:s18+$0x7E20]  }
0xec: {  	v8 =	vld [tilespmem:s18+$0x6220]  }
0xed: {  	[tilespmem:s18+$0x8A70] =	vst v1;
	v1 =	vmul.f32 v7, v6;
	v6 =	vld [tilespmem:s18+$0x7A30]  }
0xee: {  	v7 =	vld [tilespmem:s18+$0x7E30]  }
0xef: {  	v2 =	vmul.f32 v2, v4;
	v4 =	vadd.f32 $9.999999710e-10, v5;
	[tilespmem:s18+$0x8A00] =	vst v1;
	v1 =	vld [tilespmem:s18+$0x6230]  }
0xf0: {  	v5 =	vld [tilespmem:s18+$0x7E40]  }
0xf1: {  	v2 =	vmul.f32 v4, v2;
	v4 =	vld [tilespmem:s18+$0x7A40]  }
0xf2: {  	v0 =	vmul.f32 v3, v0;
	v3 =	vadd.f32 $9.999999710e-10, v8;
	v8 =	vld [tilespmem:s18+$0x7E50]  }
0xf3: {  	[tilespmem:s18+$0x8A10] =	vst v2;
	v2 =	vld [tilespmem:s18+$0x6240]  }
0xf4: {  	v0 =	vmul.f32 v3, v0;
	v3 =	vld [tilespmem:s18+$0x7A50];
	v6 =	vmul.f32 v7, v6;
	v1 =	vadd.f32 $9.999999710e-10, v1  }
0xf5: {  	v7 =	vld [tilespmem:s18+$0x7E60]  }
0xf6: {  	[tilespmem:s18+$0x8A20] =	vst v0;
	v0 =	vld [tilespmem:s18+$0x6250];
	v1 =	vmul.f32 v1, v6  }
0xf7: {  	v6 =	vld [tilespmem:s18+$0x7A60]  }
0xf8: {  	[tilespmem:s18+$0x8A30] =	vst v1;
	v1 =	vld [tilespmem:s18+$0x6260];
	_ =	sdelay $0x2  }
0xf9: {  	v4 =	vmul.f32 v5, v4;
	v2 =	vadd.f32 $9.999999710e-10, v2  }
0xfa: {  	v3 =	vmul.f32 v8, v3;
	v0 =	vadd.f32 $9.999999710e-10, v0  }
0xfb: {  	v2 =	vmul.f32 v2, v4;
	v4 =	vmul.f32 v7, v6;
	v1 =	vadd.f32 $9.999999710e-10, v1  }
0xfc: {  	v0 =	vmul.f32 v0, v3  }
0xfd: {  	s19 =	sshll.u32 s26, $0x4;
	[tilespmem:s18+$0x8A40] =	vst v2;
	v1 =	vmul.f32 v1, v4  }
0xfe: {  	s19 =	sand.u32 $0x1FFFFF80, s19;
	[tilespmem:s18+$0x8A50] =	vst v0  }
0xff: {  	s26 =	sadd.s32 s3, s19;
	[tilespmem:s18+$0x8A60] =	vst v1  }
0x100: {  	[hbm4b:s26+s6] =	stream.linear.scatter [tilespmem:s14], [sflag:$0x4], $0x400, $0x38;
	[tilespmem:$0x9200] =	vst v63  }
0x101: {  	_ =	swait.ge [sflag:s16], $0x400  }
0x102: {  	[sflag:s16] =	ssyncset.done $0x0  }
0x103: {  	[sflag:s16] =	ssyncadd.s32 $0xFFFFFC00  }
0x104: {  	_ =	swait.ge [sflag:s16], $0x400  }
0x105: {  	[sflag:s16] =	ssyncset.done $0x0  }
0x106: {  	[sflag:s16] =	ssyncadd.s32 $0xFFFFFC00  }
0x107: {  	s28 =	sshll.u32 s15, $0x4;
	_ =	swait.ge [sflag:s16], $0x400  }
0x108: {  	s18 =	sand.u32 $0x1FFFFF80, s28;
	[sflag:s16] =	ssyncset.done $0x0  }
0x109: {  	s18 =	sadd.s32 s1, s18;
	[sflag:s16] =	ssyncadd.s32 $0xFFFFFC00  }
0x10a: {  	[tilespmem:s29], [sflag:$0x1] =	stream.linear.gather [hbm4b:s18+s6], $0x400, $0x38;
	[tilespmem:$0x9200] =	vst v63  }
0x10b: {  	s18 =	sshll.u32 s15, $0x5  }
0x10c: {  	s15 =	sand.u32 $0x1FFFFF00, s18  }
0x10d: {  	s19 =	sadd.s32 s2, s15  }
0x10e: {  	[tilespmem:s30], [sflag:$0x1] =	stream.strided.gather [hbm4b:s19+s23], $0x400, s24, s23, $0x38;
	[tilespmem:$0x9200] =	vst v63  }
0x10f: {  	s15 =	sadd.s32 s15, s17  }
0x110: {  	[tilespmem:s31], [sflag:$0x1] =	stream.strided.gather [hbm4b:s15+s23], $0x400, s24, s23, $0x38;
	[tilespmem:$0x9200] =	vst v63  }
0x111: {  	s26 =	simm.s32 $0x8200  }
0x112: {  	[tilespmem:s26], [sflag:$0x3] =	stream.indirect.gather [spmem:s4], $0x1, s21, s9, $0xb8;
	[tilespmem:$0x9200] =	vst v63  }
0x113: {  	s28 =	simm.s32 $0x8600  }
0x114: {  	[tilespmem:s28], [sflag:$0x3] =	stream.indirect.gather [spmem:s5], $0x1, s8, s9, $0xb8;
	[tilespmem:$0x9200] =	vst v63  }
0x115: {  	_ =	swait.ge [sflag:s13], $0x400  }
0x116: {  	[sflag:s13] =	ssyncset.done $0x0  }
0x117: {  	[sflag:s13] =	ssyncadd.s32 $0xFFFFFC00  }
0x118: {  	_ =	swait.ge [sflag:s13], $0x400  }
0x119: {  	[sflag:s13] =	ssyncset.done $0x0  }
0x11a: {  	s15 =	simm.s32 @!p1 $0x5;
	[sflag:s13] =	ssyncadd.s32 $0xFFFFFC00  }
0x11b: {  	_ =	swait.ge @!p1 [sflag:s15], $0x400  }
0x11c: {  	[sflag:s15] =	ssyncset.done @!p1 $0x0  }
0x11d: {  	[sflag:s15] =	ssyncadd.s32 @!p1 $0xFFFFFC00;
	s15 =	simm.s32 $0x0  }
0x11e: {  	v0 =	vld [tilespmem:s15+$0x8270]  }
0x11f: {  	v1 =	vld [tilespmem:s15+$0x8670]  }
0x120: {  	v2 =	vld [tilespmem:s15+$0x6E70]  }
0x121: {  	v3 =	vld [tilespmem:s15+$0x8200]  }
0x122: {  	v4 =	vld [tilespmem:s15+$0x8600]  }
0x123: {  	v5 =	vld [tilespmem:s15+$0x6E00]  }
0x124: {  	v6 =	vld [tilespmem:s15+$0x8210]  }
0x125: {  	v7 =	vld [tilespmem:s15+$0x8610]  }
0x126: {  	v8 =	vld [tilespmem:s15+$0x8220];
	v0 =	vmul.f32 v1, v0;
	v1 =	vadd.f32 $9.999999710e-10, v2  }
0x127: {  	v2 =	vld [tilespmem:s15+$0x6E10]  }
0x128: {  	v3 =	vmul.f32 v4, v3;
	v4 =	vadd.f32 $9.999999710e-10, v5;
	v5 =	vld [tilespmem:s15+$0x6E20];
	v0 =	vmul.f32 v1, v0  }
0x129: {  	v1 =	vld [tilespmem:s15+$0x8620]  }
0x12a: {  	[tilespmem:s15+$0x8E70] =	vst v0;
	v0 =	vmul.f32 v4, v3;
	v3 =	vld [tilespmem:s15+$0x8230]  }
0x12b: {  	v4 =	vld [tilespmem:s15+$0x8630]  }
0x12c: {  	v6 =	vmul.f32 v7, v6;
	v2 =	vadd.f32 $9.999999710e-10, v2;
	[tilespmem:s15+$0x8E00] =	vst v0;
	v0 =	vld [tilespmem:s15+$0x6E30]  }
0x12d: {  	v7 =	vld [tilespmem:s15+$0x8640]  }
0x12e: {  	v2 =	vmul.f32 v2, v6;
	v6 =	vld [tilespmem:s15+$0x8240]  }
0x12f: {  	v5 =	vadd.f32 $9.999999710e-10, v5;
	v1 =	vmul.f32 v1, v8;
	v8 =	vld [tilespmem:s15+$0x6E40]  }
0x130: {  	v63 =	vld [tilespmem:s15+$0x8650]  }
0x131: {  	v10 =	vld [tilespmem:s15+$0x6E50];
	[tilespmem:s15+$0x8E10] =	vst v2;
	v1 =	vmul.f32 v5, v1;
	v2 =	vmul.f32 v4, v3;
	v0 =	vadd.f32 $9.999999710e-10, v0  }
0x132: {  	v5 =	vld [tilespmem:s15+$0x8250]  }
0x133: {  	[tilespmem:s15+$0x8E20] =	vst v1;
	v1 =	vld [tilespmem:s15+$0x8260];
	v0 =	vmul.f32 v0, v2  }
0x134: {  	v3 =	vmul.f32 v7, v6;
	v6 =	vadd.f32 $9.999999710e-10, v8;
	v2 =	vld [tilespmem:s15+$0x8660]  }
0x135: {  	s18 =	simm.s32 $0x80;
	v4 =	vld [tilespmem:s15+$0x6E60];
	[tilespmem:s15+$0x8E30] =	vst v0  }
0x136: {  	v6 =	vmul.f32 v6, v3;
	v0 =	vld [tilespmem:s18+$0x8270]  }
0x137: {  	s19 =	simm.s32 $0x400;
	v7 =	vadd.f32 $9.999999710e-10, v10;
	v5 =	vmul.f32 v63, v5;
	v3 =	vld [tilespmem:s18+$0x8670]  }
.LBB2_9:
0x138: {  	p1 =	sne.s32 s19, $0xE00;
	v8 =	vld [tilespmem:s18+$0x6E70];
	[tilespmem:s15+$0x8E40] =	vst v6  }
0x139: {  	v6 =	vld [tilespmem:s18+$0x8200];
	v5 =	vmul.f32 v7, v5;
	v1 =	vmul.f32 v2, v1  }
0x13a: {  	v2 =	vld [tilespmem:s18+$0x8600];
	v4 =	vadd.f32 $9.999999710e-10, v4  }
0x13b: {  	v7 =	vld [tilespmem:s18+$0x6E00];
	[tilespmem:s15+$0x8E50] =	vst v5  }
0x13c: {  	v5 =	vld [tilespmem:s18+$0x8210];
	v1 =	vmul.f32 v4, v1  }
0x13d: {  	v0 =	vmul.f32 v3, v0;
	v4 =	vld [tilespmem:s18+$0x8610];
	v3 =	vadd.f32 $9.999999710e-10, v8  }
0x13e: {  	v8 =	vld [tilespmem:s18+$0x6E10];
	[tilespmem:s15+$0x8E60] =	vst v1;
	s15 =	smov.u32 s18  }
0x13f: {  	v1 =	vmul.f32 v2, v6;
	v2 =	vld [tilespmem:s15+$0x8220];
	v0 =	vmul.f32 v3, v0  }
0x140: {  	v3 =	vadd.f32 $9.999999710e-10, v7;
	v6 =	vld [tilespmem:s15+$0x8620]  }
0x141: {  	v7 =	vld [tilespmem:s15+$0x6E20];
	[tilespmem:s15+$0x8E70] =	vst v0  }
0x142: {  	v0 =	vmul.f32 v3, v1;
	v1 =	vmul.f32 v4, v5;
	v3 =	vld [tilespmem:s15+$0x8230]  }
0x143: {  	v4 =	vadd.f32 $9.999999710e-10, v8;
	v5 =	vld [tilespmem:s15+$0x8630]  }
0x144: {  	[tilespmem:s15+$0x8E00] =	vst v0;
	v0 =	vld [tilespmem:s15+$0x6E30]  }
0x145: {  	v1 =	vmul.f32 v4, v1;
	v2 =	vmul.f32 v6, v2;
	v4 =	vld [tilespmem:s15+$0x8240]  }
0x146: {  	v6 =	vadd.f32 $9.999999710e-10, v7;
	v7 =	vld [tilespmem:s15+$0x8640]  }
0x147: {  	[tilespmem:s15+$0x8E10] =	vst v1;
	v8 =	vld [tilespmem:s15+$0x6E40]  }
0x148: {  	v1 =	vmul.f32 v6, v2;
	v2 =	vmul.f32 v5, v3;
	v3 =	vld [tilespmem:s15+$0x8250]  }
0x149: {  	v0 =	vadd.f32 $9.999999710e-10, v0;
	v5 =	vld [tilespmem:s15+$0x8650]  }
0x14a: {  	[tilespmem:s15+$0x8E20] =	vst v1;
	v9 =	vld [tilespmem:s15+$0x6E50]  }
.Ltmp5:
0x14b: {  	v0 =	vmul.f32 v0, v2;
	v6 =	vmul.f32 v7, v4;
	v1 =	vld [tilespmem:s15+$0x8260];
	(pc) =	sbr.rel @p1 .LBB2_9-.Ltmp5, $4  }
0x14c: {  	v7 =	vadd.f32 $9.999999710e-10, v8;
	v2 =	vld [tilespmem:s15+$0x8660]  }
0x14d: {  	s18 =	sshra.s32 s19, $0x2;
	[tilespmem:s15+$0x8E30] =	vst v0;
	v4 =	vld [tilespmem:s15+$0x6E60]  }
0x14e: {  	v0 =	vld [tilespmem:s18+$0x8270];
	v6 =	vmul.f32 v7, v6;
	v5 =	vmul.f32 v5, v3  }
0x14f: {  	s19 =	sadd.s32 $0x200, s19;
	v3 =	vld [tilespmem:s18+$0x8670];
	v7 =	vadd.f32 $9.999999710e-10, v9  }
0x150: {  	v8 =	vld [tilespmem:s18+$0x6E70];
	[tilespmem:s15+$0x8E40] =	vst v6  }
0x151: {  	v6 =	vld [tilespmem:s18+$0x8200];
	v5 =	vmul.f32 v7, v5  }
0x152: {  	v40 =	vld [tilespmem:s18+$0x8600];
	v1 =	vmul.f32 v2, v1;
	v41 =	vadd.f32 $9.999999710e-10, v4  }
0x153: {  	v9 =	vld [tilespmem:s18+$0x6E00];
	[tilespmem:s15+$0x8E50] =	vst v5  }
0x154: {  	v42 =	vld [tilespmem:s18+$0x8210];
	v1 =	vmul.f32 v41, v1  }
0x155: {  	v43 =	vld [tilespmem:s18+$0x8610]  }
0x156: {  	v5 =	vld [tilespmem:s18+$0x6E10];
	[tilespmem:s15+$0x8E60] =	vst v1  }
0x157: {  	v1 =	vld [tilespmem:s18+$0x8220]  }
0x158: {  	v45 =	vld [tilespmem:s18+$0x8620]  }
0x159: {  	v47 =	vld [tilespmem:s18+$0x6E20]  }
0x15a: {  	v49 =	vld [tilespmem:s18+$0x8230]  }
0x15b: {  	v50 =	vld [tilespmem:s18+$0x8630]  }
0x15c: {  	v52 =	vld [tilespmem:s18+$0x6E30]  }
0x15d: {  	v53 =	vld [tilespmem:s18+$0x8240]  }
0x15e: {  	v54 =	vld [tilespmem:s18+$0x8640]  }
0x15f: {  	v56 =	vld [tilespmem:s18+$0x6E40]  }
0x160: {  	v57 =	vld [tilespmem:s18+$0x8250]  }
0x161: {  	v58 =	vld [tilespmem:s18+$0x8650]  }
0x162: {  	v0 =	vmul.f32 v3, v0;
	v44 =	vadd.f32 $9.999999710e-10, v8;
	v59 =	vld [tilespmem:s18+$0x6E50]  }
0x163: {  	v6 =	vmul.f32 v40, v6;
	v46 =	vadd.f32 $9.999999710e-10, v9;
	v60 =	vld [tilespmem:s18+$0x8260]  }
0x164: {  	v0 =	vmul.f32 v44, v0;
	v61 =	vld [tilespmem:s18+$0x8660];
	v2 =	vmul.f32 v43, v42;
	v51 =	vadd.f32 $9.999999710e-10, v5  }
0x165: {  	v62 =	vld [tilespmem:s18+$0x6E60];
	v48 =	vmul.f32 v46, v6;
	v1 =	vmul.f32 v45, v1;
	v55 =	vadd.f32 $9.999999710e-10, v47  }
0x166: {  	[tilespmem:s18+$0x8E70] =	vst v0;
	v2 =	vmul.f32 v51, v2;
	v6 =	vmul.f32 v50, v49;
	v0 =	vadd.f32 $9.999999710e-10, v52  }
0x167: {  	v1 =	vmul.f32 v55, v1  }
0x168: {  	v4 =	vmul.f32 v54, v53;
	[tilespmem:s18+$0x8E10] =	vst v2;
	v2 =	vadd.f32 $9.999999710e-10, v56;
	v0 =	vmul.f32 v0, v6  }
0x169: {  	s22 =	sadd.s32 $0x1, s22;
	v3 =	vmul.f32 v58, v57;
	[tilespmem:s18+$0x8E20] =	vst v1;
	v1 =	vadd.f32 $9.999999710e-10, v59  }
0x16a: {  	p1 =	sne.s32 s22, s20;
	v63 =	vmul.f32 v61, v60;
	v2 =	vmul.f32 v2, v4;
	[tilespmem:s18+$0x8E30] =	vst v0;
	v0 =	vadd.f32 $9.999999710e-10, v62  }
.Ltmp6:
0x16b: {  	[tilespmem:s18+$0x8E00] =	vst v48;
	v1 =	vmul.f32 v1, v3;
	(pc) =	sbr.rel @p1 .LBB2_6-.Ltmp6, $4  }
0x16c: {  	[tilespmem:s18+$0x8E40] =	vst v2;
	v0 =	vmul.f32 v0, v63  }
0x16d: {  	[tilespmem:s18+$0x8E50] =	vst v1  }
0x16e: {  	s26 =	sadd.s32 s3, s25;
	s28 =	simm.s32 $0x8E00;
	[tilespmem:s18+$0x8E60] =	vst v0  }
0x16f: {  	[hbm4b:s26+s6] =	stream.linear.scatter [tilespmem:s28], [sflag:$0x5], $0x400, $0x38;
	[tilespmem:$0x9200] =	vst v63  }
0x170: {  	_ =	swait.ge [sflag:s0], $0x400  }
0x171: {  	[sflag:s0] =	ssyncset.done $0x0  }
0x172: {  	[sflag:s0] =	ssyncadd.s32 $0xFFFFFC00  }
0x173: {  	_ =	swait.ge [sflag:s0], $0x400  }
.Ltmp7:
0x174: {  	[sflag:s0] =	ssyncset.done $0x0;
	(pc) =	sbr.rel @p0 .LBB2_15-.Ltmp7, $4  }
0x175: {  	[sflag:s0] =	ssyncadd.s32 $0xFFFFFC00  }
0x176: {  	_ =	swait.ge [sflag:s0], $0x400  }
0x177: {  	s22 =	simm.s32 $0x3100;
	[sflag:s0] =	ssyncset.done $0x0  }
0x178: {  	s26 =	simm.s32 $0x4980;
	s19 =	rddreg [dreg:$0x12];
	[sflag:s0] =	ssyncadd.s32 $0xFFFFFC00  }
0x179: {  	[tilespmem:s10], [sflag:$0x3] =	stream.indirect.gather [spmem:s4], $0x1, s30, s9, $0xb8;
	[tilespmem:$0x9200] =	vst v63  }
0x17a: {  	_ = 	snop  }
0x17b: {  	[tilespmem:s12], [sflag:$0x3] =	stream.indirect.gather [spmem:s5], $0x1, s31, s9, $0xb8;
	[tilespmem:$0x9200] =	vst v63  }
0x17c: {  	_ =	swait.ge [sflag:s13], $0x400  }
0x17d: {  	[sflag:s13] =	ssyncset.done $0x0  }
0x17e: {  	[sflag:s13] =	ssyncadd.s32 $0xFFFFFC00  }
0x17f: {  	_ =	swait.ge [sflag:s13], $0x400  }
0x180: {  	[sflag:s13] =	ssyncset.done $0x0  }
0x181: {  	s15 =	simm.s32 $0x4;
	[sflag:s13] =	ssyncadd.s32 $0xFFFFFC00  }
0x182: {  	_ =	swait.ge [sflag:s15], $0x400  }
0x183: {  	[sflag:s15] =	ssyncset.done $0x0  }
0x184: {  	[sflag:s15] =	ssyncadd.s32 $0xFFFFFC00;
	s15 =	simm.s32 $0x0  }
0x185: {  	v0 =	vld [tilespmem:s15+$0x7A70]  }
0x186: {  	v1 =	vld [tilespmem:s15+$0x7E70]  }
0x187: {  	v2 =	vld [tilespmem:s15+$0x6270]  }
0x188: {  	v3 =	vld [tilespmem:s15+$0x7A00]  }
0x189: {  	v4 =	vld [tilespmem:s15+$0x7E00]  }
0x18a: {  	v5 =	vld [tilespmem:s15+$0x6200]  }
0x18b: {  	v6 =	vld [tilespmem:s15+$0x7A10]  }
0x18c: {  	v7 =	vld [tilespmem:s15+$0x7E10]  }
0x18d: {  	v8 =	vld [tilespmem:s15+$0x7A20];
	v0 =	vmul.f32 v1, v0;
	v1 =	vadd.f32 $9.999999710e-10, v2  }
0x18e: {  	v2 =	vld [tilespmem:s15+$0x6210]  }
0x18f: {  	v3 =	vmul.f32 v4, v3;
	v4 =	vadd.f32 $9.999999710e-10, v5;
	v5 =	vld [tilespmem:s15+$0x6220];
	v0 =	vmul.f32 v1, v0  }
0x190: {  	v1 =	vld [tilespmem:s15+$0x7E20]  }
0x191: {  	[tilespmem:s15+$0x8A70] =	vst v0;
	v0 =	vmul.f32 v4, v3;
	v3 =	vld [tilespmem:s15+$0x7A30]  }
0x192: {  	v4 =	vld [tilespmem:s15+$0x7E30]  }
0x193: {  	v6 =	vmul.f32 v7, v6;
	v2 =	vadd.f32 $9.999999710e-10, v2;
	[tilespmem:s15+$0x8A00] =	vst v0;
	v0 =	vld [tilespmem:s15+$0x6230]  }
0x194: {  	v7 =	vld [tilespmem:s15+$0x7E40]  }
0x195: {  	v2 =	vmul.f32 v2, v6;
	v6 =	vld [tilespmem:s15+$0x7A40]  }
0x196: {  	v5 =	vadd.f32 $9.999999710e-10, v5;
	v1 =	vmul.f32 v1, v8;
	v8 =	vld [tilespmem:s15+$0x6240]  }
0x197: {  	v9 =	vld [tilespmem:s15+$0x7E50]  }
0x198: {  	v10 =	vld [tilespmem:s15+$0x6250];
	[tilespmem:s15+$0x8A10] =	vst v2;
	v1 =	vmul.f32 v5, v1;
	v2 =	vmul.f32 v4, v3;
	v0 =	vadd.f32 $9.999999710e-10, v0  }
0x199: {  	v5 =	vld [tilespmem:s15+$0x7A50]  }
0x19a: {  	[tilespmem:s15+$0x8A20] =	vst v1;
	v1 =	vld [tilespmem:s15+$0x7A60];
	v0 =	vmul.f32 v0, v2  }
0x19b: {  	v3 =	vmul.f32 v7, v6;
	v6 =	vadd.f32 $9.999999710e-10, v8;
	v2 =	vld [tilespmem:s15+$0x7E60]  }
0x19c: {  	s18 =	simm.s32 $0x80;
	v4 =	vld [tilespmem:s15+$0x6260];
	[tilespmem:s15+$0x8A30] =	vst v0  }
0x19d: {  	v6 =	vmul.f32 v6, v3;
	v0 =	vld [tilespmem:s18+$0x7A70]  }
0x19e: {  	s19 =	simm.s32 $0x400;
	v7 =	vadd.f32 $9.999999710e-10, v10;
	v5 =	vmul.f32 v9, v5;
	v3 =	vld [tilespmem:s18+$0x7E70]  }
.LBB2_13:
0x19f: {  	p1 =	sne.s32 s19, $0xE00;
	v8 =	vld [tilespmem:s18+$0x6270];
	[tilespmem:s15+$0x8A40] =	vst v6  }
0x1a0: {  	v6 =	vld [tilespmem:s18+$0x7A00];
	v5 =	vmul.f32 v7, v5;
	v1 =	vmul.f32 v2, v1  }
0x1a1: {  	v2 =	vld [tilespmem:s18+$0x7E00];
	v4 =	vadd.f32 $9.999999710e-10, v4  }
0x1a2: {  	v7 =	vld [tilespmem:s18+$0x6200];
	[tilespmem:s15+$0x8A50] =	vst v5  }
0x1a3: {  	v5 =	vld [tilespmem:s18+$0x7A10];
	v1 =	vmul.f32 v4, v1  }
0x1a4: {  	v0 =	vmul.f32 v3, v0;
	v4 =	vld [tilespmem:s18+$0x7E10];
	v3 =	vadd.f32 $9.999999710e-10, v8  }
0x1a5: {  	v8 =	vld [tilespmem:s18+$0x6210];
	[tilespmem:s15+$0x8A60] =	vst v1;
	s15 =	smov.u32 s18  }
0x1a6: {  	v1 =	vmul.f32 v2, v6;
	v2 =	vld [tilespmem:s15+$0x7A20];
	v0 =	vmul.f32 v3, v0  }
0x1a7: {  	v3 =	vadd.f32 $9.999999710e-10, v7;
	v6 =	vld [tilespmem:s15+$0x7E20]  }
0x1a8: {  	v7 =	vld [tilespmem:s15+$0x6220];
	[tilespmem:s15+$0x8A70] =	vst v0  }
0x1a9: {  	v0 =	vmul.f32 v3, v1;
	v1 =	vmul.f32 v4, v5;
	v3 =	vld [tilespmem:s15+$0x7A30]  }
0x1aa: {  	v4 =	vadd.f32 $9.999999710e-10, v8;
	v5 =	vld [tilespmem:s15+$0x7E30]  }
0x1ab: {  	[tilespmem:s15+$0x8A00] =	vst v0;
	v0 =	vld [tilespmem:s15+$0x6230]  }
0x1ac: {  	v1 =	vmul.f32 v4, v1;
	v2 =	vmul.f32 v6, v2;
	v4 =	vld [tilespmem:s15+$0x7A40]  }
0x1ad: {  	v6 =	vadd.f32 $9.999999710e-10, v7;
	v7 =	vld [tilespmem:s15+$0x7E40]  }
0x1ae: {  	[tilespmem:s15+$0x8A10] =	vst v1;
	v8 =	vld [tilespmem:s15+$0x6240]  }
0x1af: {  	v1 =	vmul.f32 v6, v2;
	v2 =	vmul.f32 v5, v3;
	v3 =	vld [tilespmem:s15+$0x7A50]  }
0x1b0: {  	v0 =	vadd.f32 $9.999999710e-10, v0;
	v5 =	vld [tilespmem:s15+$0x7E50]  }
0x1b1: {  	[tilespmem:s15+$0x8A20] =	vst v1;
	v9 =	vld [tilespmem:s15+$0x6250]  }
.Ltmp8:
0x1b2: {  	v0 =	vmul.f32 v0, v2;
	v6 =	vmul.f32 v7, v4;
	v1 =	vld [tilespmem:s15+$0x7A60];
	(pc) =	sbr.rel @p1 .LBB2_13-.Ltmp8, $4  }
0x1b3: {  	v7 =	vadd.f32 $9.999999710e-10, v8;
	v2 =	vld [tilespmem:s15+$0x7E60]  }
0x1b4: {  	s18 =	sshra.s32 s19, $0x2;
	[tilespmem:s15+$0x8A30] =	vst v0;
	v4 =	vld [tilespmem:s15+$0x6260]  }
0x1b5: {  	v0 =	vld [tilespmem:s18+$0x7A70];
	v6 =	vmul.f32 v7, v6;
	v5 =	vmul.f32 v5, v3  }
0x1b6: {  	s19 =	sadd.s32 $0x200, s19;
	v3 =	vld [tilespmem:s18+$0x7E70];
	v7 =	vadd.f32 $9.999999710e-10, v9  }
0x1b7: {  	v8 =	vld [tilespmem:s18+$0x6270];
	[tilespmem:s15+$0x8A40] =	vst v6  }
0x1b8: {  	v6 =	vld [tilespmem:s18+$0x7A00];
	v5 =	vmul.f32 v7, v5  }
0x1b9: {  	v40 =	vld [tilespmem:s18+$0x7E00];
	v1 =	vmul.f32 v2, v1;
	v41 =	vadd.f32 $9.999999710e-10, v4  }
0x1ba: {  	v9 =	vld [tilespmem:s18+$0x6200];
	[tilespmem:s15+$0x8A50] =	vst v5  }
0x1bb: {  	v42 =	vld [tilespmem:s18+$0x7A10];
	v1 =	vmul.f32 v41, v1  }
0x1bc: {  	v43 =	vld [tilespmem:s18+$0x7E10]  }
0x1bd: {  	v5 =	vld [tilespmem:s18+$0x6210];
	[tilespmem:s15+$0x8A60] =	vst v1  }
0x1be: {  	v1 =	vld [tilespmem:s18+$0x7A20]  }
0x1bf: {  	v45 =	vld [tilespmem:s18+$0x7E20]  }
0x1c0: {  	v47 =	vld [tilespmem:s18+$0x6220]  }
0x1c1: {  	v49 =	vld [tilespmem:s18+$0x7A30]  }
0x1c2: {  	v50 =	vld [tilespmem:s18+$0x7E30]  }
0x1c3: {  	v52 =	vld [tilespmem:s18+$0x6230]  }
0x1c4: {  	v53 =	vld [tilespmem:s18+$0x7A40]  }
0x1c5: {  	v54 =	vld [tilespmem:s18+$0x7E40]  }
0x1c6: {  	v56 =	vld [tilespmem:s18+$0x6240]  }
0x1c7: {  	v57 =	vld [tilespmem:s18+$0x7A50]  }
0x1c8: {  	v58 =	vld [tilespmem:s18+$0x7E50]  }
0x1c9: {  	v0 =	vmul.f32 v3, v0;
	v44 =	vadd.f32 $9.999999710e-10, v8;
	v59 =	vld [tilespmem:s18+$0x6250]  }
0x1ca: {  	v6 =	vmul.f32 v40, v6;
	v46 =	vadd.f32 $9.999999710e-10, v9;
	v60 =	vld [tilespmem:s18+$0x7A60]  }
0x1cb: {  	v0 =	vmul.f32 v44, v0;
	v61 =	vld [tilespmem:s18+$0x7E60];
	v2 =	vmul.f32 v43, v42;
	v51 =	vadd.f32 $9.999999710e-10, v5  }
0x1cc: {  	v62 =	vld [tilespmem:s18+$0x6260];
	v48 =	vmul.f32 v46, v6;
	v1 =	vmul.f32 v45, v1;
	v55 =	vadd.f32 $9.999999710e-10, v47  }
0x1cd: {  	[tilespmem:s18+$0x8A70] =	vst v0;
	v2 =	vmul.f32 v51, v2;
	v6 =	vmul.f32 v50, v49;
	v0 =	vadd.f32 $9.999999710e-10, v52  }
0x1ce: {  	v1 =	vmul.f32 v55, v1  }
0x1cf: {  	v4 =	vmul.f32 v54, v53;
	[tilespmem:s18+$0x8A10] =	vst v2;
	v2 =	vadd.f32 $9.999999710e-10, v56;
	v0 =	vmul.f32 v0, v6  }
0x1d0: {  	v3 =	vmul.f32 v58, v57;
	[tilespmem:s18+$0x8A20] =	vst v1;
	v1 =	vadd.f32 $9.999999710e-10, v59  }
0x1d1: {  	v63 =	vmul.f32 v61, v60;
	v2 =	vmul.f32 v2, v4;
	[tilespmem:s18+$0x8A30] =	vst v0;
	v0 =	vadd.f32 $9.999999710e-10, v62  }
.Ltmp9:
0x1d2: {  	[tilespmem:s18+$0x8A00] =	vst v48;
	v1 =	vmul.f32 v1, v3;
	(pc) =	sbr.rel .LBB2_15-.Ltmp9, $4  }
0x1d3: {  	[tilespmem:s18+$0x8A40] =	vst v2;
	v0 =	vmul.f32 v0, v63  }
0x1d4: {  	s28 =	rddreg [dreg:$0x10];
	[tilespmem:s18+$0x8A50] =	vst v1  }
0x1d5: {  	s19 =	rddreg [dreg:$0x12];
	[tilespmem:s18+$0x8A60] =	vst v0  }
0x1d6: {  	[hbm4b:s28+s6] =	stream.linear.scatter [tilespmem:s14], [sflag:$0x4], $0x400, $0x38;
	[tilespmem:$0x9200] =	vst v63  }
.LBB2_16:
0x1d7: {  	_ =	sfence.sel $0x180000  }
0x1d8: {  	[bflag:$0x0] =	sbarrier.arrive $0xFFFF  }
0x1d9: {  	_ =	strace $0x9000004A  }
0x1da: {  	s0 =	stileid.u32;
	[bflag:$0x2] =	sbarrier.arrive $0xFFFF  }
0x1db: {  	p0 =	sne.s32 s0, $0x0;
	s0 =	rddreg [dreg:$0x6]  }
0x1dc: {  	s0 =	sadd.s32 @!p0 $0x100000, s0  }
0x1dd: {  	[sflag:s0] =	ssyncadd.tile.s32 @!p0 $0x1;
	_ =	shalt  }
.Lfunc_end2:
_tile_overlayer_lowered:
.L_overlay_start_2:
0x1de: {  	(tag) =	ssettag $0x2  }
0x1df: {  	s0 =	rddreg [dreg:$0x0];
	s2 =	stileid.u32  }
0x1e0: {  	s1 =	rddreg [dreg:$0x1];
	p0 =	sne.s32 s2, $0x0  }
0x1e1: {  	s3 =	rddreg [dreg:$0x2];
	[bflag:$0x3] =	sbarrier.arrive $0xFFFF;
	s2 =	simm.s32 @!p0 $0x1C06  }
0x1e2: {  	[timem:s3], [sflag:s2] =	dma.local @!p0 [hbm:s0], s1  }
0x1e3: {  	s0 =	simm.s32 @!p0 $0x6  }
0x1e4: {  	_ =	swait.ge @!p0 [sflag:s0], s1  }
0x1e5: {  	s1 =	ssub.s32 @!p0 $0x0, s1;
	[sflag:s0] =	ssyncset.done @!p0 $0x0  }
0x1e6: {  	[sflag:s0] =	ssyncadd.s32 @!p0 s1  }
0x1e7: {  	[bflag:$0x3] =	sbarrier.arrive $0xFFFF  }
0x1e8: {  	_ =	shalt  }

</sc_bundles>
